<compile_context>
chip_gen: v7x
topology: tpu7x:2x2x1
jax: 0.10.2.dev20260603
libtpu: 0.0.44.dev20260713+nightly
codegen_flags: <defaults>
</compile_context>

<pallas_src>
import functools

import jax
import jax.numpy as jnp
from jax import lax
from jax.experimental import pallas as pl
from jax.experimental.pallas import tpu as pltpu
from jax.experimental.pallas import tpu_sc as plsc

_POS_MARGIN = 0.1
_NEG_MARGIN = 1.4
_LOG_SCALE = 24.0
_MAX_POINTS = 256
_M = 1024
_N = 1024
_K = 4096
_D = 512
_NPTS = 20000
_PPAD = 20480
_PCH = 2048
_NPCH = _PPAD // _PCH
_BPAD = 10240
_BCH = 2048
_CCH = 1024
_GCH = 512
_HI = jax.lax.Precision.HIGHEST


def _nn_body(q_ref, p_ref, idx_ref, run_v, run_i):
    ch = pl.program_id(1)
    q = q_ref[0]
    p = p_ref[0]
    a2 = jnp.sum(q * q, axis=1)[:, None]
    b2 = jnp.sum(p * p, axis=0)[None, :]
    s = a2 + b2 - 2.0 * jnp.dot(q, p, preferred_element_type=jnp.float32)
    gidx = ch * _PCH + jax.lax.broadcasted_iota(jnp.int32, (_M, _PCH), 1)

    @pl.when(ch == 0)
    def _():
        run_v[...] = s
        run_i[...] = gidx

    @pl.when(ch > 0)
    def _():
        rv = run_v[...]
        better = s < rv
        run_v[...] = jnp.where(better, s, rv)
        run_i[...] = jnp.where(better, gidx, run_i[...])

    @pl.when(ch == _NPCH - 1)
    def _():
        rv = jnp.sqrt(jnp.clip(run_v[...], 0.0, None))
        ri = run_i[...]
        m = jnp.min(rv, axis=1)
        mi = jnp.min(jnp.where(rv == m[:, None], ri, jnp.int32(2 ** 30)),
                     axis=1)
        idx_ref[0] = mi[None, :]


def _nn_argmin(queries, points_t):
    return pl.pallas_call(
        _nn_body,
        grid=(2, _NPCH),
        in_specs=[
            pl.BlockSpec((1, _M, 3), lambda g, c: (g, 0, 0)),
            pl.BlockSpec((1, 3, _PCH), lambda g, c: (g, 0, c)),
        ],
        out_specs=pl.BlockSpec((1, 1, _M), lambda g, c: (g, 0, 0)),
        out_shape=jax.ShapeDtypeStruct((2, 1, _M), jnp.int32),
        scratch_shapes=[
            pltpu.VMEM((_M, _PCH), jnp.float32),
            pltpu.VMEM((_M, _PCH), jnp.int32),
        ],
    )(queries, points_t)


def _dense_body(r_ref, st_ref, row_ref, col_ref):
    f = jnp.dot(r_ref[...], st_ref[...], preferred_element_type=jnp.float32)
    feat = jnp.sqrt(jnp.clip(2.0 - 2.0 * f, 0.0, None))
    e = jnp.exp(_LOG_SCALE * jnp.maximum(_NEG_MARGIN - feat, 0.0) ** 2)
    row_ref[...] = jnp.sum(e, axis=1)[None, :]
    col_ref[...] = jnp.sum(e, axis=0)[None, :]


def _dense_sums(ref_feats, src_feats_t):
    return pl.pallas_call(
        _dense_body,
        out_shape=[
            jax.ShapeDtypeStruct((1, _M), jnp.float32),
            jax.ShapeDtypeStruct((1, _N), jnp.float32),
        ],
    )(ref_feats, src_feats_t)


_NW = 32
_BPW = _K // _NW
_HB = 64


def _cand_dots_sc(rf, sf, xg, yg):
    mesh = plsc.VectorSubcoreMesh(core_axis_name="c", subcore_axis_name="s")

    @functools.partial(
        pl.kernel, mesh=mesh,
        out_type=jax.ShapeDtypeStruct((_K,), jnp.float32),
        scratch_types=[
            pltpu.VMEM((_BPW,), jnp.int32),
            pltpu.VMEM((_BPW,), jnp.int32),
            pltpu.VMEM((_HB, _D), jnp.float32),
            pltpu.VMEM((_HB, _D), jnp.float32),
            pltpu.VMEM((_BPW,), jnp.float32),
            pltpu.SMEM((_BPW,), jnp.float32),
            pltpu.SemaphoreType.DMA,
        ],
    )
    def k(rf_hbm, sf_hbm, xg_hbm, yg_hbm, out_hbm, xi, yi, rrows, srows,
          dots, dots_sm, sem):
        wid = lax.axis_index("s") * 2 + lax.axis_index("c")
        base = wid * _BPW
        lane = lax.iota(jnp.int32, 16)
        pltpu.sync_copy(xg_hbm.at[pl.ds(base, _BPW)], xi)
        pltpu.sync_copy(yg_hbm.at[pl.ds(base, _BPW)], yi)
        for h in range(_BPW // _HB):
            pltpu.async_copy(rf_hbm.at[xi.at[pl.ds(h * _HB, _HB)]], rrows,
                             sem).wait()
            pltpu.async_copy(sf_hbm.at[yi.at[pl.ds(h * _HB, _HB)]], srows,
                             sem).wait()

            def row(r, carry):
                acc = jnp.zeros((16,), jnp.float32)
                for kk in range(_D // 16):
                    acc = acc + (rrows[r, pl.ds(kk * 16, 16)] *
                                 srows[r, pl.ds(kk * 16, 16)])
                s = acc[0]
                for l in range(1, 16):
                    s = s + acc[l]
                dots_sm[h * _HB + r] = s
                return carry

            lax.fori_loop(0, _HB, row, 0)
        for g in range(_BPW // 16):
            vec = jnp.zeros((16,), jnp.float32)
            for l in range(16):
                vec = jnp.where(lane == l, dots_sm[g * 16 + l], vec)
            dots[g * 16:(g + 1) * 16] = vec
        pltpu.sync_copy(dots, out_hbm.at[pl.ds(base, _BPW)])

    return k(rf, sf, xg, yg)


def _combine_body(idx_ref_, back_ref, xgr, ygr, vr, xgc, ygc, vc,
                  dots_ref, row_ref, col_ref, out_ref,
                  act_s, sel_s, sp_s, sn_s, accr_s, accc_s):
    def mask_for(g):
        idx_row = idx_ref_[g, 0:1, :]

        def body(ch, acc):
            b = back_ref[g, pl.ds(ch * _BCH, _BCH), 0:1]
            hit = jnp.max(jnp.where(idx_row == b, 1.0, 0.0), axis=0,
                          keepdims=True)
            return jnp.maximum(acc, hit)

        return jax.lax.fori_loop(0, _BPAD // _BCH, body,
                                 jnp.zeros((1, _M), jnp.float32))

    mask_src_row = mask_for(0)
    mask_ref_row = mask_for(1)

    c_col = xgc[...] * _N + ygc[...]
    v_col = vc[...]
    ar_col = jax.lax.broadcasted_iota(jnp.int32, (_K, 1), 0)
    riota_col = jax.lax.broadcasted_iota(jnp.int32, (_M, 1), 0)

    def l1(i, carry):
        sl = pl.ds(i * _CCH, _CCH)
        xc_row = xgr[0:1, sl]
        yc_row = ygr[0:1, sl]
        cc_row = xc_row * _N + yc_row
        ii_row = i * _CCH + jax.lax.broadcasted_iota(jnp.int32, (1, _CCH), 1)
        dup = jnp.max(jnp.where((c_col == cc_row) & (ar_col > ii_row),
                                1.0, 0.0), axis=0, keepdims=True)
        ohx_t = jnp.where(riota_col == xc_row, 1.0, 0.0)
        ohy_t = jnp.where(riota_col == yc_row, 1.0, 0.0)
        mr = jnp.dot(mask_ref_row, ohx_t, preferred_element_type=jnp.float32)
        ms = jnp.dot(mask_src_row, ohy_t, preferred_element_type=jnp.float32)
        act_s[0:1, sl] = jnp.where((mr > 0.5) & (ms > 0.5) & (dup < 0.5),
                                   1.0, 0.0)
        return carry

    jax.lax.fori_loop(0, _K // _CCH, l1, 0)
    act_row = act_s[...]
    count = jnp.sum(act_row)

    def l2(i, carry):
        sl = pl.ds(i * _CCH, _CCH)
        vc_row = vr[0:1, sl]
        cc_row = xgr[0:1, sl] * _N + ygr[0:1, sl]
        beats = jnp.where((v_col > vc_row) |
                          ((v_col == vc_row) & (c_col < cc_row)), 1.0, 0.0)
        rank = jnp.dot(act_row, beats, preferred_element_type=jnp.float32)
        actc = act_s[0:1, sl]
        sel_s[0:1, sl] = jnp.where(
            (actc > 0.5) & ((count <= float(_MAX_POINTS)) |
                            (rank < float(_MAX_POINTS))), 1.0, 0.0)
        return carry

    jax.lax.fori_loop(0, _K // _CCH, l2, 0)

    riota_row = jax.lax.broadcasted_iota(jnp.int32, (1, _M), 1)
    fc = jnp.sqrt(jnp.clip(2.0 - 2.0 * dots_ref[...], 0.0, None))
    sp_s[...] = _LOG_SCALE * jnp.maximum(fc - _POS_MARGIN, 0.0) ** 2
    sn_s[...] = _LOG_SCALE * jnp.maximum(_NEG_MARGIN - fc, 0.0) ** 2

    sel_row = sel_s[...]
    sp_row = sp_s[...]
    g_shift = jnp.max(jnp.where(sel_row > 0.5, sp_row, 0.0))

    accr_s[...] = jnp.zeros((8, _M), jnp.float32)
    accc_s[...] = jnp.zeros((8, _N), jnp.float32)

    def l4(i, carry):
        sl = pl.ds(i * _GCH, _GCH)
        selc = sel_s[0:1, sl]
        spc = sp_s[0:1, sl]
        snc = sn_s[0:1, sl]
        wp = jnp.exp(jnp.where(selc > 0.5, spc - g_shift, -1e30))
        wn = selc * jnp.exp(snc)
        w = jnp.concatenate(
            [selc, wp, wn, jnp.zeros((5, _GCH), jnp.float32)], axis=0)
        xc_col = xgc[sl, 0:1]
        yc_col = ygc[sl, 0:1]
        ohx = jnp.where(xc_col == riota_row, 1.0, 0.0)
        ohy = jnp.where(yc_col == riota_row, 1.0, 0.0)
        accr_s[...] = accr_s[...] + jnp.dot(
            w, ohx, preferred_element_type=jnp.float32, precision=_HI)
        accc_s[...] = accc_s[...] + jnp.dot(
            w, ohy, preferred_element_type=jnp.float32, precision=_HI)
        return carry

    jax.lax.fori_loop(0, _K // _GCH, l4, 0)

    npos_r, sp_r, sn_r = accr_s[0:1, :], accr_s[1:2, :], accr_s[2:3, :]
    npos_c, sp_c, sn_c = accc_s[0:1, :], accc_s[1:2, :], accc_s[2:3, :]

    row_sum = row_ref[...]
    col_sum = col_ref[...]
    eg = jnp.exp(-g_shift)
    lse_neg_r = jnp.log(row_sum - sn_r + npos_r)
    lse_pos_r = g_shift + jnp.log((float(_N) - npos_r) * eg + sp_r)
    lse_neg_c = jnp.log(col_sum - sn_c + npos_c)
    lse_pos_c = g_shift + jnp.log((float(_M) - npos_c) * eg + sp_c)

    def softplus(x):
        return jnp.maximum(x, 0.0) + jnp.log(1.0 + jnp.exp(-jnp.abs(x)))

    loss_row = softplus(lse_pos_r + lse_neg_r) / _LOG_SCALE
    loss_col = softplus(lse_pos_c + lse_neg_c) / _LOG_SCALE
    loss1 = (jnp.sum(loss_row) / float(_M) + jnp.sum(loss_col) / float(_N)) / 2.0
    loss2 = (jnp.sum(mask_ref_row) + jnp.sum(mask_src_row)) / float(_M + _N)
    loss = loss1 + loss2

    oi = jax.lax.broadcasted_iota(jnp.int32, (1, 128), 1)
    out_ref[...] = jnp.where(oi == 0, loss,
                             jnp.where(oi == 1, loss1,
                                       jnp.where(oi == 2, loss2, 0.0)))


def _combine(idx2, backs_t, xg_r, yg_r, v_r, xg_c, yg_c, v_c, dots,
             row_sum, col_sum):
    return pl.pallas_call(
        _combine_body,
        out_shape=jax.ShapeDtypeStruct((1, 128), jnp.float32),
        scratch_shapes=[
            pltpu.VMEM((1, _K), jnp.float32),
            pltpu.VMEM((1, _K), jnp.float32),
            pltpu.VMEM((1, _K), jnp.float32),
            pltpu.VMEM((1, _K), jnp.float32),
            pltpu.VMEM((8, _M), jnp.float32),
            pltpu.VMEM((8, _N), jnp.float32),
        ],
    )(idx2, backs_t, xg_r, yg_r, v_r, xg_c, yg_c, v_c, dots,
      row_sum, col_sum)


@jax.jit
def kernel(src_points, src_points_c, ref_points, ref_points_c, ref_feats_c,
           src_feats_c, gt_node_corr_indices, gt_node_corr_overlaps,
           src_back_indices, ref_back_indices):
    queries = jnp.stack([src_points_c, ref_points_c])
    pts = jnp.stack([src_points, ref_points])
    pts = jnp.pad(pts, ((0, 0), (0, _PPAD - _NPTS), (0, 0)),
                  constant_values=1e8)
    pts_t = jnp.transpose(pts, (0, 2, 1))
    idx2 = _nn_argmin(queries, pts_t)

    row_sum, col_sum = _dense_sums(ref_feats_c,
                                   jnp.transpose(src_feats_c, (1, 0)))

    backs = jnp.stack([src_back_indices, ref_back_indices])
    backs_t = jnp.pad(backs, ((0, 0), (0, _BPAD - backs.shape[1])),
                      constant_values=-1)[:, :, None]

    xg = gt_node_corr_indices[:, 0].astype(jnp.int32)
    yg = gt_node_corr_indices[:, 1].astype(jnp.int32)
    v = gt_node_corr_overlaps

    dots = _cand_dots_sc(ref_feats_c, src_feats_c, xg, yg)

    out = _combine(idx2, backs_t, xg[None, :], yg[None, :], v[None, :],
                   xg[:, None], yg[:, None], v[:, None],
                   dots[None, :], row_sum, col_sum)
    return (out[0, 0], out[0, 1], out[0, 2])

# --- scband reference (transcript-rebuilt; emitter-appended) ---
"""Pipeline reference for scband-laplace-loss-2611340116548 (READ-ONLY COPY).

The authoritative reference and input builder live on the scoring server;
editing this copy changes nothing except your own understanding.
"""

import jax, jax.numpy as jnp
import numpy as np

POS_MARGIN = 0.1
NEG_MARGIN = 1.4
LOG_SCALE = 24.0
MAX_POINTS = 256
STAGE = 1


def _cdist(a, b):
    a2 = jnp.sum(a * a, axis=1)[:, None]
    b2 = jnp.sum(b * b, axis=1)[None, :]
    sq = jnp.clip(a2 + b2 - 2.0 * (a @ b.T), 0.0, None)
    return jnp.sqrt(sq)


def setup_inputs(seed: int = 0) -> dict:
    key = jax.random.key(seed)
    ks = jax.random.split(key, 10)
    src_points = jax.random.normal(ks[0], (20000, 3), jnp.float32)
    ref_points = jax.random.normal(ks[1], (20000, 3), jnp.float32)
    src_points_c = jax.random.normal(ks[2], (1024, 3), jnp.float32)
    ref_points_c = jax.random.normal(ks[3], (1024, 3), jnp.float32)
    rf = jax.random.normal(ks[4], (1024, 512), jnp.float32)
    sf = jax.random.normal(ks[5], (1024, 512), jnp.float32)
    ref_feats_c = rf / (jnp.linalg.norm(rf, axis=1, keepdims=True) + 1e-12)
    src_feats_c = sf / (jnp.linalg.norm(sf, axis=1, keepdims=True) + 1e-12)
    gt_node_corr_indices = jax.random.randint(ks[6], (4096, 2), 0, 1024)
    gt_node_corr_overlaps = jax.random.uniform(ks[7], (4096,), jnp.float32)
    src_back_indices = jax.random.randint(ks[8], (10000,), 0, 20000)
    ref_back_indices = jax.random.randint(ks[9], (10000,), 0, 20000)
    return {
        'src_points': src_points,
        'src_points_c': src_points_c,
        'ref_points': ref_points,
        'ref_points_c': ref_points_c,
        'ref_feats_c': ref_feats_c,
        'src_feats_c': src_feats_c,
        'gt_node_corr_indices': gt_node_corr_indices,
        'gt_node_corr_overlaps': gt_node_corr_overlaps,
        'src_back_indices': src_back_indices,
        'ref_back_indices': ref_back_indices,
    }


def reference(src_points, src_points_c, ref_points, ref_points_c,
              ref_feats_c, src_feats_c, gt_node_corr_indices,
              gt_node_corr_overlaps, src_back_indices, ref_back_indices):
    # get_indices_from_loc: argmin over full-point distances
    indices_src = jnp.argmin(_cdist(src_points_c, src_points), axis=1)
    indices_ref = jnp.argmin(_cdist(ref_points_c, ref_points), axis=1)
    m = indices_ref.shape[0]
    n = indices_src.shape[0]
    # set-intersection membership logic == isin against back indices
    mask_src = jnp.isin(indices_src, src_back_indices)
    mask_ref = jnp.isin(indices_ref, ref_back_indices)
    xg = gt_node_corr_indices[:, 0]
    yg = gt_node_corr_indices[:, 1]
    corr_gt = jnp.zeros((m, n), dtype=bool).at[xg, yg].set(True)
    corr_overlap = jnp.zeros((m, n), dtype=jnp.float32).at[xg, yg].set(gt_node_corr_overlaps)
    mask = mask_ref[:, None] & mask_src[None, :]
    corr_gt = corr_gt & mask
    gt_mask = jnp.concatenate([mask_ref, mask_src], axis=0).astype(jnp.float32)
    indices_back = jnp.sum(corr_gt)
    flat_gt = corr_gt.reshape(-1)
    flat_scores = jnp.where(flat_gt, corr_overlap.reshape(-1), -jnp.inf)
    top_flat = jnp.argsort(-flat_scores)[:MAX_POINTS]
    corr_gt_topk = jnp.zeros((m * n,), dtype=bool).at[top_flat].set(True).reshape(m, n)
    corr_gt = jnp.where(indices_back > MAX_POINTS, corr_gt_topk, corr_gt)
    if STAGE == 1:
        corr_sp_mask = jnp.ones((m + n,), jnp.float32)
    var_mask = 1.0 - corr_sp_mask
    # NLLLaplace
    feat_dists = jnp.sqrt(jnp.clip(2.0 - 2.0 * (ref_feats_c @ src_feats_c.T), 0.0, None))
    ref_mask_v = var_mask[:m]
    src_mask_v = var_mask[m:m + n]
    laplace_mask = jnp.outer(ref_mask_v, src_mask_v)
    feat_dists = jnp.exp(0.5 * laplace_mask) * feat_dists
    pos_mask = corr_gt
    neg_mask = ~corr_gt
    pos_weights = feat_dists - 100000.0 * (~pos_mask).astype(jnp.float32)
    pos_weights = pos_weights - POS_MARGIN
    pos_weights = jax.lax.stop_gradient(jnp.maximum(0.0, pos_weights))
    neg_weights = feat_dists + 100000.0 * (~neg_mask).astype(jnp.float32)
    neg_weights = NEG_MARGIN - neg_weights
    neg_weights = jax.lax.stop_gradient(jnp.maximum(0.0, neg_weights))
    lse = jax.scipy.special.logsumexp
    loss_pos_row = lse(LOG_SCALE * (feat_dists - POS_MARGIN) * pos_weights, axis=-1)
    loss_pos_col = lse(LOG_SCALE * (feat_dists - POS_MARGIN) * pos_weights, axis=-2)
    loss_neg_row = lse(LOG_SCALE * (NEG_MARGIN - feat_dists) * neg_weights, axis=-1)
    loss_neg_col = lse(LOG_SCALE * (NEG_MARGIN - feat_dists) * neg_weights, axis=-2)
    loss_row = jax.nn.softplus(loss_pos_row + loss_neg_row) / LOG_SCALE
    loss_col = jax.nn.softplus(loss_pos_col + loss_neg_col) / LOG_SCALE
    loss1 = (loss_row.mean() + loss_col.mean()) / 2.0
    loss2 = 1.0 * jnp.abs(var_mask - gt_mask).mean()
    loss = loss1 + loss2
    return (loss, loss1, loss2)

if __name__ == "__main__":
    import jax
    _d = setup_inputs()
    print(jax.jit(kernel)(*tuple(_d.values())))

</pallas_src>

<mosaic_0001>
#map = affine_map<(d0, d1) -> (0, 0)>
#map1 = affine_map<(d0, d1) -> (0)>
module attributes {stable_mosaic.version = 14 : i64} {
  func.func @k(%arg0: i32, %arg1: i32, %arg2: memref<1024x512xf32, #tpu.memory_space<hbm>>, %arg3: memref<1024x512xf32, #tpu.memory_space<hbm>>, %arg4: memref<4096xi32, #tpu.memory_space<hbm>>, %arg5: memref<4096xi32, #tpu.memory_space<hbm>>, %arg6: memref<4096xf32, #tpu.memory_space<hbm>>, %arg7: memref<128xi32, #tpu.memory_space<vmem>>, %arg8: memref<128xi32, #tpu.memory_space<vmem>>, %arg9: memref<64x512xf32, #tpu.memory_space<vmem>>, %arg10: memref<64x512xf32, #tpu.memory_space<vmem>>, %arg11: memref<128xf32, #tpu.memory_space<vmem>>, %arg12: memref<128xf32, #tpu.memory_space<smem>>, %arg13: memref<!tpu.dma_semaphore, #tpu.memory_space<semaphore_mem>>) attributes {dimension_semantics = [#tpu.dimension_semantics<core_parallel>, #tpu.dimension_semantics<subcore_parallel>], iteration_bounds = array<i64: 2, 16>, scalar_prefetch = 0 : i64, scratch_operands = 7 : i64, tpu.core_type = #tpu.core_type<sc_vector_subcore>, window_params = [{transform_indices = #map}, {transform_indices = #map}, {transform_indices = #map1}, {transform_indices = #map1}, {transform_indices = #map1}]} {
    %mul3A = arith.constant 2 : i32
    %mul3A_0 = arith.muli %arg1, %mul3A : i32
    %add3A = arith.addi %mul3A_0, %arg0 : i32
    %mul3A_1 = arith.constant 128 : i32
    %mul3A_2 = arith.muli %add3A, %mul3A_1 : i32
    %iota3A = tpu.iota {dimensions = array<i32: 0>} : vector<16xi32>
    "tpu.region"() ({
      %run_scoped3A = tpu.sem_alloc : memref<!tpu.dma_semaphore, #tpu.memory_space<semaphore_mem>>
      %dma_start3A_1119 = tpu.memref_slice %arg4[%mul3A_2] : memref<4096xi32, #tpu.memory_space<hbm>> -> memref<128xi32, #tpu.memory_space<hbm>>
      %dma_start3A_1120 = tpu.memref_slice %arg4[%mul3A_2] : memref<4096xi32, #tpu.memory_space<hbm>> -> memref<128xi32, #tpu.memory_space<hbm>>
      tpu.enqueue_dma source(%dma_start3A_1120 : memref<128xi32, #tpu.memory_space<hbm>>) target(%arg7 : memref<128xi32, #tpu.memory_space<vmem>>) target_semaphore(%run_scoped3A : memref<!tpu.dma_semaphore, #tpu.memory_space<semaphore_mem>>)
      %dma_wait3A_1121 = tpu.memref_slice %arg4[%mul3A_2] : memref<4096xi32, #tpu.memory_space<hbm>> -> memref<128xi32, #tpu.memory_space<hbm>>
      %dma_wait3A_1122 = tpu.memref_slice %arg4[%mul3A_2] : memref<4096xi32, #tpu.memory_space<hbm>> -> memref<128xi32, #tpu.memory_space<hbm>>
      tpu.wait_dma2 semaphore(%run_scoped3A : memref<!tpu.dma_semaphore, #tpu.memory_space<semaphore_mem>>) src(%dma_wait3A_1122 : memref<128xi32, #tpu.memory_space<hbm>>) dst(%arg7 : memref<128xi32, #tpu.memory_space<vmem>>)
      tpu.yield
    }) : () -> ()
    "tpu.region"() ({
      %run_scoped3A = tpu.sem_alloc : memref<!tpu.dma_semaphore, #tpu.memory_space<semaphore_mem>>
      %dma_start3A_1119 = tpu.memref_slice %arg5[%mul3A_2] : memref<4096xi32, #tpu.memory_space<hbm>> -> memref<128xi32, #tpu.memory_space<hbm>>
      %dma_start3A_1120 = tpu.memref_slice %arg5[%mul3A_2] : memref<4096xi32, #tpu.memory_space<hbm>> -> memref<128xi32, #tpu.memory_space<hbm>>
      tpu.enqueue_dma source(%dma_start3A_1120 : memref<128xi32, #tpu.memory_space<hbm>>) target(%arg8 : memref<128xi32, #tpu.memory_space<vmem>>) target_semaphore(%run_scoped3A : memref<!tpu.dma_semaphore, #tpu.memory_space<semaphore_mem>>)
      %dma_wait3A_1121 = tpu.memref_slice %arg5[%mul3A_2] : memref<4096xi32, #tpu.memory_space<hbm>> -> memref<128xi32, #tpu.memory_space<hbm>>
      %dma_wait3A_1122 = tpu.memref_slice %arg5[%mul3A_2] : memref<4096xi32, #tpu.memory_space<hbm>> -> memref<128xi32, #tpu.memory_space<hbm>>
      tpu.wait_dma2 semaphore(%run_scoped3A : memref<!tpu.dma_semaphore, #tpu.memory_space<semaphore_mem>>) src(%dma_wait3A_1122 : memref<128xi32, #tpu.memory_space<hbm>>) dst(%arg8 : memref<128xi32, #tpu.memory_space<vmem>>)
      tpu.yield
    }) : () -> ()
    %dma_start3A = arith.constant 0 : i32
    %dma_start3A_3 = tpu.memref_slice %arg7[%dma_start3A] : memref<128xi32, #tpu.memory_space<vmem>> -> memref<64xi32, #tpu.memory_space<vmem>>
    %dma_start3A_4 = arith.constant 0 : i32
    %dma_start3A_5 = arith.constant 0 : i32
    %dma_start3A_6 = tpu.memref_slice %arg2[%dma_start3A_4, %dma_start3A_5] : memref<1024x512xf32, #tpu.memory_space<hbm>> -> memref<1024x512xf32, #tpu.memory_space<hbm>>
    tpu.enqueue_indirect_dma source(%dma_start3A_6 : memref<1024x512xf32, #tpu.memory_space<hbm>>) target(%arg9 : memref<64x512xf32, #tpu.memory_space<vmem>>) offsets(%dma_start3A_3 : memref<64xi32, #tpu.memory_space<vmem>>) semaphore(%arg13 : memref<!tpu.dma_semaphore, #tpu.memory_space<semaphore_mem>>)
    %dma_wait3A = arith.constant 0 : i32
    %dma_wait3A_7 = tpu.memref_slice %arg7[%dma_wait3A] : memref<128xi32, #tpu.memory_space<vmem>> -> memref<64xi32, #tpu.memory_space<vmem>>
    %dma_wait3A_8 = arith.constant 0 : i32
    %dma_wait3A_9 = arith.constant 0 : i32
    %dma_wait3A_10 = tpu.memref_slice %arg2[%dma_wait3A_8, %dma_wait3A_9] : memref<1024x512xf32, #tpu.memory_space<hbm>> -> memref<1024x512xf32, #tpu.memory_space<hbm>>
    tpu.wait_indirect_dma semaphore(%arg13 : memref<!tpu.dma_semaphore, #tpu.memory_space<semaphore_mem>>) src(%dma_wait3A_10 : memref<1024x512xf32, #tpu.memory_space<hbm>>) dst(%arg9 : memref<64x512xf32, #tpu.memory_space<vmem>>)
    %dma_start3A_11 = arith.constant 0 : i32
    %dma_start3A_12 = tpu.memref_slice %arg8[%dma_start3A_11] : memref<128xi32, #tpu.memory_space<vmem>> -> memref<64xi32, #tpu.memory_space<vmem>>
    %dma_start3A_13 = arith.constant 0 : i32
    %dma_start3A_14 = arith.constant 0 : i32
    %dma_start3A_15 = tpu.memref_slice %arg3[%dma_start3A_13, %dma_start3A_14] : memref<1024x512xf32, #tpu.memory_space<hbm>> -> memref<1024x512xf32, #tpu.memory_space<hbm>>
    tpu.enqueue_indirect_dma source(%dma_start3A_15 : memref<1024x512xf32, #tpu.memory_space<hbm>>) target(%arg10 : memref<64x512xf32, #tpu.memory_space<vmem>>) offsets(%dma_start3A_12 : memref<64xi32, #tpu.memory_space<vmem>>) semaphore(%arg13 : memref<!tpu.dma_semaphore, #tpu.memory_space<semaphore_mem>>)
    %dma_wait3A_16 = arith.constant 0 : i32
    %dma_wait3A_17 = tpu.memref_slice %arg8[%dma_wait3A_16] : memref<128xi32, #tpu.memory_space<vmem>> -> memref<64xi32, #tpu.memory_space<vmem>>
    %dma_wait3A_18 = arith.constant 0 : i32
    %dma_wait3A_19 = arith.constant 0 : i32
    %dma_wait3A_20 = tpu.memref_slice %arg3[%dma_wait3A_18, %dma_wait3A_19] : memref<1024x512xf32, #tpu.memory_space<hbm>> -> memref<1024x512xf32, #tpu.memory_space<hbm>>
    tpu.wait_indirect_dma semaphore(%arg13 : memref<!tpu.dma_semaphore, #tpu.memory_space<semaphore_mem>>) src(%dma_wait3A_20 : memref<1024x512xf32, #tpu.memory_space<hbm>>) dst(%arg10 : memref<64x512xf32, #tpu.memory_space<vmem>>)
    %scan3A = arith.constant 0 : i32
    %scan3A_21 = arith.constant 0 : i32
    %scan3A_22 = arith.constant 64 : i32
    %scan3A_23 = arith.addi %scan3A_21, %scan3A_22 : i32
    %scan3A_24 = arith.constant 1 : i32
    scf.for %scan3A_1119 = %scan3A_21 to %scan3A_23 step %scan3A_24  : i32 {
      %broadcast_in_dim3A_1120 = arith.constant 0.000000e+00 : f32
      %broadcast_in_dim3A_1121 = vector.broadcast %broadcast_in_dim3A_1120 : f32 to vector<16xf32>
      %get3A_1122 = arith.index_cast %scan3A_1119 : i32 to index
      %get3A_1123 = arith.constant 0 : index
      %get3A_1124 = tpu.vector_load %arg9[%get3A_1122, %get3A_1123] {strides = array<i32>} : memref<64x512xf32, #tpu.memory_space<vmem>>, vector<1x16xf32>,
      %get3A_1125 = vector.shape_cast %get3A_1124 : vector<1x16xf32> to vector<16xf32>
      %get3A_1126 = arith.index_cast %scan3A_1119 : i32 to index
      %get3A_1127 = arith.constant 0 : index
      %get3A_1128 = tpu.vector_load %arg10[%get3A_1126, %get3A_1127] {strides = array<i32>} : memref<64x512xf32, #tpu.memory_space<vmem>>, vector<1x16xf32>,
      %get3A_1129 = vector.shape_cast %get3A_1128 : vector<1x16xf32> to vector<16xf32>
      %mul3A_1130 = arith.mulf %get3A_1125, %get3A_1129 : vector<16xf32>
      %add3A_1131 = arith.addf %broadcast_in_dim3A_1121, %mul3A_1130 : vector<16xf32>
      %get3A_1132 = arith.index_cast %scan3A_1119 : i32 to index
      %get3A_1133 = arith.constant 16 : index
      %get3A_1134 = tpu.vector_load %arg9[%get3A_1132, %get3A_1133] {strides = array<i32>} : memref<64x512xf32, #tpu.memory_space<vmem>>, vector<1x16xf32>,
      %get3A_1135 = vector.shape_cast %get3A_1134 : vector<1x16xf32> to vector<16xf32>
      %get3A_1136 = arith.index_cast %scan3A_1119 : i32 to index
      %get3A_1137 = arith.constant 16 : index
      %get3A_1138 = tpu.vector_load %arg10[%get3A_1136, %get3A_1137] {strides = array<i32>} : memref<64x512xf32, #tpu.memory_space<vmem>>, vector<1x16xf32>,
      %get3A_1139 = vector.shape_cast %get3A_1138 : vector<1x16xf32> to vector<16xf32>
      %mul3A_1140 = arith.mulf %get3A_1135, %get3A_1139 : vector<16xf32>
      %add3A_1141 = arith.addf %add3A_1131, %mul3A_1140 : vector<16xf32>
      %get3A_1142 = arith.index_cast %scan3A_1119 : i32 to index
      %get3A_1143 = arith.constant 32 : index
      %get3A_1144 = tpu.vector_load %arg9[%get3A_1142, %get3A_1143] {strides = array<i32>} : memref<64x512xf32, #tpu.memory_space<vmem>>, vector<1x16xf32>,
      %get3A_1145 = vector.shape_cast %get3A_1144 : vector<1x16xf32> to vector<16xf32>
      %get3A_1146 = arith.index_cast %scan3A_1119 : i32 to index
      %get3A_1147 = arith.constant 32 : index
      %get3A_1148 = tpu.vector_load %arg10[%get3A_1146, %get3A_1147] {strides = array<i32>} : memref<64x512xf32, #tpu.memory_space<vmem>>, vector<1x16xf32>,
      %get3A_1149 = vector.shape_cast %get3A_1148 : vector<1x16xf32> to vector<16xf32>
      %mul3A_1150 = arith.mulf %get3A_1145, %get3A_1149 : vector<16xf32>
      %add3A_1151 = arith.addf %add3A_1141, %mul3A_1150 : vector<16xf32>
      %get3A_1152 = arith.index_cast %scan3A_1119 : i32 to index
      %get3A_1153 = arith.constant 48 : index
      %get3A_1154 = tpu.vector_load %arg9[%get3A_1152, %get3A_1153] {strides = array<i32>} : memref<64x512xf32, #tpu.memory_space<vmem>>, vector<1x16xf32>,
      %get3A_1155 = vector.shape_cast %get3A_1154 : vector<1x16xf32> to vector<16xf32>
      %get3A_1156 = arith.index_cast %scan3A_1119 : i32 to index
      %get3A_1157 = arith.constant 48 : index
      %get3A_1158 = tpu.vector_load %arg10[%get3A_1156, %get3A_1157] {strides = array<i32>} : memref<64x512xf32, #tpu.memory_space<vmem>>, vector<1x16xf32>,
      %get3A_1159 = vector.shape_cast %get3A_1158 : vector<1x16xf32> to vector<16xf32>
      %mul3A_1160 = arith.mulf %get3A_1155, %get3A_1159 : vector<16xf32>
      %add3A_1161 = arith.addf %add3A_1151, %mul3A_1160 : vector<16xf32>
      %get3A_1162 = arith.index_cast %scan3A_1119 : i32 to index
      %get3A_1163 = arith.constant 64 : index
      %get3A_1164 = tpu.vector_load %arg9[%get3A_1162, %get3A_1163] {strides = array<i32>} : memref<64x512xf32, #tpu.memory_space<vmem>>, vector<1x16xf32>,
      %get3A_1165 = vector.shape_cast %get3A_1164 : vector<1x16xf32> to vector<16xf32>
      %get3A_1166 = arith.index_cast %scan3A_1119 : i32 to index
      %get3A_1167 = arith.constant 64 : index
      %get3A_1168 = tpu.vector_load %arg10[%get3A_1166, %get3A_1167] {strides = array<i32>} : memref<64x512xf32, #tpu.memory_space<vmem>>, vector<1x16xf32>,
      %get3A_1169 = vector.shape_cast %get3A_1168 : vector<1x16xf32> to vector<16xf32>
      %mul3A_1170 = arith.mulf %get3A_1165, %get3A_1169 : vector<16xf32>
      %add3A_1171 = arith.addf %add3A_1161, %mul3A_1170 : vector<16xf32>
      %get3A_1172 = arith.index_cast %scan3A_1119 : i32 to index
      %get3A_1173 = arith.constant 80 : index
      %get3A_1174 = tpu.vector_load %arg9[%get3A_1172, %get3A_1173] {strides = array<i32>} : memref<64x512xf32, #tpu.memory_space<vmem>>, vector<1x16xf32>,
      %get3A_1175 = vector.shape_cast %get3A_1174 : vector<1x16xf32> to vector<16xf32>
      %get3A_1176 = arith.index_cast %scan3A_1119 : i32 to index
      %get3A_1177 = arith.constant 80 : index
      %get3A_1178 = tpu.vector_load %arg10[%get3A_1176, %get3A_1177] {strides = array<i32>} : memref<64x512xf32, #tpu.memory_space<vmem>>, vector<1x16xf32>,
      %get3A_1179 = vector.shape_cast %get3A_1178 : vector<1x16xf32> to vector<16xf32>
      %mul3A_1180 = arith.mulf %get3A_1175, %get3A_1179 : vector<16xf32>
      %add3A_1181 = arith.addf %add3A_1171, %mul3A_1180 : vector<16xf32>
      %get3A_1182 = arith.index_cast %scan3A_1119 : i32 to index
      %get3A_1183 = arith.constant 96 : index
      %get3A_1184 = tpu.vector_load %arg9[%get3A_1182, %get3A_1183] {strides = array<i32>} : memref<64x512xf32, #tpu.memory_space<vmem>>, vector<1x16xf32>,
      %get3A_1185 = vector.shape_cast %get3A_1184 : vector<1x16xf32> to vector<16xf32>
      %get3A_1186 = arith.index_cast %scan3A_1119 : i32 to index
      %get3A_1187 = arith.constant 96 : index
      %get3A_1188 = tpu.vector_load %arg10[%get3A_1186, %get3A_1187] {strides = array<i32>} : memref<64x512xf32, #tpu.memory_space<vmem>>, vector<1x16xf32>,
      %get3A_1189 = vector.shape_cast %get3A_1188 : vector<1x16xf32> to vector<16xf32>
      %mul3A_1190 = arith.mulf %get3A_1185, %get3A_1189 : vector<16xf32>
      %add3A_1191 = arith.addf %add3A_1181, %mul3A_1190 : vector<16xf32>
      %get3A_1192 = arith.index_cast %scan3A_1119 : i32 to index
      %get3A_1193 = arith.constant 112 : index
      %get3A_1194 = tpu.vector_load %arg9[%get3A_1192, %get3A_1193] {strides = array<i32>} : memref<64x512xf32, #tpu.memory_space<vmem>>, vector<1x16xf32>,
      %get3A_1195 = vector.shape_cast %get3A_1194 : vector<1x16xf32> to vector<16xf32>
      %get3A_1196 = arith.index_cast %scan3A_1119 : i32 to index
      %get3A_1197 = arith.constant 112 : index
      %get3A_1198 = tpu.vector_load %arg10[%get3A_1196, %get3A_1197] {strides = array<i32>} : memref<64x512xf32, #tpu.memory_space<vmem>>, vector<1x16xf32>,
      %get3A_1199 = vector.shape_cast %get3A_1198 : vector<1x16xf32> to vector<16xf32>
      %mul3A_1200 = arith.mulf %get3A_1195, %get3A_1199 : vector<16xf32>
      %add3A_1201 = arith.addf %add3A_1191, %mul3A_1200 : vector<16xf32>
      %get3A_1202 = arith.index_cast %scan3A_1119 : i32 to index
      %get3A_1203 = arith.constant 128 : index
      %get3A_1204 = tpu.vector_load %arg9[%get3A_1202, %get3A_1203] {strides = array<i32>} : memref<64x512xf32, #tpu.memory_space<vmem>>, vector<1x16xf32>,
      %get3A_1205 = vector.shape_cast %get3A_1204 : vector<1x16xf32> to vector<16xf32>
      %get3A_1206 = arith.index_cast %scan3A_1119 : i32 to index
      %get3A_1207 = arith.constant 128 : index
      %get3A_1208 = tpu.vector_load %arg10[%get3A_1206, %get3A_1207] {strides = array<i32>} : memref<64x512xf32, #tpu.memory_space<vmem>>, vector<1x16xf32>,
      %get3A_1209 = vector.shape_cast %get3A_1208 : vector<1x16xf32> to vector<16xf32>
      %mul3A_1210 = arith.mulf %get3A_1205, %get3A_1209 : vector<16xf32>
      %add3A_1211 = arith.addf %add3A_1201, %mul3A_1210 : vector<16xf32>
      %get3A_1212 = arith.index_cast %scan3A_1119 : i32 to index
      %get3A_1213 = arith.constant 144 : index
      %get3A_1214 = tpu.vector_load %arg9[%get3A_1212, %get3A_1213] {strides = array<i32>} : memref<64x512xf32, #tpu.memory_space<vmem>>, vector<1x16xf32>,
      %get3A_1215 = vector.shape_cast %get3A_1214 : vector<1x16xf32> to vector<16xf32>
      %get3A_1216 = arith.index_cast %scan3A_1119 : i32 to index
      %get3A_1217 = arith.constant 144 : index
      %get3A_1218 = tpu.vector_load %arg10[%get3A_1216, %get3A_1217] {strides = array<i32>} : memref<64x512xf32, #tpu.memory_space<vmem>>, vector<1x16xf32>,
      %get3A_1219 = vector.shape_cast %get3A_1218 : vector<1x16xf32> to vector<16xf32>
      %mul3A_1220 = arith.mulf %get3A_1215, %get3A_1219 : vector<16xf32>
      %add3A_1221 = arith.addf %add3A_1211, %mul3A_1220 : vector<16xf32>
      %get3A_1222 = arith.index_cast %scan3A_1119 : i32 to index
      %get3A_1223 = arith.constant 160 : index
      %get3A_1224 = tpu.vector_load %arg9[%get3A_1222, %get3A_1223] {strides = array<i32>} : memref<64x512xf32, #tpu.memory_space<vmem>>, vector<1x16xf32>,
      %get3A_1225 = vector.shape_cast %get3A_1224 : vector<1x16xf32> to vector<16xf32>
      %get3A_1226 = arith.index_cast %scan3A_1119 : i32 to index
      %get3A_1227 = arith.constant 160 : index
      %get3A_1228 = tpu.vector_load %arg10[%get3A_1226, %get3A_1227] {strides = array<i32>} : memref<64x512xf32, #tpu.memory_space<vmem>>, vector<1x16xf32>,
      %get3A_1229 = vector.shape_cast %get3A_1228 : vector<1x16xf32> to vector<16xf32>
      %mul3A_1230 = arith.mulf %get3A_1225, %get3A_1229 : vector<16xf32>
      %add3A_1231 = arith.addf %add3A_1221, %mul3A_1230 : vector<16xf32>
      %get3A_1232 = arith.index_cast %scan3A_1119 : i32 to index
      %get3A_1233 = arith.constant 176 : index
      %get3A_1234 = tpu.vector_load %arg9[%get3A_1232, %get3A_1233] {strides = array<i32>} : memref<64x512xf32, #tpu.memory_space<vmem>>, vector<1x16xf32>,
      %get3A_1235 = vector.shape_cast %get3A_1234 : vector<1x16xf32> to vector<16xf32>
      %get3A_1236 = arith.index_cast %scan3A_1119 : i32 to index
      %get3A_1237 = arith.constant 176 : index
      %get3A_1238 = tpu.vector_load %arg10[%get3A_1236, %get3A_1237] {strides = array<i32>} : memref<64x512xf32, #tpu.memory_space<vmem>>, vector<1x16xf32>,
      %get3A_1239 = vector.shape_cast %get3A_1238 : vector<1x16xf32> to vector<16xf32>
      %mul3A_1240 = arith.mulf %get3A_1235, %get3A_1239 : vector<16xf32>
      %add3A_1241 = arith.addf %add3A_1231, %mul3A_1240 : vector<16xf32>
      %get3A_1242 = arith.index_cast %scan3A_1119 : i32 to index
      %get3A_1243 = arith.constant 192 : index
      %get3A_1244 = tpu.vector_load %arg9[%get3A_1242, %get3A_1243] {strides = array<i32>} : memref<64x512xf32, #tpu.memory_space<vmem>>, vector<1x16xf32>,
      %get3A_1245 = vector.shape_cast %get3A_1244 : vector<1x16xf32> to vector<16xf32>
      %get3A_1246 = arith.index_cast %scan3A_1119 : i32 to index
      %get3A_1247 = arith.constant 192 : index
      %get3A_1248 = tpu.vector_load %arg10[%get3A_1246, %get3A_1247] {strides = array<i32>} : memref<64x512xf32, #tpu.memory_space<vmem>>, vector<1x16xf32>,
      %get3A_1249 = vector.shape_cast %get3A_1248 : vector<1x16xf32> to vector<16xf32>
      %mul3A_1250 = arith.mulf %get3A_1245, %get3A_1249 : vector<16xf32>
      %add3A_1251 = arith.addf %add3A_1241, %mul3A_1250 : vector<16xf32>
      %get3A_1252 = arith.index_cast %scan3A_1119 : i32 to index
      %get3A_1253 = arith.constant 208 : index
      %get3A_1254 = tpu.vector_load %arg9[%get3A_1252, %get3A_1253] {strides = array<i32>} : memref<64x512xf32, #tpu.memory_space<vmem>>, vector<1x16xf32>,
      %get3A_1255 = vector.shape_cast %get3A_1254 : vector<1x16xf32> to vector<16xf32>
      %get3A_1256 = arith.index_cast %scan3A_1119 : i32 to index
      %get3A_1257 = arith.constant 208 : index
      %get3A_1258 = tpu.vector_load %arg10[%get3A_1256, %get3A_1257] {strides = array<i32>} : memref<64x512xf32, #tpu.memory_space<vmem>>, vector<1x16xf32>,
      %get3A_1259 = vector.shape_cast %get3A_1258 : vector<1x16xf32> to vector<16xf32>
      %mul3A_1260 = arith.mulf %get3A_1255, %get3A_1259 : vector<16xf32>
      %add3A_1261 = arith.addf %add3A_1251, %mul3A_1260 : vector<16xf32>
      %get3A_1262 = arith.index_cast %scan3A_1119 : i32 to index
      %get3A_1263 = arith.constant 224 : index
      %get3A_1264 = tpu.vector_load %arg9[%get3A_1262, %get3A_1263] {strides = array<i32>} : memref<64x512xf32, #tpu.memory_space<vmem>>, vector<1x16xf32>,
      %get3A_1265 = vector.shape_cast %get3A_1264 : vector<1x16xf32> to vector<16xf32>
      %get3A_1266 = arith.index_cast %scan3A_1119 : i32 to index
      %get3A_1267 = arith.constant 224 : index
      %get3A_1268 = tpu.vector_load %arg10[%get3A_1266, %get3A_1267] {strides = array<i32>} : memref<64x512xf32, #tpu.memory_space<vmem>>, vector<1x16xf32>,
      %get3A_1269 = vector.shape_cast %get3A_1268 : vector<1x16xf32> to vector<16xf32>
      %mul3A_1270 = arith.mulf %get3A_1265, %get3A_1269 : vector<16xf32>
      %add3A_1271 = arith.addf %add3A_1261, %mul3A_1270 : vector<16xf32>
      %get3A_1272 = arith.index_cast %scan3A_1119 : i32 to index
      %get3A_1273 = arith.constant 240 : index
      %get3A_1274 = tpu.vector_load %arg9[%get3A_1272, %get3A_1273] {strides = array<i32>} : memref<64x512xf32, #tpu.memory_space<vmem>>, vector<1x16xf32>,
      %get3A_1275 = vector.shape_cast %get3A_1274 : vector<1x16xf32> to vector<16xf32>
      %get3A_1276 = arith.index_cast %scan3A_1119 : i32 to index
      %get3A_1277 = arith.constant 240 : index
      %get3A_1278 = tpu.vector_load %arg10[%get3A_1276, %get3A_1277] {strides = array<i32>} : memref<64x512xf32, #tpu.memory_space<vmem>>, vector<1x16xf32>,
      %get3A_1279 = vector.shape_cast %get3A_1278 : vector<1x16xf32> to vector<16xf32>
      %mul3A_1280 = arith.mulf %get3A_1275, %get3A_1279 : vector<16xf32>
      %add3A_1281 = arith.addf %add3A_1271, %mul3A_1280 : vector<16xf32>
      %get3A_1282 = arith.index_cast %scan3A_1119 : i32 to index
      %get3A_1283 = arith.constant 256 : index
      %get3A_1284 = tpu.vector_load %arg9[%get3A_1282, %get3A_1283] {strides = array<i32>} : memref<64x512xf32, #tpu.memory_space<vmem>>, vector<1x16xf32>,
      %get3A_1285 = vector.shape_cast %get3A_1284 : vector<1x16xf32> to vector<16xf32>
      %get3A_1286 = arith.index_cast %scan3A_1119 : i32 to index
      %get3A_1287 = arith.constant 256 : index
      %get3A_1288 = tpu.vector_load %arg10[%get3A_1286, %get3A_1287] {strides = array<i32>} : memref<64x512xf32, #tpu.memory_space<vmem>>, vector<1x16xf32>,
      %get3A_1289 = vector.shape_cast %get3A_1288 : vector<1x16xf32> to vector<16xf32>
      %mul3A_1290 = arith.mulf %get3A_1285, %get3A_1289 : vector<16xf32>
      %add3A_1291 = arith.addf %add3A_1281, %mul3A_1290 : vector<16xf32>
      %get3A_1292 = arith.index_cast %scan3A_1119 : i32 to index
      %get3A_1293 = arith.constant 272 : index
      %get3A_1294 = tpu.vector_load %arg9[%get3A_1292, %get3A_1293] {strides = array<i32>} : memref<64x512xf32, #tpu.memory_space<vmem>>, vector<1x16xf32>,
      %get3A_1295 = vector.shape_cast %get3A_1294 : vector<1x16xf32> to vector<16xf32>
      %get3A_1296 = arith.index_cast %scan3A_1119 : i32 to index
      %get3A_1297 = arith.constant 272 : index
      %get3A_1298 = tpu.vector_load %arg10[%get3A_1296, %get3A_1297] {strides = array<i32>} : memref<64x512xf32, #tpu.memory_space<vmem>>, vector<1x16xf32>,
      %get3A_1299 = vector.shape_cast %get3A_1298 : vector<1x16xf32> to vector<16xf32>
      %mul3A_1300 = arith.mulf %get3A_1295, %get3A_1299 : vector<16xf32>
      %add3A_1301 = arith.addf %add3A_1291, %mul3A_1300 : vector<16xf32>
      %get3A_1302 = arith.index_cast %scan3A_1119 : i32 to index
      %get3A_1303 = arith.constant 288 : index
      %get3A_1304 = tpu.vector_load %arg9[%get3A_1302, %get3A_1303] {strides = array<i32>} : memref<64x512xf32, #tpu.memory_space<vmem>>, vector<1x16xf32>,
      %get3A_1305 = vector.shape_cast %get3A_1304 : vector<1x16xf32> to vector<16xf32>
      %get3A_1306 = arith.index_cast %scan3A_1119 : i32 to index
      %get3A_1307 = arith.constant 288 : index
      %get3A_1308 = tpu.vector_load %arg10[%get3A_1306, %get3A_1307] {strides = array<i32>} : memref<64x512xf32, #tpu.memory_space<vmem>>, vector<1x16xf32>,
      %get3A_1309 = vector.shape_cast %get3A_1308 : vector<1x16xf32> to vector<16xf32>
      %mul3A_1310 = arith.mulf %get3A_1305, %get3A_1309 : vector<16xf32>
      %add3A_1311 = arith.addf %add3A_1301, %mul3A_1310 : vector<16xf32>
      %get3A_1312 = arith.index_cast %scan3A_1119 : i32 to index
      %get3A_1313 = arith.constant 304 : index
      %get3A_1314 = tpu.vector_load %arg9[%get3A_1312, %get3A_1313] {strides = array<i32>} : memref<64x512xf32, #tpu.memory_space<vmem>>, vector<1x16xf32>,
      %get3A_1315 = vector.shape_cast %get3A_1314 : vector<1x16xf32> to vector<16xf32>
      %get3A_1316 = arith.index_cast %scan3A_1119 : i32 to index
      %get3A_1317 = arith.constant 304 : index
      %get3A_1318 = tpu.vector_load %arg10[%get3A_1316, %get3A_1317] {strides = array<i32>} : memref<64x512xf32, #tpu.memory_space<vmem>>, vector<1x16xf32>,
      %get3A_1319 = vector.shape_cast %get3A_1318 : vector<1x16xf32> to vector<16xf32>
      %mul3A_1320 = arith.mulf %get3A_1315, %get3A_1319 : vector<16xf32>
      %add3A_1321 = arith.addf %add3A_1311, %mul3A_1320 : vector<16xf32>
      %get3A_1322 = arith.index_cast %scan3A_1119 : i32 to index
      %get3A_1323 = arith.constant 320 : index
      %get3A_1324 = tpu.vector_load %arg9[%get3A_1322, %get3A_1323] {strides = array<i32>} : memref<64x512xf32, #tpu.memory_space<vmem>>, vector<1x16xf32>,
      %get3A_1325 = vector.shape_cast %get3A_1324 : vector<1x16xf32> to vector<16xf32>
      %get3A_1326 = arith.index_cast %scan3A_1119 : i32 to index
      %get3A_1327 = arith.constant 320 : index
      %get3A_1328 = tpu.vector_load %arg10[%get3A_1326, %get3A_1327] {strides = array<i32>} : memref<64x512xf32, #tpu.memory_space<vmem>>, vector<1x16xf32>,
      %get3A_1329 = vector.shape_cast %get3A_1328 : vector<1x16xf32> to vector<16xf32>
      %mul3A_1330 = arith.mulf %get3A_1325, %get3A_1329 : vector<16xf32>
      %add3A_1331 = arith.addf %add3A_1321, %mul3A_1330 : vector<16xf32>
      %get3A_1332 = arith.index_cast %scan3A_1119 : i32 to index
      %get3A_1333 = arith.constant 336 : index
      %get3A_1334 = tpu.vector_load %arg9[%get3A_1332, %get3A_1333] {strides = array<i32>} : memref<64x512xf32, #tpu.memory_space<vmem>>, vector<1x16xf32>,
      %get3A_1335 = vector.shape_cast %get3A_1334 : vector<1x16xf32> to vector<16xf32>
      %get3A_1336 = arith.index_cast %scan3A_1119 : i32 to index
      %get3A_1337 = arith.constant 336 : index
      %get3A_1338 = tpu.vector_load %arg10[%get3A_1336, %get3A_1337] {strides = array<i32>} : memref<64x512xf32, #tpu.memory_space<vmem>>, vector<1x16xf32>,
      %get3A_1339 = vector.shape_cast %get3A_1338 : vector<1x16xf32> to vector<16xf32>
      %mul3A_1340 = arith.mulf %get3A_1335, %get3A_1339 : vector<16xf32>
      %add3A_1341 = arith.addf %add3A_1331, %mul3A_1340 : vector<16xf32>
      %get3A_1342 = arith.index_cast %scan3A_1119 : i32 to index
      %get3A_1343 = arith.constant 352 : index
      %get3A_1344 = tpu.vector_load %arg9[%get3A_1342, %get3A_1343] {strides = array<i32>} : memref<64x512xf32, #tpu.memory_space<vmem>>, vector<1x16xf32>,
      %get3A_1345 = vector.shape_cast %get3A_1344 : vector<1x16xf32> to vector<16xf32>
      %get3A_1346 = arith.index_cast %scan3A_1119 : i32 to index
      %get3A_1347 = arith.constant 352 : index
      %get3A_1348 = tpu.vector_load %arg10[%get3A_1346, %get3A_1347] {strides = array<i32>} : memref<64x512xf32, #tpu.memory_space<vmem>>, vector<1x16xf32>,
      %get3A_1349 = vector.shape_cast %get3A_1348 : vector<1x16xf32> to vector<16xf32>
      %mul3A_1350 = arith.mulf %get3A_1345, %get3A_1349 : vector<16xf32>
      %add3A_1351 = arith.addf %add3A_1341, %mul3A_1350 : vector<16xf32>
      %get3A_1352 = arith.index_cast %scan3A_1119 : i32 to index
      %get3A_1353 = arith.constant 368 : index
      %get3A_1354 = tpu.vector_load %arg9[%get3A_1352, %get3A_1353] {strides = array<i32>} : memref<64x512xf32, #tpu.memory_space<vmem>>, vector<1x16xf32>,
      %get3A_1355 = vector.shape_cast %get3A_1354 : vector<1x16xf32> to vector<16xf32>
      %get3A_1356 = arith.index_cast %scan3A_1119 : i32 to index
      %get3A_1357 = arith.constant 368 : index
      %get3A_1358 = tpu.vector_load %arg10[%get3A_1356, %get3A_1357] {strides = array<i32>} : memref<64x512xf32, #tpu.memory_space<vmem>>, vector<1x16xf32>,
      %get3A_1359 = vector.shape_cast %get3A_1358 : vector<1x16xf32> to vector<16xf32>
      %mul3A_1360 = arith.mulf %get3A_1355, %get3A_1359 : vector<16xf32>
      %add3A_1361 = arith.addf %add3A_1351, %mul3A_1360 : vector<16xf32>
      %get3A_1362 = arith.index_cast %scan3A_1119 : i32 to index
      %get3A_1363 = arith.constant 384 : index
      %get3A_1364 = tpu.vector_load %arg9[%get3A_1362, %get3A_1363] {strides = array<i32>} : memref<64x512xf32, #tpu.memory_space<vmem>>, vector<1x16xf32>,
      %get3A_1365 = vector.shape_cast %get3A_1364 : vector<1x16xf32> to vector<16xf32>
      %get3A_1366 = arith.index_cast %scan3A_1119 : i32 to index
      %get3A_1367 = arith.constant 384 : index
      %get3A_1368 = tpu.vector_load %arg10[%get3A_1366, %get3A_1367] {strides = array<i32>} : memref<64x512xf32, #tpu.memory_space<vmem>>, vector<1x16xf32>,
      %get3A_1369 = vector.shape_cast %get3A_1368 : vector<1x16xf32> to vector<16xf32>
      %mul3A_1370 = arith.mulf %get3A_1365, %get3A_1369 : vector<16xf32>
      %add3A_1371 = arith.addf %add3A_1361, %mul3A_1370 : vector<16xf32>
      %get3A_1372 = arith.index_cast %scan3A_1119 : i32 to index
      %get3A_1373 = arith.constant 400 : index
      %get3A_1374 = tpu.vector_load %arg9[%get3A_1372, %get3A_1373] {strides = array<i32>} : memref<64x512xf32, #tpu.memory_space<vmem>>, vector<1x16xf32>,
      %get3A_1375 = vector.shape_cast %get3A_1374 : vector<1x16xf32> to vector<16xf32>
      %get3A_1376 = arith.index_cast %scan3A_1119 : i32 to index
      %get3A_1377 = arith.constant 400 : index
      %get3A_1378 = tpu.vector_load %arg10[%get3A_1376, %get3A_1377] {strides = array<i32>} : memref<64x512xf32, #tpu.memory_space<vmem>>, vector<1x16xf32>,
      %get3A_1379 = vector.shape_cast %get3A_1378 : vector<1x16xf32> to vector<16xf32>
      %mul3A_1380 = arith.mulf %get3A_1375, %get3A_1379 : vector<16xf32>
      %add3A_1381 = arith.addf %add3A_1371, %mul3A_1380 : vector<16xf32>
      %get3A_1382 = arith.index_cast %scan3A_1119 : i32 to index
      %get3A_1383 = arith.constant 416 : index
      %get3A_1384 = tpu.vector_load %arg9[%get3A_1382, %get3A_1383] {strides = array<i32>} : memref<64x512xf32, #tpu.memory_space<vmem>>, vector<1x16xf32>,
      %get3A_1385 = vector.shape_cast %get3A_1384 : vector<1x16xf32> to vector<16xf32>
      %get3A_1386 = arith.index_cast %scan3A_1119 : i32 to index
      %get3A_1387 = arith.constant 416 : index
      %get3A_1388 = tpu.vector_load %arg10[%get3A_1386, %get3A_1387] {strides = array<i32>} : memref<64x512xf32, #tpu.memory_space<vmem>>, vector<1x16xf32>,
      %get3A_1389 = vector.shape_cast %get3A_1388 : vector<1x16xf32> to vector<16xf32>
      %mul3A_1390 = arith.mulf %get3A_1385, %get3A_1389 : vector<16xf32>
      %add3A_1391 = arith.addf %add3A_1381, %mul3A_1390 : vector<16xf32>
      %get3A_1392 = arith.index_cast %scan3A_1119 : i32 to index
      %get3A_1393 = arith.constant 432 : index
      %get3A_1394 = tpu.vector_load %arg9[%get3A_1392, %get3A_1393] {strides = array<i32>} : memref<64x512xf32, #tpu.memory_space<vmem>>, vector<1x16xf32>,
      %get3A_1395 = vector.shape_cast %get3A_1394 : vector<1x16xf32> to vector<16xf32>
      %get3A_1396 = arith.index_cast %scan3A_1119 : i32 to index
      %get3A_1397 = arith.constant 432 : index
      %get3A_1398 = tpu.vector_load %arg10[%get3A_1396, %get3A_1397] {strides = array<i32>} : memref<64x512xf32, #tpu.memory_space<vmem>>, vector<1x16xf32>,
      %get3A_1399 = vector.shape_cast %get3A_1398 : vector<1x16xf32> to vector<16xf32>
      %mul3A_1400 = arith.mulf %get3A_1395, %get3A_1399 : vector<16xf32>
      %add3A_1401 = arith.addf %add3A_1391, %mul3A_1400 : vector<16xf32>
      %get3A_1402 = arith.index_cast %scan3A_1119 : i32 to index
      %get3A_1403 = arith.constant 448 : index
      %get3A_1404 = tpu.vector_load %arg9[%get3A_1402, %get3A_1403] {strides = array<i32>} : memref<64x512xf32, #tpu.memory_space<vmem>>, vector<1x16xf32>,
      %get3A_1405 = vector.shape_cast %get3A_1404 : vector<1x16xf32> to vector<16xf32>
      %get3A_1406 = arith.index_cast %scan3A_1119 : i32 to index
      %get3A_1407 = arith.constant 448 : index
      %get3A_1408 = tpu.vector_load %arg10[%get3A_1406, %get3A_1407] {strides = array<i32>} : memref<64x512xf32, #tpu.memory_space<vmem>>, vector<1x16xf32>,
      %get3A_1409 = vector.shape_cast %get3A_1408 : vector<1x16xf32> to vector<16xf32>
      %mul3A_1410 = arith.mulf %get3A_1405, %get3A_1409 : vector<16xf32>
      %add3A_1411 = arith.addf %add3A_1401, %mul3A_1410 : vector<16xf32>
      %get3A_1412 = arith.index_cast %scan3A_1119 : i32 to index
      %get3A_1413 = arith.constant 464 : index
      %get3A_1414 = tpu.vector_load %arg9[%get3A_1412, %get3A_1413] {strides = array<i32>} : memref<64x512xf32, #tpu.memory_space<vmem>>, vector<1x16xf32>,
      %get3A_1415 = vector.shape_cast %get3A_1414 : vector<1x16xf32> to vector<16xf32>
      %get3A_1416 = arith.index_cast %scan3A_1119 : i32 to index
      %get3A_1417 = arith.constant 464 : index
      %get3A_1418 = tpu.vector_load %arg10[%get3A_1416, %get3A_1417] {strides = array<i32>} : memref<64x512xf32, #tpu.memory_space<vmem>>, vector<1x16xf32>,
      %get3A_1419 = vector.shape_cast %get3A_1418 : vector<1x16xf32> to vector<16xf32>
      %mul3A_1420 = arith.mulf %get3A_1415, %get3A_1419 : vector<16xf32>
      %add3A_1421 = arith.addf %add3A_1411, %mul3A_1420 : vector<16xf32>
      %get3A_1422 = arith.index_cast %scan3A_1119 : i32 to index
      %get3A_1423 = arith.constant 480 : index
      %get3A_1424 = tpu.vector_load %arg9[%get3A_1422, %get3A_1423] {strides = array<i32>} : memref<64x512xf32, #tpu.memory_space<vmem>>, vector<1x16xf32>,
      %get3A_1425 = vector.shape_cast %get3A_1424 : vector<1x16xf32> to vector<16xf32>
      %get3A_1426 = arith.index_cast %scan3A_1119 : i32 to index
      %get3A_1427 = arith.constant 480 : index
      %get3A_1428 = tpu.vector_load %arg10[%get3A_1426, %get3A_1427] {strides = array<i32>} : memref<64x512xf32, #tpu.memory_space<vmem>>, vector<1x16xf32>,
      %get3A_1429 = vector.shape_cast %get3A_1428 : vector<1x16xf32> to vector<16xf32>
      %mul3A_1430 = arith.mulf %get3A_1425, %get3A_1429 : vector<16xf32>
      %add3A_1431 = arith.addf %add3A_1421, %mul3A_1430 : vector<16xf32>
      %get3A_1432 = arith.index_cast %scan3A_1119 : i32 to index
      %get3A_1433 = arith.constant 496 : index
      %get3A_1434 = tpu.vector_load %arg9[%get3A_1432, %get3A_1433] {strides = array<i32>} : memref<64x512xf32, #tpu.memory_space<vmem>>, vector<1x16xf32>,
      %get3A_1435 = vector.shape_cast %get3A_1434 : vector<1x16xf32> to vector<16xf32>
      %get3A_1436 = arith.index_cast %scan3A_1119 : i32 to index
      %get3A_1437 = arith.constant 496 : index
      %get3A_1438 = tpu.vector_load %arg10[%get3A_1436, %get3A_1437] {strides = array<i32>} : memref<64x512xf32, #tpu.memory_space<vmem>>, vector<1x16xf32>,
      %get3A_1439 = vector.shape_cast %get3A_1438 : vector<1x16xf32> to vector<16xf32>
      %mul3A_1440 = arith.mulf %get3A_1435, %get3A_1439 : vector<16xf32>
      %add3A_1441 = arith.addf %add3A_1431, %mul3A_1440 : vector<16xf32>
      %slice3A = vector.extract_strided_slice %add3A_1441 {offsets = [0], sizes = [1], strides = [1]} : vector<16xf32> to vector<1xf32>
      %squeeze3A = vector.extract %slice3A[0] : f32 from vector<1xf32>
      %slice3A_1442 = vector.extract_strided_slice %add3A_1441 {offsets = [1], sizes = [1], strides = [1]} : vector<16xf32> to vector<1xf32>
      %squeeze3A_1443 = vector.extract %slice3A_1442[0] : f32 from vector<1xf32>
      %add3A_1444 = arith.addf %squeeze3A, %squeeze3A_1443 : f32
      %slice3A_1445 = vector.extract_strided_slice %add3A_1441 {offsets = [2], sizes = [1], strides = [1]} : vector<16xf32> to vector<1xf32>
      %squeeze3A_1446 = vector.extract %slice3A_1445[0] : f32 from vector<1xf32>
      %add3A_1447 = arith.addf %add3A_1444, %squeeze3A_1446 : f32
      %slice3A_1448 = vector.extract_strided_slice %add3A_1441 {offsets = [3], sizes = [1], strides = [1]} : vector<16xf32> to vector<1xf32>
      %squeeze3A_1449 = vector.extract %slice3A_1448[0] : f32 from vector<1xf32>
      %add3A_1450 = arith.addf %add3A_1447, %squeeze3A_1449 : f32
      %slice3A_1451 = vector.extract_strided_slice %add3A_1441 {offsets = [4], sizes = [1], strides = [1]} : vector<16xf32> to vector<1xf32>
      %squeeze3A_1452 = vector.extract %slice3A_1451[0] : f32 from vector<1xf32>
      %add3A_1453 = arith.addf %add3A_1450, %squeeze3A_1452 : f32
      %slice3A_1454 = vector.extract_strided_slice %add3A_1441 {offsets = [5], sizes = [1], strides = [1]} : vector<16xf32> to vector<1xf32>
      %squeeze3A_1455 = vector.extract %slice3A_1454[0] : f32 from vector<1xf32>
      %add3A_1456 = arith.addf %add3A_1453, %squeeze3A_1455 : f32
      %slice3A_1457 = vector.extract_strided_slice %add3A_1441 {offsets = [6], sizes = [1], strides = [1]} : vector<16xf32> to vector<1xf32>
      %squeeze3A_1458 = vector.extract %slice3A_1457[0] : f32 from vector<1xf32>
      %add3A_1459 = arith.addf %add3A_1456, %squeeze3A_1458 : f32
      %slice3A_1460 = vector.extract_strided_slice %add3A_1441 {offsets = [7], sizes = [1], strides = [1]} : vector<16xf32> to vector<1xf32>
      %squeeze3A_1461 = vector.extract %slice3A_1460[0] : f32 from vector<1xf32>
      %add3A_1462 = arith.addf %add3A_1459, %squeeze3A_1461 : f32
      %slice3A_1463 = vector.extract_strided_slice %add3A_1441 {offsets = [8], sizes = [1], strides = [1]} : vector<16xf32> to vector<1xf32>
      %squeeze3A_1464 = vector.extract %slice3A_1463[0] : f32 from vector<1xf32>
      %add3A_1465 = arith.addf %add3A_1462, %squeeze3A_1464 : f32
      %slice3A_1466 = vector.extract_strided_slice %add3A_1441 {offsets = [9], sizes = [1], strides = [1]} : vector<16xf32> to vector<1xf32>
      %squeeze3A_1467 = vector.extract %slice3A_1466[0] : f32 from vector<1xf32>
      %add3A_1468 = arith.addf %add3A_1465, %squeeze3A_1467 : f32
      %slice3A_1469 = vector.extract_strided_slice %add3A_1441 {offsets = [10], sizes = [1], strides = [1]} : vector<16xf32> to vector<1xf32>
      %squeeze3A_1470 = vector.extract %slice3A_1469[0] : f32 from vector<1xf32>
      %add3A_1471 = arith.addf %add3A_1468, %squeeze3A_1470 : f32
      %slice3A_1472 = vector.extract_strided_slice %add3A_1441 {offsets = [11], sizes = [1], strides = [1]} : vector<16xf32> to vector<1xf32>
      %squeeze3A_1473 = vector.extract %slice3A_1472[0] : f32 from vector<1xf32>
      %add3A_1474 = arith.addf %add3A_1471, %squeeze3A_1473 : f32
      %slice3A_1475 = vector.extract_strided_slice %add3A_1441 {offsets = [12], sizes = [1], strides = [1]} : vector<16xf32> to vector<1xf32>
      %squeeze3A_1476 = vector.extract %slice3A_1475[0] : f32 from vector<1xf32>
      %add3A_1477 = arith.addf %add3A_1474, %squeeze3A_1476 : f32
      %slice3A_1478 = vector.extract_strided_slice %add3A_1441 {offsets = [13], sizes = [1], strides = [1]} : vector<16xf32> to vector<1xf32>
      %squeeze3A_1479 = vector.extract %slice3A_1478[0] : f32 from vector<1xf32>
      %add3A_1480 = arith.addf %add3A_1477, %squeeze3A_1479 : f32
      %slice3A_1481 = vector.extract_strided_slice %add3A_1441 {offsets = [14], sizes = [1], strides = [1]} : vector<16xf32> to vector<1xf32>
      %squeeze3A_1482 = vector.extract %slice3A_1481[0] : f32 from vector<1xf32>
      %add3A_1483 = arith.addf %add3A_1480, %squeeze3A_1482 : f32
      %slice3A_1484 = vector.extract_strided_slice %add3A_1441 {offsets = [15], sizes = [1], strides = [1]} : vector<16xf32> to vector<1xf32>
      %squeeze3A_1485 = vector.extract %slice3A_1484[0] : f32 from vector<1xf32>
      %add3A_1486 = arith.addf %add3A_1483, %squeeze3A_1485 : f32
      %add3A_1487 = arith.constant 0 : i32
      %add3A_1488 = arith.addi %add3A_1487, %scan3A_1119 : i32
      %swap3A_1489 = arith.index_cast %add3A_1488 : i32 to index
      %swap3A_1490 = memref.load %arg12[%swap3A_1489] : memref<128xf32, #tpu.memory_space<smem>>
      memref.store %add3A_1486, %arg12[%swap3A_1489] : memref<128xf32, #tpu.memory_space<smem>>
    }
    %scan3A_25 = arith.constant 64 : i32
    %dma_start3A_26 = arith.constant 64 : i32
    %dma_start3A_27 = tpu.memref_slice %arg7[%dma_start3A_26] : memref<128xi32, #tpu.memory_space<vmem>> -> memref<64xi32, #tpu.memory_space<vmem>>
    %dma_start3A_28 = arith.constant 0 : i32
    %dma_start3A_29 = arith.constant 0 : i32
    %dma_start3A_30 = tpu.memref_slice %arg2[%dma_start3A_28, %dma_start3A_29] : memref<1024x512xf32, #tpu.memory_space<hbm>> -> memref<1024x512xf32, #tpu.memory_space<hbm>>
    tpu.enqueue_indirect_dma source(%dma_start3A_30 : memref<1024x512xf32, #tpu.memory_space<hbm>>) target(%arg9 : memref<64x512xf32, #tpu.memory_space<vmem>>) offsets(%dma_start3A_27 : memref<64xi32, #tpu.memory_space<vmem>>) semaphore(%arg13 : memref<!tpu.dma_semaphore, #tpu.memory_space<semaphore_mem>>)
    %dma_wait3A_31 = arith.constant 64 : i32
    %dma_wait3A_32 = tpu.memref_slice %arg7[%dma_wait3A_31] : memref<128xi32, #tpu.memory_space<vmem>> -> memref<64xi32, #tpu.memory_space<vmem>>
    %dma_wait3A_33 = arith.constant 0 : i32
    %dma_wait3A_34 = arith.constant 0 : i32
    %dma_wait3A_35 = tpu.memref_slice %arg2[%dma_wait3A_33, %dma_wait3A_34] : memref<1024x512xf32, #tpu.memory_space<hbm>> -> memref<1024x512xf32, #tpu.memory_space<hbm>>
    tpu.wait_indirect_dma semaphore(%arg13 : memref<!tpu.dma_semaphore, #tpu.memory_space<semaphore_mem>>) src(%dma_wait3A_35 : memref<1024x512xf32, #tpu.memory_space<hbm>>) dst(%arg9 : memref<64x512xf32, #tpu.memory_space<vmem>>)
    %dma_start3A_36 = arith.constant 64 : i32
    %dma_start3A_37 = tpu.memref_slice %arg8[%dma_start3A_36] : memref<128xi32, #tpu.memory_space<vmem>> -> memref<64xi32, #tpu.memory_space<vmem>>
    %dma_start3A_38 = arith.constant 0 : i32
    %dma_start3A_39 = arith.constant 0 : i32
    %dma_start3A_40 = tpu.memref_slice %arg3[%dma_start3A_38, %dma_start3A_39] : memref<1024x512xf32, #tpu.memory_space<hbm>> -> memref<1024x512xf32, #tpu.memory_space<hbm>>
    tpu.enqueue_indirect_dma source(%dma_start3A_40 : memref<1024x512xf32, #tpu.memory_space<hbm>>) target(%arg10 : memref<64x512xf32, #tpu.memory_space<vmem>>) offsets(%dma_start3A_37 : memref<64xi32, #tpu.memory_space<vmem>>) semaphore(%arg13 : memref<!tpu.dma_semaphore, #tpu.memory_space<semaphore_mem>>)
    %dma_wait3A_41 = arith.constant 64 : i32
    %dma_wait3A_42 = tpu.memref_slice %arg8[%dma_wait3A_41] : memref<128xi32, #tpu.memory_space<vmem>> -> memref<64xi32, #tpu.memory_space<vmem>>
    %dma_wait3A_43 = arith.constant 0 : i32
    %dma_wait3A_44 = arith.constant 0 : i32
    %dma_wait3A_45 = tpu.memref_slice %arg3[%dma_wait3A_43, %dma_wait3A_44] : memref<1024x512xf32, #tpu.memory_space<hbm>> -> memref<1024x512xf32, #tpu.memory_space<hbm>>
    tpu.wait_indirect_dma semaphore(%arg13 : memref<!tpu.dma_semaphore, #tpu.memory_space<semaphore_mem>>) src(%dma_wait3A_45 : memref<1024x512xf32, #tpu.memory_space<hbm>>) dst(%arg10 : memref<64x512xf32, #tpu.memory_space<vmem>>)
    %scan3A_46 = arith.constant 0 : i32
    %scan3A_47 = arith.constant 0 : i32
    %scan3A_48 = arith.constant 64 : i32
    %scan3A_49 = arith.addi %scan3A_47, %scan3A_48 : i32
    %scan3A_50 = arith.constant 1 : i32
    scf.for %scan3A_1119 = %scan3A_47 to %scan3A_49 step %scan3A_50  : i32 {
      %broadcast_in_dim3A_1120 = arith.constant 0.000000e+00 : f32
      %broadcast_in_dim3A_1121 = vector.broadcast %broadcast_in_dim3A_1120 : f32 to vector<16xf32>
      %get3A_1122 = arith.index_cast %scan3A_1119 : i32 to index
      %get3A_1123 = arith.constant 0 : index
      %get3A_1124 = tpu.vector_load %arg9[%get3A_1122, %get3A_1123] {strides = array<i32>} : memref<64x512xf32, #tpu.memory_space<vmem>>, vector<1x16xf32>,
      %get3A_1125 = vector.shape_cast %get3A_1124 : vector<1x16xf32> to vector<16xf32>
      %get3A_1126 = arith.index_cast %scan3A_1119 : i32 to index
      %get3A_1127 = arith.constant 0 : index
      %get3A_1128 = tpu.vector_load %arg10[%get3A_1126, %get3A_1127] {strides = array<i32>} : memref<64x512xf32, #tpu.memory_space<vmem>>, vector<1x16xf32>,
      %get3A_1129 = vector.shape_cast %get3A_1128 : vector<1x16xf32> to vector<16xf32>
      %mul3A_1130 = arith.mulf %get3A_1125, %get3A_1129 : vector<16xf32>
      %add3A_1131 = arith.addf %broadcast_in_dim3A_1121, %mul3A_1130 : vector<16xf32>
      %get3A_1132 = arith.index_cast %scan3A_1119 : i32 to index
      %get3A_1133 = arith.constant 16 : index
      %get3A_1134 = tpu.vector_load %arg9[%get3A_1132, %get3A_1133] {strides = array<i32>} : memref<64x512xf32, #tpu.memory_space<vmem>>, vector<1x16xf32>,
      %get3A_1135 = vector.shape_cast %get3A_1134 : vector<1x16xf32> to vector<16xf32>
      %get3A_1136 = arith.index_cast %scan3A_1119 : i32 to index
      %get3A_1137 = arith.constant 16 : index
      %get3A_1138 = tpu.vector_load %arg10[%get3A_1136, %get3A_1137] {strides = array<i32>} : memref<64x512xf32, #tpu.memory_space<vmem>>, vector<1x16xf32>,
      %get3A_1139 = vector.shape_cast %get3A_1138 : vector<1x16xf32> to vector<16xf32>
      %mul3A_1140 = arith.mulf %get3A_1135, %get3A_1139 : vector<16xf32>
      %add3A_1141 = arith.addf %add3A_1131, %mul3A_1140 : vector<16xf32>
      %get3A_1142 = arith.index_cast %scan3A_1119 : i32 to index
      %get3A_1143 = arith.constant 32 : index
      %get3A_1144 = tpu.vector_load %arg9[%get3A_1142, %get3A_1143] {strides = array<i32>} : memref<64x512xf32, #tpu.memory_space<vmem>>, vector<1x16xf32>,
      %get3A_1145 = vector.shape_cast %get3A_1144 : vector<1x16xf32> to vector<16xf32>
      %get3A_1146 = arith.index_cast %scan3A_1119 : i32 to index
      %get3A_1147 = arith.constant 32 : index
      %get3A_1148 = tpu.vector_load %arg10[%get3A_1146, %get3A_1147] {strides = array<i32>} : memref<64x512xf32, #tpu.memory_space<vmem>>, vector<1x16xf32>,
      %get3A_1149 = vector.shape_cast %get3A_1148 : vector<1x16xf32> to vector<16xf32>
      %mul3A_1150 = arith.mulf %get3A_1145, %get3A_1149 : vector<16xf32>
      %add3A_1151 = arith.addf %add3A_1141, %mul3A_1150 : vector<16xf32>
      %get3A_1152 = arith.index_cast %scan3A_1119 : i32 to index
      %get3A_1153 = arith.constant 48 : index
      %get3A_1154 = tpu.vector_load %arg9[%get3A_1152, %get3A_1153] {strides = array<i32>} : memref<64x512xf32, #tpu.memory_space<vmem>>, vector<1x16xf32>,
      %get3A_1155 = vector.shape_cast %get3A_1154 : vector<1x16xf32> to vector<16xf32>
      %get3A_1156 = arith.index_cast %scan3A_1119 : i32 to index
      %get3A_1157 = arith.constant 48 : index
      %get3A_1158 = tpu.vector_load %arg10[%get3A_1156, %get3A_1157] {strides = array<i32>} : memref<64x512xf32, #tpu.memory_space<vmem>>, vector<1x16xf32>,
      %get3A_1159 = vector.shape_cast %get3A_1158 : vector<1x16xf32> to vector<16xf32>
      %mul3A_1160 = arith.mulf %get3A_1155, %get3A_1159 : vector<16xf32>
      %add3A_1161 = arith.addf %add3A_1151, %mul3A_1160 : vector<16xf32>
      %get3A_1162 = arith.index_cast %scan3A_1119 : i32 to index
      %get3A_1163 = arith.constant 64 : index
      %get3A_1164 = tpu.vector_load %arg9[%get3A_1162, %get3A_1163] {strides = array<i32>} : memref<64x512xf32, #tpu.memory_space<vmem>>, vector<1x16xf32>,
      %get3A_1165 = vector.shape_cast %get3A_1164 : vector<1x16xf32> to vector<16xf32>
      %get3A_1166 = arith.index_cast %scan3A_1119 : i32 to index
      %get3A_1167 = arith.constant 64 : index
      %get3A_1168 = tpu.vector_load %arg10[%get3A_1166, %get3A_1167] {strides = array<i32>} : memref<64x512xf32, #tpu.memory_space<vmem>>, vector<1x16xf32>,
      %get3A_1169 = vector.shape_cast %get3A_1168 : vector<1x16xf32> to vector<16xf32>
      %mul3A_1170 = arith.mulf %get3A_1165, %get3A_1169 : vector<16xf32>
      %add3A_1171 = arith.addf %add3A_1161, %mul3A_1170 : vector<16xf32>
      %get3A_1172 = arith.index_cast %scan3A_1119 : i32 to index
      %get3A_1173 = arith.constant 80 : index
      %get3A_1174 = tpu.vector_load %arg9[%get3A_1172, %get3A_1173] {strides = array<i32>} : memref<64x512xf32, #tpu.memory_space<vmem>>, vector<1x16xf32>,
      %get3A_1175 = vector.shape_cast %get3A_1174 : vector<1x16xf32> to vector<16xf32>
      %get3A_1176 = arith.index_cast %scan3A_1119 : i32 to index
      %get3A_1177 = arith.constant 80 : index
      %get3A_1178 = tpu.vector_load %arg10[%get3A_1176, %get3A_1177] {strides = array<i32>} : memref<64x512xf32, #tpu.memory_space<vmem>>, vector<1x16xf32>,
      %get3A_1179 = vector.shape_cast %get3A_1178 : vector<1x16xf32> to vector<16xf32>
      %mul3A_1180 = arith.mulf %get3A_1175, %get3A_1179 : vector<16xf32>
      %add3A_1181 = arith.addf %add3A_1171, %mul3A_1180 : vector<16xf32>
      %get3A_1182 = arith.index_cast %scan3A_1119 : i32 to index
      %get3A_1183 = arith.constant 96 : index
      %get3A_1184 = tpu.vector_load %arg9[%get3A_1182, %get3A_1183] {strides = array<i32>} : memref<64x512xf32, #tpu.memory_space<vmem>>, vector<1x16xf32>,
      %get3A_1185 = vector.shape_cast %get3A_1184 : vector<1x16xf32> to vector<16xf32>
      %get3A_1186 = arith.index_cast %scan3A_1119 : i32 to index
      %get3A_1187 = arith.constant 96 : index
      %get3A_1188 = tpu.vector_load %arg10[%get3A_1186, %get3A_1187] {strides = array<i32>} : memref<64x512xf32, #tpu.memory_space<vmem>>, vector<1x16xf32>,
      %get3A_1189 = vector.shape_cast %get3A_1188 : vector<1x16xf32> to vector<16xf32>
      %mul3A_1190 = arith.mulf %get3A_1185, %get3A_1189 : vector<16xf32>
      %add3A_1191 = arith.addf %add3A_1181, %mul3A_1190 : vector<16xf32>
      %get3A_1192 = arith.index_cast %scan3A_1119 : i32 to index
      %get3A_1193 = arith.constant 112 : index
      %get3A_1194 = tpu.vector_load %arg9[%get3A_1192, %get3A_1193] {strides = array<i32>} : memref<64x512xf32, #tpu.memory_space<vmem>>, vector<1x16xf32>,
      %get3A_1195 = vector.shape_cast %get3A_1194 : vector<1x16xf32> to vector<16xf32>
      %get3A_1196 = arith.index_cast %scan3A_1119 : i32 to index
      %get3A_1197 = arith.constant 112 : index
      %get3A_1198 = tpu.vector_load %arg10[%get3A_1196, %get3A_1197] {strides = array<i32>} : memref<64x512xf32, #tpu.memory_space<vmem>>, vector<1x16xf32>,
      %get3A_1199 = vector.shape_cast %get3A_1198 : vector<1x16xf32> to vector<16xf32>
      %mul3A_1200 = arith.mulf %get3A_1195, %get3A_1199 : vector<16xf32>
      %add3A_1201 = arith.addf %add3A_1191, %mul3A_1200 : vector<16xf32>
      %get3A_1202 = arith.index_cast %scan3A_1119 : i32 to index
      %get3A_1203 = arith.constant 128 : index
      %get3A_1204 = tpu.vector_load %arg9[%get3A_1202, %get3A_1203] {strides = array<i32>} : memref<64x512xf32, #tpu.memory_space<vmem>>, vector<1x16xf32>,
      %get3A_1205 = vector.shape_cast %get3A_1204 : vector<1x16xf32> to vector<16xf32>
      %get3A_1206 = arith.index_cast %scan3A_1119 : i32 to index
      %get3A_1207 = arith.constant 128 : index
      %get3A_1208 = tpu.vector_load %arg10[%get3A_1206, %get3A_1207] {strides = array<i32>} : memref<64x512xf32, #tpu.memory_space<vmem>>, vector<1x16xf32>,
      %get3A_1209 = vector.shape_cast %get3A_1208 : vector<1x16xf32> to vector<16xf32>
      %mul3A_1210 = arith.mulf %get3A_1205, %get3A_1209 : vector<16xf32>
      %add3A_1211 = arith.addf %add3A_1201, %mul3A_1210 : vector<16xf32>
      %get3A_1212 = arith.index_cast %scan3A_1119 : i32 to index
      %get3A_1213 = arith.constant 144 : index
      %get3A_1214 = tpu.vector_load %arg9[%get3A_1212, %get3A_1213] {strides = array<i32>} : memref<64x512xf32, #tpu.memory_space<vmem>>, vector<1x16xf32>,
      %get3A_1215 = vector.shape_cast %get3A_1214 : vector<1x16xf32> to vector<16xf32>
      %get3A_1216 = arith.index_cast %scan3A_1119 : i32 to index
      %get3A_1217 = arith.constant 144 : index
      %get3A_1218 = tpu.vector_load %arg10[%get3A_1216, %get3A_1217] {strides = array<i32>} : memref<64x512xf32, #tpu.memory_space<vmem>>, vector<1x16xf32>,
      %get3A_1219 = vector.shape_cast %get3A_1218 : vector<1x16xf32> to vector<16xf32>
      %mul3A_1220 = arith.mulf %get3A_1215, %get3A_1219 : vector<16xf32>
      %add3A_1221 = arith.addf %add3A_1211, %mul3A_1220 : vector<16xf32>
      %get3A_1222 = arith.index_cast %scan3A_1119 : i32 to index
      %get3A_1223 = arith.constant 160 : index
      %get3A_1224 = tpu.vector_load %arg9[%get3A_1222, %get3A_1223] {strides = array<i32>} : memref<64x512xf32, #tpu.memory_space<vmem>>, vector<1x16xf32>,
      %get3A_1225 = vector.shape_cast %get3A_1224 : vector<1x16xf32> to vector<16xf32>
      %get3A_1226 = arith.index_cast %scan3A_1119 : i32 to index
      %get3A_1227 = arith.constant 160 : index
      %get3A_1228 = tpu.vector_load %arg10[%get3A_1226, %get3A_1227] {strides = array<i32>} : memref<64x512xf32, #tpu.memory_space<vmem>>, vector<1x16xf32>,
      %get3A_1229 = vector.shape_cast %get3A_1228 : vector<1x16xf32> to vector<16xf32>
      %mul3A_1230 = arith.mulf %get3A_1225, %get3A_1229 : vector<16xf32>
      %add3A_1231 = arith.addf %add3A_1221, %mul3A_1230 : vector<16xf32>
      %get3A_1232 = arith.index_cast %scan3A_1119 : i32 to index
      %get3A_1233 = arith.constant 176 : index
      %get3A_1234 = tpu.vector_load %arg9[%get3A_1232, %get3A_1233] {strides = array<i32>} : memref<64x512xf32, #tpu.memory_space<vmem>>, vector<1x16xf32>,
      %get3A_1235 = vector.shape_cast %get3A_1234 : vector<1x16xf32> to vector<16xf32>
      %get3A_1236 = arith.index_cast %scan3A_1119 : i32 to index
      %get3A_1237 = arith.constant 176 : index
      %get3A_1238 = tpu.vector_load %arg10[%get3A_1236, %get3A_1237] {strides = array<i32>} : memref<64x512xf32, #tpu.memory_space<vmem>>, vector<1x16xf32>,
      %get3A_1239 = vector.shape_cast %get3A_1238 : vector<1x16xf32> to vector<16xf32>
      %mul3A_1240 = arith.mulf %get3A_1235, %get3A_1239 : vector<16xf32>
      %add3A_1241 = arith.addf %add3A_1231, %mul3A_1240 : vector<16xf32>
      %get3A_1242 = arith.index_cast %scan3A_1119 : i32 to index
      %get3A_1243 = arith.constant 192 : index
      %get3A_1244 = tpu.vector_load %arg9[%get3A_1242, %get3A_1243] {strides = array<i32>} : memref<64x512xf32, #tpu.memory_space<vmem>>, vector<1x16xf32>,
      %get3A_1245 = vector.shape_cast %get3A_1244 : vector<1x16xf32> to vector<16xf32>
      %get3A_1246 = arith.index_cast %scan3A_1119 : i32 to index
      %get3A_1247 = arith.constant 192 : index
      %get3A_1248 = tpu.vector_load %arg10[%get3A_1246, %get3A_1247] {strides = array<i32>} : memref<64x512xf32, #tpu.memory_space<vmem>>, vector<1x16xf32>,
      %get3A_1249 = vector.shape_cast %get3A_1248 : vector<1x16xf32> to vector<16xf32>
      %mul3A_1250 = arith.mulf %get3A_1245, %get3A_1249 : vector<16xf32>
      %add3A_1251 = arith.addf %add3A_1241, %mul3A_1250 : vector<16xf32>
      %get3A_1252 = arith.index_cast %scan3A_1119 : i32 to index
      %get3A_1253 = arith.constant 208 : index
      %get3A_1254 = tpu.vector_load %arg9[%get3A_1252, %get3A_1253] {strides = array<i32>} : memref<64x512xf32, #tpu.memory_space<vmem>>, vector<1x16xf32>,
      %get3A_1255 = vector.shape_cast %get3A_1254 : vector<1x16xf32> to vector<16xf32>
      %get3A_1256 = arith.index_cast %scan3A_1119 : i32 to index
      %get3A_1257 = arith.constant 208 : index
      %get3A_1258 = tpu.vector_load %arg10[%get3A_1256, %get3A_1257] {strides = array<i32>} : memref<64x512xf32, #tpu.memory_space<vmem>>, vector<1x16xf32>,
      %get3A_1259 = vector.shape_cast %get3A_1258 : vector<1x16xf32> to vector<16xf32>
      %mul3A_1260 = arith.mulf %get3A_1255, %get3A_1259 : vector<16xf32>
      %add3A_1261 = arith.addf %add3A_1251, %mul3A_1260 : vector<16xf32>
      %get3A_1262 = arith.index_cast %scan3A_1119 : i32 to index
      %get3A_1263 = arith.constant 224 : index
      %get3A_1264 = tpu.vector_load %arg9[%get3A_1262, %get3A_1263] {strides = array<i32>} : memref<64x512xf32, #tpu.memory_space<vmem>>, vector<1x16xf32>,
      %get3A_1265 = vector.shape_cast %get3A_1264 : vector<1x16xf32> to vector<16xf32>
      %get3A_1266 = arith.index_cast %scan3A_1119 : i32 to index
      %get3A_1267 = arith.constant 224 : index
      %get3A_1268 = tpu.vector_load %arg10[%get3A_1266, %get3A_1267] {strides = array<i32>} : memref<64x512xf32, #tpu.memory_space<vmem>>, vector<1x16xf32>,
      %get3A_1269 = vector.shape_cast %get3A_1268 : vector<1x16xf32> to vector<16xf32>
      %mul3A_1270 = arith.mulf %get3A_1265, %get3A_1269 : vector<16xf32>
      %add3A_1271 = arith.addf %add3A_1261, %mul3A_1270 : vector<16xf32>
      %get3A_1272 = arith.index_cast %scan3A_1119 : i32 to index
      %get3A_1273 = arith.constant 240 : index
      %get3A_1274 = tpu.vector_load %arg9[%get3A_1272, %get3A_1273] {strides = array<i32>} : memref<64x512xf32, #tpu.memory_space<vmem>>, vector<1x16xf32>,
      %get3A_1275 = vector.shape_cast %get3A_1274 : vector<1x16xf32> to vector<16xf32>
      %get3A_1276 = arith.index_cast %scan3A_1119 : i32 to index
      %get3A_1277 = arith.constant 240 : index
      %get3A_1278 = tpu.vector_load %arg10[%get3A_1276, %get3A_1277] {strides = array<i32>} : memref<64x512xf32, #tpu.memory_space<vmem>>, vector<1x16xf32>,
      %get3A_1279 = vector.shape_cast %get3A_1278 : vector<1x16xf32> to vector<16xf32>
      %mul3A_1280 = arith.mulf %get3A_1275, %get3A_1279 : vector<16xf32>
      %add3A_1281 = arith.addf %add3A_1271, %mul3A_1280 : vector<16xf32>
      %get3A_1282 = arith.index_cast %scan3A_1119 : i32 to index
      %get3A_1283 = arith.constant 256 : index
      %get3A_1284 = tpu.vector_load %arg9[%get3A_1282, %get3A_1283] {strides = array<i32>} : memref<64x512xf32, #tpu.memory_space<vmem>>, vector<1x16xf32>,
      %get3A_1285 = vector.shape_cast %get3A_1284 : vector<1x16xf32> to vector<16xf32>
      %get3A_1286 = arith.index_cast %scan3A_1119 : i32 to index
      %get3A_1287 = arith.constant 256 : index
      %get3A_1288 = tpu.vector_load %arg10[%get3A_1286, %get3A_1287] {strides = array<i32>} : memref<64x512xf32, #tpu.memory_space<vmem>>, vector<1x16xf32>,
      %get3A_1289 = vector.shape_cast %get3A_1288 : vector<1x16xf32> to vector<16xf32>
      %mul3A_1290 = arith.mulf %get3A_1285, %get3A_1289 : vector<16xf32>
      %add3A_1291 = arith.addf %add3A_1281, %mul3A_1290 : vector<16xf32>
      %get3A_1292 = arith.index_cast %scan3A_1119 : i32 to index
      %get3A_1293 = arith.constant 272 : index
      %get3A_1294 = tpu.vector_load %arg9[%get3A_1292, %get3A_1293] {strides = array<i32>} : memref<64x512xf32, #tpu.memory_space<vmem>>, vector<1x16xf32>,
      %get3A_1295 = vector.shape_cast %get3A_1294 : vector<1x16xf32> to vector<16xf32>
      %get3A_1296 = arith.index_cast %scan3A_1119 : i32 to index
      %get3A_1297 = arith.constant 272 : index
      %get3A_1298 = tpu.vector_load %arg10[%get3A_1296, %get3A_1297] {strides = array<i32>} : memref<64x512xf32, #tpu.memory_space<vmem>>, vector<1x16xf32>,
      %get3A_1299 = vector.shape_cast %get3A_1298 : vector<1x16xf32> to vector<16xf32>
      %mul3A_1300 = arith.mulf %get3A_1295, %get3A_1299 : vector<16xf32>
      %add3A_1301 = arith.addf %add3A_1291, %mul3A_1300 : vector<16xf32>
      %get3A_1302 = arith.index_cast %scan3A_1119 : i32 to index
      %get3A_1303 = arith.constant 288 : index
      %get3A_1304 = tpu.vector_load %arg9[%get3A_1302, %get3A_1303] {strides = array<i32>} : memref<64x512xf32, #tpu.memory_space<vmem>>, vector<1x16xf32>,
      %get3A_1305 = vector.shape_cast %get3A_1304 : vector<1x16xf32> to vector<16xf32>
      %get3A_1306 = arith.index_cast %scan3A_1119 : i32 to index
      %get3A_1307 = arith.constant 288 : index
      %get3A_1308 = tpu.vector_load %arg10[%get3A_1306, %get3A_1307] {strides = array<i32>} : memref<64x512xf32, #tpu.memory_space<vmem>>, vector<1x16xf32>,
      %get3A_1309 = vector.shape_cast %get3A_1308 : vector<1x16xf32> to vector<16xf32>
      %mul3A_1310 = arith.mulf %get3A_1305, %get3A_1309 : vector<16xf32>
      %add3A_1311 = arith.addf %add3A_1301, %mul3A_1310 : vector<16xf32>
      %get3A_1312 = arith.index_cast %scan3A_1119 : i32 to index
      %get3A_1313 = arith.constant 304 : index
      %get3A_1314 = tpu.vector_load %arg9[%get3A_1312, %get3A_1313] {strides = array<i32>} : memref<64x512xf32, #tpu.memory_space<vmem>>, vector<1x16xf32>,
      %get3A_1315 = vector.shape_cast %get3A_1314 : vector<1x16xf32> to vector<16xf32>
      %get3A_1316 = arith.index_cast %scan3A_1119 : i32 to index
      %get3A_1317 = arith.constant 304 : index
      %get3A_1318 = tpu.vector_load %arg10[%get3A_1316, %get3A_1317] {strides = array<i32>} : memref<64x512xf32, #tpu.memory_space<vmem>>, vector<1x16xf32>,
      %get3A_1319 = vector.shape_cast %get3A_1318 : vector<1x16xf32> to vector<16xf32>
      %mul3A_1320 = arith.mulf %get3A_1315, %get3A_1319 : vector<16xf32>
      %add3A_1321 = arith.addf %add3A_1311, %mul3A_1320 : vector<16xf32>
      %get3A_1322 = arith.index_cast %scan3A_1119 : i32 to index
      %get3A_1323 = arith.constant 320 : index
      %get3A_1324 = tpu.vector_load %arg9[%get3A_1322, %get3A_1323] {strides = array<i32>} : memref<64x512xf32, #tpu.memory_space<vmem>>, vector<1x16xf32>,
      %get3A_1325 = vector.shape_cast %get3A_1324 : vector<1x16xf32> to vector<16xf32>
      %get3A_1326 = arith.index_cast %scan3A_1119 : i32 to index
      %get3A_1327 = arith.constant 320 : index
      %get3A_1328 = tpu.vector_load %arg10[%get3A_1326, %get3A_1327] {strides = array<i32>} : memref<64x512xf32, #tpu.memory_space<vmem>>, vector<1x16xf32>,
      %get3A_1329 = vector.shape_cast %get3A_1328 : vector<1x16xf32> to vector<16xf32>
      %mul3A_1330 = arith.mulf %get3A_1325, %get3A_1329 : vector<16xf32>
      %add3A_1331 = arith.addf %add3A_1321, %mul3A_1330 : vector<16xf32>
      %get3A_1332 = arith.index_cast %scan3A_1119 : i32 to index
      %get3A_1333 = arith.constant 336 : index
      %get3A_1334 = tpu.vector_load %arg9[%get3A_1332, %get3A_1333] {strides = array<i32>} : memref<64x512xf32, #tpu.memory_space<vmem>>, vector<1x16xf32>,
      %get3A_1335 = vector.shape_cast %get3A_1334 : vector<1x16xf32> to vector<16xf32>
      %get3A_1336 = arith.index_cast %scan3A_1119 : i32 to index
      %get3A_1337 = arith.constant 336 : index
      %get3A_1338 = tpu.vector_load %arg10[%get3A_1336, %get3A_1337] {strides = array<i32>} : memref<64x512xf32, #tpu.memory_space<vmem>>, vector<1x16xf32>,
      %get3A_1339 = vector.shape_cast %get3A_1338 : vector<1x16xf32> to vector<16xf32>
      %mul3A_1340 = arith.mulf %get3A_1335, %get3A_1339 : vector<16xf32>
      %add3A_1341 = arith.addf %add3A_1331, %mul3A_1340 : vector<16xf32>
      %get3A_1342 = arith.index_cast %scan3A_1119 : i32 to index
      %get3A_1343 = arith.constant 352 : index
      %get3A_1344 = tpu.vector_load %arg9[%get3A_1342, %get3A_1343] {strides = array<i32>} : memref<64x512xf32, #tpu.memory_space<vmem>>, vector<1x16xf32>,
      %get3A_1345 = vector.shape_cast %get3A_1344 : vector<1x16xf32> to vector<16xf32>
      %get3A_1346 = arith.index_cast %scan3A_1119 : i32 to index
      %get3A_1347 = arith.constant 352 : index
      %get3A_1348 = tpu.vector_load %arg10[%get3A_1346, %get3A_1347] {strides = array<i32>} : memref<64x512xf32, #tpu.memory_space<vmem>>, vector<1x16xf32>,
      %get3A_1349 = vector.shape_cast %get3A_1348 : vector<1x16xf32> to vector<16xf32>
      %mul3A_1350 = arith.mulf %get3A_1345, %get3A_1349 : vector<16xf32>
      %add3A_1351 = arith.addf %add3A_1341, %mul3A_1350 : vector<16xf32>
      %get3A_1352 = arith.index_cast %scan3A_1119 : i32 to index
      %get3A_1353 = arith.constant 368 : index
      %get3A_1354 = tpu.vector_load %arg9[%get3A_1352, %get3A_1353] {strides = array<i32>} : memref<64x512xf32, #tpu.memory_space<vmem>>, vector<1x16xf32>,
      %get3A_1355 = vector.shape_cast %get3A_1354 : vector<1x16xf32> to vector<16xf32>
      %get3A_1356 = arith.index_cast %scan3A_1119 : i32 to index
      %get3A_1357 = arith.constant 368 : index
      %get3A_1358 = tpu.vector_load %arg10[%get3A_1356, %get3A_1357] {strides = array<i32>} : memref<64x512xf32, #tpu.memory_space<vmem>>, vector<1x16xf32>,
      %get3A_1359 = vector.shape_cast %get3A_1358 : vector<1x16xf32> to vector<16xf32>
      %mul3A_1360 = arith.mulf %get3A_1355, %get3A_1359 : vector<16xf32>
      %add3A_1361 = arith.addf %add3A_1351, %mul3A_1360 : vector<16xf32>
      %get3A_1362 = arith.index_cast %scan3A_1119 : i32 to index
      %get3A_1363 = arith.constant 384 : index
      %get3A_1364 = tpu.vector_load %arg9[%get3A_1362, %get3A_1363] {strides = array<i32>} : memref<64x512xf32, #tpu.memory_space<vmem>>, vector<1x16xf32>,
      %get3A_1365 = vector.shape_cast %get3A_1364 : vector<1x16xf32> to vector<16xf32>
      %get3A_1366 = arith.index_cast %scan3A_1119 : i32 to index
      %get3A_1367 = arith.constant 384 : index
      %get3A_1368 = tpu.vector_load %arg10[%get3A_1366, %get3A_1367] {strides = array<i32>} : memref<64x512xf32, #tpu.memory_space<vmem>>, vector<1x16xf32>,
      %get3A_1369 = vector.shape_cast %get3A_1368 : vector<1x16xf32> to vector<16xf32>
      %mul3A_1370 = arith.mulf %get3A_1365, %get3A_1369 : vector<16xf32>
      %add3A_1371 = arith.addf %add3A_1361, %mul3A_1370 : vector<16xf32>
      %get3A_1372 = arith.index_cast %scan3A_1119 : i32 to index
      %get3A_1373 = arith.constant 400 : index
      %get3A_1374 = tpu.vector_load %arg9[%get3A_1372, %get3A_1373] {strides = array<i32>} : memref<64x512xf32, #tpu.memory_space<vmem>>, vector<1x16xf32>,
      %get3A_1375 = vector.shape_cast %get3A_1374 : vector<1x16xf32> to vector<16xf32>
      %get3A_1376 = arith.index_cast %scan3A_1119 : i32 to index
      %get3A_1377 = arith.constant 400 : index
      %get3A_1378 = tpu.vector_load %arg10[%get3A_1376, %get3A_1377] {strides = array<i32>} : memref<64x512xf32, #tpu.memory_space<vmem>>, vector<1x16xf32>,
      %get3A_1379 = vector.shape_cast %get3A_1378 : vector<1x16xf32> to vector<16xf32>
      %mul3A_1380 = arith.mulf %get3A_1375, %get3A_1379 : vector<16xf32>
      %add3A_1381 = arith.addf %add3A_1371, %mul3A_1380 : vector<16xf32>
      %get3A_1382 = arith.index_cast %scan3A_1119 : i32 to index
      %get3A_1383 = arith.constant 416 : index
      %get3A_1384 = tpu.vector_load %arg9[%get3A_1382, %get3A_1383] {strides = array<i32>} : memref<64x512xf32, #tpu.memory_space<vmem>>, vector<1x16xf32>,
      %get3A_1385 = vector.shape_cast %get3A_1384 : vector<1x16xf32> to vector<16xf32>
      %get3A_1386 = arith.index_cast %scan3A_1119 : i32 to index
      %get3A_1387 = arith.constant 416 : index
      %get3A_1388 = tpu.vector_load %arg10[%get3A_1386, %get3A_1387] {strides = array<i32>} : memref<64x512xf32, #tpu.memory_space<vmem>>, vector<1x16xf32>,
      %get3A_1389 = vector.shape_cast %get3A_1388 : vector<1x16xf32> to vector<16xf32>
      %mul3A_1390 = arith.mulf %get3A_1385, %get3A_1389 : vector<16xf32>
      %add3A_1391 = arith.addf %add3A_1381, %mul3A_1390 : vector<16xf32>
      %get3A_1392 = arith.index_cast %scan3A_1119 : i32 to index
      %get3A_1393 = arith.constant 432 : index
      %get3A_1394 = tpu.vector_load %arg9[%get3A_1392, %get3A_1393] {strides = array<i32>} : memref<64x512xf32, #tpu.memory_space<vmem>>, vector<1x16xf32>,
      %get3A_1395 = vector.shape_cast %get3A_1394 : vector<1x16xf32> to vector<16xf32>
      %get3A_1396 = arith.index_cast %scan3A_1119 : i32 to index
      %get3A_1397 = arith.constant 432 : index
      %get3A_1398 = tpu.vector_load %arg10[%get3A_1396, %get3A_1397] {strides = array<i32>} : memref<64x512xf32, #tpu.memory_space<vmem>>, vector<1x16xf32>,
      %get3A_1399 = vector.shape_cast %get3A_1398 : vector<1x16xf32> to vector<16xf32>
      %mul3A_1400 = arith.mulf %get3A_1395, %get3A_1399 : vector<16xf32>
      %add3A_1401 = arith.addf %add3A_1391, %mul3A_1400 : vector<16xf32>
      %get3A_1402 = arith.index_cast %scan3A_1119 : i32 to index
      %get3A_1403 = arith.constant 448 : index
      %get3A_1404 = tpu.vector_load %arg9[%get3A_1402, %get3A_1403] {strides = array<i32>} : memref<64x512xf32, #tpu.memory_space<vmem>>, vector<1x16xf32>,
      %get3A_1405 = vector.shape_cast %get3A_1404 : vector<1x16xf32> to vector<16xf32>
      %get3A_1406 = arith.index_cast %scan3A_1119 : i32 to index
      %get3A_1407 = arith.constant 448 : index
      %get3A_1408 = tpu.vector_load %arg10[%get3A_1406, %get3A_1407] {strides = array<i32>} : memref<64x512xf32, #tpu.memory_space<vmem>>, vector<1x16xf32>,
      %get3A_1409 = vector.shape_cast %get3A_1408 : vector<1x16xf32> to vector<16xf32>
      %mul3A_1410 = arith.mulf %get3A_1405, %get3A_1409 : vector<16xf32>
      %add3A_1411 = arith.addf %add3A_1401, %mul3A_1410 : vector<16xf32>
      %get3A_1412 = arith.index_cast %scan3A_1119 : i32 to index
      %get3A_1413 = arith.constant 464 : index
      %get3A_1414 = tpu.vector_load %arg9[%get3A_1412, %get3A_1413] {strides = array<i32>} : memref<64x512xf32, #tpu.memory_space<vmem>>, vector<1x16xf32>,
      %get3A_1415 = vector.shape_cast %get3A_1414 : vector<1x16xf32> to vector<16xf32>
      %get3A_1416 = arith.index_cast %scan3A_1119 : i32 to index
      %get3A_1417 = arith.constant 464 : index
      %get3A_1418 = tpu.vector_load %arg10[%get3A_1416, %get3A_1417] {strides = array<i32>} : memref<64x512xf32, #tpu.memory_space<vmem>>, vector<1x16xf32>,
      %get3A_1419 = vector.shape_cast %get3A_1418 : vector<1x16xf32> to vector<16xf32>
      %mul3A_1420 = arith.mulf %get3A_1415, %get3A_1419 : vector<16xf32>
      %add3A_1421 = arith.addf %add3A_1411, %mul3A_1420 : vector<16xf32>
      %get3A_1422 = arith.index_cast %scan3A_1119 : i32 to index
      %get3A_1423 = arith.constant 480 : index
      %get3A_1424 = tpu.vector_load %arg9[%get3A_1422, %get3A_1423] {strides = array<i32>} : memref<64x512xf32, #tpu.memory_space<vmem>>, vector<1x16xf32>,
      %get3A_1425 = vector.shape_cast %get3A_1424 : vector<1x16xf32> to vector<16xf32>
      %get3A_1426 = arith.index_cast %scan3A_1119 : i32 to index
      %get3A_1427 = arith.constant 480 : index
      %get3A_1428 = tpu.vector_load %arg10[%get3A_1426, %get3A_1427] {strides = array<i32>} : memref<64x512xf32, #tpu.memory_space<vmem>>, vector<1x16xf32>,
      %get3A_1429 = vector.shape_cast %get3A_1428 : vector<1x16xf32> to vector<16xf32>
      %mul3A_1430 = arith.mulf %get3A_1425, %get3A_1429 : vector<16xf32>
      %add3A_1431 = arith.addf %add3A_1421, %mul3A_1430 : vector<16xf32>
      %get3A_1432 = arith.index_cast %scan3A_1119 : i32 to index
      %get3A_1433 = arith.constant 496 : index
      %get3A_1434 = tpu.vector_load %arg9[%get3A_1432, %get3A_1433] {strides = array<i32>} : memref<64x512xf32, #tpu.memory_space<vmem>>, vector<1x16xf32>,
      %get3A_1435 = vector.shape_cast %get3A_1434 : vector<1x16xf32> to vector<16xf32>
      %get3A_1436 = arith.index_cast %scan3A_1119 : i32 to index
      %get3A_1437 = arith.constant 496 : index
      %get3A_1438 = tpu.vector_load %arg10[%get3A_1436, %get3A_1437] {strides = array<i32>} : memref<64x512xf32, #tpu.memory_space<vmem>>, vector<1x16xf32>,
      %get3A_1439 = vector.shape_cast %get3A_1438 : vector<1x16xf32> to vector<16xf32>
      %mul3A_1440 = arith.mulf %get3A_1435, %get3A_1439 : vector<16xf32>
      %add3A_1441 = arith.addf %add3A_1431, %mul3A_1440 : vector<16xf32>
      %slice3A = vector.extract_strided_slice %add3A_1441 {offsets = [0], sizes = [1], strides = [1]} : vector<16xf32> to vector<1xf32>
      %squeeze3A = vector.extract %slice3A[0] : f32 from vector<1xf32>
      %slice3A_1442 = vector.extract_strided_slice %add3A_1441 {offsets = [1], sizes = [1], strides = [1]} : vector<16xf32> to vector<1xf32>
      %squeeze3A_1443 = vector.extract %slice3A_1442[0] : f32 from vector<1xf32>
      %add3A_1444 = arith.addf %squeeze3A, %squeeze3A_1443 : f32
      %slice3A_1445 = vector.extract_strided_slice %add3A_1441 {offsets = [2], sizes = [1], strides = [1]} : vector<16xf32> to vector<1xf32>
      %squeeze3A_1446 = vector.extract %slice3A_1445[0] : f32 from vector<1xf32>
      %add3A_1447 = arith.addf %add3A_1444, %squeeze3A_1446 : f32
      %slice3A_1448 = vector.extract_strided_slice %add3A_1441 {offsets = [3], sizes = [1], strides = [1]} : vector<16xf32> to vector<1xf32>
      %squeeze3A_1449 = vector.extract %slice3A_1448[0] : f32 from vector<1xf32>
      %add3A_1450 = arith.addf %add3A_1447, %squeeze3A_1449 : f32
      %slice3A_1451 = vector.extract_strided_slice %add3A_1441 {offsets = [4], sizes = [1], strides = [1]} : vector<16xf32> to vector<1xf32>
      %squeeze3A_1452 = vector.extract %slice3A_1451[0] : f32 from vector<1xf32>
      %add3A_1453 = arith.addf %add3A_1450, %squeeze3A_1452 : f32
      %slice3A_1454 = vector.extract_strided_slice %add3A_1441 {offsets = [5], sizes = [1], strides = [1]} : vector<16xf32> to vector<1xf32>
      %squeeze3A_1455 = vector.extract %slice3A_1454[0] : f32 from vector<1xf32>
      %add3A_1456 = arith.addf %add3A_1453, %squeeze3A_1455 : f32
      %slice3A_1457 = vector.extract_strided_slice %add3A_1441 {offsets = [6], sizes = [1], strides = [1]} : vector<16xf32> to vector<1xf32>
      %squeeze3A_1458 = vector.extract %slice3A_1457[0] : f32 from vector<1xf32>
      %add3A_1459 = arith.addf %add3A_1456, %squeeze3A_1458 : f32
      %slice3A_1460 = vector.extract_strided_slice %add3A_1441 {offsets = [7], sizes = [1], strides = [1]} : vector<16xf32> to vector<1xf32>
      %squeeze3A_1461 = vector.extract %slice3A_1460[0] : f32 from vector<1xf32>
      %add3A_1462 = arith.addf %add3A_1459, %squeeze3A_1461 : f32
      %slice3A_1463 = vector.extract_strided_slice %add3A_1441 {offsets = [8], sizes = [1], strides = [1]} : vector<16xf32> to vector<1xf32>
      %squeeze3A_1464 = vector.extract %slice3A_1463[0] : f32 from vector<1xf32>
      %add3A_1465 = arith.addf %add3A_1462, %squeeze3A_1464 : f32
      %slice3A_1466 = vector.extract_strided_slice %add3A_1441 {offsets = [9], sizes = [1], strides = [1]} : vector<16xf32> to vector<1xf32>
      %squeeze3A_1467 = vector.extract %slice3A_1466[0] : f32 from vector<1xf32>
      %add3A_1468 = arith.addf %add3A_1465, %squeeze3A_1467 : f32
      %slice3A_1469 = vector.extract_strided_slice %add3A_1441 {offsets = [10], sizes = [1], strides = [1]} : vector<16xf32> to vector<1xf32>
      %squeeze3A_1470 = vector.extract %slice3A_1469[0] : f32 from vector<1xf32>
      %add3A_1471 = arith.addf %add3A_1468, %squeeze3A_1470 : f32
      %slice3A_1472 = vector.extract_strided_slice %add3A_1441 {offsets = [11], sizes = [1], strides = [1]} : vector<16xf32> to vector<1xf32>
      %squeeze3A_1473 = vector.extract %slice3A_1472[0] : f32 from vector<1xf32>
      %add3A_1474 = arith.addf %add3A_1471, %squeeze3A_1473 : f32
      %slice3A_1475 = vector.extract_strided_slice %add3A_1441 {offsets = [12], sizes = [1], strides = [1]} : vector<16xf32> to vector<1xf32>
      %squeeze3A_1476 = vector.extract %slice3A_1475[0] : f32 from vector<1xf32>
      %add3A_1477 = arith.addf %add3A_1474, %squeeze3A_1476 : f32
      %slice3A_1478 = vector.extract_strided_slice %add3A_1441 {offsets = [13], sizes = [1], strides = [1]} : vector<16xf32> to vector<1xf32>
      %squeeze3A_1479 = vector.extract %slice3A_1478[0] : f32 from vector<1xf32>
      %add3A_1480 = arith.addf %add3A_1477, %squeeze3A_1479 : f32
      %slice3A_1481 = vector.extract_strided_slice %add3A_1441 {offsets = [14], sizes = [1], strides = [1]} : vector<16xf32> to vector<1xf32>
      %squeeze3A_1482 = vector.extract %slice3A_1481[0] : f32 from vector<1xf32>
      %add3A_1483 = arith.addf %add3A_1480, %squeeze3A_1482 : f32
      %slice3A_1484 = vector.extract_strided_slice %add3A_1441 {offsets = [15], sizes = [1], strides = [1]} : vector<16xf32> to vector<1xf32>
      %squeeze3A_1485 = vector.extract %slice3A_1484[0] : f32 from vector<1xf32>
      %add3A_1486 = arith.addf %add3A_1483, %squeeze3A_1485 : f32
      %add3A_1487 = arith.constant 64 : i32
      %add3A_1488 = arith.addi %add3A_1487, %scan3A_1119 : i32
      %swap3A_1489 = arith.index_cast %add3A_1488 : i32 to index
      %swap3A_1490 = memref.load %arg12[%swap3A_1489] : memref<128xf32, #tpu.memory_space<smem>>
      memref.store %add3A_1486, %arg12[%swap3A_1489] : memref<128xf32, #tpu.memory_space<smem>>
    }
    %scan3A_51 = arith.constant 64 : i32
    %broadcast_in_dim3A = arith.constant 0.000000e+00 : f32
    %broadcast_in_dim3A_52 = vector.broadcast %broadcast_in_dim3A : f32 to vector<16xf32>
    %eq3A = arith.constant 0 : i32
    %eq3A_53 = vector.broadcast %eq3A : i32 to vector<16xi32>
    %eq3A_54 = arith.cmpi eq, %iota3A, %eq3A_53 : vector<16xi32>
    %get3A = arith.constant 0 : i32
    %get3A_55 = arith.index_cast %get3A : i32 to index
    %get3A_56 = memref.load %arg12[%get3A_55] : memref<128xf32, #tpu.memory_space<smem>>
    %broadcast_in_dim3A_57 = vector.broadcast %get3A_56 : f32 to vector<16xf32>
    %select_n3A = arith.select %eq3A_54, %broadcast_in_dim3A_57, %broadcast_in_dim3A_52 : vector<16xi1>, vector<16xf32>
    %eq3A_58 = arith.constant 1 : i32
    %eq3A_59 = vector.broadcast %eq3A_58 : i32 to vector<16xi32>
    %eq3A_60 = arith.cmpi eq, %iota3A, %eq3A_59 : vector<16xi32>
    %get3A_61 = arith.constant 1 : i32
    %get3A_62 = arith.index_cast %get3A_61 : i32 to index
    %get3A_63 = memref.load %arg12[%get3A_62] : memref<128xf32, #tpu.memory_space<smem>>
    %broadcast_in_dim3A_64 = vector.broadcast %get3A_63 : f32 to vector<16xf32>
    %select_n3A_65 = arith.select %eq3A_60, %broadcast_in_dim3A_64, %select_n3A : vector<16xi1>, vector<16xf32>
    %eq3A_66 = arith.constant 2 : i32
    %eq3A_67 = vector.broadcast %eq3A_66 : i32 to vector<16xi32>
    %eq3A_68 = arith.cmpi eq, %iota3A, %eq3A_67 : vector<16xi32>
    %get3A_69 = arith.constant 2 : i32
    %get3A_70 = arith.index_cast %get3A_69 : i32 to index
    %get3A_71 = memref.load %arg12[%get3A_70] : memref<128xf32, #tpu.memory_space<smem>>
    %broadcast_in_dim3A_72 = vector.broadcast %get3A_71 : f32 to vector<16xf32>
    %select_n3A_73 = arith.select %eq3A_68, %broadcast_in_dim3A_72, %select_n3A_65 : vector<16xi1>, vector<16xf32>
    %eq3A_74 = arith.constant 3 : i32
    %eq3A_75 = vector.broadcast %eq3A_74 : i32 to vector<16xi32>
    %eq3A_76 = arith.cmpi eq, %iota3A, %eq3A_75 : vector<16xi32>
    %get3A_77 = arith.constant 3 : i32
    %get3A_78 = arith.index_cast %get3A_77 : i32 to index
    %get3A_79 = memref.load %arg12[%get3A_78] : memref<128xf32, #tpu.memory_space<smem>>
    %broadcast_in_dim3A_80 = vector.broadcast %get3A_79 : f32 to vector<16xf32>
    %select_n3A_81 = arith.select %eq3A_76, %broadcast_in_dim3A_80, %select_n3A_73 : vector<16xi1>, vector<16xf32>
    %eq3A_82 = arith.constant 4 : i32
    %eq3A_83 = vector.broadcast %eq3A_82 : i32 to vector<16xi32>
    %eq3A_84 = arith.cmpi eq, %iota3A, %eq3A_83 : vector<16xi32>
    %get3A_85 = arith.constant 4 : i32
    %get3A_86 = arith.index_cast %get3A_85 : i32 to index
    %get3A_87 = memref.load %arg12[%get3A_86] : memref<128xf32, #tpu.memory_space<smem>>
    %broadcast_in_dim3A_88 = vector.broadcast %get3A_87 : f32 to vector<16xf32>
    %select_n3A_89 = arith.select %eq3A_84, %broadcast_in_dim3A_88, %select_n3A_81 : vector<16xi1>, vector<16xf32>
    %eq3A_90 = arith.constant 5 : i32
    %eq3A_91 = vector.broadcast %eq3A_90 : i32 to vector<16xi32>
    %eq3A_92 = arith.cmpi eq, %iota3A, %eq3A_91 : vector<16xi32>
    %get3A_93 = arith.constant 5 : i32
    %get3A_94 = arith.index_cast %get3A_93 : i32 to index
    %get3A_95 = memref.load %arg12[%get3A_94] : memref<128xf32, #tpu.memory_space<smem>>
    %broadcast_in_dim3A_96 = vector.broadcast %get3A_95 : f32 to vector<16xf32>
    %select_n3A_97 = arith.select %eq3A_92, %broadcast_in_dim3A_96, %select_n3A_89 : vector<16xi1>, vector<16xf32>
    %eq3A_98 = arith.constant 6 : i32
    %eq3A_99 = vector.broadcast %eq3A_98 : i32 to vector<16xi32>
    %eq3A_100 = arith.cmpi eq, %iota3A, %eq3A_99 : vector<16xi32>
    %get3A_101 = arith.constant 6 : i32
    %get3A_102 = arith.index_cast %get3A_101 : i32 to index
    %get3A_103 = memref.load %arg12[%get3A_102] : memref<128xf32, #tpu.memory_space<smem>>
    %broadcast_in_dim3A_104 = vector.broadcast %get3A_103 : f32 to vector<16xf32>
    %select_n3A_105 = arith.select %eq3A_100, %broadcast_in_dim3A_104, %select_n3A_97 : vector<16xi1>, vector<16xf32>
    %eq3A_106 = arith.constant 7 : i32
    %eq3A_107 = vector.broadcast %eq3A_106 : i32 to vector<16xi32>
    %eq3A_108 = arith.cmpi eq, %iota3A, %eq3A_107 : vector<16xi32>
    %get3A_109 = arith.constant 7 : i32
    %get3A_110 = arith.index_cast %get3A_109 : i32 to index
    %get3A_111 = memref.load %arg12[%get3A_110] : memref<128xf32, #tpu.memory_space<smem>>
    %broadcast_in_dim3A_112 = vector.broadcast %get3A_111 : f32 to vector<16xf32>
    %select_n3A_113 = arith.select %eq3A_108, %broadcast_in_dim3A_112, %select_n3A_105 : vector<16xi1>, vector<16xf32>
    %eq3A_114 = arith.constant 8 : i32
    %eq3A_115 = vector.broadcast %eq3A_114 : i32 to vector<16xi32>
    %eq3A_116 = arith.cmpi eq, %iota3A, %eq3A_115 : vector<16xi32>
    %get3A_117 = arith.constant 8 : i32
    %get3A_118 = arith.index_cast %get3A_117 : i32 to index
    %get3A_119 = memref.load %arg12[%get3A_118] : memref<128xf32, #tpu.memory_space<smem>>
    %broadcast_in_dim3A_120 = vector.broadcast %get3A_119 : f32 to vector<16xf32>
    %select_n3A_121 = arith.select %eq3A_116, %broadcast_in_dim3A_120, %select_n3A_113 : vector<16xi1>, vector<16xf32>
    %eq3A_122 = arith.constant 9 : i32
    %eq3A_123 = vector.broadcast %eq3A_122 : i32 to vector<16xi32>
    %eq3A_124 = arith.cmpi eq, %iota3A, %eq3A_123 : vector<16xi32>
    %get3A_125 = arith.constant 9 : i32
    %get3A_126 = arith.index_cast %get3A_125 : i32 to index
    %get3A_127 = memref.load %arg12[%get3A_126] : memref<128xf32, #tpu.memory_space<smem>>
    %broadcast_in_dim3A_128 = vector.broadcast %get3A_127 : f32 to vector<16xf32>
    %select_n3A_129 = arith.select %eq3A_124, %broadcast_in_dim3A_128, %select_n3A_121 : vector<16xi1>, vector<16xf32>
    %eq3A_130 = arith.constant 10 : i32
    %eq3A_131 = vector.broadcast %eq3A_130 : i32 to vector<16xi32>
    %eq3A_132 = arith.cmpi eq, %iota3A, %eq3A_131 : vector<16xi32>
    %get3A_133 = arith.constant 10 : i32
    %get3A_134 = arith.index_cast %get3A_133 : i32 to index
    %get3A_135 = memref.load %arg12[%get3A_134] : memref<128xf32, #tpu.memory_space<smem>>
    %broadcast_in_dim3A_136 = vector.broadcast %get3A_135 : f32 to vector<16xf32>
    %select_n3A_137 = arith.select %eq3A_132, %broadcast_in_dim3A_136, %select_n3A_129 : vector<16xi1>, vector<16xf32>
    %eq3A_138 = arith.constant 11 : i32
    %eq3A_139 = vector.broadcast %eq3A_138 : i32 to vector<16xi32>
    %eq3A_140 = arith.cmpi eq, %iota3A, %eq3A_139 : vector<16xi32>
    %get3A_141 = arith.constant 11 : i32
    %get3A_142 = arith.index_cast %get3A_141 : i32 to index
    %get3A_143 = memref.load %arg12[%get3A_142] : memref<128xf32, #tpu.memory_space<smem>>
    %broadcast_in_dim3A_144 = vector.broadcast %get3A_143 : f32 to vector<16xf32>
    %select_n3A_145 = arith.select %eq3A_140, %broadcast_in_dim3A_144, %select_n3A_137 : vector<16xi1>, vector<16xf32>
    %eq3A_146 = arith.constant 12 : i32
    %eq3A_147 = vector.broadcast %eq3A_146 : i32 to vector<16xi32>
    %eq3A_148 = arith.cmpi eq, %iota3A, %eq3A_147 : vector<16xi32>
    %get3A_149 = arith.constant 12 : i32
    %get3A_150 = arith.index_cast %get3A_149 : i32 to index
    %get3A_151 = memref.load %arg12[%get3A_150] : memref<128xf32, #tpu.memory_space<smem>>
    %broadcast_in_dim3A_152 = vector.broadcast %get3A_151 : f32 to vector<16xf32>
    %select_n3A_153 = arith.select %eq3A_148, %broadcast_in_dim3A_152, %select_n3A_145 : vector<16xi1>, vector<16xf32>
    %eq3A_154 = arith.constant 13 : i32
    %eq3A_155 = vector.broadcast %eq3A_154 : i32 to vector<16xi32>
    %eq3A_156 = arith.cmpi eq, %iota3A, %eq3A_155 : vector<16xi32>
    %get3A_157 = arith.constant 13 : i32
    %get3A_158 = arith.index_cast %get3A_157 : i32 to index
    %get3A_159 = memref.load %arg12[%get3A_158] : memref<128xf32, #tpu.memory_space<smem>>
    %broadcast_in_dim3A_160 = vector.broadcast %get3A_159 : f32 to vector<16xf32>
    %select_n3A_161 = arith.select %eq3A_156, %broadcast_in_dim3A_160, %select_n3A_153 : vector<16xi1>, vector<16xf32>
    %eq3A_162 = arith.constant 14 : i32
    %eq3A_163 = vector.broadcast %eq3A_162 : i32 to vector<16xi32>
    %eq3A_164 = arith.cmpi eq, %iota3A, %eq3A_163 : vector<16xi32>
    %get3A_165 = arith.constant 14 : i32
    %get3A_166 = arith.index_cast %get3A_165 : i32 to index
    %get3A_167 = memref.load %arg12[%get3A_166] : memref<128xf32, #tpu.memory_space<smem>>
    %broadcast_in_dim3A_168 = vector.broadcast %get3A_167 : f32 to vector<16xf32>
    %select_n3A_169 = arith.select %eq3A_164, %broadcast_in_dim3A_168, %select_n3A_161 : vector<16xi1>, vector<16xf32>
    %eq3A_170 = arith.constant 15 : i32
    %eq3A_171 = vector.broadcast %eq3A_170 : i32 to vector<16xi32>
    %eq3A_172 = arith.cmpi eq, %iota3A, %eq3A_171 : vector<16xi32>
    %get3A_173 = arith.constant 15 : i32
    %get3A_174 = arith.index_cast %get3A_173 : i32 to index
    %get3A_175 = memref.load %arg12[%get3A_174] : memref<128xf32, #tpu.memory_space<smem>>
    %broadcast_in_dim3A_176 = vector.broadcast %get3A_175 : f32 to vector<16xf32>
    %select_n3A_177 = arith.select %eq3A_172, %broadcast_in_dim3A_176, %select_n3A_169 : vector<16xi1>, vector<16xf32>
    %swap3A = arith.constant 0 : index
    %swap3A_178 = tpu.vector_load %arg11[%swap3A] {strides = array<i32>} : memref<128xf32, #tpu.memory_space<vmem>>, vector<16xf32>,
    %swap3A_179 = vector.shape_cast %swap3A_178 : vector<16xf32> to vector<16xf32>
    %swap3A_180 = vector.shape_cast %select_n3A_177 : vector<16xf32> to vector<16xf32>
    tpu.vector_store %arg11[%swap3A], %swap3A_180 {strides = array<i32>} : memref<128xf32, #tpu.memory_space<vmem>>, vector<16xf32>,
    %broadcast_in_dim3A_181 = arith.constant 0.000000e+00 : f32
    %broadcast_in_dim3A_182 = vector.broadcast %broadcast_in_dim3A_181 : f32 to vector<16xf32>
    %eq3A_183 = arith.constant 0 : i32
    %eq3A_184 = vector.broadcast %eq3A_183 : i32 to vector<16xi32>
    %eq3A_185 = arith.cmpi eq, %iota3A, %eq3A_184 : vector<16xi32>
    %get3A_186 = arith.constant 16 : i32
    %get3A_187 = arith.index_cast %get3A_186 : i32 to index
    %get3A_188 = memref.load %arg12[%get3A_187] : memref<128xf32, #tpu.memory_space<smem>>
    %broadcast_in_dim3A_189 = vector.broadcast %get3A_188 : f32 to vector<16xf32>
    %select_n3A_190 = arith.select %eq3A_185, %broadcast_in_dim3A_189, %broadcast_in_dim3A_182 : vector<16xi1>, vector<16xf32>
    %eq3A_191 = arith.constant 1 : i32
    %eq3A_192 = vector.broadcast %eq3A_191 : i32 to vector<16xi32>
    %eq3A_193 = arith.cmpi eq, %iota3A, %eq3A_192 : vector<16xi32>
    %get3A_194 = arith.constant 17 : i32
    %get3A_195 = arith.index_cast %get3A_194 : i32 to index
    %get3A_196 = memref.load %arg12[%get3A_195] : memref<128xf32, #tpu.memory_space<smem>>
    %broadcast_in_dim3A_197 = vector.broadcast %get3A_196 : f32 to vector<16xf32>
    %select_n3A_198 = arith.select %eq3A_193, %broadcast_in_dim3A_197, %select_n3A_190 : vector<16xi1>, vector<16xf32>
    %eq3A_199 = arith.constant 2 : i32
    %eq3A_200 = vector.broadcast %eq3A_199 : i32 to vector<16xi32>
    %eq3A_201 = arith.cmpi eq, %iota3A, %eq3A_200 : vector<16xi32>
    %get3A_202 = arith.constant 18 : i32
    %get3A_203 = arith.index_cast %get3A_202 : i32 to index
    %get3A_204 = memref.load %arg12[%get3A_203] : memref<128xf32, #tpu.memory_space<smem>>
    %broadcast_in_dim3A_205 = vector.broadcast %get3A_204 : f32 to vector<16xf32>
    %select_n3A_206 = arith.select %eq3A_201, %broadcast_in_dim3A_205, %select_n3A_198 : vector<16xi1>, vector<16xf32>
    %eq3A_207 = arith.constant 3 : i32
    %eq3A_208 = vector.broadcast %eq3A_207 : i32 to vector<16xi32>
    %eq3A_209 = arith.cmpi eq, %iota3A, %eq3A_208 : vector<16xi32>
    %get3A_210 = arith.constant 19 : i32
    %get3A_211 = arith.index_cast %get3A_210 : i32 to index
    %get3A_212 = memref.load %arg12[%get3A_211] : memref<128xf32, #tpu.memory_space<smem>>
    %broadcast_in_dim3A_213 = vector.broadcast %get3A_212 : f32 to vector<16xf32>
    %select_n3A_214 = arith.select %eq3A_209, %broadcast_in_dim3A_213, %select_n3A_206 : vector<16xi1>, vector<16xf32>
    %eq3A_215 = arith.constant 4 : i32
    %eq3A_216 = vector.broadcast %eq3A_215 : i32 to vector<16xi32>
    %eq3A_217 = arith.cmpi eq, %iota3A, %eq3A_216 : vector<16xi32>
    %get3A_218 = arith.constant 20 : i32
    %get3A_219 = arith.index_cast %get3A_218 : i32 to index
    %get3A_220 = memref.load %arg12[%get3A_219] : memref<128xf32, #tpu.memory_space<smem>>
    %broadcast_in_dim3A_221 = vector.broadcast %get3A_220 : f32 to vector<16xf32>
    %select_n3A_222 = arith.select %eq3A_217, %broadcast_in_dim3A_221, %select_n3A_214 : vector<16xi1>, vector<16xf32>
    %eq3A_223 = arith.constant 5 : i32
    %eq3A_224 = vector.broadcast %eq3A_223 : i32 to vector<16xi32>
    %eq3A_225 = arith.cmpi eq, %iota3A, %eq3A_224 : vector<16xi32>
    %get3A_226 = arith.constant 21 : i32
    %get3A_227 = arith.index_cast %get3A_226 : i32 to index
    %get3A_228 = memref.load %arg12[%get3A_227] : memref<128xf32, #tpu.memory_space<smem>>
    %broadcast_in_dim3A_229 = vector.broadcast %get3A_228 : f32 to vector<16xf32>
    %select_n3A_230 = arith.select %eq3A_225, %broadcast_in_dim3A_229, %select_n3A_222 : vector<16xi1>, vector<16xf32>
    %eq3A_231 = arith.constant 6 : i32
    %eq3A_232 = vector.broadcast %eq3A_231 : i32 to vector<16xi32>
    %eq3A_233 = arith.cmpi eq, %iota3A, %eq3A_232 : vector<16xi32>
    %get3A_234 = arith.constant 22 : i32
    %get3A_235 = arith.index_cast %get3A_234 : i32 to index
    %get3A_236 = memref.load %arg12[%get3A_235] : memref<128xf32, #tpu.memory_space<smem>>
    %broadcast_in_dim3A_237 = vector.broadcast %get3A_236 : f32 to vector<16xf32>
    %select_n3A_238 = arith.select %eq3A_233, %broadcast_in_dim3A_237, %select_n3A_230 : vector<16xi1>, vector<16xf32>
    %eq3A_239 = arith.constant 7 : i32
    %eq3A_240 = vector.broadcast %eq3A_239 : i32 to vector<16xi32>
    %eq3A_241 = arith.cmpi eq, %iota3A, %eq3A_240 : vector<16xi32>
    %get3A_242 = arith.constant 23 : i32
    %get3A_243 = arith.index_cast %get3A_242 : i32 to index
    %get3A_244 = memref.load %arg12[%get3A_243] : memref<128xf32, #tpu.memory_space<smem>>
    %broadcast_in_dim3A_245 = vector.broadcast %get3A_244 : f32 to vector<16xf32>
    %select_n3A_246 = arith.select %eq3A_241, %broadcast_in_dim3A_245, %select_n3A_238 : vector<16xi1>, vector<16xf32>
    %eq3A_247 = arith.constant 8 : i32
    %eq3A_248 = vector.broadcast %eq3A_247 : i32 to vector<16xi32>
    %eq3A_249 = arith.cmpi eq, %iota3A, %eq3A_248 : vector<16xi32>
    %get3A_250 = arith.constant 24 : i32
    %get3A_251 = arith.index_cast %get3A_250 : i32 to index
    %get3A_252 = memref.load %arg12[%get3A_251] : memref<128xf32, #tpu.memory_space<smem>>
    %broadcast_in_dim3A_253 = vector.broadcast %get3A_252 : f32 to vector<16xf32>
    %select_n3A_254 = arith.select %eq3A_249, %broadcast_in_dim3A_253, %select_n3A_246 : vector<16xi1>, vector<16xf32>
    %eq3A_255 = arith.constant 9 : i32
    %eq3A_256 = vector.broadcast %eq3A_255 : i32 to vector<16xi32>
    %eq3A_257 = arith.cmpi eq, %iota3A, %eq3A_256 : vector<16xi32>
    %get3A_258 = arith.constant 25 : i32
    %get3A_259 = arith.index_cast %get3A_258 : i32 to index
    %get3A_260 = memref.load %arg12[%get3A_259] : memref<128xf32, #tpu.memory_space<smem>>
    %broadcast_in_dim3A_261 = vector.broadcast %get3A_260 : f32 to vector<16xf32>
    %select_n3A_262 = arith.select %eq3A_257, %broadcast_in_dim3A_261, %select_n3A_254 : vector<16xi1>, vector<16xf32>
    %eq3A_263 = arith.constant 10 : i32
    %eq3A_264 = vector.broadcast %eq3A_263 : i32 to vector<16xi32>
    %eq3A_265 = arith.cmpi eq, %iota3A, %eq3A_264 : vector<16xi32>
    %get3A_266 = arith.constant 26 : i32
    %get3A_267 = arith.index_cast %get3A_266 : i32 to index
    %get3A_268 = memref.load %arg12[%get3A_267] : memref<128xf32, #tpu.memory_space<smem>>
    %broadcast_in_dim3A_269 = vector.broadcast %get3A_268 : f32 to vector<16xf32>
    %select_n3A_270 = arith.select %eq3A_265, %broadcast_in_dim3A_269, %select_n3A_262 : vector<16xi1>, vector<16xf32>
    %eq3A_271 = arith.constant 11 : i32
    %eq3A_272 = vector.broadcast %eq3A_271 : i32 to vector<16xi32>
    %eq3A_273 = arith.cmpi eq, %iota3A, %eq3A_272 : vector<16xi32>
    %get3A_274 = arith.constant 27 : i32
    %get3A_275 = arith.index_cast %get3A_274 : i32 to index
    %get3A_276 = memref.load %arg12[%get3A_275] : memref<128xf32, #tpu.memory_space<smem>>
    %broadcast_in_dim3A_277 = vector.broadcast %get3A_276 : f32 to vector<16xf32>
    %select_n3A_278 = arith.select %eq3A_273, %broadcast_in_dim3A_277, %select_n3A_270 : vector<16xi1>, vector<16xf32>
    %eq3A_279 = arith.constant 12 : i32
    %eq3A_280 = vector.broadcast %eq3A_279 : i32 to vector<16xi32>
    %eq3A_281 = arith.cmpi eq, %iota3A, %eq3A_280 : vector<16xi32>
    %get3A_282 = arith.constant 28 : i32
    %get3A_283 = arith.index_cast %get3A_282 : i32 to index
    %get3A_284 = memref.load %arg12[%get3A_283] : memref<128xf32, #tpu.memory_space<smem>>
    %broadcast_in_dim3A_285 = vector.broadcast %get3A_284 : f32 to vector<16xf32>
    %select_n3A_286 = arith.select %eq3A_281, %broadcast_in_dim3A_285, %select_n3A_278 : vector<16xi1>, vector<16xf32>
    %eq3A_287 = arith.constant 13 : i32
    %eq3A_288 = vector.broadcast %eq3A_287 : i32 to vector<16xi32>
    %eq3A_289 = arith.cmpi eq, %iota3A, %eq3A_288 : vector<16xi32>
    %get3A_290 = arith.constant 29 : i32
    %get3A_291 = arith.index_cast %get3A_290 : i32 to index
    %get3A_292 = memref.load %arg12[%get3A_291] : memref<128xf32, #tpu.memory_space<smem>>
    %broadcast_in_dim3A_293 = vector.broadcast %get3A_292 : f32 to vector<16xf32>
    %select_n3A_294 = arith.select %eq3A_289, %broadcast_in_dim3A_293, %select_n3A_286 : vector<16xi1>, vector<16xf32>
    %eq3A_295 = arith.constant 14 : i32
    %eq3A_296 = vector.broadcast %eq3A_295 : i32 to vector<16xi32>
    %eq3A_297 = arith.cmpi eq, %iota3A, %eq3A_296 : vector<16xi32>
    %get3A_298 = arith.constant 30 : i32
    %get3A_299 = arith.index_cast %get3A_298 : i32 to index
    %get3A_300 = memref.load %arg12[%get3A_299] : memref<128xf32, #tpu.memory_space<smem>>
    %broadcast_in_dim3A_301 = vector.broadcast %get3A_300 : f32 to vector<16xf32>
    %select_n3A_302 = arith.select %eq3A_297, %broadcast_in_dim3A_301, %select_n3A_294 : vector<16xi1>, vector<16xf32>
    %eq3A_303 = arith.constant 15 : i32
    %eq3A_304 = vector.broadcast %eq3A_303 : i32 to vector<16xi32>
    %eq3A_305 = arith.cmpi eq, %iota3A, %eq3A_304 : vector<16xi32>
    %get3A_306 = arith.constant 31 : i32
    %get3A_307 = arith.index_cast %get3A_306 : i32 to index
    %get3A_308 = memref.load %arg12[%get3A_307] : memref<128xf32, #tpu.memory_space<smem>>
    %broadcast_in_dim3A_309 = vector.broadcast %get3A_308 : f32 to vector<16xf32>
    %select_n3A_310 = arith.select %eq3A_305, %broadcast_in_dim3A_309, %select_n3A_302 : vector<16xi1>, vector<16xf32>
    %swap3A_311 = arith.constant 16 : index
    %swap3A_312 = tpu.vector_load %arg11[%swap3A_311] {strides = array<i32>} : memref<128xf32, #tpu.memory_space<vmem>>, vector<16xf32>,
    %swap3A_313 = vector.shape_cast %swap3A_312 : vector<16xf32> to vector<16xf32>
    %swap3A_314 = vector.shape_cast %select_n3A_310 : vector<16xf32> to vector<16xf32>
    tpu.vector_store %arg11[%swap3A_311], %swap3A_314 {strides = array<i32>} : memref<128xf32, #tpu.memory_space<vmem>>, vector<16xf32>,
    %broadcast_in_dim3A_315 = arith.constant 0.000000e+00 : f32
    %broadcast_in_dim3A_316 = vector.broadcast %broadcast_in_dim3A_315 : f32 to vector<16xf32>
    %eq3A_317 = arith.constant 0 : i32
    %eq3A_318 = vector.broadcast %eq3A_317 : i32 to vector<16xi32>
    %eq3A_319 = arith.cmpi eq, %iota3A, %eq3A_318 : vector<16xi32>
    %get3A_320 = arith.constant 32 : i32
    %get3A_321 = arith.index_cast %get3A_320 : i32 to index
    %get3A_322 = memref.load %arg12[%get3A_321] : memref<128xf32, #tpu.memory_space<smem>>
    %broadcast_in_dim3A_323 = vector.broadcast %get3A_322 : f32 to vector<16xf32>
    %select_n3A_324 = arith.select %eq3A_319, %broadcast_in_dim3A_323, %broadcast_in_dim3A_316 : vector<16xi1>, vector<16xf32>
    %eq3A_325 = arith.constant 1 : i32
    %eq3A_326 = vector.broadcast %eq3A_325 : i32 to vector<16xi32>
    %eq3A_327 = arith.cmpi eq, %iota3A, %eq3A_326 : vector<16xi32>
    %get3A_328 = arith.constant 33 : i32
    %get3A_329 = arith.index_cast %get3A_328 : i32 to index
    %get3A_330 = memref.load %arg12[%get3A_329] : memref<128xf32, #tpu.memory_space<smem>>
    %broadcast_in_dim3A_331 = vector.broadcast %get3A_330 : f32 to vector<16xf32>
    %select_n3A_332 = arith.select %eq3A_327, %broadcast_in_dim3A_331, %select_n3A_324 : vector<16xi1>, vector<16xf32>
    %eq3A_333 = arith.constant 2 : i32
    %eq3A_334 = vector.broadcast %eq3A_333 : i32 to vector<16xi32>
    %eq3A_335 = arith.cmpi eq, %iota3A, %eq3A_334 : vector<16xi32>
    %get3A_336 = arith.constant 34 : i32
    %get3A_337 = arith.index_cast %get3A_336 : i32 to index
    %get3A_338 = memref.load %arg12[%get3A_337] : memref<128xf32, #tpu.memory_space<smem>>
    %broadcast_in_dim3A_339 = vector.broadcast %get3A_338 : f32 to vector<16xf32>
    %select_n3A_340 = arith.select %eq3A_335, %broadcast_in_dim3A_339, %select_n3A_332 : vector<16xi1>, vector<16xf32>
    %eq3A_341 = arith.constant 3 : i32
    %eq3A_342 = vector.broadcast %eq3A_341 : i32 to vector<16xi32>
    %eq3A_343 = arith.cmpi eq, %iota3A, %eq3A_342 : vector<16xi32>
    %get3A_344 = arith.constant 35 : i32
    %get3A_345 = arith.index_cast %get3A_344 : i32 to index
    %get3A_346 = memref.load %arg12[%get3A_345] : memref<128xf32, #tpu.memory_space<smem>>
    %broadcast_in_dim3A_347 = vector.broadcast %get3A_346 : f32 to vector<16xf32>
    %select_n3A_348 = arith.select %eq3A_343, %broadcast_in_dim3A_347, %select_n3A_340 : vector<16xi1>, vector<16xf32>
    %eq3A_349 = arith.constant 4 : i32
    %eq3A_350 = vector.broadcast %eq3A_349 : i32 to vector<16xi32>
    %eq3A_351 = arith.cmpi eq, %iota3A, %eq3A_350 : vector<16xi32>
    %get3A_352 = arith.constant 36 : i32
    %get3A_353 = arith.index_cast %get3A_352 : i32 to index
    %get3A_354 = memref.load %arg12[%get3A_353] : memref<128xf32, #tpu.memory_space<smem>>
    %broadcast_in_dim3A_355 = vector.broadcast %get3A_354 : f32 to vector<16xf32>
    %select_n3A_356 = arith.select %eq3A_351, %broadcast_in_dim3A_355, %select_n3A_348 : vector<16xi1>, vector<16xf32>
    %eq3A_357 = arith.constant 5 : i32
    %eq3A_358 = vector.broadcast %eq3A_357 : i32 to vector<16xi32>
    %eq3A_359 = arith.cmpi eq, %iota3A, %eq3A_358 : vector<16xi32>
    %get3A_360 = arith.constant 37 : i32
    %get3A_361 = arith.index_cast %get3A_360 : i32 to index
    %get3A_362 = memref.load %arg12[%get3A_361] : memref<128xf32, #tpu.memory_space<smem>>
    %broadcast_in_dim3A_363 = vector.broadcast %get3A_362 : f32 to vector<16xf32>
    %select_n3A_364 = arith.select %eq3A_359, %broadcast_in_dim3A_363, %select_n3A_356 : vector<16xi1>, vector<16xf32>
    %eq3A_365 = arith.constant 6 : i32
    %eq3A_366 = vector.broadcast %eq3A_365 : i32 to vector<16xi32>
    %eq3A_367 = arith.cmpi eq, %iota3A, %eq3A_366 : vector<16xi32>
    %get3A_368 = arith.constant 38 : i32
    %get3A_369 = arith.index_cast %get3A_368 : i32 to index
    %get3A_370 = memref.load %arg12[%get3A_369] : memref<128xf32, #tpu.memory_space<smem>>
    %broadcast_in_dim3A_371 = vector.broadcast %get3A_370 : f32 to vector<16xf32>
    %select_n3A_372 = arith.select %eq3A_367, %broadcast_in_dim3A_371, %select_n3A_364 : vector<16xi1>, vector<16xf32>
    %eq3A_373 = arith.constant 7 : i32
    %eq3A_374 = vector.broadcast %eq3A_373 : i32 to vector<16xi32>
    %eq3A_375 = arith.cmpi eq, %iota3A, %eq3A_374 : vector<16xi32>
    %get3A_376 = arith.constant 39 : i32
    %get3A_377 = arith.index_cast %get3A_376 : i32 to index
    %get3A_378 = memref.load %arg12[%get3A_377] : memref<128xf32, #tpu.memory_space<smem>>
    %broadcast_in_dim3A_379 = vector.broadcast %get3A_378 : f32 to vector<16xf32>
    %select_n3A_380 = arith.select %eq3A_375, %broadcast_in_dim3A_379, %select_n3A_372 : vector<16xi1>, vector<16xf32>
    %eq3A_381 = arith.constant 8 : i32
    %eq3A_382 = vector.broadcast %eq3A_381 : i32 to vector<16xi32>
    %eq3A_383 = arith.cmpi eq, %iota3A, %eq3A_382 : vector<16xi32>
    %get3A_384 = arith.constant 40 : i32
    %get3A_385 = arith.index_cast %get3A_384 : i32 to index
    %get3A_386 = memref.load %arg12[%get3A_385] : memref<128xf32, #tpu.memory_space<smem>>
    %broadcast_in_dim3A_387 = vector.broadcast %get3A_386 : f32 to vector<16xf32>
    %select_n3A_388 = arith.select %eq3A_383, %broadcast_in_dim3A_387, %select_n3A_380 : vector<16xi1>, vector<16xf32>
    %eq3A_389 = arith.constant 9 : i32
    %eq3A_390 = vector.broadcast %eq3A_389 : i32 to vector<16xi32>
    %eq3A_391 = arith.cmpi eq, %iota3A, %eq3A_390 : vector<16xi32>
    %get3A_392 = arith.constant 41 : i32
    %get3A_393 = arith.index_cast %get3A_392 : i32 to index
    %get3A_394 = memref.load %arg12[%get3A_393] : memref<128xf32, #tpu.memory_space<smem>>
    %broadcast_in_dim3A_395 = vector.broadcast %get3A_394 : f32 to vector<16xf32>
    %select_n3A_396 = arith.select %eq3A_391, %broadcast_in_dim3A_395, %select_n3A_388 : vector<16xi1>, vector<16xf32>
    %eq3A_397 = arith.constant 10 : i32
    %eq3A_398 = vector.broadcast %eq3A_397 : i32 to vector<16xi32>
    %eq3A_399 = arith.cmpi eq, %iota3A, %eq3A_398 : vector<16xi32>
    %get3A_400 = arith.constant 42 : i32
    %get3A_401 = arith.index_cast %get3A_400 : i32 to index
    %get3A_402 = memref.load %arg12[%get3A_401] : memref<128xf32, #tpu.memory_space<smem>>
    %broadcast_in_dim3A_403 = vector.broadcast %get3A_402 : f32 to vector<16xf32>
    %select_n3A_404 = arith.select %eq3A_399, %broadcast_in_dim3A_403, %select_n3A_396 : vector<16xi1>, vector<16xf32>
    %eq3A_405 = arith.constant 11 : i32
    %eq3A_406 = vector.broadcast %eq3A_405 : i32 to vector<16xi32>
    %eq3A_407 = arith.cmpi eq, %iota3A, %eq3A_406 : vector<16xi32>
    %get3A_408 = arith.constant 43 : i32
    %get3A_409 = arith.index_cast %get3A_408 : i32 to index
    %get3A_410 = memref.load %arg12[%get3A_409] : memref<128xf32, #tpu.memory_space<smem>>
    %broadcast_in_dim3A_411 = vector.broadcast %get3A_410 : f32 to vector<16xf32>
    %select_n3A_412 = arith.select %eq3A_407, %broadcast_in_dim3A_411, %select_n3A_404 : vector<16xi1>, vector<16xf32>
    %eq3A_413 = arith.constant 12 : i32
    %eq3A_414 = vector.broadcast %eq3A_413 : i32 to vector<16xi32>
    %eq3A_415 = arith.cmpi eq, %iota3A, %eq3A_414 : vector<16xi32>
    %get3A_416 = arith.constant 44 : i32
    %get3A_417 = arith.index_cast %get3A_416 : i32 to index
    %get3A_418 = memref.load %arg12[%get3A_417] : memref<128xf32, #tpu.memory_space<smem>>
    %broadcast_in_dim3A_419 = vector.broadcast %get3A_418 : f32 to vector<16xf32>
    %select_n3A_420 = arith.select %eq3A_415, %broadcast_in_dim3A_419, %select_n3A_412 : vector<16xi1>, vector<16xf32>
    %eq3A_421 = arith.constant 13 : i32
    %eq3A_422 = vector.broadcast %eq3A_421 : i32 to vector<16xi32>
    %eq3A_423 = arith.cmpi eq, %iota3A, %eq3A_422 : vector<16xi32>
    %get3A_424 = arith.constant 45 : i32
    %get3A_425 = arith.index_cast %get3A_424 : i32 to index
    %get3A_426 = memref.load %arg12[%get3A_425] : memref<128xf32, #tpu.memory_space<smem>>
    %broadcast_in_dim3A_427 = vector.broadcast %get3A_426 : f32 to vector<16xf32>
    %select_n3A_428 = arith.select %eq3A_423, %broadcast_in_dim3A_427, %select_n3A_420 : vector<16xi1>, vector<16xf32>
    %eq3A_429 = arith.constant 14 : i32
    %eq3A_430 = vector.broadcast %eq3A_429 : i32 to vector<16xi32>
    %eq3A_431 = arith.cmpi eq, %iota3A, %eq3A_430 : vector<16xi32>
    %get3A_432 = arith.constant 46 : i32
    %get3A_433 = arith.index_cast %get3A_432 : i32 to index
    %get3A_434 = memref.load %arg12[%get3A_433] : memref<128xf32, #tpu.memory_space<smem>>
    %broadcast_in_dim3A_435 = vector.broadcast %get3A_434 : f32 to vector<16xf32>
    %select_n3A_436 = arith.select %eq3A_431, %broadcast_in_dim3A_435, %select_n3A_428 : vector<16xi1>, vector<16xf32>
    %eq3A_437 = arith.constant 15 : i32
    %eq3A_438 = vector.broadcast %eq3A_437 : i32 to vector<16xi32>
    %eq3A_439 = arith.cmpi eq, %iota3A, %eq3A_438 : vector<16xi32>
    %get3A_440 = arith.constant 47 : i32
    %get3A_441 = arith.index_cast %get3A_440 : i32 to index
    %get3A_442 = memref.load %arg12[%get3A_441] : memref<128xf32, #tpu.memory_space<smem>>
    %broadcast_in_dim3A_443 = vector.broadcast %get3A_442 : f32 to vector<16xf32>
    %select_n3A_444 = arith.select %eq3A_439, %broadcast_in_dim3A_443, %select_n3A_436 : vector<16xi1>, vector<16xf32>
    %swap3A_445 = arith.constant 32 : index
    %swap3A_446 = tpu.vector_load %arg11[%swap3A_445] {strides = array<i32>} : memref<128xf32, #tpu.memory_space<vmem>>, vector<16xf32>,
    %swap3A_447 = vector.shape_cast %swap3A_446 : vector<16xf32> to vector<16xf32>
    %swap3A_448 = vector.shape_cast %select_n3A_444 : vector<16xf32> to vector<16xf32>
    tpu.vector_store %arg11[%swap3A_445], %swap3A_448 {strides = array<i32>} : memref<128xf32, #tpu.memory_space<vmem>>, vector<16xf32>,
    %broadcast_in_dim3A_449 = arith.constant 0.000000e+00 : f32
    %broadcast_in_dim3A_450 = vector.broadcast %broadcast_in_dim3A_449 : f32 to vector<16xf32>
    %eq3A_451 = arith.constant 0 : i32
    %eq3A_452 = vector.broadcast %eq3A_451 : i32 to vector<16xi32>
    %eq3A_453 = arith.cmpi eq, %iota3A, %eq3A_452 : vector<16xi32>
    %get3A_454 = arith.constant 48 : i32
    %get3A_455 = arith.index_cast %get3A_454 : i32 to index
    %get3A_456 = memref.load %arg12[%get3A_455] : memref<128xf32, #tpu.memory_space<smem>>
    %broadcast_in_dim3A_457 = vector.broadcast %get3A_456 : f32 to vector<16xf32>
    %select_n3A_458 = arith.select %eq3A_453, %broadcast_in_dim3A_457, %broadcast_in_dim3A_450 : vector<16xi1>, vector<16xf32>
    %eq3A_459 = arith.constant 1 : i32
    %eq3A_460 = vector.broadcast %eq3A_459 : i32 to vector<16xi32>
    %eq3A_461 = arith.cmpi eq, %iota3A, %eq3A_460 : vector<16xi32>
    %get3A_462 = arith.constant 49 : i32
    %get3A_463 = arith.index_cast %get3A_462 : i32 to index
    %get3A_464 = memref.load %arg12[%get3A_463] : memref<128xf32, #tpu.memory_space<smem>>
    %broadcast_in_dim3A_465 = vector.broadcast %get3A_464 : f32 to vector<16xf32>
    %select_n3A_466 = arith.select %eq3A_461, %broadcast_in_dim3A_465, %select_n3A_458 : vector<16xi1>, vector<16xf32>
    %eq3A_467 = arith.constant 2 : i32
    %eq3A_468 = vector.broadcast %eq3A_467 : i32 to vector<16xi32>
    %eq3A_469 = arith.cmpi eq, %iota3A, %eq3A_468 : vector<16xi32>
    %get3A_470 = arith.constant 50 : i32
    %get3A_471 = arith.index_cast %get3A_470 : i32 to index
    %get3A_472 = memref.load %arg12[%get3A_471] : memref<128xf32, #tpu.memory_space<smem>>
    %broadcast_in_dim3A_473 = vector.broadcast %get3A_472 : f32 to vector<16xf32>
    %select_n3A_474 = arith.select %eq3A_469, %broadcast_in_dim3A_473, %select_n3A_466 : vector<16xi1>, vector<16xf32>
    %eq3A_475 = arith.constant 3 : i32
    %eq3A_476 = vector.broadcast %eq3A_475 : i32 to vector<16xi32>
    %eq3A_477 = arith.cmpi eq, %iota3A, %eq3A_476 : vector<16xi32>
    %get3A_478 = arith.constant 51 : i32
    %get3A_479 = arith.index_cast %get3A_478 : i32 to index
    %get3A_480 = memref.load %arg12[%get3A_479] : memref<128xf32, #tpu.memory_space<smem>>
    %broadcast_in_dim3A_481 = vector.broadcast %get3A_480 : f32 to vector<16xf32>
    %select_n3A_482 = arith.select %eq3A_477, %broadcast_in_dim3A_481, %select_n3A_474 : vector<16xi1>, vector<16xf32>
    %eq3A_483 = arith.constant 4 : i32
    %eq3A_484 = vector.broadcast %eq3A_483 : i32 to vector<16xi32>
    %eq3A_485 = arith.cmpi eq, %iota3A, %eq3A_484 : vector<16xi32>
    %get3A_486 = arith.constant 52 : i32
    %get3A_487 = arith.index_cast %get3A_486 : i32 to index
    %get3A_488 = memref.load %arg12[%get3A_487] : memref<128xf32, #tpu.memory_space<smem>>
    %broadcast_in_dim3A_489 = vector.broadcast %get3A_488 : f32 to vector<16xf32>
    %select_n3A_490 = arith.select %eq3A_485, %broadcast_in_dim3A_489, %select_n3A_482 : vector<16xi1>, vector<16xf32>
    %eq3A_491 = arith.constant 5 : i32
    %eq3A_492 = vector.broadcast %eq3A_491 : i32 to vector<16xi32>
    %eq3A_493 = arith.cmpi eq, %iota3A, %eq3A_492 : vector<16xi32>
    %get3A_494 = arith.constant 53 : i32
    %get3A_495 = arith.index_cast %get3A_494 : i32 to index
    %get3A_496 = memref.load %arg12[%get3A_495] : memref<128xf32, #tpu.memory_space<smem>>
    %broadcast_in_dim3A_497 = vector.broadcast %get3A_496 : f32 to vector<16xf32>
    %select_n3A_498 = arith.select %eq3A_493, %broadcast_in_dim3A_497, %select_n3A_490 : vector<16xi1>, vector<16xf32>
    %eq3A_499 = arith.constant 6 : i32
    %eq3A_500 = vector.broadcast %eq3A_499 : i32 to vector<16xi32>
    %eq3A_501 = arith.cmpi eq, %iota3A, %eq3A_500 : vector<16xi32>
    %get3A_502 = arith.constant 54 : i32
    %get3A_503 = arith.index_cast %get3A_502 : i32 to index
    %get3A_504 = memref.load %arg12[%get3A_503] : memref<128xf32, #tpu.memory_space<smem>>
    %broadcast_in_dim3A_505 = vector.broadcast %get3A_504 : f32 to vector<16xf32>
    %select_n3A_506 = arith.select %eq3A_501, %broadcast_in_dim3A_505, %select_n3A_498 : vector<16xi1>, vector<16xf32>
    %eq3A_507 = arith.constant 7 : i32
    %eq3A_508 = vector.broadcast %eq3A_507 : i32 to vector<16xi32>
    %eq3A_509 = arith.cmpi eq, %iota3A, %eq3A_508 : vector<16xi32>
    %get3A_510 = arith.constant 55 : i32
    %get3A_511 = arith.index_cast %get3A_510 : i32 to index
    %get3A_512 = memref.load %arg12[%get3A_511] : memref<128xf32, #tpu.memory_space<smem>>
    %broadcast_in_dim3A_513 = vector.broadcast %get3A_512 : f32 to vector<16xf32>
    %select_n3A_514 = arith.select %eq3A_509, %broadcast_in_dim3A_513, %select_n3A_506 : vector<16xi1>, vector<16xf32>
    %eq3A_515 = arith.constant 8 : i32
    %eq3A_516 = vector.broadcast %eq3A_515 : i32 to vector<16xi32>
    %eq3A_517 = arith.cmpi eq, %iota3A, %eq3A_516 : vector<16xi32>
    %get3A_518 = arith.constant 56 : i32
    %get3A_519 = arith.index_cast %get3A_518 : i32 to index
    %get3A_520 = memref.load %arg12[%get3A_519] : memref<128xf32, #tpu.memory_space<smem>>
    %broadcast_in_dim3A_521 = vector.broadcast %get3A_520 : f32 to vector<16xf32>
    %select_n3A_522 = arith.select %eq3A_517, %broadcast_in_dim3A_521, %select_n3A_514 : vector<16xi1>, vector<16xf32>
    %eq3A_523 = arith.constant 9 : i32
    %eq3A_524 = vector.broadcast %eq3A_523 : i32 to vector<16xi32>
    %eq3A_525 = arith.cmpi eq, %iota3A, %eq3A_524 : vector<16xi32>
    %get3A_526 = arith.constant 57 : i32
    %get3A_527 = arith.index_cast %get3A_526 : i32 to index
    %get3A_528 = memref.load %arg12[%get3A_527] : memref<128xf32, #tpu.memory_space<smem>>
    %broadcast_in_dim3A_529 = vector.broadcast %get3A_528 : f32 to vector<16xf32>
    %select_n3A_530 = arith.select %eq3A_525, %broadcast_in_dim3A_529, %select_n3A_522 : vector<16xi1>, vector<16xf32>
    %eq3A_531 = arith.constant 10 : i32
    %eq3A_532 = vector.broadcast %eq3A_531 : i32 to vector<16xi32>
    %eq3A_533 = arith.cmpi eq, %iota3A, %eq3A_532 : vector<16xi32>
    %get3A_534 = arith.constant 58 : i32
    %get3A_535 = arith.index_cast %get3A_534 : i32 to index
    %get3A_536 = memref.load %arg12[%get3A_535] : memref<128xf32, #tpu.memory_space<smem>>
    %broadcast_in_dim3A_537 = vector.broadcast %get3A_536 : f32 to vector<16xf32>
    %select_n3A_538 = arith.select %eq3A_533, %broadcast_in_dim3A_537, %select_n3A_530 : vector<16xi1>, vector<16xf32>
    %eq3A_539 = arith.constant 11 : i32
    %eq3A_540 = vector.broadcast %eq3A_539 : i32 to vector<16xi32>
    %eq3A_541 = arith.cmpi eq, %iota3A, %eq3A_540 : vector<16xi32>
    %get3A_542 = arith.constant 59 : i32
    %get3A_543 = arith.index_cast %get3A_542 : i32 to index
    %get3A_544 = memref.load %arg12[%get3A_543] : memref<128xf32, #tpu.memory_space<smem>>
    %broadcast_in_dim3A_545 = vector.broadcast %get3A_544 : f32 to vector<16xf32>
    %select_n3A_546 = arith.select %eq3A_541, %broadcast_in_dim3A_545, %select_n3A_538 : vector<16xi1>, vector<16xf32>
    %eq3A_547 = arith.constant 12 : i32
    %eq3A_548 = vector.broadcast %eq3A_547 : i32 to vector<16xi32>
    %eq3A_549 = arith.cmpi eq, %iota3A, %eq3A_548 : vector<16xi32>
    %get3A_550 = arith.constant 60 : i32
    %get3A_551 = arith.index_cast %get3A_550 : i32 to index
    %get3A_552 = memref.load %arg12[%get3A_551] : memref<128xf32, #tpu.memory_space<smem>>
    %broadcast_in_dim3A_553 = vector.broadcast %get3A_552 : f32 to vector<16xf32>
    %select_n3A_554 = arith.select %eq3A_549, %broadcast_in_dim3A_553, %select_n3A_546 : vector<16xi1>, vector<16xf32>
    %eq3A_555 = arith.constant 13 : i32
    %eq3A_556 = vector.broadcast %eq3A_555 : i32 to vector<16xi32>
    %eq3A_557 = arith.cmpi eq, %iota3A, %eq3A_556 : vector<16xi32>
    %get3A_558 = arith.constant 61 : i32
    %get3A_559 = arith.index_cast %get3A_558 : i32 to index
    %get3A_560 = memref.load %arg12[%get3A_559] : memref<128xf32, #tpu.memory_space<smem>>
    %broadcast_in_dim3A_561 = vector.broadcast %get3A_560 : f32 to vector<16xf32>
    %select_n3A_562 = arith.select %eq3A_557, %broadcast_in_dim3A_561, %select_n3A_554 : vector<16xi1>, vector<16xf32>
    %eq3A_563 = arith.constant 14 : i32
    %eq3A_564 = vector.broadcast %eq3A_563 : i32 to vector<16xi32>
    %eq3A_565 = arith.cmpi eq, %iota3A, %eq3A_564 : vector<16xi32>
    %get3A_566 = arith.constant 62 : i32
    %get3A_567 = arith.index_cast %get3A_566 : i32 to index
    %get3A_568 = memref.load %arg12[%get3A_567] : memref<128xf32, #tpu.memory_space<smem>>
    %broadcast_in_dim3A_569 = vector.broadcast %get3A_568 : f32 to vector<16xf32>
    %select_n3A_570 = arith.select %eq3A_565, %broadcast_in_dim3A_569, %select_n3A_562 : vector<16xi1>, vector<16xf32>
    %eq3A_571 = arith.constant 15 : i32
    %eq3A_572 = vector.broadcast %eq3A_571 : i32 to vector<16xi32>
    %eq3A_573 = arith.cmpi eq, %iota3A, %eq3A_572 : vector<16xi32>
    %get3A_574 = arith.constant 63 : i32
    %get3A_575 = arith.index_cast %get3A_574 : i32 to index
    %get3A_576 = memref.load %arg12[%get3A_575] : memref<128xf32, #tpu.memory_space<smem>>
    %broadcast_in_dim3A_577 = vector.broadcast %get3A_576 : f32 to vector<16xf32>
    %select_n3A_578 = arith.select %eq3A_573, %broadcast_in_dim3A_577, %select_n3A_570 : vector<16xi1>, vector<16xf32>
    %swap3A_579 = arith.constant 48 : index
    %swap3A_580 = tpu.vector_load %arg11[%swap3A_579] {strides = array<i32>} : memref<128xf32, #tpu.memory_space<vmem>>, vector<16xf32>,
    %swap3A_581 = vector.shape_cast %swap3A_580 : vector<16xf32> to vector<16xf32>
    %swap3A_582 = vector.shape_cast %select_n3A_578 : vector<16xf32> to vector<16xf32>
    tpu.vector_store %arg11[%swap3A_579], %swap3A_582 {strides = array<i32>} : memref<128xf32, #tpu.memory_space<vmem>>, vector<16xf32>,
    %broadcast_in_dim3A_583 = arith.constant 0.000000e+00 : f32
    %broadcast_in_dim3A_584 = vector.broadcast %broadcast_in_dim3A_583 : f32 to vector<16xf32>
    %eq3A_585 = arith.constant 0 : i32
    %eq3A_586 = vector.broadcast %eq3A_585 : i32 to vector<16xi32>
    %eq3A_587 = arith.cmpi eq, %iota3A, %eq3A_586 : vector<16xi32>
    %get3A_588 = arith.constant 64 : i32
    %get3A_589 = arith.index_cast %get3A_588 : i32 to index
    %get3A_590 = memref.load %arg12[%get3A_589] : memref<128xf32, #tpu.memory_space<smem>>
    %broadcast_in_dim3A_591 = vector.broadcast %get3A_590 : f32 to vector<16xf32>
    %select_n3A_592 = arith.select %eq3A_587, %broadcast_in_dim3A_591, %broadcast_in_dim3A_584 : vector<16xi1>, vector<16xf32>
    %eq3A_593 = arith.constant 1 : i32
    %eq3A_594 = vector.broadcast %eq3A_593 : i32 to vector<16xi32>
    %eq3A_595 = arith.cmpi eq, %iota3A, %eq3A_594 : vector<16xi32>
    %get3A_596 = arith.constant 65 : i32
    %get3A_597 = arith.index_cast %get3A_596 : i32 to index
    %get3A_598 = memref.load %arg12[%get3A_597] : memref<128xf32, #tpu.memory_space<smem>>
    %broadcast_in_dim3A_599 = vector.broadcast %get3A_598 : f32 to vector<16xf32>
    %select_n3A_600 = arith.select %eq3A_595, %broadcast_in_dim3A_599, %select_n3A_592 : vector<16xi1>, vector<16xf32>
    %eq3A_601 = arith.constant 2 : i32
    %eq3A_602 = vector.broadcast %eq3A_601 : i32 to vector<16xi32>
    %eq3A_603 = arith.cmpi eq, %iota3A, %eq3A_602 : vector<16xi32>
    %get3A_604 = arith.constant 66 : i32
    %get3A_605 = arith.index_cast %get3A_604 : i32 to index
    %get3A_606 = memref.load %arg12[%get3A_605] : memref<128xf32, #tpu.memory_space<smem>>
    %broadcast_in_dim3A_607 = vector.broadcast %get3A_606 : f32 to vector<16xf32>
    %select_n3A_608 = arith.select %eq3A_603, %broadcast_in_dim3A_607, %select_n3A_600 : vector<16xi1>, vector<16xf32>
    %eq3A_609 = arith.constant 3 : i32
    %eq3A_610 = vector.broadcast %eq3A_609 : i32 to vector<16xi32>
    %eq3A_611 = arith.cmpi eq, %iota3A, %eq3A_610 : vector<16xi32>
    %get3A_612 = arith.constant 67 : i32
    %get3A_613 = arith.index_cast %get3A_612 : i32 to index
    %get3A_614 = memref.load %arg12[%get3A_613] : memref<128xf32, #tpu.memory_space<smem>>
    %broadcast_in_dim3A_615 = vector.broadcast %get3A_614 : f32 to vector<16xf32>
    %select_n3A_616 = arith.select %eq3A_611, %broadcast_in_dim3A_615, %select_n3A_608 : vector<16xi1>, vector<16xf32>
    %eq3A_617 = arith.constant 4 : i32
    %eq3A_618 = vector.broadcast %eq3A_617 : i32 to vector<16xi32>
    %eq3A_619 = arith.cmpi eq, %iota3A, %eq3A_618 : vector<16xi32>
    %get3A_620 = arith.constant 68 : i32
    %get3A_621 = arith.index_cast %get3A_620 : i32 to index
    %get3A_622 = memref.load %arg12[%get3A_621] : memref<128xf32, #tpu.memory_space<smem>>
    %broadcast_in_dim3A_623 = vector.broadcast %get3A_622 : f32 to vector<16xf32>
    %select_n3A_624 = arith.select %eq3A_619, %broadcast_in_dim3A_623, %select_n3A_616 : vector<16xi1>, vector<16xf32>
    %eq3A_625 = arith.constant 5 : i32
    %eq3A_626 = vector.broadcast %eq3A_625 : i32 to vector<16xi32>
    %eq3A_627 = arith.cmpi eq, %iota3A, %eq3A_626 : vector<16xi32>
    %get3A_628 = arith.constant 69 : i32
    %get3A_629 = arith.index_cast %get3A_628 : i32 to index
    %get3A_630 = memref.load %arg12[%get3A_629] : memref<128xf32, #tpu.memory_space<smem>>
    %broadcast_in_dim3A_631 = vector.broadcast %get3A_630 : f32 to vector<16xf32>
    %select_n3A_632 = arith.select %eq3A_627, %broadcast_in_dim3A_631, %select_n3A_624 : vector<16xi1>, vector<16xf32>
    %eq3A_633 = arith.constant 6 : i32
    %eq3A_634 = vector.broadcast %eq3A_633 : i32 to vector<16xi32>
    %eq3A_635 = arith.cmpi eq, %iota3A, %eq3A_634 : vector<16xi32>
    %get3A_636 = arith.constant 70 : i32
    %get3A_637 = arith.index_cast %get3A_636 : i32 to index
    %get3A_638 = memref.load %arg12[%get3A_637] : memref<128xf32, #tpu.memory_space<smem>>
    %broadcast_in_dim3A_639 = vector.broadcast %get3A_638 : f32 to vector<16xf32>
    %select_n3A_640 = arith.select %eq3A_635, %broadcast_in_dim3A_639, %select_n3A_632 : vector<16xi1>, vector<16xf32>
    %eq3A_641 = arith.constant 7 : i32
    %eq3A_642 = vector.broadcast %eq3A_641 : i32 to vector<16xi32>
    %eq3A_643 = arith.cmpi eq, %iota3A, %eq3A_642 : vector<16xi32>
    %get3A_644 = arith.constant 71 : i32
    %get3A_645 = arith.index_cast %get3A_644 : i32 to index
    %get3A_646 = memref.load %arg12[%get3A_645] : memref<128xf32, #tpu.memory_space<smem>>
    %broadcast_in_dim3A_647 = vector.broadcast %get3A_646 : f32 to vector<16xf32>
    %select_n3A_648 = arith.select %eq3A_643, %broadcast_in_dim3A_647, %select_n3A_640 : vector<16xi1>, vector<16xf32>
    %eq3A_649 = arith.constant 8 : i32
    %eq3A_650 = vector.broadcast %eq3A_649 : i32 to vector<16xi32>
    %eq3A_651 = arith.cmpi eq, %iota3A, %eq3A_650 : vector<16xi32>
    %get3A_652 = arith.constant 72 : i32
    %get3A_653 = arith.index_cast %get3A_652 : i32 to index
    %get3A_654 = memref.load %arg12[%get3A_653] : memref<128xf32, #tpu.memory_space<smem>>
    %broadcast_in_dim3A_655 = vector.broadcast %get3A_654 : f32 to vector<16xf32>
    %select_n3A_656 = arith.select %eq3A_651, %broadcast_in_dim3A_655, %select_n3A_648 : vector<16xi1>, vector<16xf32>
    %eq3A_657 = arith.constant 9 : i32
    %eq3A_658 = vector.broadcast %eq3A_657 : i32 to vector<16xi32>
    %eq3A_659 = arith.cmpi eq, %iota3A, %eq3A_658 : vector<16xi32>
    %get3A_660 = arith.constant 73 : i32
    %get3A_661 = arith.index_cast %get3A_660 : i32 to index
    %get3A_662 = memref.load %arg12[%get3A_661] : memref<128xf32, #tpu.memory_space<smem>>
    %broadcast_in_dim3A_663 = vector.broadcast %get3A_662 : f32 to vector<16xf32>
    %select_n3A_664 = arith.select %eq3A_659, %broadcast_in_dim3A_663, %select_n3A_656 : vector<16xi1>, vector<16xf32>
    %eq3A_665 = arith.constant 10 : i32
    %eq3A_666 = vector.broadcast %eq3A_665 : i32 to vector<16xi32>
    %eq3A_667 = arith.cmpi eq, %iota3A, %eq3A_666 : vector<16xi32>
    %get3A_668 = arith.constant 74 : i32
    %get3A_669 = arith.index_cast %get3A_668 : i32 to index
    %get3A_670 = memref.load %arg12[%get3A_669] : memref<128xf32, #tpu.memory_space<smem>>
    %broadcast_in_dim3A_671 = vector.broadcast %get3A_670 : f32 to vector<16xf32>
    %select_n3A_672 = arith.select %eq3A_667, %broadcast_in_dim3A_671, %select_n3A_664 : vector<16xi1>, vector<16xf32>
    %eq3A_673 = arith.constant 11 : i32
    %eq3A_674 = vector.broadcast %eq3A_673 : i32 to vector<16xi32>
    %eq3A_675 = arith.cmpi eq, %iota3A, %eq3A_674 : vector<16xi32>
    %get3A_676 = arith.constant 75 : i32
    %get3A_677 = arith.index_cast %get3A_676 : i32 to index
    %get3A_678 = memref.load %arg12[%get3A_677] : memref<128xf32, #tpu.memory_space<smem>>
    %broadcast_in_dim3A_679 = vector.broadcast %get3A_678 : f32 to vector<16xf32>
    %select_n3A_680 = arith.select %eq3A_675, %broadcast_in_dim3A_679, %select_n3A_672 : vector<16xi1>, vector<16xf32>
    %eq3A_681 = arith.constant 12 : i32
    %eq3A_682 = vector.broadcast %eq3A_681 : i32 to vector<16xi32>
    %eq3A_683 = arith.cmpi eq, %iota3A, %eq3A_682 : vector<16xi32>
    %get3A_684 = arith.constant 76 : i32
    %get3A_685 = arith.index_cast %get3A_684 : i32 to index
    %get3A_686 = memref.load %arg12[%get3A_685] : memref<128xf32, #tpu.memory_space<smem>>
    %broadcast_in_dim3A_687 = vector.broadcast %get3A_686 : f32 to vector<16xf32>
    %select_n3A_688 = arith.select %eq3A_683, %broadcast_in_dim3A_687, %select_n3A_680 : vector<16xi1>, vector<16xf32>
    %eq3A_689 = arith.constant 13 : i32
    %eq3A_690 = vector.broadcast %eq3A_689 : i32 to vector<16xi32>
    %eq3A_691 = arith.cmpi eq, %iota3A, %eq3A_690 : vector<16xi32>
    %get3A_692 = arith.constant 77 : i32
    %get3A_693 = arith.index_cast %get3A_692 : i32 to index
    %get3A_694 = memref.load %arg12[%get3A_693] : memref<128xf32, #tpu.memory_space<smem>>
    %broadcast_in_dim3A_695 = vector.broadcast %get3A_694 : f32 to vector<16xf32>
    %select_n3A_696 = arith.select %eq3A_691, %broadcast_in_dim3A_695, %select_n3A_688 : vector<16xi1>, vector<16xf32>
    %eq3A_697 = arith.constant 14 : i32
    %eq3A_698 = vector.broadcast %eq3A_697 : i32 to vector<16xi32>
    %eq3A_699 = arith.cmpi eq, %iota3A, %eq3A_698 : vector<16xi32>
    %get3A_700 = arith.constant 78 : i32
    %get3A_701 = arith.index_cast %get3A_700 : i32 to index
    %get3A_702 = memref.load %arg12[%get3A_701] : memref<128xf32, #tpu.memory_space<smem>>
    %broadcast_in_dim3A_703 = vector.broadcast %get3A_702 : f32 to vector<16xf32>
    %select_n3A_704 = arith.select %eq3A_699, %broadcast_in_dim3A_703, %select_n3A_696 : vector<16xi1>, vector<16xf32>
    %eq3A_705 = arith.constant 15 : i32
    %eq3A_706 = vector.broadcast %eq3A_705 : i32 to vector<16xi32>
    %eq3A_707 = arith.cmpi eq, %iota3A, %eq3A_706 : vector<16xi32>
    %get3A_708 = arith.constant 79 : i32
    %get3A_709 = arith.index_cast %get3A_708 : i32 to index
    %get3A_710 = memref.load %arg12[%get3A_709] : memref<128xf32, #tpu.memory_space<smem>>
    %broadcast_in_dim3A_711 = vector.broadcast %get3A_710 : f32 to vector<16xf32>
    %select_n3A_712 = arith.select %eq3A_707, %broadcast_in_dim3A_711, %select_n3A_704 : vector<16xi1>, vector<16xf32>
    %swap3A_713 = arith.constant 64 : index
    %swap3A_714 = tpu.vector_load %arg11[%swap3A_713] {strides = array<i32>} : memref<128xf32, #tpu.memory_space<vmem>>, vector<16xf32>,
    %swap3A_715 = vector.shape_cast %swap3A_714 : vector<16xf32> to vector<16xf32>
    %swap3A_716 = vector.shape_cast %select_n3A_712 : vector<16xf32> to vector<16xf32>
    tpu.vector_store %arg11[%swap3A_713], %swap3A_716 {strides = array<i32>} : memref<128xf32, #tpu.memory_space<vmem>>, vector<16xf32>,
    %broadcast_in_dim3A_717 = arith.constant 0.000000e+00 : f32
    %broadcast_in_dim3A_718 = vector.broadcast %broadcast_in_dim3A_717 : f32 to vector<16xf32>
    %eq3A_719 = arith.constant 0 : i32
    %eq3A_720 = vector.broadcast %eq3A_719 : i32 to vector<16xi32>
    %eq3A_721 = arith.cmpi eq, %iota3A, %eq3A_720 : vector<16xi32>
    %get3A_722 = arith.constant 80 : i32
    %get3A_723 = arith.index_cast %get3A_722 : i32 to index
    %get3A_724 = memref.load %arg12[%get3A_723] : memref<128xf32, #tpu.memory_space<smem>>
    %broadcast_in_dim3A_725 = vector.broadcast %get3A_724 : f32 to vector<16xf32>
    %select_n3A_726 = arith.select %eq3A_721, %broadcast_in_dim3A_725, %broadcast_in_dim3A_718 : vector<16xi1>, vector<16xf32>
    %eq3A_727 = arith.constant 1 : i32
    %eq3A_728 = vector.broadcast %eq3A_727 : i32 to vector<16xi32>
    %eq3A_729 = arith.cmpi eq, %iota3A, %eq3A_728 : vector<16xi32>
    %get3A_730 = arith.constant 81 : i32
    %get3A_731 = arith.index_cast %get3A_730 : i32 to index
    %get3A_732 = memref.load %arg12[%get3A_731] : memref<128xf32, #tpu.memory_space<smem>>
    %broadcast_in_dim3A_733 = vector.broadcast %get3A_732 : f32 to vector<16xf32>
    %select_n3A_734 = arith.select %eq3A_729, %broadcast_in_dim3A_733, %select_n3A_726 : vector<16xi1>, vector<16xf32>
    %eq3A_735 = arith.constant 2 : i32
    %eq3A_736 = vector.broadcast %eq3A_735 : i32 to vector<16xi32>
    %eq3A_737 = arith.cmpi eq, %iota3A, %eq3A_736 : vector<16xi32>
    %get3A_738 = arith.constant 82 : i32
    %get3A_739 = arith.index_cast %get3A_738 : i32 to index
    %get3A_740 = memref.load %arg12[%get3A_739] : memref<128xf32, #tpu.memory_space<smem>>
    %broadcast_in_dim3A_741 = vector.broadcast %get3A_740 : f32 to vector<16xf32>
    %select_n3A_742 = arith.select %eq3A_737, %broadcast_in_dim3A_741, %select_n3A_734 : vector<16xi1>, vector<16xf32>
    %eq3A_743 = arith.constant 3 : i32
    %eq3A_744 = vector.broadcast %eq3A_743 : i32 to vector<16xi32>
    %eq3A_745 = arith.cmpi eq, %iota3A, %eq3A_744 : vector<16xi32>
    %get3A_746 = arith.constant 83 : i32
    %get3A_747 = arith.index_cast %get3A_746 : i32 to index
    %get3A_748 = memref.load %arg12[%get3A_747] : memref<128xf32, #tpu.memory_space<smem>>
    %broadcast_in_dim3A_749 = vector.broadcast %get3A_748 : f32 to vector<16xf32>
    %select_n3A_750 = arith.select %eq3A_745, %broadcast_in_dim3A_749, %select_n3A_742 : vector<16xi1>, vector<16xf32>
    %eq3A_751 = arith.constant 4 : i32
    %eq3A_752 = vector.broadcast %eq3A_751 : i32 to vector<16xi32>
    %eq3A_753 = arith.cmpi eq, %iota3A, %eq3A_752 : vector<16xi32>
    %get3A_754 = arith.constant 84 : i32
    %get3A_755 = arith.index_cast %get3A_754 : i32 to index
    %get3A_756 = memref.load %arg12[%get3A_755] : memref<128xf32, #tpu.memory_space<smem>>
    %broadcast_in_dim3A_757 = vector.broadcast %get3A_756 : f32 to vector<16xf32>
    %select_n3A_758 = arith.select %eq3A_753, %broadcast_in_dim3A_757, %select_n3A_750 : vector<16xi1>, vector<16xf32>
    %eq3A_759 = arith.constant 5 : i32
    %eq3A_760 = vector.broadcast %eq3A_759 : i32 to vector<16xi32>
    %eq3A_761 = arith.cmpi eq, %iota3A, %eq3A_760 : vector<16xi32>
    %get3A_762 = arith.constant 85 : i32
    %get3A_763 = arith.index_cast %get3A_762 : i32 to index
    %get3A_764 = memref.load %arg12[%get3A_763] : memref<128xf32, #tpu.memory_space<smem>>
    %broadcast_in_dim3A_765 = vector.broadcast %get3A_764 : f32 to vector<16xf32>
    %select_n3A_766 = arith.select %eq3A_761, %broadcast_in_dim3A_765, %select_n3A_758 : vector<16xi1>, vector<16xf32>
    %eq3A_767 = arith.constant 6 : i32
    %eq3A_768 = vector.broadcast %eq3A_767 : i32 to vector<16xi32>
    %eq3A_769 = arith.cmpi eq, %iota3A, %eq3A_768 : vector<16xi32>
    %get3A_770 = arith.constant 86 : i32
    %get3A_771 = arith.index_cast %get3A_770 : i32 to index
    %get3A_772 = memref.load %arg12[%get3A_771] : memref<128xf32, #tpu.memory_space<smem>>
    %broadcast_in_dim3A_773 = vector.broadcast %get3A_772 : f32 to vector<16xf32>
    %select_n3A_774 = arith.select %eq3A_769, %broadcast_in_dim3A_773, %select_n3A_766 : vector<16xi1>, vector<16xf32>
    %eq3A_775 = arith.constant 7 : i32
    %eq3A_776 = vector.broadcast %eq3A_775 : i32 to vector<16xi32>
    %eq3A_777 = arith.cmpi eq, %iota3A, %eq3A_776 : vector<16xi32>
    %get3A_778 = arith.constant 87 : i32
    %get3A_779 = arith.index_cast %get3A_778 : i32 to index
    %get3A_780 = memref.load %arg12[%get3A_779] : memref<128xf32, #tpu.memory_space<smem>>
    %broadcast_in_dim3A_781 = vector.broadcast %get3A_780 : f32 to vector<16xf32>
    %select_n3A_782 = arith.select %eq3A_777, %broadcast_in_dim3A_781, %select_n3A_774 : vector<16xi1>, vector<16xf32>
    %eq3A_783 = arith.constant 8 : i32
    %eq3A_784 = vector.broadcast %eq3A_783 : i32 to vector<16xi32>
    %eq3A_785 = arith.cmpi eq, %iota3A, %eq3A_784 : vector<16xi32>
    %get3A_786 = arith.constant 88 : i32
    %get3A_787 = arith.index_cast %get3A_786 : i32 to index
    %get3A_788 = memref.load %arg12[%get3A_787] : memref<128xf32, #tpu.memory_space<smem>>
    %broadcast_in_dim3A_789 = vector.broadcast %get3A_788 : f32 to vector<16xf32>
    %select_n3A_790 = arith.select %eq3A_785, %broadcast_in_dim3A_789, %select_n3A_782 : vector<16xi1>, vector<16xf32>
    %eq3A_791 = arith.constant 9 : i32
    %eq3A_792 = vector.broadcast %eq3A_791 : i32 to vector<16xi32>
    %eq3A_793 = arith.cmpi eq, %iota3A, %eq3A_792 : vector<16xi32>
    %get3A_794 = arith.constant 89 : i32
    %get3A_795 = arith.index_cast %get3A_794 : i32 to index
    %get3A_796 = memref.load %arg12[%get3A_795] : memref<128xf32, #tpu.memory_space<smem>>
    %broadcast_in_dim3A_797 = vector.broadcast %get3A_796 : f32 to vector<16xf32>
    %select_n3A_798 = arith.select %eq3A_793, %broadcast_in_dim3A_797, %select_n3A_790 : vector<16xi1>, vector<16xf32>
    %eq3A_799 = arith.constant 10 : i32
    %eq3A_800 = vector.broadcast %eq3A_799 : i32 to vector<16xi32>
    %eq3A_801 = arith.cmpi eq, %iota3A, %eq3A_800 : vector<16xi32>
    %get3A_802 = arith.constant 90 : i32
    %get3A_803 = arith.index_cast %get3A_802 : i32 to index
    %get3A_804 = memref.load %arg12[%get3A_803] : memref<128xf32, #tpu.memory_space<smem>>
    %broadcast_in_dim3A_805 = vector.broadcast %get3A_804 : f32 to vector<16xf32>
    %select_n3A_806 = arith.select %eq3A_801, %broadcast_in_dim3A_805, %select_n3A_798 : vector<16xi1>, vector<16xf32>
    %eq3A_807 = arith.constant 11 : i32
    %eq3A_808 = vector.broadcast %eq3A_807 : i32 to vector<16xi32>
    %eq3A_809 = arith.cmpi eq, %iota3A, %eq3A_808 : vector<16xi32>
    %get3A_810 = arith.constant 91 : i32
    %get3A_811 = arith.index_cast %get3A_810 : i32 to index
    %get3A_812 = memref.load %arg12[%get3A_811] : memref<128xf32, #tpu.memory_space<smem>>
    %broadcast_in_dim3A_813 = vector.broadcast %get3A_812 : f32 to vector<16xf32>
    %select_n3A_814 = arith.select %eq3A_809, %broadcast_in_dim3A_813, %select_n3A_806 : vector<16xi1>, vector<16xf32>
    %eq3A_815 = arith.constant 12 : i32
    %eq3A_816 = vector.broadcast %eq3A_815 : i32 to vector<16xi32>
    %eq3A_817 = arith.cmpi eq, %iota3A, %eq3A_816 : vector<16xi32>
    %get3A_818 = arith.constant 92 : i32
    %get3A_819 = arith.index_cast %get3A_818 : i32 to index
    %get3A_820 = memref.load %arg12[%get3A_819] : memref<128xf32, #tpu.memory_space<smem>>
    %broadcast_in_dim3A_821 = vector.broadcast %get3A_820 : f32 to vector<16xf32>
    %select_n3A_822 = arith.select %eq3A_817, %broadcast_in_dim3A_821, %select_n3A_814 : vector<16xi1>, vector<16xf32>
    %eq3A_823 = arith.constant 13 : i32
    %eq3A_824 = vector.broadcast %eq3A_823 : i32 to vector<16xi32>
    %eq3A_825 = arith.cmpi eq, %iota3A, %eq3A_824 : vector<16xi32>
    %get3A_826 = arith.constant 93 : i32
    %get3A_827 = arith.index_cast %get3A_826 : i32 to index
    %get3A_828 = memref.load %arg12[%get3A_827] : memref<128xf32, #tpu.memory_space<smem>>
    %broadcast_in_dim3A_829 = vector.broadcast %get3A_828 : f32 to vector<16xf32>
    %select_n3A_830 = arith.select %eq3A_825, %broadcast_in_dim3A_829, %select_n3A_822 : vector<16xi1>, vector<16xf32>
    %eq3A_831 = arith.constant 14 : i32
    %eq3A_832 = vector.broadcast %eq3A_831 : i32 to vector<16xi32>
    %eq3A_833 = arith.cmpi eq, %iota3A, %eq3A_832 : vector<16xi32>
    %get3A_834 = arith.constant 94 : i32
    %get3A_835 = arith.index_cast %get3A_834 : i32 to index
    %get3A_836 = memref.load %arg12[%get3A_835] : memref<128xf32, #tpu.memory_space<smem>>
    %broadcast_in_dim3A_837 = vector.broadcast %get3A_836 : f32 to vector<16xf32>
    %select_n3A_838 = arith.select %eq3A_833, %broadcast_in_dim3A_837, %select_n3A_830 : vector<16xi1>, vector<16xf32>
    %eq3A_839 = arith.constant 15 : i32
    %eq3A_840 = vector.broadcast %eq3A_839 : i32 to vector<16xi32>
    %eq3A_841 = arith.cmpi eq, %iota3A, %eq3A_840 : vector<16xi32>
    %get3A_842 = arith.constant 95 : i32
    %get3A_843 = arith.index_cast %get3A_842 : i32 to index
    %get3A_844 = memref.load %arg12[%get3A_843] : memref<128xf32, #tpu.memory_space<smem>>
    %broadcast_in_dim3A_845 = vector.broadcast %get3A_844 : f32 to vector<16xf32>
    %select_n3A_846 = arith.select %eq3A_841, %broadcast_in_dim3A_845, %select_n3A_838 : vector<16xi1>, vector<16xf32>
    %swap3A_847 = arith.constant 80 : index
    %swap3A_848 = tpu.vector_load %arg11[%swap3A_847] {strides = array<i32>} : memref<128xf32, #tpu.memory_space<vmem>>, vector<16xf32>,
    %swap3A_849 = vector.shape_cast %swap3A_848 : vector<16xf32> to vector<16xf32>
    %swap3A_850 = vector.shape_cast %select_n3A_846 : vector<16xf32> to vector<16xf32>
    tpu.vector_store %arg11[%swap3A_847], %swap3A_850 {strides = array<i32>} : memref<128xf32, #tpu.memory_space<vmem>>, vector<16xf32>,
    %broadcast_in_dim3A_851 = arith.constant 0.000000e+00 : f32
    %broadcast_in_dim3A_852 = vector.broadcast %broadcast_in_dim3A_851 : f32 to vector<16xf32>
    %eq3A_853 = arith.constant 0 : i32
    %eq3A_854 = vector.broadcast %eq3A_853 : i32 to vector<16xi32>
    %eq3A_855 = arith.cmpi eq, %iota3A, %eq3A_854 : vector<16xi32>
    %get3A_856 = arith.constant 96 : i32
    %get3A_857 = arith.index_cast %get3A_856 : i32 to index
    %get3A_858 = memref.load %arg12[%get3A_857] : memref<128xf32, #tpu.memory_space<smem>>
    %broadcast_in_dim3A_859 = vector.broadcast %get3A_858 : f32 to vector<16xf32>
    %select_n3A_860 = arith.select %eq3A_855, %broadcast_in_dim3A_859, %broadcast_in_dim3A_852 : vector<16xi1>, vector<16xf32>
    %eq3A_861 = arith.constant 1 : i32
    %eq3A_862 = vector.broadcast %eq3A_861 : i32 to vector<16xi32>
    %eq3A_863 = arith.cmpi eq, %iota3A, %eq3A_862 : vector<16xi32>
    %get3A_864 = arith.constant 97 : i32
    %get3A_865 = arith.index_cast %get3A_864 : i32 to index
    %get3A_866 = memref.load %arg12[%get3A_865] : memref<128xf32, #tpu.memory_space<smem>>
    %broadcast_in_dim3A_867 = vector.broadcast %get3A_866 : f32 to vector<16xf32>
    %select_n3A_868 = arith.select %eq3A_863, %broadcast_in_dim3A_867, %select_n3A_860 : vector<16xi1>, vector<16xf32>
    %eq3A_869 = arith.constant 2 : i32
    %eq3A_870 = vector.broadcast %eq3A_869 : i32 to vector<16xi32>
    %eq3A_871 = arith.cmpi eq, %iota3A, %eq3A_870 : vector<16xi32>
    %get3A_872 = arith.constant 98 : i32
    %get3A_873 = arith.index_cast %get3A_872 : i32 to index
    %get3A_874 = memref.load %arg12[%get3A_873] : memref<128xf32, #tpu.memory_space<smem>>
    %broadcast_in_dim3A_875 = vector.broadcast %get3A_874 : f32 to vector<16xf32>
    %select_n3A_876 = arith.select %eq3A_871, %broadcast_in_dim3A_875, %select_n3A_868 : vector<16xi1>, vector<16xf32>
    %eq3A_877 = arith.constant 3 : i32
    %eq3A_878 = vector.broadcast %eq3A_877 : i32 to vector<16xi32>
    %eq3A_879 = arith.cmpi eq, %iota3A, %eq3A_878 : vector<16xi32>
    %get3A_880 = arith.constant 99 : i32
    %get3A_881 = arith.index_cast %get3A_880 : i32 to index
    %get3A_882 = memref.load %arg12[%get3A_881] : memref<128xf32, #tpu.memory_space<smem>>
    %broadcast_in_dim3A_883 = vector.broadcast %get3A_882 : f32 to vector<16xf32>
    %select_n3A_884 = arith.select %eq3A_879, %broadcast_in_dim3A_883, %select_n3A_876 : vector<16xi1>, vector<16xf32>
    %eq3A_885 = arith.constant 4 : i32
    %eq3A_886 = vector.broadcast %eq3A_885 : i32 to vector<16xi32>
    %eq3A_887 = arith.cmpi eq, %iota3A, %eq3A_886 : vector<16xi32>
    %get3A_888 = arith.constant 100 : i32
    %get3A_889 = arith.index_cast %get3A_888 : i32 to index
    %get3A_890 = memref.load %arg12[%get3A_889] : memref<128xf32, #tpu.memory_space<smem>>
    %broadcast_in_dim3A_891 = vector.broadcast %get3A_890 : f32 to vector<16xf32>
    %select_n3A_892 = arith.select %eq3A_887, %broadcast_in_dim3A_891, %select_n3A_884 : vector<16xi1>, vector<16xf32>
    %eq3A_893 = arith.constant 5 : i32
    %eq3A_894 = vector.broadcast %eq3A_893 : i32 to vector<16xi32>
    %eq3A_895 = arith.cmpi eq, %iota3A, %eq3A_894 : vector<16xi32>
    %get3A_896 = arith.constant 101 : i32
    %get3A_897 = arith.index_cast %get3A_896 : i32 to index
    %get3A_898 = memref.load %arg12[%get3A_897] : memref<128xf32, #tpu.memory_space<smem>>
    %broadcast_in_dim3A_899 = vector.broadcast %get3A_898 : f32 to vector<16xf32>
    %select_n3A_900 = arith.select %eq3A_895, %broadcast_in_dim3A_899, %select_n3A_892 : vector<16xi1>, vector<16xf32>
    %eq3A_901 = arith.constant 6 : i32
    %eq3A_902 = vector.broadcast %eq3A_901 : i32 to vector<16xi32>
    %eq3A_903 = arith.cmpi eq, %iota3A, %eq3A_902 : vector<16xi32>
    %get3A_904 = arith.constant 102 : i32
    %get3A_905 = arith.index_cast %get3A_904 : i32 to index
    %get3A_906 = memref.load %arg12[%get3A_905] : memref<128xf32, #tpu.memory_space<smem>>
    %broadcast_in_dim3A_907 = vector.broadcast %get3A_906 : f32 to vector<16xf32>
    %select_n3A_908 = arith.select %eq3A_903, %broadcast_in_dim3A_907, %select_n3A_900 : vector<16xi1>, vector<16xf32>
    %eq3A_909 = arith.constant 7 : i32
    %eq3A_910 = vector.broadcast %eq3A_909 : i32 to vector<16xi32>
    %eq3A_911 = arith.cmpi eq, %iota3A, %eq3A_910 : vector<16xi32>
    %get3A_912 = arith.constant 103 : i32
    %get3A_913 = arith.index_cast %get3A_912 : i32 to index
    %get3A_914 = memref.load %arg12[%get3A_913] : memref<128xf32, #tpu.memory_space<smem>>
    %broadcast_in_dim3A_915 = vector.broadcast %get3A_914 : f32 to vector<16xf32>
    %select_n3A_916 = arith.select %eq3A_911, %broadcast_in_dim3A_915, %select_n3A_908 : vector<16xi1>, vector<16xf32>
    %eq3A_917 = arith.constant 8 : i32
    %eq3A_918 = vector.broadcast %eq3A_917 : i32 to vector<16xi32>
    %eq3A_919 = arith.cmpi eq, %iota3A, %eq3A_918 : vector<16xi32>
    %get3A_920 = arith.constant 104 : i32
    %get3A_921 = arith.index_cast %get3A_920 : i32 to index
    %get3A_922 = memref.load %arg12[%get3A_921] : memref<128xf32, #tpu.memory_space<smem>>
    %broadcast_in_dim3A_923 = vector.broadcast %get3A_922 : f32 to vector<16xf32>
    %select_n3A_924 = arith.select %eq3A_919, %broadcast_in_dim3A_923, %select_n3A_916 : vector<16xi1>, vector<16xf32>
    %eq3A_925 = arith.constant 9 : i32
    %eq3A_926 = vector.broadcast %eq3A_925 : i32 to vector<16xi32>
    %eq3A_927 = arith.cmpi eq, %iota3A, %eq3A_926 : vector<16xi32>
    %get3A_928 = arith.constant 105 : i32
    %get3A_929 = arith.index_cast %get3A_928 : i32 to index
    %get3A_930 = memref.load %arg12[%get3A_929] : memref<128xf32, #tpu.memory_space<smem>>
    %broadcast_in_dim3A_931 = vector.broadcast %get3A_930 : f32 to vector<16xf32>
    %select_n3A_932 = arith.select %eq3A_927, %broadcast_in_dim3A_931, %select_n3A_924 : vector<16xi1>, vector<16xf32>
    %eq3A_933 = arith.constant 10 : i32
    %eq3A_934 = vector.broadcast %eq3A_933 : i32 to vector<16xi32>
    %eq3A_935 = arith.cmpi eq, %iota3A, %eq3A_934 : vector<16xi32>
    %get3A_936 = arith.constant 106 : i32
    %get3A_937 = arith.index_cast %get3A_936 : i32 to index
    %get3A_938 = memref.load %arg12[%get3A_937] : memref<128xf32, #tpu.memory_space<smem>>
    %broadcast_in_dim3A_939 = vector.broadcast %get3A_938 : f32 to vector<16xf32>
    %select_n3A_940 = arith.select %eq3A_935, %broadcast_in_dim3A_939, %select_n3A_932 : vector<16xi1>, vector<16xf32>
    %eq3A_941 = arith.constant 11 : i32
    %eq3A_942 = vector.broadcast %eq3A_941 : i32 to vector<16xi32>
    %eq3A_943 = arith.cmpi eq, %iota3A, %eq3A_942 : vector<16xi32>
    %get3A_944 = arith.constant 107 : i32
    %get3A_945 = arith.index_cast %get3A_944 : i32 to index
    %get3A_946 = memref.load %arg12[%get3A_945] : memref<128xf32, #tpu.memory_space<smem>>
    %broadcast_in_dim3A_947 = vector.broadcast %get3A_946 : f32 to vector<16xf32>
    %select_n3A_948 = arith.select %eq3A_943, %broadcast_in_dim3A_947, %select_n3A_940 : vector<16xi1>, vector<16xf32>
    %eq3A_949 = arith.constant 12 : i32
    %eq3A_950 = vector.broadcast %eq3A_949 : i32 to vector<16xi32>
    %eq3A_951 = arith.cmpi eq, %iota3A, %eq3A_950 : vector<16xi32>
    %get3A_952 = arith.constant 108 : i32
    %get3A_953 = arith.index_cast %get3A_952 : i32 to index
    %get3A_954 = memref.load %arg12[%get3A_953] : memref<128xf32, #tpu.memory_space<smem>>
    %broadcast_in_dim3A_955 = vector.broadcast %get3A_954 : f32 to vector<16xf32>
    %select_n3A_956 = arith.select %eq3A_951, %broadcast_in_dim3A_955, %select_n3A_948 : vector<16xi1>, vector<16xf32>
    %eq3A_957 = arith.constant 13 : i32
    %eq3A_958 = vector.broadcast %eq3A_957 : i32 to vector<16xi32>
    %eq3A_959 = arith.cmpi eq, %iota3A, %eq3A_958 : vector<16xi32>
    %get3A_960 = arith.constant 109 : i32
    %get3A_961 = arith.index_cast %get3A_960 : i32 to index
    %get3A_962 = memref.load %arg12[%get3A_961] : memref<128xf32, #tpu.memory_space<smem>>
    %broadcast_in_dim3A_963 = vector.broadcast %get3A_962 : f32 to vector<16xf32>
    %select_n3A_964 = arith.select %eq3A_959, %broadcast_in_dim3A_963, %select_n3A_956 : vector<16xi1>, vector<16xf32>
    %eq3A_965 = arith.constant 14 : i32
    %eq3A_966 = vector.broadcast %eq3A_965 : i32 to vector<16xi32>
    %eq3A_967 = arith.cmpi eq, %iota3A, %eq3A_966 : vector<16xi32>
    %get3A_968 = arith.constant 110 : i32
    %get3A_969 = arith.index_cast %get3A_968 : i32 to index
    %get3A_970 = memref.load %arg12[%get3A_969] : memref<128xf32, #tpu.memory_space<smem>>
    %broadcast_in_dim3A_971 = vector.broadcast %get3A_970 : f32 to vector<16xf32>
    %select_n3A_972 = arith.select %eq3A_967, %broadcast_in_dim3A_971, %select_n3A_964 : vector<16xi1>, vector<16xf32>
    %eq3A_973 = arith.constant 15 : i32
    %eq3A_974 = vector.broadcast %eq3A_973 : i32 to vector<16xi32>
    %eq3A_975 = arith.cmpi eq, %iota3A, %eq3A_974 : vector<16xi32>
    %get3A_976 = arith.constant 111 : i32
    %get3A_977 = arith.index_cast %get3A_976 : i32 to index
    %get3A_978 = memref.load %arg12[%get3A_977] : memref<128xf32, #tpu.memory_space<smem>>
    %broadcast_in_dim3A_979 = vector.broadcast %get3A_978 : f32 to vector<16xf32>
    %select_n3A_980 = arith.select %eq3A_975, %broadcast_in_dim3A_979, %select_n3A_972 : vector<16xi1>, vector<16xf32>
    %swap3A_981 = arith.constant 96 : index
    %swap3A_982 = tpu.vector_load %arg11[%swap3A_981] {strides = array<i32>} : memref<128xf32, #tpu.memory_space<vmem>>, vector<16xf32>,
    %swap3A_983 = vector.shape_cast %swap3A_982 : vector<16xf32> to vector<16xf32>
    %swap3A_984 = vector.shape_cast %select_n3A_980 : vector<16xf32> to vector<16xf32>
    tpu.vector_store %arg11[%swap3A_981], %swap3A_984 {strides = array<i32>} : memref<128xf32, #tpu.memory_space<vmem>>, vector<16xf32>,
    %broadcast_in_dim3A_985 = arith.constant 0.000000e+00 : f32
    %broadcast_in_dim3A_986 = vector.broadcast %broadcast_in_dim3A_985 : f32 to vector<16xf32>
    %eq3A_987 = arith.constant 0 : i32
    %eq3A_988 = vector.broadcast %eq3A_987 : i32 to vector<16xi32>
    %eq3A_989 = arith.cmpi eq, %iota3A, %eq3A_988 : vector<16xi32>
    %get3A_990 = arith.constant 112 : i32
    %get3A_991 = arith.index_cast %get3A_990 : i32 to index
    %get3A_992 = memref.load %arg12[%get3A_991] : memref<128xf32, #tpu.memory_space<smem>>
    %broadcast_in_dim3A_993 = vector.broadcast %get3A_992 : f32 to vector<16xf32>
    %select_n3A_994 = arith.select %eq3A_989, %broadcast_in_dim3A_993, %broadcast_in_dim3A_986 : vector<16xi1>, vector<16xf32>
    %eq3A_995 = arith.constant 1 : i32
    %eq3A_996 = vector.broadcast %eq3A_995 : i32 to vector<16xi32>
    %eq3A_997 = arith.cmpi eq, %iota3A, %eq3A_996 : vector<16xi32>
    %get3A_998 = arith.constant 113 : i32
    %get3A_999 = arith.index_cast %get3A_998 : i32 to index
    %get3A_1000 = memref.load %arg12[%get3A_999] : memref<128xf32, #tpu.memory_space<smem>>
    %broadcast_in_dim3A_1001 = vector.broadcast %get3A_1000 : f32 to vector<16xf32>
    %select_n3A_1002 = arith.select %eq3A_997, %broadcast_in_dim3A_1001, %select_n3A_994 : vector<16xi1>, vector<16xf32>
    %eq3A_1003 = arith.constant 2 : i32
    %eq3A_1004 = vector.broadcast %eq3A_1003 : i32 to vector<16xi32>
    %eq3A_1005 = arith.cmpi eq, %iota3A, %eq3A_1004 : vector<16xi32>
    %get3A_1006 = arith.constant 114 : i32
    %get3A_1007 = arith.index_cast %get3A_1006 : i32 to index
    %get3A_1008 = memref.load %arg12[%get3A_1007] : memref<128xf32, #tpu.memory_space<smem>>
    %broadcast_in_dim3A_1009 = vector.broadcast %get3A_1008 : f32 to vector<16xf32>
    %select_n3A_1010 = arith.select %eq3A_1005, %broadcast_in_dim3A_1009, %select_n3A_1002 : vector<16xi1>, vector<16xf32>
    %eq3A_1011 = arith.constant 3 : i32
    %eq3A_1012 = vector.broadcast %eq3A_1011 : i32 to vector<16xi32>
    %eq3A_1013 = arith.cmpi eq, %iota3A, %eq3A_1012 : vector<16xi32>
    %get3A_1014 = arith.constant 115 : i32
    %get3A_1015 = arith.index_cast %get3A_1014 : i32 to index
    %get3A_1016 = memref.load %arg12[%get3A_1015] : memref<128xf32, #tpu.memory_space<smem>>
    %broadcast_in_dim3A_1017 = vector.broadcast %get3A_1016 : f32 to vector<16xf32>
    %select_n3A_1018 = arith.select %eq3A_1013, %broadcast_in_dim3A_1017, %select_n3A_1010 : vector<16xi1>, vector<16xf32>
    %eq3A_1019 = arith.constant 4 : i32
    %eq3A_1020 = vector.broadcast %eq3A_1019 : i32 to vector<16xi32>
    %eq3A_1021 = arith.cmpi eq, %iota3A, %eq3A_1020 : vector<16xi32>
    %get3A_1022 = arith.constant 116 : i32
    %get3A_1023 = arith.index_cast %get3A_1022 : i32 to index
    %get3A_1024 = memref.load %arg12[%get3A_1023] : memref<128xf32, #tpu.memory_space<smem>>
    %broadcast_in_dim3A_1025 = vector.broadcast %get3A_1024 : f32 to vector<16xf32>
    %select_n3A_1026 = arith.select %eq3A_1021, %broadcast_in_dim3A_1025, %select_n3A_1018 : vector<16xi1>, vector<16xf32>
    %eq3A_1027 = arith.constant 5 : i32
    %eq3A_1028 = vector.broadcast %eq3A_1027 : i32 to vector<16xi32>
    %eq3A_1029 = arith.cmpi eq, %iota3A, %eq3A_1028 : vector<16xi32>
    %get3A_1030 = arith.constant 117 : i32
    %get3A_1031 = arith.index_cast %get3A_1030 : i32 to index
    %get3A_1032 = memref.load %arg12[%get3A_1031] : memref<128xf32, #tpu.memory_space<smem>>
    %broadcast_in_dim3A_1033 = vector.broadcast %get3A_1032 : f32 to vector<16xf32>
    %select_n3A_1034 = arith.select %eq3A_1029, %broadcast_in_dim3A_1033, %select_n3A_1026 : vector<16xi1>, vector<16xf32>
    %eq3A_1035 = arith.constant 6 : i32
    %eq3A_1036 = vector.broadcast %eq3A_1035 : i32 to vector<16xi32>
    %eq3A_1037 = arith.cmpi eq, %iota3A, %eq3A_1036 : vector<16xi32>
    %get3A_1038 = arith.constant 118 : i32
    %get3A_1039 = arith.index_cast %get3A_1038 : i32 to index
    %get3A_1040 = memref.load %arg12[%get3A_1039] : memref<128xf32, #tpu.memory_space<smem>>
    %broadcast_in_dim3A_1041 = vector.broadcast %get3A_1040 : f32 to vector<16xf32>
    %select_n3A_1042 = arith.select %eq3A_1037, %broadcast_in_dim3A_1041, %select_n3A_1034 : vector<16xi1>, vector<16xf32>
    %eq3A_1043 = arith.constant 7 : i32
    %eq3A_1044 = vector.broadcast %eq3A_1043 : i32 to vector<16xi32>
    %eq3A_1045 = arith.cmpi eq, %iota3A, %eq3A_1044 : vector<16xi32>
    %get3A_1046 = arith.constant 119 : i32
    %get3A_1047 = arith.index_cast %get3A_1046 : i32 to index
    %get3A_1048 = memref.load %arg12[%get3A_1047] : memref<128xf32, #tpu.memory_space<smem>>
    %broadcast_in_dim3A_1049 = vector.broadcast %get3A_1048 : f32 to vector<16xf32>
    %select_n3A_1050 = arith.select %eq3A_1045, %broadcast_in_dim3A_1049, %select_n3A_1042 : vector<16xi1>, vector<16xf32>
    %eq3A_1051 = arith.constant 8 : i32
    %eq3A_1052 = vector.broadcast %eq3A_1051 : i32 to vector<16xi32>
    %eq3A_1053 = arith.cmpi eq, %iota3A, %eq3A_1052 : vector<16xi32>
    %get3A_1054 = arith.constant 120 : i32
    %get3A_1055 = arith.index_cast %get3A_1054 : i32 to index
    %get3A_1056 = memref.load %arg12[%get3A_1055] : memref<128xf32, #tpu.memory_space<smem>>
    %broadcast_in_dim3A_1057 = vector.broadcast %get3A_1056 : f32 to vector<16xf32>
    %select_n3A_1058 = arith.select %eq3A_1053, %broadcast_in_dim3A_1057, %select_n3A_1050 : vector<16xi1>, vector<16xf32>
    %eq3A_1059 = arith.constant 9 : i32
    %eq3A_1060 = vector.broadcast %eq3A_1059 : i32 to vector<16xi32>
    %eq3A_1061 = arith.cmpi eq, %iota3A, %eq3A_1060 : vector<16xi32>
    %get3A_1062 = arith.constant 121 : i32
    %get3A_1063 = arith.index_cast %get3A_1062 : i32 to index
    %get3A_1064 = memref.load %arg12[%get3A_1063] : memref<128xf32, #tpu.memory_space<smem>>
    %broadcast_in_dim3A_1065 = vector.broadcast %get3A_1064 : f32 to vector<16xf32>
    %select_n3A_1066 = arith.select %eq3A_1061, %broadcast_in_dim3A_1065, %select_n3A_1058 : vector<16xi1>, vector<16xf32>
    %eq3A_1067 = arith.constant 10 : i32
    %eq3A_1068 = vector.broadcast %eq3A_1067 : i32 to vector<16xi32>
    %eq3A_1069 = arith.cmpi eq, %iota3A, %eq3A_1068 : vector<16xi32>
    %get3A_1070 = arith.constant 122 : i32
    %get3A_1071 = arith.index_cast %get3A_1070 : i32 to index
    %get3A_1072 = memref.load %arg12[%get3A_1071] : memref<128xf32, #tpu.memory_space<smem>>
    %broadcast_in_dim3A_1073 = vector.broadcast %get3A_1072 : f32 to vector<16xf32>
    %select_n3A_1074 = arith.select %eq3A_1069, %broadcast_in_dim3A_1073, %select_n3A_1066 : vector<16xi1>, vector<16xf32>
    %eq3A_1075 = arith.constant 11 : i32
    %eq3A_1076 = vector.broadcast %eq3A_1075 : i32 to vector<16xi32>
    %eq3A_1077 = arith.cmpi eq, %iota3A, %eq3A_1076 : vector<16xi32>
    %get3A_1078 = arith.constant 123 : i32
    %get3A_1079 = arith.index_cast %get3A_1078 : i32 to index
    %get3A_1080 = memref.load %arg12[%get3A_1079] : memref<128xf32, #tpu.memory_space<smem>>
    %broadcast_in_dim3A_1081 = vector.broadcast %get3A_1080 : f32 to vector<16xf32>
    %select_n3A_1082 = arith.select %eq3A_1077, %broadcast_in_dim3A_1081, %select_n3A_1074 : vector<16xi1>, vector<16xf32>
    %eq3A_1083 = arith.constant 12 : i32
    %eq3A_1084 = vector.broadcast %eq3A_1083 : i32 to vector<16xi32>
    %eq3A_1085 = arith.cmpi eq, %iota3A, %eq3A_1084 : vector<16xi32>
    %get3A_1086 = arith.constant 124 : i32
    %get3A_1087 = arith.index_cast %get3A_1086 : i32 to index
    %get3A_1088 = memref.load %arg12[%get3A_1087] : memref<128xf32, #tpu.memory_space<smem>>
    %broadcast_in_dim3A_1089 = vector.broadcast %get3A_1088 : f32 to vector<16xf32>
    %select_n3A_1090 = arith.select %eq3A_1085, %broadcast_in_dim3A_1089, %select_n3A_1082 : vector<16xi1>, vector<16xf32>
    %eq3A_1091 = arith.constant 13 : i32
    %eq3A_1092 = vector.broadcast %eq3A_1091 : i32 to vector<16xi32>
    %eq3A_1093 = arith.cmpi eq, %iota3A, %eq3A_1092 : vector<16xi32>
    %get3A_1094 = arith.constant 125 : i32
    %get3A_1095 = arith.index_cast %get3A_1094 : i32 to index
    %get3A_1096 = memref.load %arg12[%get3A_1095] : memref<128xf32, #tpu.memory_space<smem>>
    %broadcast_in_dim3A_1097 = vector.broadcast %get3A_1096 : f32 to vector<16xf32>
    %select_n3A_1098 = arith.select %eq3A_1093, %broadcast_in_dim3A_1097, %select_n3A_1090 : vector<16xi1>, vector<16xf32>
    %eq3A_1099 = arith.constant 14 : i32
    %eq3A_1100 = vector.broadcast %eq3A_1099 : i32 to vector<16xi32>
    %eq3A_1101 = arith.cmpi eq, %iota3A, %eq3A_1100 : vector<16xi32>
    %get3A_1102 = arith.constant 126 : i32
    %get3A_1103 = arith.index_cast %get3A_1102 : i32 to index
    %get3A_1104 = memref.load %arg12[%get3A_1103] : memref<128xf32, #tpu.memory_space<smem>>
    %broadcast_in_dim3A_1105 = vector.broadcast %get3A_1104 : f32 to vector<16xf32>
    %select_n3A_1106 = arith.select %eq3A_1101, %broadcast_in_dim3A_1105, %select_n3A_1098 : vector<16xi1>, vector<16xf32>
    %eq3A_1107 = arith.constant 15 : i32
    %eq3A_1108 = vector.broadcast %eq3A_1107 : i32 to vector<16xi32>
    %eq3A_1109 = arith.cmpi eq, %iota3A, %eq3A_1108 : vector<16xi32>
    %get3A_1110 = arith.constant 127 : i32
    %get3A_1111 = arith.index_cast %get3A_1110 : i32 to index
    %get3A_1112 = memref.load %arg12[%get3A_1111] : memref<128xf32, #tpu.memory_space<smem>>
    %broadcast_in_dim3A_1113 = vector.broadcast %get3A_1112 : f32 to vector<16xf32>
    %select_n3A_1114 = arith.select %eq3A_1109, %broadcast_in_dim3A_1113, %select_n3A_1106 : vector<16xi1>, vector<16xf32>
    %swap3A_1115 = arith.constant 112 : index
    %swap3A_1116 = tpu.vector_load %arg11[%swap3A_1115] {strides = array<i32>} : memref<128xf32, #tpu.memory_space<vmem>>, vector<16xf32>,
    %swap3A_1117 = vector.shape_cast %swap3A_1116 : vector<16xf32> to vector<16xf32>
    %swap3A_1118 = vector.shape_cast %select_n3A_1114 : vector<16xf32> to vector<16xf32>
    tpu.vector_store %arg11[%swap3A_1115], %swap3A_1118 {strides = array<i32>} : memref<128xf32, #tpu.memory_space<vmem>>, vector<16xf32>,
    "tpu.region"() ({
      %run_scoped3A = tpu.sem_alloc : memref<!tpu.dma_semaphore, #tpu.memory_space<semaphore_mem>>
      %dma_start3A_1119 = tpu.memref_slice %arg6[%mul3A_2] : memref<4096xf32, #tpu.memory_space<hbm>> -> memref<128xf32, #tpu.memory_space<hbm>>
      %dma_start3A_1120 = tpu.memref_slice %arg6[%mul3A_2] : memref<4096xf32, #tpu.memory_space<hbm>> -> memref<128xf32, #tpu.memory_space<hbm>>
      tpu.enqueue_dma source(%arg11 : memref<128xf32, #tpu.memory_space<vmem>>) target(%dma_start3A_1120 : memref<128xf32, #tpu.memory_space<hbm>>) target_semaphore(%run_scoped3A : memref<!tpu.dma_semaphore, #tpu.memory_space<semaphore_mem>>)
      %dma_wait3A_1121 = tpu.memref_slice %arg6[%mul3A_2] : memref<4096xf32, #tpu.memory_space<hbm>> -> memref<128xf32, #tpu.memory_space<hbm>>
      %dma_wait3A_1122 = tpu.memref_slice %arg6[%mul3A_2] : memref<4096xf32, #tpu.memory_space<hbm>> -> memref<128xf32, #tpu.memory_space<hbm>>
      tpu.wait_dma2 semaphore(%run_scoped3A : memref<!tpu.dma_semaphore, #tpu.memory_space<semaphore_mem>>) src(%arg11 : memref<128xf32, #tpu.memory_space<vmem>>) dst(%dma_wait3A_1122 : memref<128xf32, #tpu.memory_space<hbm>>)
      tpu.yield
    }) : () -> ()
    return
  }
}

module attributes {stable_mosaic.version = 14 : i64} {
  func.func @_dense_body(%arg0: memref<1024x512xf32, #tpu.memory_space<vmem>>, %arg1: memref<512x1024xf32, #tpu.memory_space<vmem>>, %arg2: memref<1x1024xf32, #tpu.memory_space<vmem>>, %arg3: memref<1x1024xf32, #tpu.memory_space<vmem>>) attributes {dimension_semantics = [], scalar_prefetch = 0 : i64, scratch_operands = 0 : i64, tpu.core_type = #tpu.core_type<tc>} {
    %get3A = arith.constant 0 : index
    %get3A_0 = arith.constant 0 : index
    %get3A_1 = vector.load %arg0[%get3A, %get3A_0] : memref<1024x512xf32, #tpu.memory_space<vmem>>, vector<1024x512xf32>
    %get3A_2 = arith.constant 0 : index
    %get3A_3 = arith.constant 0 : index
    %get3A_4 = vector.load %arg1[%get3A_2, %get3A_3] : memref<512x1024xf32, #tpu.memory_space<vmem>>, vector<512x1024xf32>
    %dot_general3A = arith.constant dense<0.000000e+00> : vector<1024x1024xf32>
    %dot_general3A_5 = tpu.matmul %get3A_1, %get3A_4, %dot_general3A {dimension_numbers = #tpu.dot_dimension_numbers<[1], [0], [0], [1], [0, 0, 1, 1], [], []>, transpose_lhs_hint = false} : vector<1024x512xf32>, vector<512x1024xf32>, vector<1024x1024xf32> -> vector<1024x1024xf32>
    %mul3A = arith.constant 2.000000e+00 : f32
    %mul3A_6 = vector.broadcast %mul3A : f32 to vector<1024x1024xf32>
    %mul3A_7 = arith.mulf %mul3A_6, %dot_general3A_5 : vector<1024x1024xf32>
    %sub3A = arith.constant 2.000000e+00 : f32
    %sub3A_8 = vector.broadcast %sub3A : f32 to vector<1024x1024xf32>
    %sub3A_9 = arith.subf %sub3A_8, %mul3A_7 : vector<1024x1024xf32>
    %jit3A = arith.constant 0.000000e+00 : f32
    %max3A = vector.broadcast %jit3A : f32 to vector<1024x1024xf32>
    %max3A_10 = arith.maximumf %max3A, %sub3A_9 : vector<1024x1024xf32>
    %sqrt3A = math.sqrt %max3A_10 : vector<1024x1024xf32>
    %sub3A_11 = arith.constant 1.400000e+00 : f32
    %sub3A_12 = vector.broadcast %sub3A_11 : f32 to vector<1024x1024xf32>
    %sub3A_13 = arith.subf %sub3A_12, %sqrt3A : vector<1024x1024xf32>
    %max3A_14 = arith.constant 0.000000e+00 : f32
    %max3A_15 = vector.broadcast %max3A_14 : f32 to vector<1024x1024xf32>
    %max3A_16 = arith.maximumf %sub3A_13, %max3A_15 : vector<1024x1024xf32>
    %integer_pow3A = arith.mulf %max3A_16, %max3A_16 : vector<1024x1024xf32>
    %mul3A_17 = arith.constant 2.400000e+01 : f32
    %mul3A_18 = vector.broadcast %mul3A_17 : f32 to vector<1024x1024xf32>
    %mul3A_19 = arith.mulf %mul3A_18, %integer_pow3A : vector<1024x1024xf32>
    %exp3A = math.exp %mul3A_19 : vector<1024x1024xf32>
    %reduce_sum3A = arith.constant dense<0.000000e+00> : vector<1024xf32>
    %reduce_sum3A_20 = vector.multi_reduction <add>, %exp3A, %reduce_sum3A [1] : vector<1024x1024xf32> to vector<1024xf32>
    %broadcast_in_dim3A = vector.shape_cast %reduce_sum3A_20 : vector<1024xf32> to vector<1x1024xf32>
    %swap3A = arith.constant 0 : index
    %swap3A_21 = arith.constant 0 : index
    %swap3A_22 = vector.load %arg2[%swap3A, %swap3A_21] : memref<1x1024xf32, #tpu.memory_space<vmem>>, vector<1x1024xf32>
    tpu.vector_store %arg2[%swap3A, %swap3A_21], %broadcast_in_dim3A {strides = array<i32>} : memref<1x1024xf32, #tpu.memory_space<vmem>>, vector<1x1024xf32>,
    %reduce_sum3A_23 = arith.constant dense<0.000000e+00> : vector<1024xf32>
    %reduce_sum3A_24 = vector.multi_reduction <add>, %exp3A, %reduce_sum3A_23 [0] : vector<1024x1024xf32> to vector<1024xf32>
    %broadcast_in_dim3A_25 = vector.shape_cast %reduce_sum3A_24 : vector<1024xf32> to vector<1x1024xf32>
    %swap3A_26 = arith.constant 0 : index
    %swap3A_27 = arith.constant 0 : index
    %swap3A_28 = vector.load %arg3[%swap3A_26, %swap3A_27] : memref<1x1024xf32, #tpu.memory_space<vmem>>, vector<1x1024xf32>
    tpu.vector_store %arg3[%swap3A_26, %swap3A_27], %broadcast_in_dim3A_25 {strides = array<i32>} : memref<1x1024xf32, #tpu.memory_space<vmem>>, vector<1x1024xf32>,
    return
  }
}

module attributes {stable_mosaic.version = 14 : i64} {
  func.func @_nn_body(%arg0: i32, %arg1: i32, %arg2: memref<1x1024x3xf32, #tpu.memory_space<vmem>>, %arg3: memref<1x3x2048xf32, #tpu.memory_space<vmem>>, %arg4: memref<1x1x1024xi32, #tpu.memory_space<vmem>>, %arg5: memref<1024x2048xf32, #tpu.memory_space<vmem>>, %arg6: memref<1024x2048xi32, #tpu.memory_space<vmem>>) attributes {dimension_semantics = [#tpu.dimension_semantics<arbitrary>, #tpu.dimension_semantics<arbitrary>], iteration_bounds = array<i64: 2, 10>, scalar_prefetch = 0 : i64, scratch_operands = 2 : i64, tpu.core_type = #tpu.core_type<tc>, window_params = [{transform_indices = @transform_0, window_bounds = array<i64: 1, 1024, 3>}, {transform_indices = @transform_1, window_bounds = array<i64: 1, 3, 2048>}, {transform_indices = @transform_2, window_bounds = array<i64: 1, 1, 1024>}]} {
    %get3A = arith.constant 0 : index
    %get3A_0 = arith.constant 0 : index
    %get3A_1 = arith.constant 0 : index
    %get3A_2 = vector.load %arg2[%get3A, %get3A_0, %get3A_1] : memref<1x1024x3xf32, #tpu.memory_space<vmem>>, vector<1x1024x3xf32>
    %get3A_3 = vector.shape_cast %get3A_2 : vector<1x1024x3xf32> to vector<1024x3xf32>
    %get3A_4 = arith.constant 0 : index
    %get3A_5 = arith.constant 0 : index
    %get3A_6 = arith.constant 0 : index
    %get3A_7 = vector.load %arg3[%get3A_4, %get3A_5, %get3A_6] : memref<1x3x2048xf32, #tpu.memory_space<vmem>>, vector<1x3x2048xf32>
    %get3A_8 = vector.shape_cast %get3A_7 : vector<1x3x2048xf32> to vector<3x2048xf32>
    %mul3A = arith.mulf %get3A_3, %get3A_3 : vector<1024x3xf32>
    %reduce_sum3A = arith.constant dense<0.000000e+00> : vector<1024xf32>
    %reduce_sum3A_9 = vector.multi_reduction <add>, %mul3A, %reduce_sum3A [1] : vector<1024x3xf32> to vector<1024xf32>
    %broadcast_in_dim3A = vector.shape_cast %reduce_sum3A_9 : vector<1024xf32> to vector<1024x1xf32>
    %mul3A_10 = arith.mulf %get3A_8, %get3A_8 : vector<3x2048xf32>
    %reduce_sum3A_11 = arith.constant dense<0.000000e+00> : vector<2048xf32>
    %reduce_sum3A_12 = vector.multi_reduction <add>, %mul3A_10, %reduce_sum3A_11 [0] : vector<3x2048xf32> to vector<2048xf32>
    %broadcast_in_dim3A_13 = vector.shape_cast %reduce_sum3A_12 : vector<2048xf32> to vector<1x2048xf32>
    %add3A = vector.broadcast %broadcast_in_dim3A : vector<1024x1xf32> to vector<1024x2048xf32>
    %add3A_14 = vector.broadcast %broadcast_in_dim3A_13 : vector<1x2048xf32> to vector<1024x2048xf32>
    %add3A_15 = arith.addf %add3A, %add3A_14 : vector<1024x2048xf32>
    %dot_general3A = arith.constant dense<0.000000e+00> : vector<1024x2048xf32>
    %dot_general3A_16 = tpu.matmul %get3A_3, %get3A_8, %dot_general3A {dimension_numbers = #tpu.dot_dimension_numbers<[1], [0], [0], [1], [0, 0, 1, 1], [], []>, transpose_lhs_hint = false} : vector<1024x3xf32>, vector<3x2048xf32>, vector<1024x2048xf32> -> vector<1024x2048xf32>
    %mul3A_17 = arith.constant 2.000000e+00 : f32
    %mul3A_18 = vector.broadcast %mul3A_17 : f32 to vector<1024x2048xf32>
    %mul3A_19 = arith.mulf %mul3A_18, %dot_general3A_16 : vector<1024x2048xf32>
    %sub3A = arith.subf %add3A_15, %mul3A_19 : vector<1024x2048xf32>
    %mul3A_20 = arith.constant 2048 : i32
    %mul3A_21 = arith.muli %arg1, %mul3A_20 : i32
    %iota3A = tpu.iota {dimensions = array<i32: 1>} : vector<1024x2048xi32>
    %add3A_22 = vector.broadcast %mul3A_21 : i32 to vector<1024x2048xi32>
    %add3A_23 = arith.addi %add3A_22, %iota3A : vector<1024x2048xi32>
    %eq3A = arith.constant 0 : i32
    %eq3A_24 = arith.cmpi eq, %arg1, %eq3A : i32
    %convert_element_type3A = arith.extui %eq3A_24 : i1 to i32
    %cond3A = arith.constant 0 : i32
    %cond3A_25 = arith.cmpi ne, %convert_element_type3A, %cond3A : i32
    scf.if %cond3A_25 {
      %swap3A = arith.constant 0 : index
      %swap3A_35 = arith.constant 0 : index
      %swap3A_36 = vector.load %arg5[%swap3A, %swap3A_35] : memref<1024x2048xf32, #tpu.memory_space<vmem>>, vector<1024x2048xf32>
      tpu.vector_store %arg5[%swap3A, %swap3A_35], %sub3A {strides = array<i32>} : memref<1024x2048xf32, #tpu.memory_space<vmem>>, vector<1024x2048xf32>,
      %swap3A_37 = arith.constant 0 : index
      %swap3A_38 = arith.constant 0 : index
      %swap3A_39 = vector.load %arg6[%swap3A_37, %swap3A_38] : memref<1024x2048xi32, #tpu.memory_space<vmem>>, vector<1024x2048xi32>
      tpu.vector_store %arg6[%swap3A_37, %swap3A_38], %add3A_23 {strides = array<i32>} : memref<1024x2048xi32, #tpu.memory_space<vmem>>, vector<1024x2048xi32>,
    } else {
    }
    %gt3A = arith.constant 0 : i32
    %gt3A_26 = arith.cmpi sgt, %arg1, %gt3A : i32
    %convert_element_type3A_27 = arith.extui %gt3A_26 : i1 to i32
    %cond3A_28 = arith.constant 0 : i32
    %cond3A_29 = arith.cmpi ne, %convert_element_type3A_27, %cond3A_28 : i32
    scf.if %cond3A_29 {
      %get3A_35 = arith.constant 0 : index
      %get3A_36 = arith.constant 0 : index
      %get3A_37 = vector.load %arg5[%get3A_35, %get3A_36] : memref<1024x2048xf32, #tpu.memory_space<vmem>>, vector<1024x2048xf32>
      %lt3A = arith.cmpf olt, %sub3A, %get3A_37 : vector<1024x2048xf32>
      %select_n3A = arith.select %lt3A, %sub3A, %get3A_37 : vector<1024x2048xi1>, vector<1024x2048xf32>
      %swap3A = arith.constant 0 : index
      %swap3A_38 = arith.constant 0 : index
      %swap3A_39 = vector.load %arg5[%swap3A, %swap3A_38] : memref<1024x2048xf32, #tpu.memory_space<vmem>>, vector<1024x2048xf32>
      tpu.vector_store %arg5[%swap3A, %swap3A_38], %select_n3A {strides = array<i32>} : memref<1024x2048xf32, #tpu.memory_space<vmem>>, vector<1024x2048xf32>,
      %get3A_40 = arith.constant 0 : index
      %get3A_41 = arith.constant 0 : index
      %get3A_42 = vector.load %arg6[%get3A_40, %get3A_41] : memref<1024x2048xi32, #tpu.memory_space<vmem>>, vector<1024x2048xi32>
      %select_n3A_43 = arith.select %lt3A, %add3A_23, %get3A_42 : vector<1024x2048xi1>, vector<1024x2048xi32>
      %swap3A_44 = arith.constant 0 : index
      %swap3A_45 = arith.constant 0 : index
      %swap3A_46 = vector.load %arg6[%swap3A_44, %swap3A_45] : memref<1024x2048xi32, #tpu.memory_space<vmem>>, vector<1024x2048xi32>
      tpu.vector_store %arg6[%swap3A_44, %swap3A_45], %select_n3A_43 {strides = array<i32>} : memref<1024x2048xi32, #tpu.memory_space<vmem>>, vector<1024x2048xi32>,
    } else {
    }
    %eq3A_30 = arith.constant 9 : i32
    %eq3A_31 = arith.cmpi eq, %arg1, %eq3A_30 : i32
    %convert_element_type3A_32 = arith.extui %eq3A_31 : i1 to i32
    %cond3A_33 = arith.constant 0 : i32
    %cond3A_34 = arith.cmpi ne, %convert_element_type3A_32, %cond3A_33 : i32
    scf.if %cond3A_34 {
      %get3A_35 = arith.constant 0 : index
      %get3A_36 = arith.constant 0 : index
      %get3A_37 = vector.load %arg5[%get3A_35, %get3A_36] : memref<1024x2048xf32, #tpu.memory_space<vmem>>, vector<1024x2048xf32>
      %jit3A = arith.constant 0.000000e+00 : f32
      %max3A = vector.broadcast %jit3A : f32 to vector<1024x2048xf32>
      %max3A_38 = arith.maximumf %max3A, %get3A_37 : vector<1024x2048xf32>
      %sqrt3A = math.sqrt %max3A_38 : vector<1024x2048xf32>
      %get3A_39 = arith.constant 0 : index
      %get3A_40 = arith.constant 0 : index
      %get3A_41 = vector.load %arg6[%get3A_39, %get3A_40] : memref<1024x2048xi32, #tpu.memory_space<vmem>>, vector<1024x2048xi32>
      %reduce_min3A = arith.constant dense<0x7F800000> : vector<1024xf32>
      %reduce_min3A_42 = vector.multi_reduction <minimumf>, %sqrt3A, %reduce_min3A [1] : vector<1024x2048xf32> to vector<1024xf32>
      %broadcast_in_dim3A_43 = vector.shape_cast %reduce_min3A_42 : vector<1024xf32> to vector<1024x1xf32>
      %eq3A_44 = vector.broadcast %broadcast_in_dim3A_43 : vector<1024x1xf32> to vector<1024x2048xf32>
      %eq3A_45 = arith.cmpf oeq, %sqrt3A, %eq3A_44 : vector<1024x2048xf32>
      %jit3A_46 = arith.constant 1073741824 : i32
      %broadcast_in_dim3A_47 = vector.broadcast %jit3A_46 : i32 to vector<1024x2048xi32>
      %select_n3A = arith.select %eq3A_45, %get3A_41, %broadcast_in_dim3A_47 : vector<1024x2048xi1>, vector<1024x2048xi32>
      %reduce_min3A_48 = arith.constant dense<2147483647> : vector<1024xi32>
      %reduce_min3A_49 = vector.multi_reduction <minsi>, %select_n3A, %reduce_min3A_48 [1] : vector<1024x2048xi32> to vector<1024xi32>
      %broadcast_in_dim3A_50 = vector.shape_cast %reduce_min3A_49 : vector<1024xi32> to vector<1x1024xi32>
      %swap3A = arith.constant 0 : index
      %swap3A_51 = arith.constant 0 : index
      %swap3A_52 = arith.constant 0 : index
      %swap3A_53 = vector.load %arg4[%swap3A, %swap3A_51, %swap3A_52] : memref<1x1x1024xi32, #tpu.memory_space<vmem>>, vector<1x1x1024xi32>
      %swap3A_54 = vector.shape_cast %swap3A_53 : vector<1x1x1024xi32> to vector<1x1024xi32>
      %swap3A_55 = vector.shape_cast %broadcast_in_dim3A_50 : vector<1x1024xi32> to vector<1x1x1024xi32>
      tpu.vector_store %arg4[%swap3A, %swap3A_51, %swap3A_52], %swap3A_55 {strides = array<i32>} : memref<1x1x1024xi32, #tpu.memory_space<vmem>>, vector<1x1x1024xi32>,
    } else {
    }
    return
  }
  func.func @transform_0(%arg0: i32, %arg1: i32) -> (i32, i32, i32) {
    %c0_i32 = arith.constant 0 : i32
    %c0_i32_0 = arith.constant 0 : i32
    %c0_i32_1 = arith.constant 0 : i32
    return %arg0, %c0_i32, %c0_i32_0 : i32, i32, i32
  }
  func.func @transform_1(%arg0: i32, %arg1: i32) -> (i32, i32, i32) {
    %c0_i32 = arith.constant 0 : i32
    %c0_i32_0 = arith.constant 0 : i32
    return %arg0, %c0_i32, %arg1 : i32, i32, i32
  }
  func.func @transform_2(%arg0: i32, %arg1: i32) -> (i32, i32, i32) {
    %c0_i32 = arith.constant 0 : i32
    %c0_i32_0 = arith.constant 0 : i32
    %c0_i32_1 = arith.constant 0 : i32
    return %arg0, %c0_i32, %c0_i32_0 : i32, i32, i32
  }
}

module attributes {stable_mosaic.version = 14 : i64} {
  func.func @_combine_body(%arg0: memref<2x1x1024xi32, #tpu.memory_space<vmem>>, %arg1: memref<2x10240x1xi32, #tpu.memory_space<vmem>>, %arg2: memref<1x4096xi32, #tpu.memory_space<vmem>>, %arg3: memref<1x4096xi32, #tpu.memory_space<vmem>>, %arg4: memref<1x4096xf32, #tpu.memory_space<vmem>>, %arg5: memref<4096x1xi32, #tpu.memory_space<vmem>>, %arg6: memref<4096x1xi32, #tpu.memory_space<vmem>>, %arg7: memref<4096x1xf32, #tpu.memory_space<vmem>>, %arg8: memref<1x4096xf32, #tpu.memory_space<vmem>>, %arg9: memref<1x1024xf32, #tpu.memory_space<vmem>>, %arg10: memref<1x1024xf32, #tpu.memory_space<vmem>>, %arg11: memref<1x128xf32, #tpu.memory_space<vmem>>, %arg12: memref<1x4096xf32, #tpu.memory_space<vmem>>, %arg13: memref<1x4096xf32, #tpu.memory_space<vmem>>, %arg14: memref<1x4096xf32, #tpu.memory_space<vmem>>, %arg15: memref<1x4096xf32, #tpu.memory_space<vmem>>, %arg16: memref<8x1024xf32, #tpu.memory_space<vmem>>, %arg17: memref<8x1024xf32, #tpu.memory_space<vmem>>) attributes {dimension_semantics = [], scalar_prefetch = 0 : i64, scratch_operands = 6 : i64, tpu.core_type = #tpu.core_type<tc>} {
    %get3A = arith.constant 0 : index
    %get3A_0 = arith.constant 0 : index
    %get3A_1 = arith.constant 0 : index
    %get3A_2 = vector.load %arg0[%get3A, %get3A_0, %get3A_1] : memref<2x1x1024xi32, #tpu.memory_space<vmem>>, vector<1x1x1024xi32>
    %get3A_3 = vector.shape_cast %get3A_2 : vector<1x1x1024xi32> to vector<1x1024xi32>
    %broadcast_in_dim3A = arith.constant 0.000000e+00 : f32
    %broadcast_in_dim3A_4 = vector.broadcast %broadcast_in_dim3A : f32 to vector<1x1024xf32>
    %scan3A = arith.constant 0 : i32
    %scan3A_5 = arith.constant 5 : i32
    %scan3A_6 = arith.addi %scan3A, %scan3A_5 : i32
    %scan3A_7 = arith.constant 1 : i32
    %scan3A_8 = scf.for %scan3A_246 = %scan3A to %scan3A_6 step %scan3A_7 iter_args(%scan3A_247 = %broadcast_in_dim3A_4) -> (vector<1x1024xf32>)  : i32 {
      %mul3A_248 = arith.constant 2048 : i32
      %mul3A_249 = arith.muli %scan3A_246, %mul3A_248 : i32
      %get3A_250 = arith.constant 0 : index
      %get3A_251 = arith.index_cast %mul3A_249 : i32 to index
      %get3A_252 = arith.constant 0 : index
      %get3A_253 = vector.load %arg1[%get3A_250, %get3A_251, %get3A_252] : memref<2x10240x1xi32, #tpu.memory_space<vmem>>, vector<1x2048x1xi32>
      %get3A_254 = vector.shape_cast %get3A_253 : vector<1x2048x1xi32> to vector<2048x1xi32>
      %eq3A_255 = vector.broadcast %get3A_3 : vector<1x1024xi32> to vector<2048x1024xi32>
      %eq3A_256 = vector.broadcast %get3A_254 : vector<2048x1xi32> to vector<2048x1024xi32>
      %eq3A_257 = arith.cmpi eq, %eq3A_255, %eq3A_256 : vector<2048x1024xi32>
      %jit3A_258 = arith.constant 1.000000e+00 : f32
      %jit3A_259 = arith.constant 0.000000e+00 : f32
      %broadcast_in_dim3A_260 = vector.broadcast %jit3A_258 : f32 to vector<2048x1024xf32>
      %broadcast_in_dim3A_261 = vector.broadcast %jit3A_259 : f32 to vector<2048x1024xf32>
      %select_n3A_262 = arith.select %eq3A_257, %broadcast_in_dim3A_260, %broadcast_in_dim3A_261 : vector<2048x1024xi1>, vector<2048x1024xf32>
      %reduce_max3A_263 = arith.constant dense<0xFF800000> : vector<1024xf32>
      %reduce_max3A_264 = vector.multi_reduction <maximumf>, %select_n3A_262, %reduce_max3A_263 [0] : vector<2048x1024xf32> to vector<1024xf32>
      %broadcast_in_dim3A_265 = vector.shape_cast %reduce_max3A_264 : vector<1024xf32> to vector<1x1024xf32>
      %max3A_266 = arith.maximumf %scan3A_247, %broadcast_in_dim3A_265 : vector<1x1024xf32>
      scf.yield %max3A_266 : vector<1x1024xf32>
    }
    %scan3A_9 = arith.constant 5 : i32
    %get3A_10 = arith.constant 1 : index
    %get3A_11 = arith.constant 0 : index
    %get3A_12 = arith.constant 0 : index
    %get3A_13 = vector.load %arg0[%get3A_10, %get3A_11, %get3A_12] : memref<2x1x1024xi32, #tpu.memory_space<vmem>>, vector<1x1x1024xi32>
    %get3A_14 = vector.shape_cast %get3A_13 : vector<1x1x1024xi32> to vector<1x1024xi32>
    %broadcast_in_dim3A_15 = arith.constant 0.000000e+00 : f32
    %broadcast_in_dim3A_16 = vector.broadcast %broadcast_in_dim3A_15 : f32 to vector<1x1024xf32>
    %scan3A_17 = arith.constant 0 : i32
    %scan3A_18 = arith.constant 5 : i32
    %scan3A_19 = arith.addi %scan3A_17, %scan3A_18 : i32
    %scan3A_20 = arith.constant 1 : i32
    %scan3A_21 = scf.for %scan3A_246 = %scan3A_17 to %scan3A_19 step %scan3A_20 iter_args(%scan3A_247 = %broadcast_in_dim3A_16) -> (vector<1x1024xf32>)  : i32 {
      %mul3A_248 = arith.constant 2048 : i32
      %mul3A_249 = arith.muli %scan3A_246, %mul3A_248 : i32
      %get3A_250 = arith.constant 1 : index
      %get3A_251 = arith.index_cast %mul3A_249 : i32 to index
      %get3A_252 = arith.constant 0 : index
      %get3A_253 = vector.load %arg1[%get3A_250, %get3A_251, %get3A_252] : memref<2x10240x1xi32, #tpu.memory_space<vmem>>, vector<1x2048x1xi32>
      %get3A_254 = vector.shape_cast %get3A_253 : vector<1x2048x1xi32> to vector<2048x1xi32>
      %eq3A_255 = vector.broadcast %get3A_14 : vector<1x1024xi32> to vector<2048x1024xi32>
      %eq3A_256 = vector.broadcast %get3A_254 : vector<2048x1xi32> to vector<2048x1024xi32>
      %eq3A_257 = arith.cmpi eq, %eq3A_255, %eq3A_256 : vector<2048x1024xi32>
      %jit3A_258 = arith.constant 1.000000e+00 : f32
      %jit3A_259 = arith.constant 0.000000e+00 : f32
      %broadcast_in_dim3A_260 = vector.broadcast %jit3A_258 : f32 to vector<2048x1024xf32>
      %broadcast_in_dim3A_261 = vector.broadcast %jit3A_259 : f32 to vector<2048x1024xf32>
      %select_n3A_262 = arith.select %eq3A_257, %broadcast_in_dim3A_260, %broadcast_in_dim3A_261 : vector<2048x1024xi1>, vector<2048x1024xf32>
      %reduce_max3A_263 = arith.constant dense<0xFF800000> : vector<1024xf32>
      %reduce_max3A_264 = vector.multi_reduction <maximumf>, %select_n3A_262, %reduce_max3A_263 [0] : vector<2048x1024xf32> to vector<1024xf32>
      %broadcast_in_dim3A_265 = vector.shape_cast %reduce_max3A_264 : vector<1024xf32> to vector<1x1024xf32>
      %max3A_266 = arith.maximumf %scan3A_247, %broadcast_in_dim3A_265 : vector<1x1024xf32>
      scf.yield %max3A_266 : vector<1x1024xf32>
    }
    %scan3A_22 = arith.constant 5 : i32
    %get3A_23 = arith.constant 0 : index
    %get3A_24 = arith.constant 0 : index
    %get3A_25 = vector.load %arg5[%get3A_23, %get3A_24] : memref<4096x1xi32, #tpu.memory_space<vmem>>, vector<4096x1xi32>
    %mul3A = arith.constant 1024 : i32
    %mul3A_26 = vector.broadcast %mul3A : i32 to vector<4096x1xi32>
    %mul3A_27 = arith.muli %get3A_25, %mul3A_26 : vector<4096x1xi32>
    %get3A_28 = arith.constant 0 : index
    %get3A_29 = arith.constant 0 : index
    %get3A_30 = vector.load %arg6[%get3A_28, %get3A_29] : memref<4096x1xi32, #tpu.memory_space<vmem>>, vector<4096x1xi32>
    %add3A = arith.addi %mul3A_27, %get3A_30 : vector<4096x1xi32>
    %get3A_31 = arith.constant 0 : index
    %get3A_32 = arith.constant 0 : index
    %get3A_33 = vector.load %arg7[%get3A_31, %get3A_32] : memref<4096x1xf32, #tpu.memory_space<vmem>>, vector<4096x1xf32>
    %iota3A = tpu.iota {dimensions = array<i32: 0>} : vector<4096x1xi32>
    %iota3A_34 = tpu.iota {dimensions = array<i32: 0>} : vector<1024x1xi32>
    %scan3A_35 = arith.constant 0 : i32
    %scan3A_36 = arith.constant 4 : i32
    %scan3A_37 = arith.addi %scan3A_35, %scan3A_36 : i32
    %scan3A_38 = arith.constant 1 : i32
    scf.for %scan3A_246 = %scan3A_35 to %scan3A_37 step %scan3A_38  : i32 {
      %mul3A_247 = arith.constant 1024 : i32
      %mul3A_248 = arith.muli %scan3A_246, %mul3A_247 : i32
      %get3A_249 = arith.constant 0 : index
      %get3A_250 = arith.index_cast %mul3A_248 : i32 to index
      %get3A_251 = vector.load %arg2[%get3A_249, %get3A_250] : memref<1x4096xi32, #tpu.memory_space<vmem>>, vector<1x1024xi32>
      %get3A_252 = arith.constant 0 : index
      %get3A_253 = arith.index_cast %mul3A_248 : i32 to index
      %get3A_254 = vector.load %arg3[%get3A_252, %get3A_253] : memref<1x4096xi32, #tpu.memory_space<vmem>>, vector<1x1024xi32>
      %mul3A_255 = arith.constant 1024 : i32
      %mul3A_256 = vector.broadcast %mul3A_255 : i32 to vector<1x1024xi32>
      %mul3A_257 = arith.muli %get3A_251, %mul3A_256 : vector<1x1024xi32>
      %add3A_258 = arith.addi %mul3A_257, %get3A_254 : vector<1x1024xi32>
      %mul3A_259 = arith.constant 1024 : i32
      %mul3A_260 = arith.muli %scan3A_246, %mul3A_259 : i32
      %iota3A_261 = tpu.iota {dimensions = array<i32: 1>} : vector<1x1024xi32>
      %add3A_262 = vector.broadcast %mul3A_260 : i32 to vector<1x1024xi32>
      %add3A_263 = arith.addi %add3A_262, %iota3A_261 : vector<1x1024xi32>
      %eq3A_264 = vector.broadcast %add3A : vector<4096x1xi32> to vector<4096x1024xi32>
      %eq3A_265 = vector.broadcast %add3A_258 : vector<1x1024xi32> to vector<4096x1024xi32>
      %eq3A_266 = arith.cmpi eq, %eq3A_264, %eq3A_265 : vector<4096x1024xi32>
      %gt3A_267 = vector.broadcast %iota3A : vector<4096x1xi32> to vector<4096x1024xi32>
      %gt3A_268 = vector.broadcast %add3A_263 : vector<1x1024xi32> to vector<4096x1024xi32>
      %gt3A_269 = arith.cmpi sgt, %gt3A_267, %gt3A_268 : vector<4096x1024xi32>
      %and3A = arith.andi %eq3A_266, %gt3A_269 : vector<4096x1024xi1>
      %jit3A_270 = arith.constant 1.000000e+00 : f32
      %jit3A_271 = arith.constant 0.000000e+00 : f32
      %broadcast_in_dim3A_272 = vector.broadcast %jit3A_270 : f32 to vector<4096x1024xf32>
      %broadcast_in_dim3A_273 = vector.broadcast %jit3A_271 : f32 to vector<4096x1024xf32>
      %select_n3A_274 = arith.select %and3A, %broadcast_in_dim3A_272, %broadcast_in_dim3A_273 : vector<4096x1024xi1>, vector<4096x1024xf32>
      %reduce_max3A_275 = arith.constant dense<0xFF800000> : vector<1024xf32>
      %reduce_max3A_276 = vector.multi_reduction <maximumf>, %select_n3A_274, %reduce_max3A_275 [0] : vector<4096x1024xf32> to vector<1024xf32>
      %broadcast_in_dim3A_277 = vector.shape_cast %reduce_max3A_276 : vector<1024xf32> to vector<1x1024xf32>
      %eq3A_278 = vector.broadcast %iota3A_34 : vector<1024x1xi32> to vector<1024x1024xi32>
      %eq3A_279 = vector.broadcast %get3A_251 : vector<1x1024xi32> to vector<1024x1024xi32>
      %eq3A_280 = arith.cmpi eq, %eq3A_278, %eq3A_279 : vector<1024x1024xi32>
      %jit3A_281 = arith.constant 1.000000e+00 : f32
      %jit3A_282 = arith.constant 0.000000e+00 : f32
      %broadcast_in_dim3A_283 = vector.broadcast %jit3A_281 : f32 to vector<1024x1024xf32>
      %broadcast_in_dim3A_284 = vector.broadcast %jit3A_282 : f32 to vector<1024x1024xf32>
      %select_n3A_285 = arith.select %eq3A_280, %broadcast_in_dim3A_283, %broadcast_in_dim3A_284 : vector<1024x1024xi1>, vector<1024x1024xf32>
      %eq3A_286 = vector.broadcast %iota3A_34 : vector<1024x1xi32> to vector<1024x1024xi32>
      %eq3A_287 = vector.broadcast %get3A_254 : vector<1x1024xi32> to vector<1024x1024xi32>
      %eq3A_288 = arith.cmpi eq, %eq3A_286, %eq3A_287 : vector<1024x1024xi32>
      %jit3A_289 = arith.constant 1.000000e+00 : f32
      %jit3A_290 = arith.constant 0.000000e+00 : f32
      %broadcast_in_dim3A_291 = vector.broadcast %jit3A_289 : f32 to vector<1024x1024xf32>
      %broadcast_in_dim3A_292 = vector.broadcast %jit3A_290 : f32 to vector<1024x1024xf32>
      %select_n3A_293 = arith.select %eq3A_288, %broadcast_in_dim3A_291, %broadcast_in_dim3A_292 : vector<1024x1024xi1>, vector<1024x1024xf32>
      %dot_general3A = arith.constant dense<0.000000e+00> : vector<1x1024xf32>
      %dot_general3A_294 = tpu.matmul %scan3A_21, %select_n3A_285, %dot_general3A {dimension_numbers = #tpu.dot_dimension_numbers<[1], [0], [0], [1], [0, 0, 1, 1], [], []>, transpose_lhs_hint = false} : vector<1x1024xf32>, vector<1024x1024xf32>, vector<1x1024xf32> -> vector<1x1024xf32>
      %dot_general3A_295 = arith.constant dense<0.000000e+00> : vector<1x1024xf32>
      %dot_general3A_296 = tpu.matmul %scan3A_8, %select_n3A_293, %dot_general3A_295 {dimension_numbers = #tpu.dot_dimension_numbers<[1], [0], [0], [1], [0, 0, 1, 1], [], []>, transpose_lhs_hint = false} : vector<1x1024xf32>, vector<1024x1024xf32>, vector<1x1024xf32> -> vector<1x1024xf32>
      %gt3A_297 = arith.constant 5.000000e-01 : f32
      %gt3A_298 = vector.broadcast %gt3A_297 : f32 to vector<1x1024xf32>
      %gt3A_299 = arith.cmpf ogt, %dot_general3A_294, %gt3A_298 : vector<1x1024xf32>
      %gt3A_300 = arith.constant 5.000000e-01 : f32
      %gt3A_301 = vector.broadcast %gt3A_300 : f32 to vector<1x1024xf32>
      %gt3A_302 = arith.cmpf ogt, %dot_general3A_296, %gt3A_301 : vector<1x1024xf32>
      %and3A_303 = arith.andi %gt3A_299, %gt3A_302 : vector<1x1024xi1>
      %lt3A = arith.constant 5.000000e-01 : f32
      %lt3A_304 = vector.broadcast %lt3A : f32 to vector<1x1024xf32>
      %lt3A_305 = arith.cmpf olt, %broadcast_in_dim3A_277, %lt3A_304 : vector<1x1024xf32>
      %and3A_306 = arith.andi %and3A_303, %lt3A_305 : vector<1x1024xi1>
      %jit3A_307 = arith.constant 1.000000e+00 : f32
      %jit3A_308 = arith.constant 0.000000e+00 : f32
      %broadcast_in_dim3A_309 = vector.broadcast %jit3A_307 : f32 to vector<1x1024xf32>
      %broadcast_in_dim3A_310 = vector.broadcast %jit3A_308 : f32 to vector<1x1024xf32>
      %select_n3A_311 = arith.select %and3A_306, %broadcast_in_dim3A_309, %broadcast_in_dim3A_310 : vector<1x1024xi1>, vector<1x1024xf32>
      %swap3A_312 = arith.constant 0 : index
      %swap3A_313 = arith.index_cast %mul3A_248 : i32 to index
      %swap3A_314 = vector.load %arg12[%swap3A_312, %swap3A_313] : memref<1x4096xf32, #tpu.memory_space<vmem>>, vector<1x1024xf32>
      tpu.vector_store %arg12[%swap3A_312, %swap3A_313], %select_n3A_311 {strides = array<i32>} : memref<1x4096xf32, #tpu.memory_space<vmem>>, vector<1x1024xf32>,
    }
    %scan3A_39 = arith.constant 4 : i32
    %get3A_40 = arith.constant 0 : index
    %get3A_41 = arith.constant 0 : index
    %get3A_42 = vector.load %arg12[%get3A_40, %get3A_41] : memref<1x4096xf32, #tpu.memory_space<vmem>>, vector<1x4096xf32>
    %reduce_sum3A = vector.shape_cast %get3A_42 : vector<1x4096xf32> to vector<1x1x4096xf32>
    %reduce_sum3A_43 = arith.constant dense<0.000000e+00> : vector<1xf32>
    %reduce_sum3A_44 = vector.multi_reduction <add>, %reduce_sum3A, %reduce_sum3A_43 [1, 2] : vector<1x1x4096xf32> to vector<1xf32>
    %reduce_sum3A_45 = vector.shape_cast %reduce_sum3A_44 : vector<1xf32> to vector<1x1x1xf32>
    %reduce_sum3A_46 = vector.extract %reduce_sum3A_45[0, 0, 0] : f32 from vector<1x1x1xf32>
    %scan3A_47 = arith.constant 0 : i32
    %scan3A_48 = arith.constant 4 : i32
    %scan3A_49 = arith.addi %scan3A_47, %scan3A_48 : i32
    %scan3A_50 = arith.constant 1 : i32
    scf.for %scan3A_246 = %scan3A_47 to %scan3A_49 step %scan3A_50  : i32 {
      %mul3A_247 = arith.constant 1024 : i32
      %mul3A_248 = arith.muli %scan3A_246, %mul3A_247 : i32
      %get3A_249 = arith.constant 0 : index
      %get3A_250 = arith.index_cast %mul3A_248 : i32 to index
      %get3A_251 = vector.load %arg4[%get3A_249, %get3A_250] : memref<1x4096xf32, #tpu.memory_space<vmem>>, vector<1x1024xf32>
      %get3A_252 = arith.constant 0 : index
      %get3A_253 = arith.index_cast %mul3A_248 : i32 to index
      %get3A_254 = vector.load %arg2[%get3A_252, %get3A_253] : memref<1x4096xi32, #tpu.memory_space<vmem>>, vector<1x1024xi32>
      %mul3A_255 = arith.constant 1024 : i32
      %mul3A_256 = vector.broadcast %mul3A_255 : i32 to vector<1x1024xi32>
      %mul3A_257 = arith.muli %get3A_254, %mul3A_256 : vector<1x1024xi32>
      %get3A_258 = arith.constant 0 : index
      %get3A_259 = arith.index_cast %mul3A_248 : i32 to index
      %get3A_260 = vector.load %arg3[%get3A_258, %get3A_259] : memref<1x4096xi32, #tpu.memory_space<vmem>>, vector<1x1024xi32>
      %add3A_261 = arith.addi %mul3A_257, %get3A_260 : vector<1x1024xi32>
      %gt3A_262 = vector.broadcast %get3A_33 : vector<4096x1xf32> to vector<4096x1024xf32>
      %gt3A_263 = vector.broadcast %get3A_251 : vector<1x1024xf32> to vector<4096x1024xf32>
      %gt3A_264 = arith.cmpf ogt, %gt3A_262, %gt3A_263 : vector<4096x1024xf32>
      %eq3A_265 = vector.broadcast %get3A_33 : vector<4096x1xf32> to vector<4096x1024xf32>
      %eq3A_266 = vector.broadcast %get3A_251 : vector<1x1024xf32> to vector<4096x1024xf32>
      %eq3A_267 = arith.cmpf oeq, %eq3A_265, %eq3A_266 : vector<4096x1024xf32>
      %lt3A = vector.broadcast %add3A : vector<4096x1xi32> to vector<4096x1024xi32>
      %lt3A_268 = vector.broadcast %add3A_261 : vector<1x1024xi32> to vector<4096x1024xi32>
      %lt3A_269 = arith.cmpi slt, %lt3A, %lt3A_268 : vector<4096x1024xi32>
      %and3A = arith.andi %eq3A_267, %lt3A_269 : vector<4096x1024xi1>
      %or3A = arith.ori %gt3A_264, %and3A : vector<4096x1024xi1>
      %jit3A_270 = arith.constant 1.000000e+00 : f32
      %jit3A_271 = arith.constant 0.000000e+00 : f32
      %broadcast_in_dim3A_272 = vector.broadcast %jit3A_270 : f32 to vector<4096x1024xf32>
      %broadcast_in_dim3A_273 = vector.broadcast %jit3A_271 : f32 to vector<4096x1024xf32>
      %select_n3A_274 = arith.select %or3A, %broadcast_in_dim3A_272, %broadcast_in_dim3A_273 : vector<4096x1024xi1>, vector<4096x1024xf32>
      %dot_general3A = arith.constant dense<0.000000e+00> : vector<1x1024xf32>
      %dot_general3A_275 = tpu.matmul %get3A_42, %select_n3A_274, %dot_general3A {dimension_numbers = #tpu.dot_dimension_numbers<[1], [0], [0], [1], [0, 0, 1, 1], [], []>, transpose_lhs_hint = false} : vector<1x4096xf32>, vector<4096x1024xf32>, vector<1x1024xf32> -> vector<1x1024xf32>
      %get3A_276 = arith.constant 0 : index
      %get3A_277 = arith.index_cast %mul3A_248 : i32 to index
      %get3A_278 = vector.load %arg12[%get3A_276, %get3A_277] : memref<1x4096xf32, #tpu.memory_space<vmem>>, vector<1x1024xf32>
      %gt3A_279 = arith.constant 5.000000e-01 : f32
      %gt3A_280 = vector.broadcast %gt3A_279 : f32 to vector<1x1024xf32>
      %gt3A_281 = arith.cmpf ogt, %get3A_278, %gt3A_280 : vector<1x1024xf32>
      %le3A = arith.constant 2.560000e+02 : f32
      %le3A_282 = arith.cmpf ole, %reduce_sum3A_46, %le3A : f32
      %lt3A_283 = arith.constant 2.560000e+02 : f32
      %lt3A_284 = vector.broadcast %lt3A_283 : f32 to vector<1x1024xf32>
      %lt3A_285 = arith.cmpf olt, %dot_general3A_275, %lt3A_284 : vector<1x1024xf32>
      %or3A_286 = vector.broadcast %le3A_282 : i1 to vector<1x1024xi1>
      %or3A_287 = arith.ori %or3A_286, %lt3A_285 : vector<1x1024xi1>
      %and3A_288 = arith.andi %gt3A_281, %or3A_287 : vector<1x1024xi1>
      %jit3A_289 = arith.constant 1.000000e+00 : f32
      %jit3A_290 = arith.constant 0.000000e+00 : f32
      %broadcast_in_dim3A_291 = vector.broadcast %jit3A_289 : f32 to vector<1x1024xf32>
      %broadcast_in_dim3A_292 = vector.broadcast %jit3A_290 : f32 to vector<1x1024xf32>
      %select_n3A_293 = arith.select %and3A_288, %broadcast_in_dim3A_291, %broadcast_in_dim3A_292 : vector<1x1024xi1>, vector<1x1024xf32>
      %swap3A_294 = arith.constant 0 : index
      %swap3A_295 = arith.index_cast %mul3A_248 : i32 to index
      %swap3A_296 = vector.load %arg13[%swap3A_294, %swap3A_295] : memref<1x4096xf32, #tpu.memory_space<vmem>>, vector<1x1024xf32>
      tpu.vector_store %arg13[%swap3A_294, %swap3A_295], %select_n3A_293 {strides = array<i32>} : memref<1x4096xf32, #tpu.memory_space<vmem>>, vector<1x1024xf32>,
    }
    %scan3A_51 = arith.constant 4 : i32
    %iota3A_52 = tpu.iota {dimensions = array<i32: 1>} : vector<1x1024xi32>
    %get3A_53 = arith.constant 0 : index
    %get3A_54 = arith.constant 0 : index
    %get3A_55 = vector.load %arg8[%get3A_53, %get3A_54] : memref<1x4096xf32, #tpu.memory_space<vmem>>, vector<1x4096xf32>
    %mul3A_56 = arith.constant 2.000000e+00 : f32
    %mul3A_57 = vector.broadcast %mul3A_56 : f32 to vector<1x4096xf32>
    %mul3A_58 = arith.mulf %mul3A_57, %get3A_55 : vector<1x4096xf32>
    %sub3A = arith.constant 2.000000e+00 : f32
    %sub3A_59 = vector.broadcast %sub3A : f32 to vector<1x4096xf32>
    %sub3A_60 = arith.subf %sub3A_59, %mul3A_58 : vector<1x4096xf32>
    %jit3A = arith.constant 0.000000e+00 : f32
    %max3A = vector.broadcast %jit3A : f32 to vector<1x4096xf32>
    %max3A_61 = arith.maximumf %max3A, %sub3A_60 : vector<1x4096xf32>
    %sqrt3A = math.sqrt %max3A_61 : vector<1x4096xf32>
    %sub3A_62 = arith.constant 1.000000e-01 : f32
    %sub3A_63 = vector.broadcast %sub3A_62 : f32 to vector<1x4096xf32>
    %sub3A_64 = arith.subf %sqrt3A, %sub3A_63 : vector<1x4096xf32>
    %max3A_65 = arith.constant 0.000000e+00 : f32
    %max3A_66 = vector.broadcast %max3A_65 : f32 to vector<1x4096xf32>
    %max3A_67 = arith.maximumf %sub3A_64, %max3A_66 : vector<1x4096xf32>
    %integer_pow3A = arith.mulf %max3A_67, %max3A_67 : vector<1x4096xf32>
    %mul3A_68 = arith.constant 2.400000e+01 : f32
    %mul3A_69 = vector.broadcast %mul3A_68 : f32 to vector<1x4096xf32>
    %mul3A_70 = arith.mulf %mul3A_69, %integer_pow3A : vector<1x4096xf32>
    %swap3A = arith.constant 0 : index
    %swap3A_71 = arith.constant 0 : index
    %swap3A_72 = vector.load %arg14[%swap3A, %swap3A_71] : memref<1x4096xf32, #tpu.memory_space<vmem>>, vector<1x4096xf32>
    tpu.vector_store %arg14[%swap3A, %swap3A_71], %mul3A_70 {strides = array<i32>} : memref<1x4096xf32, #tpu.memory_space<vmem>>, vector<1x4096xf32>,
    %sub3A_73 = arith.constant 1.400000e+00 : f32
    %sub3A_74 = vector.broadcast %sub3A_73 : f32 to vector<1x4096xf32>
    %sub3A_75 = arith.subf %sub3A_74, %sqrt3A : vector<1x4096xf32>
    %max3A_76 = arith.constant 0.000000e+00 : f32
    %max3A_77 = vector.broadcast %max3A_76 : f32 to vector<1x4096xf32>
    %max3A_78 = arith.maximumf %sub3A_75, %max3A_77 : vector<1x4096xf32>
    %integer_pow3A_79 = arith.mulf %max3A_78, %max3A_78 : vector<1x4096xf32>
    %mul3A_80 = arith.constant 2.400000e+01 : f32
    %mul3A_81 = vector.broadcast %mul3A_80 : f32 to vector<1x4096xf32>
    %mul3A_82 = arith.mulf %mul3A_81, %integer_pow3A_79 : vector<1x4096xf32>
    %swap3A_83 = arith.constant 0 : index
    %swap3A_84 = arith.constant 0 : index
    %swap3A_85 = vector.load %arg15[%swap3A_83, %swap3A_84] : memref<1x4096xf32, #tpu.memory_space<vmem>>, vector<1x4096xf32>
    tpu.vector_store %arg15[%swap3A_83, %swap3A_84], %mul3A_82 {strides = array<i32>} : memref<1x4096xf32, #tpu.memory_space<vmem>>, vector<1x4096xf32>,
    %get3A_86 = arith.constant 0 : index
    %get3A_87 = arith.constant 0 : index
    %get3A_88 = vector.load %arg13[%get3A_86, %get3A_87] : memref<1x4096xf32, #tpu.memory_space<vmem>>, vector<1x4096xf32>
    %get3A_89 = arith.constant 0 : index
    %get3A_90 = arith.constant 0 : index
    %get3A_91 = vector.load %arg14[%get3A_89, %get3A_90] : memref<1x4096xf32, #tpu.memory_space<vmem>>, vector<1x4096xf32>
    %gt3A = arith.constant 5.000000e-01 : f32
    %gt3A_92 = vector.broadcast %gt3A : f32 to vector<1x4096xf32>
    %gt3A_93 = arith.cmpf ogt, %get3A_88, %gt3A_92 : vector<1x4096xf32>
    %jit3A_94 = arith.constant 0.000000e+00 : f32
    %broadcast_in_dim3A_95 = vector.broadcast %jit3A_94 : f32 to vector<1x4096xf32>
    %select_n3A = arith.select %gt3A_93, %get3A_91, %broadcast_in_dim3A_95 : vector<1x4096xi1>, vector<1x4096xf32>
    %reduce_max3A = vector.shape_cast %select_n3A : vector<1x4096xf32> to vector<1x1x4096xf32>
    %reduce_max3A_96 = arith.constant dense<0xFF800000> : vector<1xf32>
    %reduce_max3A_97 = vector.multi_reduction <maximumf>, %reduce_max3A, %reduce_max3A_96 [1, 2] : vector<1x1x4096xf32> to vector<1xf32>
    %reduce_max3A_98 = vector.shape_cast %reduce_max3A_97 : vector<1xf32> to vector<1x1x1xf32>
    %reduce_max3A_99 = vector.extract %reduce_max3A_98[0, 0, 0] : f32 from vector<1x1x1xf32>
    %broadcast_in_dim3A_100 = arith.constant 0.000000e+00 : f32
    %broadcast_in_dim3A_101 = vector.broadcast %broadcast_in_dim3A_100 : f32 to vector<8x1024xf32>
    %swap3A_102 = arith.constant 0 : index
    %swap3A_103 = arith.constant 0 : index
    %swap3A_104 = vector.load %arg16[%swap3A_102, %swap3A_103] : memref<8x1024xf32, #tpu.memory_space<vmem>>, vector<8x1024xf32>
    tpu.vector_store %arg16[%swap3A_102, %swap3A_103], %broadcast_in_dim3A_101 {strides = array<i32>} : memref<8x1024xf32, #tpu.memory_space<vmem>>, vector<8x1024xf32>,
    %broadcast_in_dim3A_105 = arith.constant 0.000000e+00 : f32
    %broadcast_in_dim3A_106 = vector.broadcast %broadcast_in_dim3A_105 : f32 to vector<8x1024xf32>
    %swap3A_107 = arith.constant 0 : index
    %swap3A_108 = arith.constant 0 : index
    %swap3A_109 = vector.load %arg17[%swap3A_107, %swap3A_108] : memref<8x1024xf32, #tpu.memory_space<vmem>>, vector<8x1024xf32>
    tpu.vector_store %arg17[%swap3A_107, %swap3A_108], %broadcast_in_dim3A_106 {strides = array<i32>} : memref<8x1024xf32, #tpu.memory_space<vmem>>, vector<8x1024xf32>,
    %scan3A_110 = arith.constant 0 : i32
    %scan3A_111 = arith.constant 8 : i32
    %scan3A_112 = arith.addi %scan3A_110, %scan3A_111 : i32
    %scan3A_113 = arith.constant 1 : i32
    scf.for %scan3A_246 = %scan3A_110 to %scan3A_112 step %scan3A_113  : i32 {
      %mul3A_247 = arith.constant 512 : i32
      %mul3A_248 = arith.muli %scan3A_246, %mul3A_247 : i32
      %get3A_249 = arith.constant 0 : index
      %get3A_250 = arith.index_cast %mul3A_248 : i32 to index
      %get3A_251 = vector.load %arg13[%get3A_249, %get3A_250] : memref<1x4096xf32, #tpu.memory_space<vmem>>, vector<1x512xf32>
      %get3A_252 = arith.constant 0 : index
      %get3A_253 = arith.index_cast %mul3A_248 : i32 to index
      %get3A_254 = vector.load %arg14[%get3A_252, %get3A_253] : memref<1x4096xf32, #tpu.memory_space<vmem>>, vector<1x512xf32>
      %get3A_255 = arith.constant 0 : index
      %get3A_256 = arith.index_cast %mul3A_248 : i32 to index
      %get3A_257 = vector.load %arg15[%get3A_255, %get3A_256] : memref<1x4096xf32, #tpu.memory_space<vmem>>, vector<1x512xf32>
      %gt3A_258 = arith.constant 5.000000e-01 : f32
      %gt3A_259 = vector.broadcast %gt3A_258 : f32 to vector<1x512xf32>
      %gt3A_260 = arith.cmpf ogt, %get3A_251, %gt3A_259 : vector<1x512xf32>
      %sub3A_261 = vector.broadcast %reduce_max3A_99 : f32 to vector<1x512xf32>
      %sub3A_262 = arith.subf %get3A_254, %sub3A_261 : vector<1x512xf32>
      %jit3A_263 = arith.constant -1.000000e+30 : f32
      %broadcast_in_dim3A_264 = vector.broadcast %jit3A_263 : f32 to vector<1x512xf32>
      %select_n3A_265 = arith.select %gt3A_260, %sub3A_262, %broadcast_in_dim3A_264 : vector<1x512xi1>, vector<1x512xf32>
      %exp3A_266 = math.exp %select_n3A_265 : vector<1x512xf32>
      %exp3A_267 = math.exp %get3A_257 : vector<1x512xf32>
      %mul3A_268 = arith.mulf %get3A_251, %exp3A_267 : vector<1x512xf32>
      %broadcast_in_dim3A_269 = arith.constant 0.000000e+00 : f32
      %broadcast_in_dim3A_270 = vector.broadcast %broadcast_in_dim3A_269 : f32 to vector<5x512xf32>
      %concatenate3A = tpu.concatenate %get3A_251, %exp3A_266, %mul3A_268, %broadcast_in_dim3A_270 in 0 : vector<1x512xf32>, vector<1x512xf32>, vector<1x512xf32>, vector<5x512xf32> -> vector<8x512xf32>
      %get3A_271 = arith.index_cast %mul3A_248 : i32 to index
      %get3A_272 = arith.constant 0 : index
      %get3A_273 = vector.load %arg5[%get3A_271, %get3A_272] : memref<4096x1xi32, #tpu.memory_space<vmem>>, vector<512x1xi32>
      %get3A_274 = arith.index_cast %mul3A_248 : i32 to index
      %get3A_275 = arith.constant 0 : index
      %get3A_276 = vector.load %arg6[%get3A_274, %get3A_275] : memref<4096x1xi32, #tpu.memory_space<vmem>>, vector<512x1xi32>
      %eq3A_277 = vector.broadcast %get3A_273 : vector<512x1xi32> to vector<512x1024xi32>
      %eq3A_278 = vector.broadcast %iota3A_52 : vector<1x1024xi32> to vector<512x1024xi32>
      %eq3A_279 = arith.cmpi eq, %eq3A_277, %eq3A_278 : vector<512x1024xi32>
      %jit3A_280 = arith.constant 1.000000e+00 : f32
      %jit3A_281 = arith.constant 0.000000e+00 : f32
      %broadcast_in_dim3A_282 = vector.broadcast %jit3A_280 : f32 to vector<512x1024xf32>
      %broadcast_in_dim3A_283 = vector.broadcast %jit3A_281 : f32 to vector<512x1024xf32>
      %select_n3A_284 = arith.select %eq3A_279, %broadcast_in_dim3A_282, %broadcast_in_dim3A_283 : vector<512x1024xi1>, vector<512x1024xf32>
      %eq3A_285 = vector.broadcast %get3A_276 : vector<512x1xi32> to vector<512x1024xi32>
      %eq3A_286 = vector.broadcast %iota3A_52 : vector<1x1024xi32> to vector<512x1024xi32>
      %eq3A_287 = arith.cmpi eq, %eq3A_285, %eq3A_286 : vector<512x1024xi32>
      %jit3A_288 = arith.constant 1.000000e+00 : f32
      %jit3A_289 = arith.constant 0.000000e+00 : f32
      %broadcast_in_dim3A_290 = vector.broadcast %jit3A_288 : f32 to vector<512x1024xf32>
      %broadcast_in_dim3A_291 = vector.broadcast %jit3A_289 : f32 to vector<512x1024xf32>
      %select_n3A_292 = arith.select %eq3A_287, %broadcast_in_dim3A_290, %broadcast_in_dim3A_291 : vector<512x1024xi1>, vector<512x1024xf32>
      %get3A_293 = arith.constant 0 : index
      %get3A_294 = arith.constant 0 : index
      %get3A_295 = vector.load %arg16[%get3A_293, %get3A_294] : memref<8x1024xf32, #tpu.memory_space<vmem>>, vector<8x1024xf32>
      %dot_general3A = arith.constant dense<0.000000e+00> : vector<8x1024xf32>
      %dot_general3A_296 = tpu.matmul %concatenate3A, %select_n3A_284, %dot_general3A {dimension_numbers = #tpu.dot_dimension_numbers<[1], [0], [0], [1], [0, 0, 1, 1], [], []>, precision = #tpu.contract_precision<fp32>, transpose_lhs_hint = false} : vector<8x512xf32>, vector<512x1024xf32>, vector<8x1024xf32> -> vector<8x1024xf32>
      %add3A_297 = arith.addf %get3A_295, %dot_general3A_296 : vector<8x1024xf32>
      %swap3A_298 = arith.constant 0 : index
      %swap3A_299 = arith.constant 0 : index
      %swap3A_300 = vector.load %arg16[%swap3A_298, %swap3A_299] : memref<8x1024xf32, #tpu.memory_space<vmem>>, vector<8x1024xf32>
      tpu.vector_store %arg16[%swap3A_298, %swap3A_299], %add3A_297 {strides = array<i32>} : memref<8x1024xf32, #tpu.memory_space<vmem>>, vector<8x1024xf32>,
      %get3A_301 = arith.constant 0 : index
      %get3A_302 = arith.constant 0 : index
      %get3A_303 = vector.load %arg17[%get3A_301, %get3A_302] : memref<8x1024xf32, #tpu.memory_space<vmem>>, vector<8x1024xf32>
      %dot_general3A_304 = arith.constant dense<0.000000e+00> : vector<8x1024xf32>
      %dot_general3A_305 = tpu.matmul %concatenate3A, %select_n3A_292, %dot_general3A_304 {dimension_numbers = #tpu.dot_dimension_numbers<[1], [0], [0], [1], [0, 0, 1, 1], [], []>, precision = #tpu.contract_precision<fp32>, transpose_lhs_hint = false} : vector<8x512xf32>, vector<512x1024xf32>, vector<8x1024xf32> -> vector<8x1024xf32>
      %add3A_306 = arith.addf %get3A_303, %dot_general3A_305 : vector<8x1024xf32>
      %swap3A_307 = arith.constant 0 : index
      %swap3A_308 = arith.constant 0 : index
      %swap3A_309 = vector.load %arg17[%swap3A_307, %swap3A_308] : memref<8x1024xf32, #tpu.memory_space<vmem>>, vector<8x1024xf32>
      tpu.vector_store %arg17[%swap3A_307, %swap3A_308], %add3A_306 {strides = array<i32>} : memref<8x1024xf32, #tpu.memory_space<vmem>>, vector<8x1024xf32>,
    }
    %scan3A_114 = arith.constant 8 : i32
    %get3A_115 = arith.constant 0 : index
    %get3A_116 = arith.constant 0 : index
    %get3A_117 = vector.load %arg16[%get3A_115, %get3A_116] : memref<8x1024xf32, #tpu.memory_space<vmem>>, vector<1x1024xf32>
    %get3A_118 = arith.constant 1 : index
    %get3A_119 = arith.constant 0 : index
    %get3A_120 = vector.load %arg16[%get3A_118, %get3A_119] : memref<8x1024xf32, #tpu.memory_space<vmem>>, vector<1x1024xf32>
    %get3A_121 = arith.constant 2 : index
    %get3A_122 = arith.constant 0 : index
    %get3A_123 = vector.load %arg16[%get3A_121, %get3A_122] : memref<8x1024xf32, #tpu.memory_space<vmem>>, vector<1x1024xf32>
    %get3A_124 = arith.constant 0 : index
    %get3A_125 = arith.constant 0 : index
    %get3A_126 = vector.load %arg17[%get3A_124, %get3A_125] : memref<8x1024xf32, #tpu.memory_space<vmem>>, vector<1x1024xf32>
    %get3A_127 = arith.constant 1 : index
    %get3A_128 = arith.constant 0 : index
    %get3A_129 = vector.load %arg17[%get3A_127, %get3A_128] : memref<8x1024xf32, #tpu.memory_space<vmem>>, vector<1x1024xf32>
    %get3A_130 = arith.constant 2 : index
    %get3A_131 = arith.constant 0 : index
    %get3A_132 = vector.load %arg17[%get3A_130, %get3A_131] : memref<8x1024xf32, #tpu.memory_space<vmem>>, vector<1x1024xf32>
    %get3A_133 = arith.constant 0 : index
    %get3A_134 = arith.constant 0 : index
    %get3A_135 = vector.load %arg9[%get3A_133, %get3A_134] : memref<1x1024xf32, #tpu.memory_space<vmem>>, vector<1x1024xf32>
    %get3A_136 = arith.constant 0 : index
    %get3A_137 = arith.constant 0 : index
    %get3A_138 = vector.load %arg10[%get3A_136, %get3A_137] : memref<1x1024xf32, #tpu.memory_space<vmem>>, vector<1x1024xf32>
    %neg3A = arith.constant 0.000000e+00 : f32
    %neg3A_139 = arith.subf %neg3A, %reduce_max3A_99 : f32
    %exp3A = math.exp %neg3A_139 : f32
    %sub3A_140 = arith.subf %get3A_135, %get3A_123 : vector<1x1024xf32>
    %add3A_141 = arith.addf %sub3A_140, %get3A_117 : vector<1x1024xf32>
    %log3A = math.log %add3A_141 : vector<1x1024xf32>
    %sub3A_142 = arith.constant 1.024000e+03 : f32
    %sub3A_143 = vector.broadcast %sub3A_142 : f32 to vector<1x1024xf32>
    %sub3A_144 = arith.subf %sub3A_143, %get3A_117 : vector<1x1024xf32>
    %mul3A_145 = vector.broadcast %exp3A : f32 to vector<1x1024xf32>
    %mul3A_146 = arith.mulf %sub3A_144, %mul3A_145 : vector<1x1024xf32>
    %add3A_147 = arith.addf %mul3A_146, %get3A_120 : vector<1x1024xf32>
    %log3A_148 = math.log %add3A_147 : vector<1x1024xf32>
    %add3A_149 = vector.broadcast %reduce_max3A_99 : f32 to vector<1x1024xf32>
    %add3A_150 = arith.addf %add3A_149, %log3A_148 : vector<1x1024xf32>
    %sub3A_151 = arith.subf %get3A_138, %get3A_132 : vector<1x1024xf32>
    %add3A_152 = arith.addf %sub3A_151, %get3A_126 : vector<1x1024xf32>
    %log3A_153 = math.log %add3A_152 : vector<1x1024xf32>
    %sub3A_154 = arith.constant 1.024000e+03 : f32
    %sub3A_155 = vector.broadcast %sub3A_154 : f32 to vector<1x1024xf32>
    %sub3A_156 = arith.subf %sub3A_155, %get3A_126 : vector<1x1024xf32>
    %mul3A_157 = vector.broadcast %exp3A : f32 to vector<1x1024xf32>
    %mul3A_158 = arith.mulf %sub3A_156, %mul3A_157 : vector<1x1024xf32>
    %add3A_159 = arith.addf %mul3A_158, %get3A_129 : vector<1x1024xf32>
    %log3A_160 = math.log %add3A_159 : vector<1x1024xf32>
    %add3A_161 = vector.broadcast %reduce_max3A_99 : f32 to vector<1x1024xf32>
    %add3A_162 = arith.addf %add3A_161, %log3A_160 : vector<1x1024xf32>
    %add3A_163 = arith.addf %add3A_150, %log3A : vector<1x1024xf32>
    %max3A_164 = arith.constant 0.000000e+00 : f32
    %max3A_165 = vector.broadcast %max3A_164 : f32 to vector<1x1024xf32>
    %max3A_166 = arith.maximumf %add3A_163, %max3A_165 : vector<1x1024xf32>
    %abs3A = math.absf %add3A_163 : vector<1x1024xf32>
    %neg3A_167 = arith.constant 0.000000e+00 : f32
    %neg3A_168 = vector.broadcast %neg3A_167 : f32 to vector<1x1024xf32>
    %neg3A_169 = arith.subf %neg3A_168, %abs3A : vector<1x1024xf32>
    %exp3A_170 = math.exp %neg3A_169 : vector<1x1024xf32>
    %add3A_171 = arith.constant 1.000000e+00 : f32
    %add3A_172 = vector.broadcast %add3A_171 : f32 to vector<1x1024xf32>
    %add3A_173 = arith.addf %add3A_172, %exp3A_170 : vector<1x1024xf32>
    %log3A_174 = math.log %add3A_173 : vector<1x1024xf32>
    %add3A_175 = arith.addf %max3A_166, %log3A_174 : vector<1x1024xf32>
    %div3A = arith.constant 2.400000e+01 : f32
    %div3A_176 = vector.broadcast %div3A : f32 to vector<1x1024xf32>
    %div3A_177 = arith.divf %add3A_175, %div3A_176 : vector<1x1024xf32>
    %add3A_178 = arith.addf %add3A_162, %log3A_153 : vector<1x1024xf32>
    %max3A_179 = arith.constant 0.000000e+00 : f32
    %max3A_180 = vector.broadcast %max3A_179 : f32 to vector<1x1024xf32>
    %max3A_181 = arith.maximumf %add3A_178, %max3A_180 : vector<1x1024xf32>
    %abs3A_182 = math.absf %add3A_178 : vector<1x1024xf32>
    %neg3A_183 = arith.constant 0.000000e+00 : f32
    %neg3A_184 = vector.broadcast %neg3A_183 : f32 to vector<1x1024xf32>
    %neg3A_185 = arith.subf %neg3A_184, %abs3A_182 : vector<1x1024xf32>
    %exp3A_186 = math.exp %neg3A_185 : vector<1x1024xf32>
    %add3A_187 = arith.constant 1.000000e+00 : f32
    %add3A_188 = vector.broadcast %add3A_187 : f32 to vector<1x1024xf32>
    %add3A_189 = arith.addf %add3A_188, %exp3A_186 : vector<1x1024xf32>
    %log3A_190 = math.log %add3A_189 : vector<1x1024xf32>
    %add3A_191 = arith.addf %max3A_181, %log3A_190 : vector<1x1024xf32>
    %div3A_192 = arith.constant 2.400000e+01 : f32
    %div3A_193 = vector.broadcast %div3A_192 : f32 to vector<1x1024xf32>
    %div3A_194 = arith.divf %add3A_191, %div3A_193 : vector<1x1024xf32>
    %reduce_sum3A_195 = vector.shape_cast %div3A_177 : vector<1x1024xf32> to vector<1x1x1024xf32>
    %reduce_sum3A_196 = arith.constant dense<0.000000e+00> : vector<1xf32>
    %reduce_sum3A_197 = vector.multi_reduction <add>, %reduce_sum3A_195, %reduce_sum3A_196 [1, 2] : vector<1x1x1024xf32> to vector<1xf32>
    %reduce_sum3A_198 = vector.shape_cast %reduce_sum3A_197 : vector<1xf32> to vector<1x1x1xf32>
    %reduce_sum3A_199 = vector.extract %reduce_sum3A_198[0, 0, 0] : f32 from vector<1x1x1xf32>
    %div3A_200 = arith.constant 1.024000e+03 : f32
    %div3A_201 = arith.divf %reduce_sum3A_199, %div3A_200 : f32
    %reduce_sum3A_202 = vector.shape_cast %div3A_194 : vector<1x1024xf32> to vector<1x1x1024xf32>
    %reduce_sum3A_203 = arith.constant dense<0.000000e+00> : vector<1xf32>
    %reduce_sum3A_204 = vector.multi_reduction <add>, %reduce_sum3A_202, %reduce_sum3A_203 [1, 2] : vector<1x1x1024xf32> to vector<1xf32>
    %reduce_sum3A_205 = vector.shape_cast %reduce_sum3A_204 : vector<1xf32> to vector<1x1x1xf32>
    %reduce_sum3A_206 = vector.extract %reduce_sum3A_205[0, 0, 0] : f32 from vector<1x1x1xf32>
    %div3A_207 = arith.constant 1.024000e+03 : f32
    %div3A_208 = arith.divf %reduce_sum3A_206, %div3A_207 : f32
    %add3A_209 = arith.addf %div3A_201, %div3A_208 : f32
    %div3A_210 = arith.constant 2.000000e+00 : f32
    %div3A_211 = arith.divf %add3A_209, %div3A_210 : f32
    %reduce_sum3A_212 = vector.shape_cast %scan3A_21 : vector<1x1024xf32> to vector<1x1x1024xf32>
    %reduce_sum3A_213 = arith.constant dense<0.000000e+00> : vector<1xf32>
    %reduce_sum3A_214 = vector.multi_reduction <add>, %reduce_sum3A_212, %reduce_sum3A_213 [1, 2] : vector<1x1x1024xf32> to vector<1xf32>
    %reduce_sum3A_215 = vector.shape_cast %reduce_sum3A_214 : vector<1xf32> to vector<1x1x1xf32>
    %reduce_sum3A_216 = vector.extract %reduce_sum3A_215[0, 0, 0] : f32 from vector<1x1x1xf32>
    %reduce_sum3A_217 = vector.shape_cast %scan3A_8 : vector<1x1024xf32> to vector<1x1x1024xf32>
    %reduce_sum3A_218 = arith.constant dense<0.000000e+00> : vector<1xf32>
    %reduce_sum3A_219 = vector.multi_reduction <add>, %reduce_sum3A_217, %reduce_sum3A_218 [1, 2] : vector<1x1x1024xf32> to vector<1xf32>
    %reduce_sum3A_220 = vector.shape_cast %reduce_sum3A_219 : vector<1xf32> to vector<1x1x1xf32>
    %reduce_sum3A_221 = vector.extract %reduce_sum3A_220[0, 0, 0] : f32 from vector<1x1x1xf32>
    %add3A_222 = arith.addf %reduce_sum3A_216, %reduce_sum3A_221 : f32
    %div3A_223 = arith.constant 2.048000e+03 : f32
    %div3A_224 = arith.divf %add3A_222, %div3A_223 : f32
    %add3A_225 = arith.addf %div3A_211, %div3A_224 : f32
    %iota3A_226 = tpu.iota {dimensions = array<i32: 1>} : vector<1x128xi32>
    %eq3A = arith.constant 0 : i32
    %eq3A_227 = vector.broadcast %eq3A : i32 to vector<1x128xi32>
    %eq3A_228 = arith.cmpi eq, %iota3A_226, %eq3A_227 : vector<1x128xi32>
    %eq3A_229 = arith.constant 1 : i32
    %eq3A_230 = vector.broadcast %eq3A_229 : i32 to vector<1x128xi32>
    %eq3A_231 = arith.cmpi eq, %iota3A_226, %eq3A_230 : vector<1x128xi32>
    %eq3A_232 = arith.constant 2 : i32
    %eq3A_233 = vector.broadcast %eq3A_232 : i32 to vector<1x128xi32>
    %eq3A_234 = arith.cmpi eq, %iota3A_226, %eq3A_233 : vector<1x128xi32>
    %jit3A_235 = arith.constant 0.000000e+00 : f32
    %broadcast_in_dim3A_236 = vector.broadcast %div3A_224 : f32 to vector<1x128xf32>
    %broadcast_in_dim3A_237 = vector.broadcast %jit3A_235 : f32 to vector<1x128xf32>
    %select_n3A_238 = arith.select %eq3A_234, %broadcast_in_dim3A_236, %broadcast_in_dim3A_237 : vector<1x128xi1>, vector<1x128xf32>
    %broadcast_in_dim3A_239 = vector.broadcast %div3A_211 : f32 to vector<1x128xf32>
    %select_n3A_240 = arith.select %eq3A_231, %broadcast_in_dim3A_239, %select_n3A_238 : vector<1x128xi1>, vector<1x128xf32>
    %broadcast_in_dim3A_241 = vector.broadcast %add3A_225 : f32 to vector<1x128xf32>
    %select_n3A_242 = arith.select %eq3A_228, %broadcast_in_dim3A_241, %select_n3A_240 : vector<1x128xi1>, vector<1x128xf32>
    %swap3A_243 = arith.constant 0 : index
    %swap3A_244 = arith.constant 0 : index
    %swap3A_245 = vector.load %arg11[%swap3A_243, %swap3A_244] : memref<1x128xf32, #tpu.memory_space<vmem>>, vector<1x128xf32>
    tpu.vector_store %arg11[%swap3A_243, %swap3A_244], %select_n3A_242 {strides = array<i32>} : memref<1x128xf32, #tpu.memory_space<vmem>>, vector<1x128xf32>,
    return
  }
}

</mosaic_0001>

<sc_bundles>
// kernel: kernel.6.cloned.1.call-start
scs
__scs_entry_jumppad:
0x0: {  	(pc) =	sbr.rel $0x88, $3  }
0x1: {  	(tag) =	ssettag $0x0;
	lr =	simm.s32 $0x1  }
0x2: {  	[smem:$0x3F97] =	sst lr;
	_ =	strace $0xD0000000  }
0x3: {  	_ = 	snop  }
0x4: {  	_ = 	snop  }
0x5: {  	_ = 	snop  }
0x6: {  	_ = 	snop  }
0x7: {  	_ = 	snop  }
__scs_overlays_trampoline_lowered:
0x8: {  	[smem:$0x3FA6] =	sst s0  }
0x9: {  	[smem:$0x3FA7] =	sst s1  }
0xa: {  	[smem:$0x3FA8] =	sst s2  }
0xb: {  	[smem:$0x3FA9] =	sst s3  }
0xc: {  	[smem:$0x3FAA] =	sst s4  }
0xd: {  	[smem:$0x3FAB] =	sst s5  }
0xe: {  	[smem:$0x3FAC] =	sst s6  }
0xf: {  	[smem:$0x3FAD] =	sst s7  }
0x10: {  	[smem:$0x3FAE] =	sst s8  }
0x11: {  	[smem:$0x3FAF] =	sst s9;
	s0 =	simm.s32 @!p0 $0x0  }
0x12: {  	s1 =	sld [smem:$0x3F95];
	s0 =	simm.s32 @p0 $0x1  }
0x13: {  	[smem:$0x3FB0] =	sst s0;
	s0 =	simm.s32 @!p1 $0x0  }
0x14: {  	s2 =	sld [smem:$0x3F94];
	s0 =	simm.s32 @p1 $0x1  }
0x15: {  	[smem:$0x3FB1] =	sst s0;
	s0 =	simm.s32 @!p2 $0x0  }
0x16: {  	s3 =	sld [smem:$0x3FDB];
	s0 =	simm.s32 @p2 $0x1  }
0x17: {  	s4 =	simm.s32 $0x1BF5;
	[smem:$0x3FB3] =	sst s0  }
0x18: {  	s0 =	sld [smem:$0x3F96];
	_ =	swait.ge [sflag:s4], $0x0  }
0x19: {  	s7 =	sld [smem:$0x3F97]  }
0x1a: {  	s8 =	sadd.s32 $0xFFFFE003, lr  }
0x1b: {  	s9 =	sadd.s32 $0xFFFFFEF7, lr;
	s5 =	simm.s32 $0xFFFFFFFF;
	p2 =	slt.u32 s8, $0xFFFFF086  }
0x1c: {  	p1 =	slt.u32 s9, $0xF7A;
	s5 =	simm.s32 @!p2 $0x0  }
0x1d: {  	s5 =	simm.s32 @p1 $0x1;
	p0 =	seq.s32 s7, s2  }
0x1e: {  	s7 =	smul.u32 @!p0 $0xF7A, s2;
	p2 =	seq.s32 @!p0 s5, $0x0  }
0x1f: {  	s9 =	smul.u32 $0xF7A, s1;
	s8 =	simm.s32 @!p0 $0x1BF5;
	p2 =	por !p2, p0  }
0x20: {  	[sflag:s8] =	ssyncset.s32 @!p0 $0xFFFFF086;
	s6 =	sadd.s32 @!p0 s3, s7;
	s7 =	simm.s32 @!p0 $0x108  }
0x21: {  	s3 =	sadd.s32 s3, s9;
	s6 =	sadd.s32 @!p0 $0x88, s6;
	s7 =	simm.s32 @p2 $0x1082  }
0x22: {  	[simem:s7], [sflag:s8] =	dma.local @!p0 [hbm:s6], $0xF7A  }
0x23: {  	s9 =	sor.u32 $0xD0000000, s2;
	s6 =	simm.s32 $0x108;
	_ =	swait.ge @!p0 [sflag:s8], $0x0  }
0x24: {  	s3 =	sadd.s32 $0x88, s3;
	s6 =	simm.s32 @!p1 $0x1082;
	[sflag:s4] =	ssyncset.s32 $0xFFFFF086  }
0x25: {  	[simem:s6], [sflag:s4] =	dma.local [hbm:s3], $0xF7A  }
0x26: {  	[smem:$0x3F97] =	sst s1;
	(tag) =	ssettag s2;
	_ =	strace s9  }
0x27: {  	s1 =	sld [smem:$0x3FA7]  }
0x28: {  	s2 =	sld [smem:$0x3FA8]  }
0x29: {  	s4 =	sld [smem:$0x3FAA]  }
0x2a: {  	p0 =	seq.s32 s5, $0x0;
	s5 =	sld [smem:$0x3FAB]  }
0x2b: {  	s6 =	sld [smem:$0x3FAC]  }
0x2c: {  	s7 =	sld [smem:$0x3FAD]  }
0x2d: {  	s3 =	simm.s32 $0x108;
	s8 =	sld [smem:$0x3FAE]  }
0x2e: {  	s3 =	simm.s32 @!p0 $0x1082;
	s9 =	sld [smem:$0x3FAF]  }
0x2f: {  	lr =	sadd.s32 s0, s3;
	s0 =	sld [smem:$0x3FA6]  }
0x30: {  	s3 =	sld [smem:$0x3FA9]  }
0x31: {  	[smem:$0x3FB2] =	sst s10  }
0x32: {  	s10 =	sld [smem:$0x3FB0];
	_ =	sdelay $0x3  }
0x33: {  	p0 =	seq.s32 s10, $0x1;
	s10 =	sld [smem:$0x3FB2];
	_ =	sdelay $0x3  }
0x34: {  	[smem:$0x3FB2] =	sst s10  }
0x35: {  	s10 =	sld [smem:$0x3FB1];
	_ =	sdelay $0x3  }
0x36: {  	p1 =	seq.s32 s10, $0x1;
	s10 =	sld [smem:$0x3FB2];
	_ =	sdelay $0x3  }
0x37: {  	[smem:$0x3FB2] =	sst s10  }
0x38: {  	s10 =	sld [smem:$0x3FB3]  }
0x39: {  	_ = 	snop;
	(pc) =	sbr.ind lr, $3  }
0x3a: {  	_ = 	snop  }
0x3b: {  	_ = 	snop  }
0x3c: {  	p2 =	seq.s32 s10, $0x1;
	s10 =	sld [smem:$0x3FB2]  }
0x3d: {  	_ =	shalt  }
0x3e: {  	_ =	shalt  }
0x3f: {  	_ =	shalt  }
0x40: {  	_ =	shalt  }
0x41: {  	_ =	shalt  }
0x42: {  	_ =	shalt  }
0x43: {  	_ =	shalt  }
0x44: {  	_ =	shalt  }
0x45: {  	_ =	shalt  }
0x46: {  	_ =	shalt  }
0x47: {  	_ =	shalt  }
0x48: {  	_ =	shalt  }
0x49: {  	_ =	shalt  }
0x4a: {  	_ =	shalt  }
0x4b: {  	_ =	shalt  }
0x4c: {  	_ =	shalt  }
0x4d: {  	_ =	shalt  }
0x4e: {  	_ =	shalt  }
0x4f: {  	_ =	shalt  }
0x50: {  	_ =	shalt  }
0x51: {  	_ =	shalt  }
0x52: {  	_ =	shalt  }
0x53: {  	_ =	shalt  }
0x54: {  	_ =	shalt  }
0x55: {  	_ =	shalt  }
0x56: {  	_ =	shalt  }
0x57: {  	_ =	shalt  }
0x58: {  	_ =	shalt  }
0x59: {  	_ =	shalt  }
0x5a: {  	_ =	shalt  }
0x5b: {  	_ =	shalt  }
0x5c: {  	_ =	shalt  }
0x5d: {  	_ =	shalt  }
0x5e: {  	_ =	shalt  }
0x5f: {  	_ =	shalt  }
0x60: {  	_ =	shalt  }
0x61: {  	_ =	shalt  }
0x62: {  	_ =	shalt  }
0x63: {  	_ =	shalt  }
0x64: {  	_ =	shalt  }
0x65: {  	_ =	shalt  }
0x66: {  	_ =	shalt  }
0x67: {  	_ =	shalt  }
0x68: {  	_ =	shalt  }
0x69: {  	_ =	shalt  }
0x6a: {  	_ =	shalt  }
0x6b: {  	_ =	shalt  }
0x6c: {  	_ =	shalt  }
0x6d: {  	_ =	shalt  }
0x6e: {  	_ =	shalt  }
0x6f: {  	_ =	shalt  }
0x70: {  	_ =	shalt  }
0x71: {  	_ =	shalt  }
0x72: {  	_ =	shalt  }
0x73: {  	_ =	shalt  }
0x74: {  	_ =	shalt  }
0x75: {  	_ =	shalt  }
0x76: {  	_ =	shalt  }
0x77: {  	_ =	shalt  }
0x78: {  	_ =	shalt  }
0x79: {  	_ =	shalt  }
0x7a: {  	_ =	shalt  }
0x7b: {  	_ =	shalt  }
0x7c: {  	_ =	shalt  }
0x7d: {  	_ =	shalt  }
0x7e: {  	_ =	shalt  }
0x7f: {  	_ =	shalt  }
0x80: {  	_ =	shalt  }
0x81: {  	_ =	shalt  }
0x82: {  	_ =	shalt  }
0x83: {  	_ =	shalt  }
0x84: {  	_ =	shalt  }
0x85: {  	_ =	shalt  }
0x86: {  	_ =	shalt  }
0x87: {  	_ =	shalt  }
.Lfunc_end0:
.L_simem_size_0:
called_computation_lowered:
.L_overlay_start_0:
0x88: {  	s2 =	sld [smem:$0x3FD9]  }
0x89: {  	s3 =	sld [smem:$0x3FFE];
	_ =	sdelay $0x1  }
0x8a: {  	s1 =	srdreg.scid  }
0x8b: {  	s0 =	sand.u32 $0x1, s1  }
0x8c: {  	s17 =	sshll.u32 s0, $0xA;
	s2 =	sadd.s32 s3, s2  }
0x8d: {  	s2 =	sadd.s32 s2, s17  }
0x8e: {  	[smem:$0x3FBE] =	sst s2  }
0x8f: {  	_ = 	snop  }
0x90: {  	s2 =	sld [smem:$0x3FC5]  }
0x91: {  	s18 =	sld [smem:$0x3FC4];
	(tm) =	ssettm $0x1  }
0x92: {  	s4 =	sld [smem:$0x3FFB];
	_ =	sdelay $0x3  }
0x93: {  	_ =	strace s4  }
0x94: {  	s4 =	sld [smem:$0x3FFC];
	_ =	sdelay $0x3  }
0x95: {  	_ =	strace s4  }
0x96: {  	s4 =	sld [smem:$0x3FFD];
	_ =	sdelay $0x3  }
0x97: {  	_ =	strace s4  }
0x98: {  	_ =	strace $0x8FFFFFFF  }
0x99: {  	s19 =	sld [smem:$0x3FDB];
	_ =	sdelay $0x1  }
0x9a: {  	s5 =	simm.s32 $_scs_section_size  }
0x9b: {  	s6 =	simm.s32 $_size__tile_overlayer_lowered;
	s7 =	simm.s32 $_tile_overlayer_lowered  }
0x9c: {  	s22 =	simm.s32 $0x1BFF;
	s21 =	sshll.u32 s7, $0x1;
	s4 =	sadd.s32 s5, s19  }
0x9d: {  	s8 =	simm.s32 $0x0;
	s20 =	sshll.u32 s6, $0x1;
	s6 =	sadd.s32 s21, s4  }
0x9e: {  	[timem:s8], [sflag:s22] =	dma.local [hbm:s6], s20  }
0x9f: {  	_ =	swait.ge [sflag:s22], s20  }
0xa0: {  	s5 =	ssub.s32 $0x0, s20;
	[sflag:s22] =	ssyncset.done $0x0  }
0xa1: {  	[sflag:s22] =	ssyncadd.s32 s5;
	_ =	sdelay $0x1  }
0xa2: {  	s23 =	simm.s32 $0x1B8B  }
0xa3: {  	_ =	swait.ge [sflag:s23], $0x1  }
0xa4: {  	[sflag:s23] =	ssyncset.done $0x0  }
0xa5: {  	s25 =	simm.s32 $0x1B8E;
	s24 =	sld [smem:$0x3FFE];
	[sflag:s23] =	ssyncadd.s32 $0xFFFFFFFF  }
0xa6: {  	s26 =	simm.s32 $execute0_lowered;
	[smem:$0x3FD2] =	sst s25  }
0xa7: {  	s6 =	sshll.u32 s26, $0x1;
	_ =	strace $0x80000046;
	[dreg:$0x1] =	wrdreg $0xFFFFFFFF  }
0xa8: {  	s28 =	simm.s32 $_size_execute0_lowered;
	s4 =	sadd.s32 s4, s6;
	[dreg:$0x0] =	wrdreg $0x0  }
0xa9: {  	s6 =	sshll.u32 s28, $0x1;
	[dreg:$0x2] =	wrdreg s4  }
0xaa: {  	[dreg:$0x3] =	wrdreg s6  }
0xab: {  	[dreg:$0x4] =	wrdreg $0xC0  }
0xac: {  	_ =	task [dreg:s8], $0x5FFFF  }
0xad: {  	[dreg:$0x1] =	wrdreg $0xFFFFFFFF  }
0xae: {  	[dreg:$0x0] =	wrdreg $0x60  }
0xaf: {  	[dreg:$0x2] =	wrdreg s2  }
0xb0: {  	[dreg:$0x3] =	wrdreg s18  }
0xb1: {  	[dreg:$0x4] =	wrdreg s24  }
0xb2: {  	[dreg:$0x5] =	wrdreg $0x9  }
0xb3: {  	_ =	task.clear_ibuf [dreg:s8], $0x6FFFF;
	_ =	strace $0x90000046  }
0xb4: {  	s29 =	simm.s32 $0x9;
	_ =	strace $0x80000048  }
0xb5: {  	_ =	swait.ge [sflag:s29], $0x1  }
0xb6: {  	[sflag:s29] =	ssyncadd.s32 $0xFFFFFFFF  }
0xb7: {  	_ =	strace $0x90000048  }
0xb8: {  	_ =	sfence  }
0xb9: {  	s30 =	sld [smem:$0x0];
	_ =	sdelay $0x2  }
0xba: {  	s31 =	sshll.u32 s1, $0xD;
	s1 =	sshrl.u32 s1, $0x2  }
0xbb: {  	s3 =	sand.u32 $0x4000, s31;
	s1 =	sadd.s32 s1, s30  }
0xbc: {  	s0 =	sor.u32 s3, s0;
	s1 =	sshll.u32 s1, $0x11  }
0xbd: {  	s0 =	sor.u32 s1, s0  }
0xbe: {  	s0 =	sadd.s32 $0x8F2B, s0  }
0xbf: {  	[sflag:s0] =	ssyncadd.remote.s32 $0x1  }
0xc0: {  	_ =	sfence.sel $0xFFFF  }
0xc1: {  	[dreg:$0x0] =	wrdreg $0xFFFFFFFF;
	(pc) =	sbr.abs _section_cstart, $3  }
0xc2: {  	[dreg:$0x1] =	wrdreg $0xFFFFFFFF  }
0xc3: {  	_ =	task.clear_ibuf [dreg:s8], $0x2FFFF;
	_ =	strace $0x9FFFFFFF  }
0xc4: {  	(tm) =	ssettm $0x7FFFFFFF  }
0xc5: {  	_ =	shalt  }
tec
execute0_lowered:
.L_overlay_start_1:
0x0: {  	(tag) =	ssettag $0x1  }
0x1: {  	s10 =	rddreg [dreg:$0x0]  }
0x2: {  	s11 =	rddreg [dreg:$0x1]  }
0x3: {  	s0 =	srdreg.scid;
	s1 =	rddreg [dreg:$0x2]  }
0x4: {  	s2 =	stileid.u32;
	s4 =	simm.s32 $0x0;
	s5 =	simm.s32 $0x900  }
0x5: {  	s6 =	simm.s32 $0x1100;
	s7 =	simm.s32 $0x1900;
	s8 =	simm.s32 $0x2100  }
0x6: {  	s9 =	simm.s32 $0x2900;
	s14 =	simm.s32 $0x3100;
	s15 =	simm.s32 $0x3900  }
0x7: {  	s16 =	simm.s32 $0x4100;
	s17 =	simm.s32 $0x4900;
	s18 =	simm.s32 $0x5100  }
0x8: {  	s19 =	simm.s32 $0x5900;
	s20 =	simm.s32 $0x6100;
	s21 =	simm.s32 $0x6900  }
0x9: {  	s22 =	simm.s32 $0x7100;
	s23 =	simm.s32 $0x7900;
	s24 =	simm.s32 $0x1  }
0xa: {  	s25 =	simm.s32 $0x8100;
	s30 =	simm.s32 $0x8900;
	s0 =	sand.u32 $0x1, s0  }
0xb: {  	s2 =	sshll.u32 s2, $0x5;
	[smem:$0x7FF] =	sst s4;
	s3 =	sshll.u32 s0, $0x4  }
0xc: {  	v2 =	vlaneseq.u32;
	vm0 =	vmmov $0xffff;
	vm1 =	vcmask $0x300;
	s12 =	sadd.s32 $0x100, s10;
	s13 =	sadd.s32 $0x100, s11;
	s2 =	sor.u32 s3, s2  }
0xd: {  	vm2 =	vcmask $0x704;
	vm3 =	vcmask $0xB08;
	vm4 =	vcmask $0xF0C;
	_ =	strace $0x80000047;
	[dreg:$0x6] =	wrdreg s12;
	s1 =	sadd.s32 s2, s1  }
0xe: {  	vm5 =	vcmask $0x1310;
	vm6 =	vcmask $0x1714;
	vm7 =	vcmask $0x1B18;
	s0 =	ssub.s32 $0x2, s0;
	[dreg:$0x7] =	wrdreg s13;
	s29 =	sadd.s32 $0x2400, s1  }
0xf: {  	vm8 =	vcmask $0x1F1C;
	vm9 =	vcmask $0x2320;
	vm10 =	vcmask $0x2724;
	s28 =	sshrl.u32 s0, $0x1;
	s31 =	sadd.s32 $0x2200, s1;
	[dreg:$0x4] =	wrdreg s29  }
0x10: {  	vm11 =	vcmask $0x2B28;
	vm12 =	vcmask $0x2F2C;
	vm13 =	vcmask $0x3330;
	s0 =	ssub.s32 s0, s28;
	s1 =	sadd.s32 $0x2600, s1;
	[dreg:$0x5] =	wrdreg s31  }
0x11: {  	vm14 =	vcmask $0x3734;
	vm15 =	vcmask $0x3B38;
	v1 =	vshrl.u32 v2, $0x3;
	s3 =	simm.s32 $0x100;
	s0 =	smax.u32 s0, $0x1;
	[dreg:$0x8] =	wrdreg s1  }
0x12: {  	v0 =	vand.u32 $0x7, v2;
	v2 =	vor.u32 $0x8, v2;
	v1 =	vmul.u32 $0x8, v1;
	s2 =	simm.s32 $0x0;
	[dreg:$0x9] =	wrdreg s0;
	s1 =	simm.s32 $0x2  }
.LBB2_1:
0x13: {  	[dreg:$0xa] =	wrdreg s2  }
0x14: {  	s0 =	rddreg [dreg:$0x4]  }
0x15: {  	[tilespmem:s4], [sflag:$0x2] =	stream.linear.gather [hbm4b:s0+s4], $0x80, $0x38;
	[tilespmem:$0x10180] =	vst v63  }
0x16: {  	_ =	swait.ge [sflag:s1], $0x80  }
0x17: {  	[sflag:s1] =	ssyncset.done $0x0  }
0x18: {  	s26 =	simm.s32 $0x80;
	s2 =	rddreg [dreg:$0x5];
	[sflag:s1] =	ssyncadd.s32 $0xFFFFFF80  }
0x19: {  	[tilespmem:s26], [sflag:$0x2] =	stream.linear.gather [hbm4b:s2+s4], $0x80, $0x38;
	[tilespmem:$0x10180] =	vst v63  }
0x1a: {  	_ =	swait.ge [sflag:s1], $0x80  }
0x1b: {  	[sflag:s1] =	ssyncset.done $0x0  }
0x1c: {  	[sflag:s1] =	ssyncadd.s32 $0xFFFFFF80  }
0x1d: {  	v3 =	vld [tilespmem:$0x0];
	_ =	sdelay $0x4  }
0x1e: {  	v4 =	vshll.u32 v3, $0x2  }
0x1f: {  	v3 =	vand.u32 $0x7, v3;
	v4 =	vand.u32 $0xFFFFFFE0, v4  }
0x20: {  	v3 =	vor.u32 v3, v4  }
0x21: {  	v4 =	vperm.xlane v3, v0;
	_ =	sdelay $0x1  }
0x22: {  	v4 =	vadd.s32 v1, v4;
	_ =	sdelay $0x1  }
0x23: {  	v3 =	vperm.xlane v3, v2;
	_ =	sdelay $0x1  }
0x24: {  	v3 =	vadd.s32 v1, v3  }
0x25: {  	[tilespmem:s3], [sflag:$0x1] =	stream.indirect_vreg.gather [hbm4b:s10+s4], $0x80, v4, vm0, $0xb8;
	[tilespmem:$0x10180] =	vst v63  }
0x26: {  	_ = 	snop  }
0x27: {  	[tilespmem:s5], [sflag:$0x1] =	stream.indirect_vreg.gather [hbm4b:s12+s4], $0x80, v4, vm0, $0xb8;
	[tilespmem:$0x10180] =	vst v63  }
0x28: {  	_ = 	snop  }
0x29: {  	[tilespmem:s6], [sflag:$0x1] =	stream.indirect_vreg.gather [hbm4b:s10+s4], $0x80, v3, vm0, $0xb8;
	[tilespmem:$0x10180] =	vst v63  }
0x2a: {  	_ = 	snop  }
0x2b: {  	[tilespmem:s7], [sflag:$0x1] =	stream.indirect_vreg.gather [hbm4b:s12+s4], $0x80, v3, vm0, $0xb8;
	[tilespmem:$0x10180] =	vst v63  }
0x2c: {  	v3 =	vld [tilespmem:$0x10];
	_ =	sdelay $0x4  }
0x2d: {  	v4 =	vshll.u32 v3, $0x2  }
0x2e: {  	v3 =	vand.u32 $0x7, v3;
	v4 =	vand.u32 $0xFFFFFFE0, v4  }
0x2f: {  	v3 =	vor.u32 v3, v4  }
0x30: {  	v4 =	vperm.xlane v3, v0;
	_ =	sdelay $0x1  }
0x31: {  	v4 =	vadd.s32 v1, v4;
	_ =	sdelay $0x1  }
0x32: {  	v3 =	vperm.xlane v3, v2;
	_ =	sdelay $0x1  }
0x33: {  	v3 =	vadd.s32 v1, v3  }
0x34: {  	[tilespmem:s8], [sflag:$0x1] =	stream.indirect_vreg.gather [hbm4b:s10+s4], $0x80, v4, vm0, $0xb8;
	[tilespmem:$0x10180] =	vst v63  }
0x35: {  	_ = 	snop  }
0x36: {  	[tilespmem:s9], [sflag:$0x1] =	stream.indirect_vreg.gather [hbm4b:s12+s4], $0x80, v4, vm0, $0xb8;
	[tilespmem:$0x10180] =	vst v63  }
0x37: {  	_ = 	snop  }
0x38: {  	[tilespmem:s14], [sflag:$0x1] =	stream.indirect_vreg.gather [hbm4b:s10+s4], $0x80, v3, vm0, $0xb8;
	[tilespmem:$0x10180] =	vst v63  }
0x39: {  	_ = 	snop  }
0x3a: {  	[tilespmem:s15], [sflag:$0x1] =	stream.indirect_vreg.gather [hbm4b:s12+s4], $0x80, v3, vm0, $0xb8;
	[tilespmem:$0x10180] =	vst v63  }
0x3b: {  	v3 =	vld [tilespmem:$0x20];
	_ =	sdelay $0x4  }
0x3c: {  	v4 =	vshll.u32 v3, $0x2  }
0x3d: {  	v3 =	vand.u32 $0x7, v3;
	v4 =	vand.u32 $0xFFFFFFE0, v4  }
0x3e: {  	v3 =	vor.u32 v3, v4  }
0x3f: {  	v4 =	vperm.xlane v3, v0;
	_ =	sdelay $0x1  }
0x40: {  	v4 =	vadd.s32 v1, v4;
	_ =	sdelay $0x1  }
0x41: {  	v3 =	vperm.xlane v3, v2;
	_ =	sdelay $0x1  }
0x42: {  	v3 =	vadd.s32 v1, v3  }
0x43: {  	[tilespmem:s16], [sflag:$0x1] =	stream.indirect_vreg.gather [hbm4b:s10+s4], $0x80, v4, vm0, $0xb8;
	[tilespmem:$0x10180] =	vst v63  }
0x44: {  	_ = 	snop  }
0x45: {  	[tilespmem:s17], [sflag:$0x1] =	stream.indirect_vreg.gather [hbm4b:s12+s4], $0x80, v4, vm0, $0xb8;
	[tilespmem:$0x10180] =	vst v63  }
0x46: {  	_ = 	snop  }
0x47: {  	[tilespmem:s18], [sflag:$0x1] =	stream.indirect_vreg.gather [hbm4b:s10+s4], $0x80, v3, vm0, $0xb8;
	[tilespmem:$0x10180] =	vst v63  }
0x48: {  	_ = 	snop  }
0x49: {  	[tilespmem:s19], [sflag:$0x1] =	stream.indirect_vreg.gather [hbm4b:s12+s4], $0x80, v3, vm0, $0xb8;
	[tilespmem:$0x10180] =	vst v63  }
0x4a: {  	v3 =	vld [tilespmem:$0x30];
	_ =	sdelay $0x4  }
0x4b: {  	v4 =	vshll.u32 v3, $0x2  }
0x4c: {  	v3 =	vand.u32 $0x7, v3;
	v4 =	vand.u32 $0xFFFFFFE0, v4  }
0x4d: {  	v3 =	vor.u32 v3, v4  }
0x4e: {  	v4 =	vperm.xlane v3, v0;
	_ =	sdelay $0x1  }
0x4f: {  	v4 =	vadd.s32 v1, v4;
	_ =	sdelay $0x1  }
0x50: {  	v3 =	vperm.xlane v3, v2;
	_ =	sdelay $0x1  }
0x51: {  	v3 =	vadd.s32 v1, v3  }
0x52: {  	[tilespmem:s20], [sflag:$0x1] =	stream.indirect_vreg.gather [hbm4b:s10+s4], $0x80, v4, vm0, $0xb8;
	[tilespmem:$0x10180] =	vst v63  }
0x53: {  	_ = 	snop  }
0x54: {  	[tilespmem:s21], [sflag:$0x1] =	stream.indirect_vreg.gather [hbm4b:s12+s4], $0x80, v4, vm0, $0xb8;
	[tilespmem:$0x10180] =	vst v63  }
0x55: {  	_ = 	snop  }
0x56: {  	[tilespmem:s22], [sflag:$0x1] =	stream.indirect_vreg.gather [hbm4b:s10+s4], $0x80, v3, vm0, $0xb8;
	[tilespmem:$0x10180] =	vst v63  }
0x57: {  	_ = 	snop  }
0x58: {  	[tilespmem:s23], [sflag:$0x1] =	stream.indirect_vreg.gather [hbm4b:s12+s4], $0x80, v3, vm0, $0xb8;
	[tilespmem:$0x10180] =	vst v63  }
0x59: {  	_ =	swait.ge [sflag:s24], $0x8000  }
0x5a: {  	[sflag:s24] =	ssyncset.done $0x0  }
0x5b: {  	[sflag:s24] =	ssyncadd.s32 $0xFFFF8000  }
0x5c: {  	v3 =	vld [tilespmem:$0x80];
	_ =	sdelay $0x4  }
0x5d: {  	v4 =	vshll.u32 v3, $0x2  }
0x5e: {  	v3 =	vand.u32 $0x7, v3;
	v4 =	vand.u32 $0xFFFFFFE0, v4  }
0x5f: {  	v3 =	vor.u32 v3, v4  }
0x60: {  	v4 =	vperm.xlane v3, v0;
	_ =	sdelay $0x1  }
0x61: {  	v4 =	vadd.s32 v1, v4;
	_ =	sdelay $0x1  }
0x62: {  	v3 =	vperm.xlane v3, v2;
	_ =	sdelay $0x1  }
0x63: {  	v3 =	vadd.s32 v1, v3  }
0x64: {  	[tilespmem:s25], [sflag:$0x1] =	stream.indirect_vreg.gather [hbm4b:s11+s4], $0x80, v4, vm0, $0xb8;
	[tilespmem:$0x10180] =	vst v63  }
0x65: {  	_ = 	snop  }
0x66: {  	[tilespmem:s30], [sflag:$0x1] =	stream.indirect_vreg.gather [hbm4b:s13+s4], $0x80, v4, vm0, $0xb8;
	[tilespmem:$0x10180] =	vst v63  }
0x67: {  	s26 =	simm.s32 $0x9100  }
0x68: {  	[tilespmem:s26], [sflag:$0x1] =	stream.indirect_vreg.gather [hbm4b:s11+s4], $0x80, v3, vm0, $0xb8;
	[tilespmem:$0x10180] =	vst v63  }
0x69: {  	s1 =	simm.s32 $0x9900  }
0x6a: {  	[tilespmem:s1], [sflag:$0x1] =	stream.indirect_vreg.gather [hbm4b:s13+s4], $0x80, v3, vm0, $0xb8;
	[tilespmem:$0x10180] =	vst v63  }
0x6b: {  	v3 =	vld [tilespmem:$0x90];
	_ =	sdelay $0x4  }
0x6c: {  	v4 =	vshll.u32 v3, $0x2  }
0x6d: {  	v3 =	vand.u32 $0x7, v3;
	v4 =	vand.u32 $0xFFFFFFE0, v4  }
0x6e: {  	v3 =	vor.u32 v3, v4  }
0x6f: {  	v4 =	vperm.xlane v3, v0;
	_ =	sdelay $0x1  }
0x70: {  	v4 =	vadd.s32 v1, v4;
	_ =	sdelay $0x1  }
0x71: {  	v3 =	vperm.xlane v3, v2;
	_ =	sdelay $0x1  }
0x72: {  	s2 =	simm.s32 $0xA100;
	v3 =	vadd.s32 v1, v3  }
0x73: {  	[tilespmem:s2], [sflag:$0x1] =	stream.indirect_vreg.gather [hbm4b:s11+s4], $0x80, v4, vm0, $0xb8;
	[tilespmem:$0x10180] =	vst v63  }
0x74: {  	s26 =	simm.s32 $0xA900  }
0x75: {  	[tilespmem:s26], [sflag:$0x1] =	stream.indirect_vreg.gather [hbm4b:s13+s4], $0x80, v4, vm0, $0xb8;
	[tilespmem:$0x10180] =	vst v63  }
0x76: {  	s1 =	simm.s32 $0xB100  }
0x77: {  	[tilespmem:s1], [sflag:$0x1] =	stream.indirect_vreg.gather [hbm4b:s11+s4], $0x80, v3, vm0, $0xb8;
	[tilespmem:$0x10180] =	vst v63  }
0x78: {  	s2 =	simm.s32 $0xB900  }
0x79: {  	[tilespmem:s2], [sflag:$0x1] =	stream.indirect_vreg.gather [hbm4b:s13+s4], $0x80, v3, vm0, $0xb8;
	[tilespmem:$0x10180] =	vst v63  }
0x7a: {  	v3 =	vld [tilespmem:$0xA0];
	_ =	sdelay $0x4  }
0x7b: {  	v4 =	vshll.u32 v3, $0x2  }
0x7c: {  	v3 =	vand.u32 $0x7, v3;
	v4 =	vand.u32 $0xFFFFFFE0, v4  }
0x7d: {  	v3 =	vor.u32 v3, v4  }
0x7e: {  	v4 =	vperm.xlane v3, v0;
	_ =	sdelay $0x1  }
0x7f: {  	v4 =	vadd.s32 v1, v4;
	_ =	sdelay $0x1  }
0x80: {  	v3 =	vperm.xlane v3, v2;
	_ =	sdelay $0x1  }
0x81: {  	s26 =	simm.s32 $0xC100;
	v3 =	vadd.s32 v1, v3  }
0x82: {  	[tilespmem:s26], [sflag:$0x1] =	stream.indirect_vreg.gather [hbm4b:s11+s4], $0x80, v4, vm0, $0xb8;
	[tilespmem:$0x10180] =	vst v63  }
0x83: {  	s1 =	simm.s32 $0xC900  }
0x84: {  	[tilespmem:s1], [sflag:$0x1] =	stream.indirect_vreg.gather [hbm4b:s13+s4], $0x80, v4, vm0, $0xb8;
	[tilespmem:$0x10180] =	vst v63  }
0x85: {  	s2 =	simm.s32 $0xD100  }
0x86: {  	[tilespmem:s2], [sflag:$0x1] =	stream.indirect_vreg.gather [hbm4b:s11+s4], $0x80, v3, vm0, $0xb8;
	[tilespmem:$0x10180] =	vst v63  }
0x87: {  	s26 =	simm.s32 $0xD900  }
0x88: {  	[tilespmem:s26], [sflag:$0x1] =	stream.indirect_vreg.gather [hbm4b:s13+s4], $0x80, v3, vm0, $0xb8;
	[tilespmem:$0x10180] =	vst v63  }
0x89: {  	v3 =	vld [tilespmem:$0xB0];
	_ =	sdelay $0x4  }
0x8a: {  	v4 =	vshll.u32 v3, $0x2  }
0x8b: {  	v3 =	vand.u32 $0x7, v3;
	v4 =	vand.u32 $0xFFFFFFE0, v4  }
0x8c: {  	v3 =	vor.u32 v3, v4  }
0x8d: {  	v4 =	vperm.xlane v3, v0;
	_ =	sdelay $0x1  }
0x8e: {  	v4 =	vadd.s32 v1, v4;
	_ =	sdelay $0x1  }
0x8f: {  	v3 =	vperm.xlane v3, v2;
	_ =	sdelay $0x1  }
0x90: {  	s1 =	simm.s32 $0xE100;
	v3 =	vadd.s32 v1, v3  }
0x91: {  	[tilespmem:s1], [sflag:$0x1] =	stream.indirect_vreg.gather [hbm4b:s11+s4], $0x80, v4, vm0, $0xb8;
	[tilespmem:$0x10180] =	vst v63  }
0x92: {  	s2 =	simm.s32 $0xE900  }
0x93: {  	[tilespmem:s2], [sflag:$0x1] =	stream.indirect_vreg.gather [hbm4b:s13+s4], $0x80, v4, vm0, $0xb8;
	[tilespmem:$0x10180] =	vst v63  }
0x94: {  	s26 =	simm.s32 $0xF100  }
0x95: {  	[tilespmem:s26], [sflag:$0x1] =	stream.indirect_vreg.gather [hbm4b:s11+s4], $0x80, v3, vm0, $0xb8;
	[tilespmem:$0x10180] =	vst v63  }
0x96: {  	s1 =	simm.s32 $0xF900  }
0x97: {  	[tilespmem:s1], [sflag:$0x1] =	stream.indirect_vreg.gather [hbm4b:s13+s4], $0x80, v3, vm0, $0xb8;
	[tilespmem:$0x10180] =	vst v63  }
0x98: {  	_ =	swait.ge [sflag:s24], $0x8000  }
0x99: {  	s2 =	sand.u32 $0x7000, s4;
	s26 =	sand.u32 $0x380, s4;
	[sflag:s24] =	ssyncset.done $0x0  }
0x9a: {  	s0 =	sor.u32 s26, s2;
	[sflag:s24] =	ssyncadd.s32 $0xFFFF8000  }
0x9b: {  	v3 =	vld [tilespmem:s0+$0x100]  }
0x9c: {  	v4 =	vld [tilespmem:s0+$0x8100]  }
0x9d: {  	v5 =	vld [tilespmem:s0+$0x110]  }
0x9e: {  	v6 =	vld [tilespmem:s0+$0x8110]  }
0x9f: {  	v7 =	vld [tilespmem:s0+$0x120]  }
0xa0: {  	v8 =	vld [tilespmem:s0+$0x8120]  }
0xa1: {  	v9 =	vld [tilespmem:s0+$0x130]  }
0xa2: {  	v10 =	vld [tilespmem:s0+$0x8130]  }
0xa3: {  	v11 =	vld [tilespmem:s0+$0x140]  }
0xa4: {  	v12 =	vld [tilespmem:s0+$0x8140]  }
0xa5: {  	v13 =	vld [tilespmem:s0+$0x150]  }
0xa6: {  	v14 =	vld [tilespmem:s0+$0x8150]  }
0xa7: {  	v15 =	vld [tilespmem:s0+$0x160]  }
0xa8: {  	v16 =	vld [tilespmem:s0+$0x8160]  }
0xa9: {  	v17 =	vld [tilespmem:s0+$0x170]  }
0xaa: {  	v18 =	vld [tilespmem:s0+$0x500];
	v3 =	vmul.f32 v4, v3  }
0xab: {  	v19 =	vld [tilespmem:s0+$0x510]  }
0xac: {  	v36 =	vld [tilespmem:s0+$0x540];
	v5 =	vmul.f32 v6, v5;
	v3 =	vadd.f32 $0.0e+00, v3  }
0xad: {  	v37 =	vld [tilespmem:s0+$0x8540]  }
0xae: {  	v38 =	vld [tilespmem:s0+$0x550];
	v3 =	vadd.f32 v5, v3;
	v5 =	vmul.f32 v8, v7  }
0xaf: {  	v39 =	vld [tilespmem:s0+$0x8550]  }
0xb0: {  	v40 =	vld [tilespmem:s0+$0x560];
	v3 =	vadd.f32 v5, v3;
	v5 =	vmul.f32 v10, v9  }
0xb1: {  	v41 =	vld [tilespmem:s0+$0x570]  }
0xb2: {  	v42 =	vld [tilespmem:s0+$0x900];
	v3 =	vadd.f32 v5, v3;
	v5 =	vmul.f32 v12, v11  }
0xb3: {  	v4 =	vld [tilespmem:s0+$0x8170]  }
0xb4: {  	v43 =	vld [tilespmem:s0+$0x910];
	v3 =	vadd.f32 v5, v3;
	v5 =	vmul.f32 v14, v13  }
0xb5: {  	v6 =	vld [tilespmem:s0+$0x8500]  }
0xb6: {  	v44 =	vld [tilespmem:s0+$0x8930];
	v3 =	vadd.f32 v5, v3;
	v5 =	vmul.f32 v16, v15  }
0xb7: {  	v7 =	vld [tilespmem:s0+$0x8510]  }
0xb8: {  	v8 =	vld [tilespmem:s0+$0x520];
	v4 =	vmul.f32 v4, v17;
	v3 =	vadd.f32 v5, v3  }
0xb9: {  	v9 =	vld [tilespmem:s0+$0x8520]  }
0xba: {  	v10 =	vld [tilespmem:s0+$0x530];
	v3 =	vadd.f32 v4, v3;
	v4 =	vmul.f32 v6, v18  }
0xbb: {  	v11 =	vld [tilespmem:s0+$0x8530]  }
0xbc: {  	v45 =	vld [tilespmem:s0+$0x940];
	v3 =	vadd.f32 v4, v3;
	v4 =	vmul.f32 v7, v19  }
0xbd: {  	v46 =	vld [tilespmem:s0+$0x8940]  }
0xbe: {  	v47 =	vld [tilespmem:s0+$0x950];
	v3 =	vadd.f32 v4, v3;
	v4 =	vmul.f32 v9, v8  }
0xbf: {  	v48 =	vld [tilespmem:s0+$0x960]  }
0xc0: {  	v49 =	vld [tilespmem:s0+$0x970];
	v3 =	vadd.f32 v4, v3;
	v4 =	vmul.f32 v11, v10  }
0xc1: {  	v5 =	vld [tilespmem:s0+$0x8560]  }
0xc2: {  	v50 =	vld [tilespmem:s0+$0xD00];
	v3 =	vadd.f32 v4, v3;
	v4 =	vmul.f32 v37, v36  }
0xc3: {  	v6 =	vld [tilespmem:s0+$0x8570]  }
0xc4: {  	v51 =	vld [tilespmem:s0+$0xD10];
	v3 =	vadd.f32 v4, v3;
	v4 =	vmul.f32 v39, v38  }
0xc5: {  	v7 =	vld [tilespmem:s0+$0x8900]  }
0xc6: {  	v52 =	vld [tilespmem:s0+$0xD30];
	v3 =	vadd.f32 v4, v3;
	v4 =	vmul.f32 v5, v40  }
0xc7: {  	v8 =	vld [tilespmem:s0+$0x8910]  }
0xc8: {  	v9 =	vld [tilespmem:s0+$0x920];
	v3 =	vadd.f32 v4, v3;
	v4 =	vmul.f32 v6, v41  }
0xc9: {  	v10 =	vld [tilespmem:s0+$0x8920]  }
0xca: {  	v53 =	vld [tilespmem:s0+$0x8D30];
	v3 =	vadd.f32 v4, v3;
	v4 =	vmul.f32 v7, v42  }
0xcb: {  	v11 =	vld [tilespmem:s0+$0x930]  }
0xcc: {  	v54 =	vld [tilespmem:s0+$0xD40];
	v3 =	vadd.f32 v4, v3;
	v4 =	vmul.f32 v8, v43  }
0xcd: {  	v55 =	vld [tilespmem:s0+$0xD50]  }
0xce: {  	v56 =	vld [tilespmem:s0+$0xD60];
	v3 =	vadd.f32 v4, v3;
	v4 =	vmul.f32 v10, v9  }
0xcf: {  	s2 =	simm.s32 $0x200;
	s26 =	simm.s32 $0x80;
	v5 =	vld [tilespmem:s0+$0x8950]  }
0xd0: {  	s1 =	sand.u32 $0x7000, s2;
	s2 =	sand.u32 $0x380, s26;
	v57 =	vld [tilespmem:s0+$0xD70];
	v3 =	vadd.f32 v4, v3;
	v4 =	vmul.f32 v44, v11  }
0xd1: {  	s26 =	sor.u32 s2, s1;
	v6 =	vld [tilespmem:s0+$0x8960]  }
0xd2: {  	v58 =	vld [tilespmem:s26+$0x100];
	v3 =	vadd.f32 v4, v3;
	v4 =	vmul.f32 v46, v45  }
0xd3: {  	v7 =	vld [tilespmem:s0+$0x8970]  }
0xd4: {  	v59 =	vld [tilespmem:s26+$0x110];
	v3 =	vadd.f32 v4, v3;
	v4 =	vmul.f32 v5, v47  }
0xd5: {  	v8 =	vld [tilespmem:s0+$0x8D00]  }
0xd6: {  	v60 =	vld [tilespmem:s26+$0x8120];
	v3 =	vadd.f32 v4, v3;
	v4 =	vmul.f32 v6, v48  }
0xd7: {  	v9 =	vld [tilespmem:s0+$0x8D10]  }
0xd8: {  	v10 =	vld [tilespmem:s0+$0xD20];
	v3 =	vadd.f32 v4, v3;
	v4 =	vmul.f32 v7, v49  }
0xd9: {  	v11 =	vld [tilespmem:s0+$0x8D20]  }
0xda: {  	v61 =	vld [tilespmem:s26+$0x130];
	v3 =	vadd.f32 v4, v3;
	v4 =	vmul.f32 v8, v50  }
0xdb: {  	v62 =	vld [tilespmem:s26+$0x140]  }
0xdc: {  	v3 =	vadd.f32 v4, v3;
	v4 =	vmul.f32 v9, v51;
	v9 =	vld [tilespmem:s26+$0x8100]  }
0xdd: {  	v5 =	vld [tilespmem:s0+$0x8D40]  }
0xde: {  	v3 =	vadd.f32 v4, v3;
	v4 =	vmul.f32 v11, v10;
	v10 =	vld [tilespmem:s26+$0x8110]  }
0xdf: {  	v6 =	vld [tilespmem:s0+$0x8D50]  }
0xe0: {  	v11 =	vld [tilespmem:s26+$0x120];
	v3 =	vadd.f32 v4, v3;
	v4 =	vmul.f32 v53, v52  }
0xe1: {  	v7 =	vld [tilespmem:s0+$0x8D60];
	v9 =	vmul.f32 v9, v58  }
0xe2: {  	v3 =	vadd.f32 v4, v3;
	v4 =	vmul.f32 v5, v54;
	v5 =	vld [tilespmem:s26+$0x8130]  }
0xe3: {  	v8 =	vld [tilespmem:s0+$0x8D70];
	v9 =	vadd.f32 $0.0e+00, v9;
	v10 =	vmul.f32 v10, v59  }
0xe4: {  	v3 =	vadd.f32 v4, v3;
	v4 =	vmul.f32 v6, v55;
	v6 =	vld [tilespmem:s26+$0x8140]  }
0xe5: {  	v9 =	vadd.f32 v10, v9;
	v10 =	vmul.f32 v60, v11;
	v11 =	vld [tilespmem:s26+$0x150]  }
0xe6: {  	v3 =	vadd.f32 v4, v3;
	v4 =	vmul.f32 v7, v56;
	v7 =	vld [tilespmem:s26+$0x8150]  }
0xe7: {  	v9 =	vadd.f32 v10, v9;
	v5 =	vmul.f32 v5, v61;
	v10 =	vld [tilespmem:s26+$0x160]  }
0xe8: {  	v3 =	vadd.f32 v4, v3;
	v4 =	vmul.f32 v8, v57;
	v8 =	vld [tilespmem:s26+$0x8160]  }
0xe9: {  	v5 =	vadd.f32 v5, v9;
	v6 =	vmul.f32 v6, v62;
	v9 =	vld [tilespmem:s26+$0x170]  }
0xea: {  	v3 =	vadd.f32 v4, v3;
	v4 =	vld [tilespmem:s26+$0x8170]  }
0xeb: {  	v5 =	vadd.f32 v6, v5;
	v6 =	vmul.f32 v7, v11;
	v7 =	vld [tilespmem:s26+$0x500]  }
0xec: {  	v11 =	vld [tilespmem:s26+$0x8500];
	(v2sf) =	vpush v3, $0x0  }
0xed: {  	(v2sf) =	vpush v3, $0x1;
	v5 =	vadd.f32 v6, v5;
	v6 =	vmul.f32 v8, v10;
	v8 =	vld [tilespmem:s26+$0x510]  }
0xee: {  	v10 =	vld [tilespmem:s26+$0x8510]  }
0xef: {  	(v2sf) =	vpush v3, $0x2;
	v5 =	vadd.f32 v6, v5;
	v4 =	vmul.f32 v4, v9;
	v6 =	vld [tilespmem:s26+$0x520]  }
0xf0: {  	v9 =	vld [tilespmem:s26+$0x8520]  }
0xf1: {  	(v2sf) =	vpush v3, $0x3;
	v4 =	vadd.f32 v4, v5;
	v5 =	vmul.f32 v11, v7;
	v7 =	vld [tilespmem:s26+$0x530]  }
0xf2: {  	v11 =	vld [tilespmem:s26+$0x8530]  }
0xf3: {  	(v2sf) =	vpush v3, $0x4;
	v4 =	vadd.f32 v5, v4;
	v5 =	vmul.f32 v10, v8;
	v8 =	vld [tilespmem:s26+$0x540]  }
0xf4: {  	v10 =	vld [tilespmem:s26+$0x8540]  }
0xf5: {  	(v2sf) =	vpush v3, $0x5;
	v4 =	vadd.f32 v5, v4;
	v5 =	vmul.f32 v9, v6;
	v6 =	vld [tilespmem:s26+$0x550]  }
0xf6: {  	v9 =	vld [tilespmem:s26+$0x8550]  }
0xf7: {  	(v2sf) =	vpush v3, $0x6;
	v4 =	vadd.f32 v5, v4;
	v5 =	vmul.f32 v11, v7;
	v7 =	vld [tilespmem:s26+$0x560]  }
0xf8: {  	v11 =	vld [tilespmem:s26+$0x8560]  }
0xf9: {  	(v2sf) =	vpush v3, $0x7;
	v4 =	vadd.f32 v5, v4;
	v5 =	vmul.f32 v10, v8;
	v8 =	vld [tilespmem:s26+$0x570]  }
0xfa: {  	v10 =	vld [tilespmem:s26+$0x8570]  }
0xfb: {  	s1 =	spop (v2sf);
	(v2sf) =	vpush v3, $0x8;
	v4 =	vadd.f32 v5, v4;
	v5 =	vmul.f32 v9, v6;
	v6 =	vld [tilespmem:s26+$0x900]  }
0xfc: {  	v9 =	vld [tilespmem:s26+$0x8900];
	s2 =	spop (v2sf)  }
0xfd: {  	(v2sf) =	vpush v3, $0x9;
	s0 =	sadd.f32 s2, s1;
	v4 =	vadd.f32 v5, v4;
	v5 =	vmul.f32 v11, v7;
	v7 =	vld [tilespmem:s26+$0x910]  }
0xfe: {  	s2 =	spop (v2sf);
	v11 =	vld [tilespmem:s26+$0x8910]  }
0xff: {  	(v2sf) =	vpush v3, $0xA;
	s0 =	sadd.f32 s0, s2;
	v4 =	vadd.f32 v5, v4;
	v5 =	vmul.f32 v10, v8;
	v8 =	vld [tilespmem:s26+$0x920]  }
0x100: {  	s2 =	spop (v2sf);
	v10 =	vld [tilespmem:s26+$0x8920]  }
0x101: {  	(v2sf) =	vpush v3, $0xB;
	s0 =	sadd.f32 s0, s2;
	v4 =	vadd.f32 v5, v4;
	v5 =	vmul.f32 v9, v6;
	v6 =	vld [tilespmem:s26+$0x930]  }
0x102: {  	s2 =	spop (v2sf);
	v9 =	vld [tilespmem:s26+$0x8930]  }
0x103: {  	(v2sf) =	vpush v3, $0xC;
	s0 =	sadd.f32 s0, s2;
	v4 =	vadd.f32 v5, v4;
	v5 =	vmul.f32 v11, v7;
	v7 =	vld [tilespmem:s26+$0x940]  }
0x104: {  	s2 =	spop (v2sf);
	v11 =	vld [tilespmem:s26+$0x8940]  }
0x105: {  	(v2sf) =	vpush v3, $0xD;
	s0 =	sadd.f32 s0, s2;
	v4 =	vadd.f32 v5, v4;
	v5 =	vmul.f32 v10, v8;
	v8 =	vld [tilespmem:s26+$0x950]  }
0x106: {  	s2 =	spop (v2sf);
	v10 =	vld [tilespmem:s26+$0x8950]  }
0x107: {  	(v2sf) =	vpush v3, $0xE;
	s0 =	sadd.f32 s0, s2;
	v4 =	vadd.f32 v5, v4;
	v5 =	vmul.f32 v9, v6;
	v6 =	vld [tilespmem:s26+$0x960]  }
0x108: {  	s2 =	spop (v2sf);
	v9 =	vld [tilespmem:s26+$0x8960]  }
0x109: {  	(v2sf) =	vpush v3, $0xF;
	s0 =	sadd.f32 s0, s2;
	v3 =	vadd.f32 v5, v4;
	v4 =	vmul.f32 v11, v7;
	v5 =	vld [tilespmem:s26+$0x970]  }
0x10a: {  	v7 =	vld [tilespmem:s26+$0x8970];
	s2 =	spop (v2sf)  }
0x10b: {  	s0 =	sadd.f32 s0, s2;
	v3 =	vadd.f32 v4, v3;
	v4 =	vmul.f32 v10, v8;
	v8 =	vld [tilespmem:s26+$0xD00]  }
0x10c: {  	s2 =	spop (v2sf);
	v10 =	vld [tilespmem:s26+$0x8D00]  }
0x10d: {  	s0 =	sadd.f32 s0, s2;
	v3 =	vadd.f32 v4, v3;
	v4 =	vmul.f32 v9, v6;
	v6 =	vld [tilespmem:s26+$0xD10]  }
0x10e: {  	s2 =	spop (v2sf);
	v9 =	vld [tilespmem:s26+$0x8D10]  }
0x10f: {  	s0 =	sadd.f32 s0, s2;
	v3 =	vadd.f32 v4, v3;
	v4 =	vmul.f32 v7, v5;
	v5 =	vld [tilespmem:s26+$0xD20]  }
0x110: {  	s2 =	spop (v2sf);
	v7 =	vld [tilespmem:s26+$0x8D20]  }
0x111: {  	s0 =	sadd.f32 s0, s2;
	v3 =	vadd.f32 v4, v3;
	v4 =	vmul.f32 v10, v8;
	v8 =	vld [tilespmem:s26+$0xD30]  }
0x112: {  	s2 =	spop (v2sf);
	v10 =	vld [tilespmem:s26+$0x8D30]  }
0x113: {  	s0 =	sadd.f32 s0, s2;
	v3 =	vadd.f32 v4, v3;
	v4 =	vmul.f32 v9, v6;
	v6 =	vld [tilespmem:s26+$0xD40]  }
0x114: {  	s2 =	spop (v2sf);
	v9 =	vld [tilespmem:s26+$0x8D40]  }
0x115: {  	v63 =	vld [tilespmem:s26+$0x8D50];
	s0 =	sadd.f32 s0, s2;
	v3 =	vadd.f32 v4, v3;
	v4 =	vmul.f32 v7, v5  }
0x116: {  	v11 =	vld [tilespmem:s26+$0xD50];
	s2 =	spop (v2sf)  }
0x117: {  	v7 =	vmul.f32 v10, v8;
	s0 =	sadd.f32 s0, s2;
	v5 =	vadd.f32 v4, v3;
	v3 =	vld [tilespmem:s26+$0xD60]  }
0x118: {  	s29 =	simm.s32 $0x100;
	s1 =	simm.s32 $0x400;
	s2 =	spop (v2sf);
	v4 =	vld [tilespmem:s26+$0x8D60]  }
0x119: {  	s1 =	sand.u32 $0x7000, s1;
	v8 =	vmul.f32 v9, v6;
	v6 =	vld [tilespmem:s26+$0x8D70];
	s0 =	sadd.f32 s0, s2;
	s2 =	sand.u32 $0x380, s29;
	v7 =	vadd.f32 v7, v5  }
0x11a: {  	v5 =	vld [tilespmem:s26+$0xD70];
	s28 =	sor.u32 s2, s1  }
0x11b: {  	s31 =	simm.s32 $0x600;
	s26 =	simm.s32 $0x0;
	[smem:s4] =	sst s0;
	v9 =	vld [tilespmem:s28+$0x100];
	v7 =	vadd.f32 v8, v7;
	v8 =	vmul.f32 v63, v11  }
.LBB2_2:
0x11c: {  	p0 =	sne.s32 s31, $0x7E00;
	v10 =	vld [tilespmem:s28+$0x8100]  }
0x11d: {  	v11 =	vld [tilespmem:s28+$0x110];
	v7 =	vadd.f32 v8, v7;
	v3 =	vmul.f32 v4, v3  }
0x11e: {  	v4 =	vld [tilespmem:s28+$0x8110]  }
0x11f: {  	v8 =	vld [tilespmem:s28+$0x120];
	v3 =	vadd.f32 v3, v7;
	v5 =	vmul.f32 v6, v5  }
0x120: {  	v6 =	vld [tilespmem:s28+$0x8120]  }
0x121: {  	v7 =	vmul.f32 v10, v9;
	v9 =	vld [tilespmem:s28+$0x130];
	v3 =	vadd.f32 v5, v3  }
0x122: {  	v5 =	vld [tilespmem:s28+$0x8130]  }
0x123: {  	v7 =	vadd.f32 $0.0e+00, v7;
	v4 =	vmul.f32 v4, v11;
	v10 =	vld [tilespmem:s28+$0x140];
	(v2sf) =	vpush v3, $0x0  }
0x124: {  	v11 =	vld [tilespmem:s28+$0x8140];
	(v2sf) =	vpush v3, $0x1  }
0x125: {  	v4 =	vadd.f32 v4, v7;
	v6 =	vmul.f32 v6, v8;
	v7 =	vld [tilespmem:s28+$0x150]  }
0x126: {  	v8 =	vld [tilespmem:s28+$0x8150];
	(v2sf) =	vpush v3, $0x2  }
0x127: {  	v4 =	vadd.f32 v6, v4;
	v5 =	vmul.f32 v5, v9;
	v6 =	vld [tilespmem:s28+$0x160]  }
0x128: {  	v9 =	vld [tilespmem:s28+$0x8160];
	(v2sf) =	vpush v3, $0x3  }
0x129: {  	v4 =	vadd.f32 v5, v4;
	v5 =	vmul.f32 v11, v10;
	v10 =	vld [tilespmem:s28+$0x170]  }
0x12a: {  	v11 =	vld [tilespmem:s28+$0x8170];
	(v2sf) =	vpush v3, $0x4  }
0x12b: {  	v4 =	vadd.f32 v5, v4;
	v5 =	vmul.f32 v8, v7;
	v7 =	vld [tilespmem:s28+$0x500]  }
0x12c: {  	v8 =	vld [tilespmem:s28+$0x8500];
	(v2sf) =	vpush v3, $0x5  }
0x12d: {  	v4 =	vadd.f32 v5, v4;
	v5 =	vmul.f32 v9, v6;
	v6 =	vld [tilespmem:s28+$0x510]  }
0x12e: {  	v9 =	vld [tilespmem:s28+$0x8510];
	(v2sf) =	vpush v3, $0x6  }
0x12f: {  	v4 =	vadd.f32 v5, v4;
	v5 =	vmul.f32 v11, v10;
	v10 =	vld [tilespmem:s28+$0x520]  }
0x130: {  	v11 =	vld [tilespmem:s28+$0x8520];
	(v2sf) =	vpush v3, $0x7  }
0x131: {  	v4 =	vadd.f32 v5, v4;
	v5 =	vmul.f32 v8, v7;
	v7 =	vld [tilespmem:s28+$0x530]  }
0x132: {  	v8 =	vld [tilespmem:s28+$0x8530];
	s0 =	spop (v2sf);
	(v2sf) =	vpush v3, $0x8  }
0x133: {  	v4 =	vadd.f32 v5, v4;
	v5 =	vmul.f32 v9, v6;
	v6 =	vld [tilespmem:s28+$0x540];
	s1 =	spop (v2sf)  }
0x134: {  	v9 =	vld [tilespmem:s28+$0x8540];
	s0 =	sadd.f32 s1, s0;
	(v2sf) =	vpush v3, $0x9  }
0x135: {  	v4 =	vadd.f32 v5, v4;
	v5 =	vmul.f32 v11, v10;
	v10 =	vld [tilespmem:s28+$0x550];
	s1 =	spop (v2sf)  }
0x136: {  	v11 =	vld [tilespmem:s28+$0x8550];
	s0 =	sadd.f32 s0, s1;
	(v2sf) =	vpush v3, $0xA  }
0x137: {  	v4 =	vadd.f32 v5, v4;
	v5 =	vmul.f32 v8, v7;
	v7 =	vld [tilespmem:s28+$0x560];
	s1 =	spop (v2sf)  }
0x138: {  	v8 =	vld [tilespmem:s28+$0x8560];
	s0 =	sadd.f32 s0, s1;
	(v2sf) =	vpush v3, $0xB  }
0x139: {  	v4 =	vadd.f32 v5, v4;
	v5 =	vmul.f32 v9, v6;
	v6 =	vld [tilespmem:s28+$0x570];
	s1 =	spop (v2sf)  }
0x13a: {  	v9 =	vld [tilespmem:s28+$0x8570];
	s0 =	sadd.f32 s0, s1;
	(v2sf) =	vpush v3, $0xC  }
0x13b: {  	v4 =	vadd.f32 v5, v4;
	v5 =	vmul.f32 v11, v10;
	v10 =	vld [tilespmem:s28+$0x900];
	s1 =	spop (v2sf)  }
0x13c: {  	v11 =	vld [tilespmem:s28+$0x8900];
	s0 =	sadd.f32 s0, s1;
	(v2sf) =	vpush v3, $0xD  }
0x13d: {  	v4 =	vadd.f32 v5, v4;
	v5 =	vmul.f32 v8, v7;
	v7 =	vld [tilespmem:s28+$0x910];
	s1 =	spop (v2sf)  }
0x13e: {  	v8 =	vld [tilespmem:s28+$0x8910];
	s0 =	sadd.f32 s0, s1;
	(v2sf) =	vpush v3, $0xE  }
0x13f: {  	v4 =	vadd.f32 v5, v4;
	v5 =	vmul.f32 v9, v6;
	v6 =	vld [tilespmem:s28+$0x920];
	s1 =	spop (v2sf)  }
0x140: {  	v9 =	vld [tilespmem:s28+$0x8920];
	s0 =	sadd.f32 s0, s1;
	(v2sf) =	vpush v3, $0xF  }
0x141: {  	v3 =	vadd.f32 v5, v4;
	v4 =	vmul.f32 v11, v10;
	v5 =	vld [tilespmem:s28+$0x930];
	s1 =	spop (v2sf)  }
0x142: {  	v10 =	vld [tilespmem:s28+$0x8930];
	s0 =	sadd.f32 s0, s1  }
0x143: {  	v3 =	vadd.f32 v4, v3;
	v4 =	vmul.f32 v8, v7;
	v7 =	vld [tilespmem:s28+$0x940];
	s1 =	spop (v2sf)  }
0x144: {  	v8 =	vld [tilespmem:s28+$0x8940];
	s0 =	sadd.f32 s0, s1  }
0x145: {  	v3 =	vadd.f32 v4, v3;
	v4 =	vmul.f32 v9, v6;
	v6 =	vld [tilespmem:s28+$0x950];
	s1 =	spop (v2sf)  }
0x146: {  	v9 =	vld [tilespmem:s28+$0x8950];
	s0 =	sadd.f32 s0, s1  }
0x147: {  	v3 =	vadd.f32 v4, v3;
	v4 =	vmul.f32 v10, v5;
	v5 =	vld [tilespmem:s28+$0x960];
	s1 =	spop (v2sf)  }
0x148: {  	v10 =	vld [tilespmem:s28+$0x8960];
	s0 =	sadd.f32 s0, s1  }
0x149: {  	v3 =	vadd.f32 v4, v3;
	v4 =	vmul.f32 v8, v7;
	v7 =	vld [tilespmem:s28+$0x970];
	s1 =	spop (v2sf)  }
0x14a: {  	v8 =	vld [tilespmem:s28+$0x8970];
	s0 =	sadd.f32 s0, s1  }
0x14b: {  	v3 =	vadd.f32 v4, v3;
	v4 =	vmul.f32 v9, v6;
	v6 =	vld [tilespmem:s28+$0xD00];
	s1 =	spop (v2sf)  }
0x14c: {  	v9 =	vld [tilespmem:s28+$0x8D00];
	s0 =	sadd.f32 s0, s1  }
0x14d: {  	v3 =	vadd.f32 v4, v3;
	v4 =	vmul.f32 v10, v5;
	v5 =	vld [tilespmem:s28+$0xD10];
	s1 =	spop (v2sf)  }
0x14e: {  	v10 =	vld [tilespmem:s28+$0x8D10];
	s0 =	sadd.f32 s0, s1  }
0x14f: {  	v3 =	vadd.f32 v4, v3;
	v4 =	vmul.f32 v8, v7;
	v7 =	vld [tilespmem:s28+$0xD20];
	s1 =	spop (v2sf)  }
0x150: {  	v8 =	vld [tilespmem:s28+$0x8D20];
	s0 =	sadd.f32 s0, s1  }
0x151: {  	s26 =	sadd.s32 $0x1, s26;
	v3 =	vadd.f32 v4, v3;
	v4 =	vmul.f32 v9, v6;
	v6 =	vld [tilespmem:s28+$0xD30]  }
0x152: {  	v9 =	vld [tilespmem:s28+$0x8D30];
	[smem:s26] =	sst s0  }
0x153: {  	v3 =	vadd.f32 v4, v3;
	v4 =	vmul.f32 v10, v5;
	v5 =	vld [tilespmem:s28+$0xD40]  }
0x154: {  	v10 =	vld [tilespmem:s28+$0x8D40]  }
0x155: {  	v3 =	vadd.f32 v4, v3;
	v4 =	vmul.f32 v8, v7;
	v8 =	vld [tilespmem:s28+$0xD50]  }
0x156: {  	v11 =	vld [tilespmem:s28+$0x8D50]  }
.Ltmp0:
0x157: {  	v7 =	vadd.f32 v4, v3;
	v6 =	vmul.f32 v9, v6;
	v3 =	vld [tilespmem:s28+$0xD60];
	(pc) =	sbr.rel @p0 .LBB2_2-.Ltmp0, $4  }
0x158: {  	s29 =	sadd.s32 $0x80, s29;
	v4 =	vld [tilespmem:s28+$0x8D60]  }
0x159: {  	s1 =	sand.u32 $0x380, s29;
	s0 =	sand.u32 $0x7000, s31;
	v7 =	vadd.f32 v6, v7;
	v10 =	vmul.f32 v10, v5;
	v5 =	vld [tilespmem:s28+$0xD70]  }
0x15a: {  	v6 =	vld [tilespmem:s28+$0x8D70];
	s28 =	sor.u32 s1, s0  }
0x15b: {  	s31 =	sadd.s32 $0x200, s31;
	v9 =	vld [tilespmem:s28+$0x100];
	v7 =	vadd.f32 v10, v7;
	v8 =	vmul.f32 v11, v8  }
0x15c: {  	v10 =	vld [tilespmem:s28+$0x8100]  }
0x15d: {  	v11 =	vld [tilespmem:s28+$0x110]  }
0x15e: {  	v12 =	vld [tilespmem:s28+$0x8110]  }
0x15f: {  	v13 =	vld [tilespmem:s28+$0x120]  }
0x160: {  	v14 =	vld [tilespmem:s28+$0x8120]  }
0x161: {  	v15 =	vld [tilespmem:s28+$0x130]  }
0x162: {  	v16 =	vld [tilespmem:s28+$0x8130]  }
0x163: {  	v17 =	vld [tilespmem:s28+$0x140]  }
0x164: {  	v18 =	vld [tilespmem:s28+$0x8140]  }
0x165: {  	v19 =	vld [tilespmem:s28+$0x150]  }
0x166: {  	v20 =	vld [tilespmem:s28+$0x8150]  }
0x167: {  	v21 =	vld [tilespmem:s28+$0x160]  }
0x168: {  	v22 =	vld [tilespmem:s28+$0x8160]  }
0x169: {  	v23 =	vld [tilespmem:s28+$0x170]  }
0x16a: {  	v24 =	vld [tilespmem:s28+$0x8170]  }
0x16b: {  	v25 =	vld [tilespmem:s28+$0x500]  }
0x16c: {  	v26 =	vld [tilespmem:s28+$0x8500]  }
0x16d: {  	v27 =	vld [tilespmem:s28+$0x510]  }
0x16e: {  	v28 =	vld [tilespmem:s28+$0x8510]  }
0x16f: {  	v29 =	vld [tilespmem:s28+$0x520]  }
0x170: {  	v30 =	vld [tilespmem:s28+$0x8520]  }
0x171: {  	v31 =	vld [tilespmem:s28+$0x530]  }
0x172: {  	v32 =	vld [tilespmem:s28+$0x540];
	v9 =	vmul.f32 v10, v9  }
0x173: {  	v57 =	vld [tilespmem:s28+$0x8540]  }
0x174: {  	v33 =	vld [tilespmem:s28+$0x550];
	v11 =	vmul.f32 v12, v11;
	v9 =	vadd.f32 $0.0e+00, v9  }
0x175: {  	v58 =	vld [tilespmem:s28+$0x8550]  }
0x176: {  	v59 =	vld [tilespmem:s28+$0x560];
	v9 =	vadd.f32 v11, v9;
	v11 =	vmul.f32 v14, v13  }
0x177: {  	v60 =	vld [tilespmem:s28+$0x8560]  }
0x178: {  	v61 =	vld [tilespmem:s28+$0x570];
	v9 =	vadd.f32 v11, v9;
	v11 =	vmul.f32 v16, v15  }
0x179: {  	v62 =	vld [tilespmem:s28+$0x8570]  }
0x17a: {  	v63 =	vld [tilespmem:s28+$0x900];
	v9 =	vadd.f32 v11, v9;
	v11 =	vmul.f32 v18, v17  }
0x17b: {  	v36 =	vld [tilespmem:s28+$0x8900]  }
0x17c: {  	v37 =	vld [tilespmem:s28+$0x910];
	v9 =	vadd.f32 v11, v9;
	v11 =	vmul.f32 v20, v19  }
0x17d: {  	v38 =	vld [tilespmem:s28+$0x8910]  }
0x17e: {  	v39 =	vld [tilespmem:s28+$0x920];
	v9 =	vadd.f32 v11, v9;
	v11 =	vmul.f32 v22, v21  }
0x17f: {  	v40 =	vld [tilespmem:s28+$0x8920]  }
0x180: {  	v41 =	vld [tilespmem:s28+$0x930];
	v9 =	vadd.f32 v11, v9;
	v11 =	vmul.f32 v24, v23  }
0x181: {  	v42 =	vld [tilespmem:s28+$0x8930]  }
0x182: {  	v43 =	vld [tilespmem:s28+$0x940];
	v9 =	vadd.f32 v11, v9;
	v11 =	vmul.f32 v26, v25  }
0x183: {  	v10 =	vld [tilespmem:s28+$0x8530]  }
0x184: {  	v44 =	vld [tilespmem:s28+$0x8940];
	v9 =	vadd.f32 v11, v9;
	v11 =	vmul.f32 v28, v27  }
0x185: {  	v45 =	vld [tilespmem:s28+$0x950]  }
0x186: {  	v46 =	vld [tilespmem:s28+$0x8950];
	v9 =	vadd.f32 v11, v9;
	v11 =	vmul.f32 v30, v29  }
0x187: {  	v47 =	vld [tilespmem:s28+$0x960]  }
0x188: {  	v48 =	vld [tilespmem:s28+$0x970];
	v10 =	vmul.f32 v10, v31;
	v9 =	vadd.f32 v11, v9  }
0x189: {  	v49 =	vld [tilespmem:s28+$0x8970]  }
0x18a: {  	v50 =	vld [tilespmem:s28+$0xD00];
	v9 =	vadd.f32 v10, v9;
	v10 =	vmul.f32 v57, v32  }
0x18b: {  	v51 =	vld [tilespmem:s28+$0x8D00]  }
0x18c: {  	v52 =	vld [tilespmem:$0x40];
	v9 =	vadd.f32 v10, v9;
	v10 =	vmul.f32 v58, v33  }
0x18d: {  	v53 =	vld [tilespmem:s28+$0xD10]  }
0x18e: {  	v54 =	vld [tilespmem:s28+$0x8D10];
	v9 =	vadd.f32 v10, v9;
	v10 =	vmul.f32 v60, v59  }
0x18f: {  	v55 =	vld [tilespmem:s28+$0xD20]  }
0x190: {  	v56 =	vld [tilespmem:s28+$0x8D20];
	v9 =	vadd.f32 v10, v9;
	v10 =	vmul.f32 v62, v61  }
0x191: {  	v34 =	vld [tilespmem:s28+$0x8D30];
	v3 =	vmul.f32 v4, v3  }
0x192: {  	v4 =	vld [tilespmem:s28+$0x8D60];
	v58 =	vshll.u32 v52, $0x2;
	v9 =	vadd.f32 v10, v9;
	v10 =	vmul.f32 v36, v63  }
0x193: {  	v5 =	vmul.f32 v6, v5;
	v6 =	vld [tilespmem:s28+$0x8D70];
	v33 =	vand.u32 $0x7, v52;
	v19 =	vand.u32 $0xFFFFFFE0, v58  }
0x194: {  	v27 =	vld [tilespmem:s28+$0xD70];
	v19 =	vor.u32 v33, v19;
	v9 =	vadd.f32 v10, v9;
	v10 =	vmul.f32 v38, v37  }
0x195: {  	v11 =	vld [tilespmem:s28+$0x8960];
	v33 =	vperm.xlane v19, v0  }
0x196: {  	v57 =	vld [tilespmem:s28+$0xD30];
	v9 =	vadd.f32 v10, v9;
	v10 =	vmul.f32 v40, v39  }
0x197: {  	v59 =	vld [tilespmem:s28+$0xD40];
	v33 =	vadd.s32 v1, v33  }
0x198: {  	v60 =	vld [tilespmem:s28+$0x8D40];
	v9 =	vadd.f32 v10, v9;
	v10 =	vmul.f32 v42, v41  }
0x199: {  	v7 =	vadd.f32 v8, v7;
	v8 =	vperm.xlane v19, v2;
	v61 =	vld [tilespmem:s28+$0xD50]  }
0x19a: {  	v62 =	vld [tilespmem:s28+$0x8D50];
	v9 =	vadd.f32 v10, v9;
	v10 =	vmul.f32 v44, v43  }
0x19b: {  	v3 =	vadd.f32 v3, v7;
	v7 =	vadd.s32 v1, v8;
	v63 =	vld [tilespmem:s28+$0xD60];
	s28 =	simm.s32 $0x0  }
0x19c: {  	[tilespmem:s3], [sflag:$0x1] =	stream.indirect_vreg.gather [hbm4b:s10+s28], $0x80, v33, vm0, $0xb8;
	v8 =	vadd.f32 v10, v9;
	v9 =	vmul.f32 v46, v45;
	[tilespmem:$0x10180] =	vst v63  }
0x19d: {  	v3 =	vadd.f32 v5, v3  }
0x19e: {  	[tilespmem:s5], [sflag:$0x1] =	stream.indirect_vreg.gather [hbm4b:s12+s28], $0x80, v33, vm0, $0xb8;
	v5 =	vadd.f32 v9, v8;
	v8 =	vmul.f32 v11, v47;
	[tilespmem:$0x10180] =	vst v63  }
0x19f: {  	_ = 	snop  }
0x1a0: {  	(v2sf) =	vpush v3, $0x0;
	[tilespmem:s6], [sflag:$0x1] =	stream.indirect_vreg.gather [hbm4b:s10+s28], $0x80, v7, vm0, $0xb8;
	v5 =	vadd.f32 v8, v5;
	v8 =	vmul.f32 v49, v48;
	[tilespmem:$0x10180] =	vst v63  }
0x1a1: {  	(v2sf) =	vpush v3, $0x1  }
0x1a2: {  	(v2sf) =	vpush v3, $0x2;
	[tilespmem:s7], [sflag:$0x1] =	stream.indirect_vreg.gather [hbm4b:s12+s28], $0x80, v7, vm0, $0xb8;
	v5 =	vadd.f32 v8, v5;
	v8 =	vmul.f32 v51, v50;
	[tilespmem:$0x10180] =	vst v63  }
0x1a3: {  	v7 =	vld [tilespmem:$0x50]  }
0x1a4: {  	(v2sf) =	vpush v3, $0x3;
	v5 =	vadd.f32 v8, v5;
	v8 =	vmul.f32 v54, v53;
	_ =	sdelay $0x1  }
0x1a5: {  	(v2sf) =	vpush v3, $0x4;
	v5 =	vadd.f32 v8, v5;
	v8 =	vmul.f32 v56, v55  }
0x1a6: {  	(v2sf) =	vpush v3, $0x5  }
0x1a7: {  	v9 =	vshll.u32 v7, $0x2;
	v5 =	vadd.f32 v8, v5;
	v8 =	vmul.f32 v34, v57  }
0x1a8: {  	(v2sf) =	vpush v3, $0x6;
	v7 =	vand.u32 $0x7, v7;
	v9 =	vand.u32 $0xFFFFFFE0, v9  }
0x1a9: {  	v7 =	vor.u32 v7, v9;
	v5 =	vadd.f32 v8, v5;
	v8 =	vmul.f32 v60, v59  }
0x1aa: {  	(v2sf) =	vpush v3, $0x7;
	v9 =	vperm.xlane v7, v0  }
0x1ab: {  	(v2sf) =	vpush v3, $0x8;
	v5 =	vadd.f32 v8, v5;
	v8 =	vmul.f32 v62, v61  }
0x1ac: {  	(v2sf) =	vpush v3, $0x9;
	v9 =	vadd.s32 v1, v9  }
0x1ad: {  	(v2sf) =	vpush v3, $0xA;
	v4 =	vmul.f32 v4, v63;
	v5 =	vadd.f32 v8, v5  }
0x1ae: {  	s0 =	spop (v2sf);
	(v2sf) =	vpush v3, $0xB;
	v7 =	vperm.xlane v7, v2  }
0x1af: {  	s1 =	spop (v2sf);
	(v2sf) =	vpush v3, $0xC;
	v4 =	vadd.f32 v4, v5;
	v5 =	vmul.f32 v6, v27  }
0x1b0: {  	s2 =	spop (v2sf);
	(v2sf) =	vpush v3, $0xD;
	v6 =	vadd.s32 v1, v7  }
0x1b1: {  	(v2sf) =	vpush v3, $0xE;
	[tilespmem:s8], [sflag:$0x1] =	stream.indirect_vreg.gather [hbm4b:s10+s28], $0x80, v9, vm0, $0xb8;
	v4 =	vadd.f32 v5, v4;
	[tilespmem:$0x10180] =	vst v63  }
0x1b2: {  	s7 =	spop (v2sf);
	(v2sf) =	vpush v3, $0xF  }
0x1b3: {  	[tilespmem:s9], [sflag:$0x1] =	stream.indirect_vreg.gather [hbm4b:s12+s28], $0x80, v9, vm0, $0xb8;
	(v2sf) =	vpush v4, $0x0;
	[tilespmem:$0x10180] =	vst v63  }
0x1b4: {  	s0 =	sadd.f32 s1, s0;
	s8 =	spop (v2sf);
	(v2sf) =	vpush v4, $0x1  }
0x1b5: {  	[tilespmem:s14], [sflag:$0x1] =	stream.indirect_vreg.gather [hbm4b:s10+s28], $0x80, v6, vm0, $0xb8;
	[tilespmem:$0x10180] =	vst v63  }
0x1b6: {  	s0 =	sadd.f32 s0, s2;
	s9 =	spop (v2sf);
	(v2sf) =	vpush v4, $0x2  }
0x1b7: {  	(v2sf) =	vpush v4, $0x3;
	[tilespmem:s15], [sflag:$0x1] =	stream.indirect_vreg.gather [hbm4b:s12+s28], $0x80, v6, vm0, $0xb8;
	[tilespmem:$0x10180] =	vst v63  }
0x1b8: {  	s4 =	spop (v2sf);
	v3 =	vld [tilespmem:$0x60]  }
0x1b9: {  	s0 =	sadd.f32 s0, s7;
	s5 =	spop (v2sf);
	(v2sf) =	vpush v4, $0x4  }
0x1ba: {  	s14 =	spop (v2sf)  }
0x1bb: {  	s0 =	sadd.f32 s0, s8;
	s1 =	spop (v2sf);
	(v2sf) =	vpush v4, $0x5  }
0x1bc: {  	s6 =	spop (v2sf)  }
0x1bd: {  	s0 =	sadd.f32 s0, s9;
	s2 =	spop (v2sf);
	(v2sf) =	vpush v4, $0x6;
	v5 =	vshll.u32 v3, $0x2  }
0x1be: {  	s7 =	spop (v2sf);
	v3 =	vand.u32 $0x7, v3;
	v5 =	vand.u32 $0xFFFFFFE0, v5  }
0x1bf: {  	s0 =	sadd.f32 s0, s4;
	s8 =	spop (v2sf);
	v3 =	vor.u32 v3, v5  }
0x1c0: {  	s4 =	spop (v2sf);
	(v2sf) =	vpush v4, $0x7;
	v5 =	vperm.xlane v3, v0  }
0x1c1: {  	s0 =	sadd.f32 s0, s5;
	s9 =	spop (v2sf)  }
0x1c2: {  	(v2sf) =	vpush v4, $0x8;
	v5 =	vadd.s32 v1, v5;
	s15 =	spop (v2sf)  }
0x1c3: {  	s0 =	sadd.f32 s0, s14;
	s14 =	spop (v2sf)  }
0x1c4: {  	(v2sf) =	vpush v4, $0x9;
	v3 =	vperm.xlane v3, v2;
	s3 =	sadd.f32 s14, s15  }
0x1c5: {  	s0 =	sadd.f32 s0, s1;
	s15 =	spop (v2sf)  }
0x1c6: {  	v3 =	vadd.s32 v1, v3;
	(v2sf) =	vpush v4, $0xA;
	s5 =	spop (v2sf);
	s1 =	sadd.f32 s3, s15  }
0x1c7: {  	[tilespmem:s16], [sflag:$0x1] =	stream.indirect_vreg.gather [hbm4b:s10+s28], $0x80, v5, vm0, $0xb8;
	[tilespmem:$0x10180] =	vst v63  }
0x1c8: {  	(v2sf) =	vpush v4, $0xB;
	s14 =	spop (v2sf);
	s1 =	sadd.f32 s1, s5  }
0x1c9: {  	[tilespmem:s17], [sflag:$0x1] =	stream.indirect_vreg.gather [hbm4b:s12+s28], $0x80, v5, vm0, $0xb8;
	[tilespmem:$0x10180] =	vst v63  }
0x1ca: {  	(v2sf) =	vpush v4, $0xC;
	s15 =	spop (v2sf);
	s1 =	sadd.f32 s1, s14  }
0x1cb: {  	[tilespmem:s18], [sflag:$0x1] =	stream.indirect_vreg.gather [hbm4b:s10+s28], $0x80, v3, vm0, $0xb8;
	[tilespmem:$0x10180] =	vst v63  }
0x1cc: {  	(v2sf) =	vpush v4, $0xD;
	s16 =	spop (v2sf);
	s1 =	sadd.f32 s1, s15  }
0x1cd: {  	(v2sf) =	vpush v4, $0xE;
	[tilespmem:s19], [sflag:$0x1] =	stream.indirect_vreg.gather [hbm4b:s12+s28], $0x80, v3, vm0, $0xb8;
	[tilespmem:$0x10180] =	vst v63  }
0x1ce: {  	v3 =	vld [tilespmem:$0x70];
	s1 =	sadd.f32 s1, s16  }
0x1cf: {  	s0 =	sadd.f32 s0, s6;
	s17 =	spop (v2sf);
	(v2sf) =	vpush v4, $0xF  }
0x1d0: {  	s1 =	sadd.f32 s1, s17  }
0x1d1: {  	s0 =	sadd.f32 s0, s2;
	s18 =	spop (v2sf)  }
0x1d2: {  	s1 =	sadd.f32 s1, s18  }
0x1d3: {  	s0 =	sadd.f32 s0, s7;
	s19 =	spop (v2sf);
	v4 =	vshll.u32 v3, $0x2  }
0x1d4: {  	v3 =	vand.u32 $0x7, v3;
	v4 =	vand.u32 $0xFFFFFFE0, v4;
	s1 =	sadd.f32 s1, s19  }
0x1d5: {  	s0 =	sadd.f32 s0, s8;
	s3 =	spop (v2sf);
	v3 =	vor.u32 v3, v4  }
0x1d6: {  	v4 =	vperm.xlane v3, v0;
	s1 =	sadd.f32 s1, s3  }
0x1d7: {  	s0 =	sadd.f32 s0, s4;
	s5 =	spop (v2sf)  }
0x1d8: {  	v4 =	vadd.s32 v1, v4;
	s1 =	sadd.f32 s1, s5  }
0x1d9: {  	s0 =	sadd.f32 s0, s9;
	s6 =	spop (v2sf)  }
0x1da: {  	s7 =	sadd.s32 $0x1, s26;
	v3 =	vperm.xlane v3, v2;
	s1 =	sadd.f32 s1, s6  }
0x1db: {  	[smem:s7] =	sst s0;
	s8 =	spop (v2sf)  }
0x1dc: {  	s9 =	spop (v2sf);
	v3 =	vadd.s32 v1, v3;
	s0 =	sadd.f32 s1, s8  }
0x1dd: {  	[tilespmem:s20], [sflag:$0x1] =	stream.indirect_vreg.gather [hbm4b:s10+s28], $0x80, v4, vm0, $0xb8;
	[tilespmem:$0x10180] =	vst v63  }
0x1de: {  	s14 =	spop (v2sf);
	s0 =	sadd.f32 s0, s9  }
0x1df: {  	[tilespmem:s21], [sflag:$0x1] =	stream.indirect_vreg.gather [hbm4b:s12+s28], $0x80, v4, vm0, $0xb8;
	[tilespmem:$0x10180] =	vst v63  }
0x1e0: {  	s15 =	sadd.s32 $0x1, s7;
	s0 =	sadd.f32 s0, s14  }
0x1e1: {  	[tilespmem:s22], [sflag:$0x1] =	stream.indirect_vreg.gather [hbm4b:s10+s28], $0x80, v3, vm0, $0xb8;
	[tilespmem:$0x10180] =	vst v63  }
0x1e2: {  	[smem:s15] =	sst s0  }
0x1e3: {  	[tilespmem:s23], [sflag:$0x1] =	stream.indirect_vreg.gather [hbm4b:s12+s28], $0x80, v3, vm0, $0xb8;
	[tilespmem:$0x10180] =	vst v63  }
0x1e4: {  	_ =	swait.ge [sflag:s24], $0x8000  }
0x1e5: {  	[sflag:s24] =	ssyncset.done $0x0  }
0x1e6: {  	[sflag:s24] =	ssyncadd.s32 $0xFFFF8000  }
0x1e7: {  	v3 =	vld [tilespmem:$0xC0];
	_ =	sdelay $0x4  }
0x1e8: {  	v4 =	vshll.u32 v3, $0x2  }
0x1e9: {  	v3 =	vand.u32 $0x7, v3;
	v4 =	vand.u32 $0xFFFFFFE0, v4  }
0x1ea: {  	v3 =	vor.u32 v3, v4  }
0x1eb: {  	v4 =	vperm.xlane v3, v0;
	_ =	sdelay $0x1  }
0x1ec: {  	v4 =	vadd.s32 v1, v4;
	_ =	sdelay $0x1  }
0x1ed: {  	v3 =	vperm.xlane v3, v2;
	_ =	sdelay $0x1  }
0x1ee: {  	v3 =	vadd.s32 v1, v3  }
0x1ef: {  	[tilespmem:s25], [sflag:$0x1] =	stream.indirect_vreg.gather [hbm4b:s11+s28], $0x80, v4, vm0, $0xb8;
	[tilespmem:$0x10180] =	vst v63  }
0x1f0: {  	_ = 	snop  }
0x1f1: {  	[tilespmem:s30], [sflag:$0x1] =	stream.indirect_vreg.gather [hbm4b:s13+s28], $0x80, v4, vm0, $0xb8;
	[tilespmem:$0x10180] =	vst v63  }
0x1f2: {  	s16 =	simm.s32 $0x9100  }
0x1f3: {  	[tilespmem:s16], [sflag:$0x1] =	stream.indirect_vreg.gather [hbm4b:s11+s28], $0x80, v3, vm0, $0xb8;
	[tilespmem:$0x10180] =	vst v63  }
0x1f4: {  	s17 =	simm.s32 $0x9900  }
0x1f5: {  	[tilespmem:s17], [sflag:$0x1] =	stream.indirect_vreg.gather [hbm4b:s13+s28], $0x80, v3, vm0, $0xb8;
	[tilespmem:$0x10180] =	vst v63  }
0x1f6: {  	v3 =	vld [tilespmem:$0xD0];
	_ =	sdelay $0x4  }
0x1f7: {  	v4 =	vshll.u32 v3, $0x2  }
0x1f8: {  	v3 =	vand.u32 $0x7, v3;
	v4 =	vand.u32 $0xFFFFFFE0, v4  }
0x1f9: {  	v3 =	vor.u32 v3, v4  }
0x1fa: {  	v4 =	vperm.xlane v3, v0;
	_ =	sdelay $0x1  }
0x1fb: {  	v4 =	vadd.s32 v1, v4;
	_ =	sdelay $0x1  }
0x1fc: {  	v3 =	vperm.xlane v3, v2;
	_ =	sdelay $0x1  }
0x1fd: {  	s18 =	simm.s32 $0xA100;
	v3 =	vadd.s32 v1, v3  }
0x1fe: {  	[tilespmem:s18], [sflag:$0x1] =	stream.indirect_vreg.gather [hbm4b:s11+s28], $0x80, v4, vm0, $0xb8;
	[tilespmem:$0x10180] =	vst v63  }
0x1ff: {  	s19 =	simm.s32 $0xA900  }
0x200: {  	[tilespmem:s19], [sflag:$0x1] =	stream.indirect_vreg.gather [hbm4b:s13+s28], $0x80, v4, vm0, $0xb8;
	[tilespmem:$0x10180] =	vst v63  }
0x201: {  	s20 =	simm.s32 $0xB100  }
0x202: {  	[tilespmem:s20], [sflag:$0x1] =	stream.indirect_vreg.gather [hbm4b:s11+s28], $0x80, v3, vm0, $0xb8;
	[tilespmem:$0x10180] =	vst v63  }
0x203: {  	s21 =	simm.s32 $0xB900  }
0x204: {  	[tilespmem:s21], [sflag:$0x1] =	stream.indirect_vreg.gather [hbm4b:s13+s28], $0x80, v3, vm0, $0xb8;
	[tilespmem:$0x10180] =	vst v63  }
0x205: {  	v3 =	vld [tilespmem:$0xE0];
	_ =	sdelay $0x4  }
0x206: {  	v4 =	vshll.u32 v3, $0x2  }
0x207: {  	v3 =	vand.u32 $0x7, v3;
	v4 =	vand.u32 $0xFFFFFFE0, v4  }
0x208: {  	v3 =	vor.u32 v3, v4  }
0x209: {  	v4 =	vperm.xlane v3, v0;
	_ =	sdelay $0x1  }
0x20a: {  	v4 =	vadd.s32 v1, v4;
	_ =	sdelay $0x1  }
0x20b: {  	v3 =	vperm.xlane v3, v2;
	_ =	sdelay $0x1  }
0x20c: {  	s22 =	simm.s32 $0xC100;
	v3 =	vadd.s32 v1, v3  }
0x20d: {  	[tilespmem:s22], [sflag:$0x1] =	stream.indirect_vreg.gather [hbm4b:s11+s28], $0x80, v4, vm0, $0xb8;
	[tilespmem:$0x10180] =	vst v63  }
0x20e: {  	s23 =	simm.s32 $0xC900  }
0x20f: {  	[tilespmem:s23], [sflag:$0x1] =	stream.indirect_vreg.gather [hbm4b:s13+s28], $0x80, v4, vm0, $0xb8;
	[tilespmem:$0x10180] =	vst v63  }
0x210: {  	s25 =	simm.s32 $0xD100  }
0x211: {  	[tilespmem:s25], [sflag:$0x1] =	stream.indirect_vreg.gather [hbm4b:s11+s28], $0x80, v3, vm0, $0xb8;
	[tilespmem:$0x10180] =	vst v63  }
0x212: {  	s26 =	simm.s32 $0xD900  }
0x213: {  	[tilespmem:s26], [sflag:$0x1] =	stream.indirect_vreg.gather [hbm4b:s13+s28], $0x80, v3, vm0, $0xb8;
	[tilespmem:$0x10180] =	vst v63  }
0x214: {  	v3 =	vld [tilespmem:$0xF0];
	_ =	sdelay $0x4  }
0x215: {  	v4 =	vshll.u32 v3, $0x2  }
0x216: {  	v3 =	vand.u32 $0x7, v3;
	v4 =	vand.u32 $0xFFFFFFE0, v4  }
0x217: {  	v3 =	vor.u32 v3, v4  }
0x218: {  	v4 =	vperm.xlane v3, v0;
	_ =	sdelay $0x1  }
0x219: {  	v4 =	vadd.s32 v1, v4;
	_ =	sdelay $0x1  }
0x21a: {  	v3 =	vperm.xlane v3, v2;
	_ =	sdelay $0x1  }
0x21b: {  	s30 =	simm.s32 $0xE100;
	v3 =	vadd.s32 v1, v3  }
0x21c: {  	[tilespmem:s30], [sflag:$0x1] =	stream.indirect_vreg.gather [hbm4b:s11+s28], $0x80, v4, vm0, $0xb8;
	[tilespmem:$0x10180] =	vst v63  }
0x21d: {  	s1 =	simm.s32 $0xE900  }
0x21e: {  	[tilespmem:s1], [sflag:$0x1] =	stream.indirect_vreg.gather [hbm4b:s13+s28], $0x80, v4, vm0, $0xb8;
	[tilespmem:$0x10180] =	vst v63  }
0x21f: {  	s2 =	simm.s32 $0xF100  }
0x220: {  	[tilespmem:s2], [sflag:$0x1] =	stream.indirect_vreg.gather [hbm4b:s11+s28], $0x80, v3, vm0, $0xb8;
	[tilespmem:$0x10180] =	vst v63  }
0x221: {  	s3 =	simm.s32 $0xF900  }
0x222: {  	[tilespmem:s3], [sflag:$0x1] =	stream.indirect_vreg.gather [hbm4b:s13+s28], $0x80, v3, vm0, $0xb8;
	[tilespmem:$0x10180] =	vst v63  }
0x223: {  	_ =	swait.ge [sflag:s24], $0x8000  }
0x224: {  	s4 =	sand.u32 $0x7000, s28;
	s5 =	sand.u32 $0x380, s28;
	[sflag:s24] =	ssyncset.done $0x0  }
0x225: {  	s0 =	sor.u32 s5, s4;
	[sflag:s24] =	ssyncadd.s32 $0xFFFF8000  }
0x226: {  	v3 =	vld [tilespmem:s0+$0x100]  }
0x227: {  	v4 =	vld [tilespmem:s0+$0x8100]  }
0x228: {  	v5 =	vld [tilespmem:s0+$0x110]  }
0x229: {  	v6 =	vld [tilespmem:s0+$0x8110]  }
0x22a: {  	v7 =	vld [tilespmem:s0+$0x120]  }
0x22b: {  	v8 =	vld [tilespmem:s0+$0x8120]  }
0x22c: {  	v9 =	vld [tilespmem:s0+$0x130]  }
0x22d: {  	v10 =	vld [tilespmem:s0+$0x8130]  }
0x22e: {  	v11 =	vld [tilespmem:s0+$0x140]  }
0x22f: {  	v28 =	vld [tilespmem:s0+$0x8140]  }
0x230: {  	v29 =	vld [tilespmem:s0+$0x150]  }
0x231: {  	v30 =	vld [tilespmem:s0+$0x8150]  }
0x232: {  	v31 =	vld [tilespmem:s0+$0x160]  }
0x233: {  	v32 =	vld [tilespmem:s0+$0x8160]  }
0x234: {  	v33 =	vld [tilespmem:s0+$0x170]  }
0x235: {  	v34 =	vld [tilespmem:s0+$0x500];
	v3 =	vmul.f32 v4, v3  }
0x236: {  	v35 =	vld [tilespmem:s0+$0x510]  }
0x237: {  	v36 =	vld [tilespmem:s0+$0x540];
	v5 =	vmul.f32 v6, v5;
	v3 =	vadd.f32 $0.0e+00, v3  }
0x238: {  	v37 =	vld [tilespmem:s0+$0x8540]  }
0x239: {  	v38 =	vld [tilespmem:s0+$0x550];
	v3 =	vadd.f32 v5, v3;
	v5 =	vmul.f32 v8, v7  }
0x23a: {  	v39 =	vld [tilespmem:s0+$0x8550]  }
0x23b: {  	v40 =	vld [tilespmem:s0+$0x560];
	v3 =	vadd.f32 v5, v3;
	v5 =	vmul.f32 v10, v9  }
0x23c: {  	v41 =	vld [tilespmem:s0+$0x570]  }
0x23d: {  	v42 =	vld [tilespmem:s0+$0x900];
	v3 =	vadd.f32 v5, v3;
	v5 =	vmul.f32 v28, v11  }
0x23e: {  	v4 =	vld [tilespmem:s0+$0x8170]  }
0x23f: {  	v43 =	vld [tilespmem:s0+$0x910];
	v3 =	vadd.f32 v5, v3;
	v5 =	vmul.f32 v30, v29  }
0x240: {  	v6 =	vld [tilespmem:s0+$0x8500]  }
0x241: {  	v44 =	vld [tilespmem:s0+$0x8930];
	v3 =	vadd.f32 v5, v3;
	v5 =	vmul.f32 v32, v31  }
0x242: {  	v7 =	vld [tilespmem:s0+$0x8510]  }
0x243: {  	v8 =	vld [tilespmem:s0+$0x520];
	v4 =	vmul.f32 v4, v33;
	v3 =	vadd.f32 v5, v3  }
0x244: {  	v9 =	vld [tilespmem:s0+$0x8520]  }
0x245: {  	v10 =	vld [tilespmem:s0+$0x530];
	v3 =	vadd.f32 v4, v3;
	v4 =	vmul.f32 v6, v34  }
0x246: {  	v11 =	vld [tilespmem:s0+$0x8530]  }
0x247: {  	v45 =	vld [tilespmem:s0+$0x940];
	v3 =	vadd.f32 v4, v3;
	v4 =	vmul.f32 v7, v35  }
0x248: {  	v46 =	vld [tilespmem:s0+$0x8940]  }
0x249: {  	v47 =	vld [tilespmem:s0+$0x950];
	v3 =	vadd.f32 v4, v3;
	v4 =	vmul.f32 v9, v8  }
0x24a: {  	v48 =	vld [tilespmem:s0+$0x960]  }
0x24b: {  	v49 =	vld [tilespmem:s0+$0x970];
	v3 =	vadd.f32 v4, v3;
	v4 =	vmul.f32 v11, v10  }
0x24c: {  	v5 =	vld [tilespmem:s0+$0x8560]  }
0x24d: {  	v50 =	vld [tilespmem:s0+$0xD00];
	v3 =	vadd.f32 v4, v3;
	v4 =	vmul.f32 v37, v36  }
0x24e: {  	v6 =	vld [tilespmem:s0+$0x8570]  }
0x24f: {  	v51 =	vld [tilespmem:s0+$0xD10];
	v3 =	vadd.f32 v4, v3;
	v4 =	vmul.f32 v39, v38  }
0x250: {  	v7 =	vld [tilespmem:s0+$0x8900]  }
0x251: {  	v52 =	vld [tilespmem:s0+$0xD30];
	v3 =	vadd.f32 v4, v3;
	v4 =	vmul.f32 v5, v40  }
0x252: {  	v8 =	vld [tilespmem:s0+$0x8910]  }
0x253: {  	v9 =	vld [tilespmem:s0+$0x920];
	v3 =	vadd.f32 v4, v3;
	v4 =	vmul.f32 v6, v41  }
0x254: {  	v10 =	vld [tilespmem:s0+$0x8920]  }
0x255: {  	v53 =	vld [tilespmem:s0+$0x8D30];
	v3 =	vadd.f32 v4, v3;
	v4 =	vmul.f32 v7, v42  }
0x256: {  	v11 =	vld [tilespmem:s0+$0x930]  }
0x257: {  	v54 =	vld [tilespmem:s0+$0xD40];
	v3 =	vadd.f32 v4, v3;
	v4 =	vmul.f32 v8, v43  }
0x258: {  	v55 =	vld [tilespmem:s0+$0xD50]  }
0x259: {  	v56 =	vld [tilespmem:s0+$0xD60];
	v3 =	vadd.f32 v4, v3;
	v4 =	vmul.f32 v10, v9  }
0x25a: {  	s7 =	simm.s32 $0x80;
	s6 =	simm.s32 $0x200;
	v5 =	vld [tilespmem:s0+$0x8950]  }
0x25b: {  	s1 =	sand.u32 $0x7000, s6;
	s2 =	sand.u32 $0x380, s7;
	v57 =	vld [tilespmem:s0+$0xD70];
	v3 =	vadd.f32 v4, v3;
	v4 =	vmul.f32 v44, v11  }
0x25c: {  	s8 =	sor.u32 s2, s1;
	v6 =	vld [tilespmem:s0+$0x8960]  }
0x25d: {  	v58 =	vld [tilespmem:s8+$0x100];
	v3 =	vadd.f32 v4, v3;
	v4 =	vmul.f32 v46, v45  }
0x25e: {  	v7 =	vld [tilespmem:s0+$0x8970]  }
0x25f: {  	v59 =	vld [tilespmem:s8+$0x110];
	v3 =	vadd.f32 v4, v3;
	v4 =	vmul.f32 v5, v47  }
0x260: {  	v8 =	vld [tilespmem:s0+$0x8D00]  }
0x261: {  	v60 =	vld [tilespmem:s8+$0x8120];
	v3 =	vadd.f32 v4, v3;
	v4 =	vmul.f32 v6, v48  }
0x262: {  	v9 =	vld [tilespmem:s0+$0x8D10]  }
0x263: {  	v10 =	vld [tilespmem:s0+$0xD20];
	v3 =	vadd.f32 v4, v3;
	v4 =	vmul.f32 v7, v49  }
0x264: {  	v11 =	vld [tilespmem:s0+$0x8D20]  }
0x265: {  	v61 =	vld [tilespmem:s8+$0x130];
	v3 =	vadd.f32 v4, v3;
	v4 =	vmul.f32 v8, v50  }
0x266: {  	v62 =	vld [tilespmem:s8+$0x140]  }
0x267: {  	v3 =	vadd.f32 v4, v3;
	v4 =	vmul.f32 v9, v51;
	v9 =	vld [tilespmem:s8+$0x8100]  }
0x268: {  	v5 =	vld [tilespmem:s0+$0x8D40]  }
0x269: {  	v3 =	vadd.f32 v4, v3;
	v4 =	vmul.f32 v11, v10;
	v10 =	vld [tilespmem:s8+$0x8110]  }
0x26a: {  	v6 =	vld [tilespmem:s0+$0x8D50]  }
0x26b: {  	v11 =	vld [tilespmem:s8+$0x120];
	v3 =	vadd.f32 v4, v3;
	v4 =	vmul.f32 v53, v52  }
0x26c: {  	v7 =	vld [tilespmem:s0+$0x8D60];
	v9 =	vmul.f32 v9, v58  }
0x26d: {  	v3 =	vadd.f32 v4, v3;
	v4 =	vmul.f32 v5, v54;
	v5 =	vld [tilespmem:s8+$0x8130]  }
0x26e: {  	v8 =	vld [tilespmem:s0+$0x8D70];
	v9 =	vadd.f32 $0.0e+00, v9;
	v10 =	vmul.f32 v10, v59  }
0x26f: {  	v3 =	vadd.f32 v4, v3;
	v4 =	vmul.f32 v6, v55;
	v6 =	vld [tilespmem:s8+$0x8140]  }
0x270: {  	v9 =	vadd.f32 v10, v9;
	v10 =	vmul.f32 v60, v11;
	v11 =	vld [tilespmem:s8+$0x150]  }
0x271: {  	v3 =	vadd.f32 v4, v3;
	v4 =	vmul.f32 v7, v56;
	v7 =	vld [tilespmem:s8+$0x8150]  }
0x272: {  	v9 =	vadd.f32 v10, v9;
	v5 =	vmul.f32 v5, v61;
	v10 =	vld [tilespmem:s8+$0x160]  }
0x273: {  	v3 =	vadd.f32 v4, v3;
	v4 =	vmul.f32 v8, v57;
	v8 =	vld [tilespmem:s8+$0x8160]  }
0x274: {  	v5 =	vadd.f32 v5, v9;
	v6 =	vmul.f32 v6, v62;
	v9 =	vld [tilespmem:s8+$0x170]  }
0x275: {  	v3 =	vadd.f32 v4, v3;
	v4 =	vld [tilespmem:s8+$0x8170]  }
0x276: {  	v5 =	vadd.f32 v6, v5;
	v6 =	vmul.f32 v7, v11;
	v7 =	vld [tilespmem:s8+$0x500]  }
0x277: {  	v11 =	vld [tilespmem:s8+$0x8500];
	(v2sf) =	vpush v3, $0x0  }
0x278: {  	(v2sf) =	vpush v3, $0x1;
	v5 =	vadd.f32 v6, v5;
	v6 =	vmul.f32 v8, v10;
	v8 =	vld [tilespmem:s8+$0x510]  }
0x279: {  	v10 =	vld [tilespmem:s8+$0x8510]  }
0x27a: {  	(v2sf) =	vpush v3, $0x2;
	v5 =	vadd.f32 v6, v5;
	v4 =	vmul.f32 v4, v9;
	v6 =	vld [tilespmem:s8+$0x520]  }
0x27b: {  	v9 =	vld [tilespmem:s8+$0x8520]  }
0x27c: {  	(v2sf) =	vpush v3, $0x3;
	v4 =	vadd.f32 v4, v5;
	v5 =	vmul.f32 v11, v7;
	v7 =	vld [tilespmem:s8+$0x530]  }
0x27d: {  	v11 =	vld [tilespmem:s8+$0x8530]  }
0x27e: {  	(v2sf) =	vpush v3, $0x4;
	v4 =	vadd.f32 v5, v4;
	v5 =	vmul.f32 v10, v8;
	v8 =	vld [tilespmem:s8+$0x540]  }
0x27f: {  	v10 =	vld [tilespmem:s8+$0x8540]  }
0x280: {  	(v2sf) =	vpush v3, $0x5;
	v4 =	vadd.f32 v5, v4;
	v5 =	vmul.f32 v9, v6;
	v6 =	vld [tilespmem:s8+$0x550]  }
0x281: {  	v9 =	vld [tilespmem:s8+$0x8550]  }
0x282: {  	(v2sf) =	vpush v3, $0x6;
	v4 =	vadd.f32 v5, v4;
	v5 =	vmul.f32 v11, v7;
	v7 =	vld [tilespmem:s8+$0x560]  }
0x283: {  	v11 =	vld [tilespmem:s8+$0x8560]  }
0x284: {  	(v2sf) =	vpush v3, $0x7;
	v4 =	vadd.f32 v5, v4;
	v5 =	vmul.f32 v10, v8;
	v8 =	vld [tilespmem:s8+$0x570]  }
0x285: {  	v10 =	vld [tilespmem:s8+$0x8570]  }
0x286: {  	s9 =	spop (v2sf);
	(v2sf) =	vpush v3, $0x8;
	v4 =	vadd.f32 v5, v4;
	v5 =	vmul.f32 v9, v6;
	v6 =	vld [tilespmem:s8+$0x900]  }
0x287: {  	v9 =	vld [tilespmem:s8+$0x8900];
	s10 =	spop (v2sf)  }
0x288: {  	(v2sf) =	vpush v3, $0x9;
	s0 =	sadd.f32 s10, s9;
	v4 =	vadd.f32 v5, v4;
	v5 =	vmul.f32 v11, v7;
	v7 =	vld [tilespmem:s8+$0x910]  }
0x289: {  	s11 =	spop (v2sf);
	v11 =	vld [tilespmem:s8+$0x8910]  }
0x28a: {  	(v2sf) =	vpush v3, $0xA;
	s0 =	sadd.f32 s0, s11;
	v4 =	vadd.f32 v5, v4;
	v5 =	vmul.f32 v10, v8;
	v8 =	vld [tilespmem:s8+$0x920]  }
0x28b: {  	s12 =	spop (v2sf);
	v10 =	vld [tilespmem:s8+$0x8920]  }
0x28c: {  	(v2sf) =	vpush v3, $0xB;
	s0 =	sadd.f32 s0, s12;
	v4 =	vadd.f32 v5, v4;
	v5 =	vmul.f32 v9, v6;
	v6 =	vld [tilespmem:s8+$0x930]  }
0x28d: {  	s13 =	spop (v2sf);
	v9 =	vld [tilespmem:s8+$0x8930]  }
0x28e: {  	(v2sf) =	vpush v3, $0xC;
	s0 =	sadd.f32 s0, s13;
	v4 =	vadd.f32 v5, v4;
	v5 =	vmul.f32 v11, v7;
	v7 =	vld [tilespmem:s8+$0x940]  }
0x28f: {  	s14 =	spop (v2sf);
	v11 =	vld [tilespmem:s8+$0x8940]  }
0x290: {  	(v2sf) =	vpush v3, $0xD;
	s0 =	sadd.f32 s0, s14;
	v4 =	vadd.f32 v5, v4;
	v5 =	vmul.f32 v10, v8;
	v8 =	vld [tilespmem:s8+$0x950]  }
0x291: {  	s15 =	spop (v2sf);
	v10 =	vld [tilespmem:s8+$0x8950]  }
0x292: {  	(v2sf) =	vpush v3, $0xE;
	s0 =	sadd.f32 s0, s15;
	v4 =	vadd.f32 v5, v4;
	v5 =	vmul.f32 v9, v6;
	v6 =	vld [tilespmem:s8+$0x960]  }
0x293: {  	s16 =	spop (v2sf);
	v9 =	vld [tilespmem:s8+$0x8960]  }
0x294: {  	(v2sf) =	vpush v3, $0xF;
	s0 =	sadd.f32 s0, s16;
	v3 =	vadd.f32 v5, v4;
	v4 =	vmul.f32 v11, v7;
	v5 =	vld [tilespmem:s8+$0x970]  }
0x295: {  	v7 =	vld [tilespmem:s8+$0x8970];
	s17 =	spop (v2sf)  }
0x296: {  	s0 =	sadd.f32 s0, s17;
	v3 =	vadd.f32 v4, v3;
	v4 =	vmul.f32 v10, v8;
	v8 =	vld [tilespmem:s8+$0xD00]  }
0x297: {  	s18 =	spop (v2sf);
	v10 =	vld [tilespmem:s8+$0x8D00]  }
0x298: {  	s0 =	sadd.f32 s0, s18;
	v3 =	vadd.f32 v4, v3;
	v4 =	vmul.f32 v9, v6;
	v6 =	vld [tilespmem:s8+$0xD10]  }
0x299: {  	s19 =	spop (v2sf);
	v9 =	vld [tilespmem:s8+$0x8D10]  }
0x29a: {  	s0 =	sadd.f32 s0, s19;
	v3 =	vadd.f32 v4, v3;
	v4 =	vmul.f32 v7, v5;
	v5 =	vld [tilespmem:s8+$0xD20]  }
0x29b: {  	s20 =	spop (v2sf);
	v7 =	vld [tilespmem:s8+$0x8D20]  }
0x29c: {  	s0 =	sadd.f32 s0, s20;
	v3 =	vadd.f32 v4, v3;
	v4 =	vmul.f32 v10, v8;
	v8 =	vld [tilespmem:s8+$0xD30]  }
0x29d: {  	s21 =	spop (v2sf);
	v10 =	vld [tilespmem:s8+$0x8D30]  }
0x29e: {  	s0 =	sadd.f32 s0, s21;
	v3 =	vadd.f32 v4, v3;
	v4 =	vmul.f32 v9, v6;
	v6 =	vld [tilespmem:s8+$0xD40]  }
0x29f: {  	s22 =	spop (v2sf);
	v9 =	vld [tilespmem:s8+$0x8D40]  }
0x2a0: {  	v63 =	vld [tilespmem:s8+$0x8D50];
	s0 =	sadd.f32 s0, s22;
	v3 =	vadd.f32 v4, v3;
	v4 =	vmul.f32 v7, v5  }
0x2a1: {  	v11 =	vld [tilespmem:s8+$0xD50];
	s23 =	spop (v2sf)  }
0x2a2: {  	v7 =	vmul.f32 v10, v8;
	s0 =	sadd.f32 s0, s23;
	v5 =	vadd.f32 v4, v3;
	v3 =	vld [tilespmem:s8+$0xD60]  }
0x2a3: {  	s29 =	simm.s32 $0x100;
	s24 =	simm.s32 $0x400;
	s25 =	spop (v2sf);
	v4 =	vld [tilespmem:s8+$0x8D60]  }
0x2a4: {  	s30 =	sand.u32 $0x380, s29;
	s1 =	sand.u32 $0x7000, s24;
	v8 =	vmul.f32 v9, v6;
	v6 =	vld [tilespmem:s8+$0x8D70];
	s0 =	sadd.f32 s0, s25;
	v7 =	vadd.f32 v7, v5  }
0x2a5: {  	s26 =	simm.s32 $0x40;
	s28 =	sor.u32 s30, s1;
	v5 =	vld [tilespmem:s8+$0xD70]  }
0x2a6: {  	s31 =	simm.s32 $0x600;
	v9 =	vld [tilespmem:s28+$0x100];
	[smem:s26] =	sst s0;
	v7 =	vadd.f32 v8, v7;
	v8 =	vmul.f32 v63, v11  }
.LBB2_4:
0x2a7: {  	p0 =	sne.s32 s31, $0x7E00;
	v10 =	vld [tilespmem:s28+$0x8100]  }
0x2a8: {  	v11 =	vld [tilespmem:s28+$0x110];
	v7 =	vadd.f32 v8, v7;
	v3 =	vmul.f32 v4, v3  }
0x2a9: {  	v4 =	vld [tilespmem:s28+$0x8110]  }
0x2aa: {  	v8 =	vld [tilespmem:s28+$0x120];
	v3 =	vadd.f32 v3, v7;
	v5 =	vmul.f32 v6, v5  }
0x2ab: {  	v6 =	vld [tilespmem:s28+$0x8120]  }
0x2ac: {  	v7 =	vmul.f32 v10, v9;
	v9 =	vld [tilespmem:s28+$0x130];
	v3 =	vadd.f32 v5, v3  }
0x2ad: {  	v5 =	vld [tilespmem:s28+$0x8130]  }
0x2ae: {  	v7 =	vadd.f32 $0.0e+00, v7;
	v4 =	vmul.f32 v4, v11;
	v10 =	vld [tilespmem:s28+$0x140];
	(v2sf) =	vpush v3, $0x0  }
0x2af: {  	v11 =	vld [tilespmem:s28+$0x8140];
	(v2sf) =	vpush v3, $0x1  }
0x2b0: {  	v4 =	vadd.f32 v4, v7;
	v6 =	vmul.f32 v6, v8;
	v7 =	vld [tilespmem:s28+$0x150]  }
0x2b1: {  	v8 =	vld [tilespmem:s28+$0x8150];
	(v2sf) =	vpush v3, $0x2  }
0x2b2: {  	v4 =	vadd.f32 v6, v4;
	v5 =	vmul.f32 v5, v9;
	v6 =	vld [tilespmem:s28+$0x160]  }
0x2b3: {  	v9 =	vld [tilespmem:s28+$0x8160];
	(v2sf) =	vpush v3, $0x3  }
0x2b4: {  	v4 =	vadd.f32 v5, v4;
	v5 =	vmul.f32 v11, v10;
	v10 =	vld [tilespmem:s28+$0x170]  }
0x2b5: {  	v11 =	vld [tilespmem:s28+$0x8170];
	(v2sf) =	vpush v3, $0x4  }
0x2b6: {  	v4 =	vadd.f32 v5, v4;
	v5 =	vmul.f32 v8, v7;
	v7 =	vld [tilespmem:s28+$0x500]  }
0x2b7: {  	v8 =	vld [tilespmem:s28+$0x8500];
	(v2sf) =	vpush v3, $0x5  }
0x2b8: {  	v4 =	vadd.f32 v5, v4;
	v5 =	vmul.f32 v9, v6;
	v6 =	vld [tilespmem:s28+$0x510]  }
0x2b9: {  	v9 =	vld [tilespmem:s28+$0x8510];
	(v2sf) =	vpush v3, $0x6  }
0x2ba: {  	v4 =	vadd.f32 v5, v4;
	v5 =	vmul.f32 v11, v10;
	v10 =	vld [tilespmem:s28+$0x520]  }
0x2bb: {  	v11 =	vld [tilespmem:s28+$0x8520];
	(v2sf) =	vpush v3, $0x7  }
0x2bc: {  	v4 =	vadd.f32 v5, v4;
	v5 =	vmul.f32 v8, v7;
	v7 =	vld [tilespmem:s28+$0x530]  }
0x2bd: {  	v8 =	vld [tilespmem:s28+$0x8530];
	s0 =	spop (v2sf);
	(v2sf) =	vpush v3, $0x8  }
0x2be: {  	v4 =	vadd.f32 v5, v4;
	v5 =	vmul.f32 v9, v6;
	v6 =	vld [tilespmem:s28+$0x540];
	s1 =	spop (v2sf)  }
0x2bf: {  	v9 =	vld [tilespmem:s28+$0x8540];
	s0 =	sadd.f32 s1, s0;
	(v2sf) =	vpush v3, $0x9  }
0x2c0: {  	v4 =	vadd.f32 v5, v4;
	v5 =	vmul.f32 v11, v10;
	v10 =	vld [tilespmem:s28+$0x550];
	s1 =	spop (v2sf)  }
0x2c1: {  	v11 =	vld [tilespmem:s28+$0x8550];
	s0 =	sadd.f32 s0, s1;
	(v2sf) =	vpush v3, $0xA  }
0x2c2: {  	v4 =	vadd.f32 v5, v4;
	v5 =	vmul.f32 v8, v7;
	v7 =	vld [tilespmem:s28+$0x560];
	s1 =	spop (v2sf)  }
0x2c3: {  	v8 =	vld [tilespmem:s28+$0x8560];
	s0 =	sadd.f32 s0, s1;
	(v2sf) =	vpush v3, $0xB  }
0x2c4: {  	v4 =	vadd.f32 v5, v4;
	v5 =	vmul.f32 v9, v6;
	v6 =	vld [tilespmem:s28+$0x570];
	s1 =	spop (v2sf)  }
0x2c5: {  	v9 =	vld [tilespmem:s28+$0x8570];
	s0 =	sadd.f32 s0, s1;
	(v2sf) =	vpush v3, $0xC  }
0x2c6: {  	v4 =	vadd.f32 v5, v4;
	v5 =	vmul.f32 v11, v10;
	v10 =	vld [tilespmem:s28+$0x900];
	s1 =	spop (v2sf)  }
0x2c7: {  	v11 =	vld [tilespmem:s28+$0x8900];
	s0 =	sadd.f32 s0, s1;
	(v2sf) =	vpush v3, $0xD  }
0x2c8: {  	v4 =	vadd.f32 v5, v4;
	v5 =	vmul.f32 v8, v7;
	v7 =	vld [tilespmem:s28+$0x910];
	s1 =	spop (v2sf)  }
0x2c9: {  	v8 =	vld [tilespmem:s28+$0x8910];
	s0 =	sadd.f32 s0, s1;
	(v2sf) =	vpush v3, $0xE  }
0x2ca: {  	v4 =	vadd.f32 v5, v4;
	v5 =	vmul.f32 v9, v6;
	v6 =	vld [tilespmem:s28+$0x920];
	s1 =	spop (v2sf)  }
0x2cb: {  	v9 =	vld [tilespmem:s28+$0x8920];
	s0 =	sadd.f32 s0, s1;
	(v2sf) =	vpush v3, $0xF  }
0x2cc: {  	v3 =	vadd.f32 v5, v4;
	v4 =	vmul.f32 v11, v10;
	v5 =	vld [tilespmem:s28+$0x930];
	s1 =	spop (v2sf)  }
0x2cd: {  	v10 =	vld [tilespmem:s28+$0x8930];
	s0 =	sadd.f32 s0, s1  }
0x2ce: {  	v3 =	vadd.f32 v4, v3;
	v4 =	vmul.f32 v8, v7;
	v7 =	vld [tilespmem:s28+$0x940];
	s1 =	spop (v2sf)  }
0x2cf: {  	v8 =	vld [tilespmem:s28+$0x8940];
	s0 =	sadd.f32 s0, s1  }
0x2d0: {  	v3 =	vadd.f32 v4, v3;
	v4 =	vmul.f32 v9, v6;
	v6 =	vld [tilespmem:s28+$0x950];
	s1 =	spop (v2sf)  }
0x2d1: {  	v9 =	vld [tilespmem:s28+$0x8950];
	s0 =	sadd.f32 s0, s1  }
0x2d2: {  	v3 =	vadd.f32 v4, v3;
	v4 =	vmul.f32 v10, v5;
	v5 =	vld [tilespmem:s28+$0x960];
	s1 =	spop (v2sf)  }
0x2d3: {  	v10 =	vld [tilespmem:s28+$0x8960];
	s0 =	sadd.f32 s0, s1  }
0x2d4: {  	v3 =	vadd.f32 v4, v3;
	v4 =	vmul.f32 v8, v7;
	v7 =	vld [tilespmem:s28+$0x970];
	s1 =	spop (v2sf)  }
0x2d5: {  	v8 =	vld [tilespmem:s28+$0x8970];
	s0 =	sadd.f32 s0, s1  }
0x2d6: {  	v3 =	vadd.f32 v4, v3;
	v4 =	vmul.f32 v9, v6;
	v6 =	vld [tilespmem:s28+$0xD00];
	s1 =	spop (v2sf)  }
0x2d7: {  	v9 =	vld [tilespmem:s28+$0x8D00];
	s0 =	sadd.f32 s0, s1  }
0x2d8: {  	v3 =	vadd.f32 v4, v3;
	v4 =	vmul.f32 v10, v5;
	v5 =	vld [tilespmem:s28+$0xD10];
	s1 =	spop (v2sf)  }
0x2d9: {  	v10 =	vld [tilespmem:s28+$0x8D10];
	s0 =	sadd.f32 s0, s1  }
0x2da: {  	v3 =	vadd.f32 v4, v3;
	v4 =	vmul.f32 v8, v7;
	v7 =	vld [tilespmem:s28+$0xD20];
	s1 =	spop (v2sf)  }
0x2db: {  	v8 =	vld [tilespmem:s28+$0x8D20];
	s0 =	sadd.f32 s0, s1  }
0x2dc: {  	s26 =	sadd.s32 $0x1, s26;
	v3 =	vadd.f32 v4, v3;
	v4 =	vmul.f32 v9, v6;
	v6 =	vld [tilespmem:s28+$0xD30]  }
0x2dd: {  	v9 =	vld [tilespmem:s28+$0x8D30];
	[smem:s26] =	sst s0  }
0x2de: {  	v3 =	vadd.f32 v4, v3;
	v4 =	vmul.f32 v10, v5;
	v5 =	vld [tilespmem:s28+$0xD40]  }
0x2df: {  	v10 =	vld [tilespmem:s28+$0x8D40]  }
0x2e0: {  	v3 =	vadd.f32 v4, v3;
	v4 =	vmul.f32 v8, v7;
	v8 =	vld [tilespmem:s28+$0xD50]  }
0x2e1: {  	v11 =	vld [tilespmem:s28+$0x8D50]  }
.Ltmp1:
0x2e2: {  	v7 =	vadd.f32 v4, v3;
	v6 =	vmul.f32 v9, v6;
	v3 =	vld [tilespmem:s28+$0xD60];
	(pc) =	sbr.rel @p0 .LBB2_4-.Ltmp1, $4  }
0x2e3: {  	s29 =	sadd.s32 $0x80, s29;
	v4 =	vld [tilespmem:s28+$0x8D60]  }
0x2e4: {  	s1 =	sand.u32 $0x380, s29;
	s0 =	sand.u32 $0x7000, s31;
	v7 =	vadd.f32 v6, v7;
	v10 =	vmul.f32 v10, v5;
	v5 =	vld [tilespmem:s28+$0xD70]  }
0x2e5: {  	v6 =	vld [tilespmem:s28+$0x8D70];
	s28 =	sor.u32 s1, s0  }
0x2e6: {  	s31 =	sadd.s32 $0x200, s31;
	v9 =	vld [tilespmem:s28+$0x100];
	v7 =	vadd.f32 v10, v7;
	v8 =	vmul.f32 v11, v8  }
0x2e7: {  	v10 =	vld [tilespmem:s28+$0x8100]  }
0x2e8: {  	v11 =	vld [tilespmem:s28+$0x110]  }
0x2e9: {  	v12 =	vld [tilespmem:s28+$0x8110]  }
0x2ea: {  	v13 =	vld [tilespmem:s28+$0x120]  }
0x2eb: {  	v14 =	vld [tilespmem:s28+$0x8120]  }
0x2ec: {  	v54 =	vld [tilespmem:s28+$0x130];
	v9 =	vmul.f32 v10, v9  }
0x2ed: {  	v15 =	vld [tilespmem:s28+$0x8130]  }
0x2ee: {  	v55 =	vld [tilespmem:s28+$0x140];
	v11 =	vmul.f32 v12, v11;
	v9 =	vadd.f32 $0.0e+00, v9  }
0x2ef: {  	v16 =	vld [tilespmem:s28+$0x8140]  }
0x2f0: {  	v57 =	vld [tilespmem:s28+$0x150];
	v56 =	vmul.f32 v14, v13;
	v9 =	vadd.f32 v11, v9  }
0x2f1: {  	v58 =	vld [tilespmem:s28+$0x8150]  }
0x2f2: {  	v59 =	vld [tilespmem:s28+$0x160];
	v10 =	vmul.f32 v15, v54;
	v9 =	vadd.f32 v56, v9  }
0x2f3: {  	v60 =	vld [tilespmem:s28+$0x8160]  }
0x2f4: {  	v62 =	vld [tilespmem:s28+$0x170];
	v61 =	vmul.f32 v16, v55;
	v9 =	vadd.f32 v10, v9  }
0x2f5: {  	v63 =	vld [tilespmem:s28+$0x8170]  }
0x2f6: {  	v20 =	vld [tilespmem:s28+$0x500];
	v19 =	vmul.f32 v58, v57;
	v9 =	vadd.f32 v61, v9  }
0x2f7: {  	v21 =	vld [tilespmem:s28+$0x8500]  }
0x2f8: {  	v23 =	vld [tilespmem:s28+$0x510];
	v22 =	vmul.f32 v60, v59;
	v9 =	vadd.f32 v19, v9  }
0x2f9: {  	v24 =	vld [tilespmem:s28+$0x8510]  }
0x2fa: {  	v26 =	vld [tilespmem:s28+$0x520];
	v25 =	vmul.f32 v63, v62;
	v9 =	vadd.f32 v22, v9  }
0x2fb: {  	v27 =	vld [tilespmem:s28+$0x8520]  }
0x2fc: {  	v29 =	vld [tilespmem:s28+$0x530];
	v28 =	vmul.f32 v21, v20;
	v9 =	vadd.f32 v25, v9  }
0x2fd: {  	v30 =	vld [tilespmem:s28+$0x8530]  }
0x2fe: {  	v32 =	vld [tilespmem:s28+$0x540];
	v31 =	vmul.f32 v24, v23;
	v9 =	vadd.f32 v28, v9  }
0x2ff: {  	v33 =	vld [tilespmem:s28+$0x8540]  }
0x300: {  	v35 =	vld [tilespmem:s28+$0x550];
	v34 =	vmul.f32 v27, v26;
	v9 =	vadd.f32 v31, v9  }
0x301: {  	v36 =	vld [tilespmem:s28+$0x8550]  }
0x302: {  	v38 =	vld [tilespmem:s28+$0x560];
	v37 =	vmul.f32 v30, v29;
	v9 =	vadd.f32 v34, v9  }
0x303: {  	v39 =	vld [tilespmem:s28+$0x8560]  }
0x304: {  	v41 =	vld [tilespmem:s28+$0x570];
	v40 =	vmul.f32 v33, v32;
	v9 =	vadd.f32 v37, v9  }
0x305: {  	v42 =	vld [tilespmem:s28+$0x8570]  }
0x306: {  	v44 =	vld [tilespmem:s28+$0x900];
	v43 =	vmul.f32 v36, v35;
	v9 =	vadd.f32 v40, v9  }
0x307: {  	v45 =	vld [tilespmem:s28+$0x8900]  }
0x308: {  	v47 =	vld [tilespmem:s28+$0x910];
	v46 =	vmul.f32 v39, v38;
	v9 =	vadd.f32 v43, v9  }
0x309: {  	v48 =	vld [tilespmem:s28+$0x8910]  }
0x30a: {  	v50 =	vld [tilespmem:s28+$0x920];
	v49 =	vmul.f32 v42, v41;
	v9 =	vadd.f32 v46, v9  }
0x30b: {  	v51 =	vld [tilespmem:s28+$0x8920]  }
0x30c: {  	v53 =	vld [tilespmem:s28+$0x930];
	v52 =	vmul.f32 v45, v44;
	v9 =	vadd.f32 v49, v9  }
0x30d: {  	v54 =	vld [tilespmem:s28+$0x8930]  }
0x30e: {  	v55 =	vmul.f32 v48, v47;
	v57 =	vld [tilespmem:s28+$0x8940];
	v9 =	vadd.f32 v52, v9  }
0x30f: {  	v56 =	vld [tilespmem:s28+$0x940]  }
0x310: {  	v58 =	vmul.f32 v51, v50;
	v59 =	vld [tilespmem:s28+$0x950];
	v9 =	vadd.f32 v55, v9  }
0x311: {  	v60 =	vld [tilespmem:s28+$0x8950]  }
0x312: {  	v62 =	vld [tilespmem:s28+$0x960];
	v61 =	vmul.f32 v54, v53;
	v9 =	vadd.f32 v58, v9  }
0x313: {  	v63 =	vld [tilespmem:s28+$0x8960]  }
0x314: {  	v20 =	vld [tilespmem:s28+$0x970];
	v19 =	vmul.f32 v57, v56;
	v9 =	vadd.f32 v61, v9  }
0x315: {  	v21 =	vld [tilespmem:s28+$0x8970]  }
0x316: {  	v23 =	vld [tilespmem:s28+$0xD00];
	v22 =	vmul.f32 v60, v59;
	v9 =	vadd.f32 v19, v9  }
0x317: {  	v7 =	vadd.f32 v8, v7;
	v3 =	vmul.f32 v4, v3;
	v24 =	vld [tilespmem:s28+$0x8D00]  }
0x318: {  	v27 =	vld [tilespmem:s28+$0xD10];
	v26 =	vmul.f32 v63, v62;
	v25 =	vadd.f32 v22, v9  }
0x319: {  	v3 =	vadd.f32 v3, v7;
	v28 =	vld [tilespmem:s28+$0x8D10]  }
0x31a: {  	v5 =	vmul.f32 v6, v5;
	v32 =	vld [tilespmem:s28+$0x8D20];
	v30 =	vmul.f32 v21, v20;
	v29 =	vadd.f32 v26, v25  }
0x31b: {  	v31 =	vld [tilespmem:s28+$0xD20]  }
0x31c: {  	v3 =	vadd.f32 v5, v3;
	v35 =	vld [tilespmem:s28+$0x8D30];
	v4 =	vmul.f32 v24, v23;
	v33 =	vadd.f32 v30, v29  }
0x31d: {  	v34 =	vld [tilespmem:s28+$0xD30]  }
0x31e: {  	v38 =	vld [tilespmem:s28+$0x8D40];
	(v2sf) =	vpush v3, $0x0;
	v36 =	vmul.f32 v28, v27;
	v4 =	vadd.f32 v4, v33  }
0x31f: {  	(v2sf) =	vpush v3, $0x1;
	v37 =	vld [tilespmem:s28+$0xD40]  }
0x320: {  	v41 =	vld [tilespmem:s28+$0x8D50];
	(v2sf) =	vpush v3, $0x2;
	v39 =	vmul.f32 v32, v31;
	v4 =	vadd.f32 v36, v4  }
0x321: {  	(v2sf) =	vpush v3, $0x3;
	v40 =	vld [tilespmem:s28+$0xD50]  }
0x322: {  	v44 =	vld [tilespmem:s28+$0x8D60];
	(v2sf) =	vpush v3, $0x4;
	v42 =	vmul.f32 v35, v34;
	v4 =	vadd.f32 v39, v4  }
0x323: {  	(v2sf) =	vpush v3, $0x5;
	v43 =	vld [tilespmem:s28+$0xD60]  }
0x324: {  	v47 =	vld [tilespmem:s28+$0x8D70];
	(v2sf) =	vpush v3, $0x6;
	v45 =	vmul.f32 v38, v37;
	v4 =	vadd.f32 v42, v4  }
0x325: {  	(v2sf) =	vpush v3, $0x7;
	v46 =	vld [tilespmem:s28+$0xD70]  }
0x326: {  	(v2sf) =	vpush v3, $0x8;
	v48 =	vmul.f32 v41, v40;
	v4 =	vadd.f32 v45, v4  }
0x327: {  	(v2sf) =	vpush v3, $0x9  }
0x328: {  	(v2sf) =	vpush v3, $0xA;
	v49 =	vmul.f32 v44, v43;
	v4 =	vadd.f32 v48, v4  }
0x329: {  	(v2sf) =	vpush v3, $0xB  }
0x32a: {  	(v2sf) =	vpush v3, $0xC;
	v50 =	vmul.f32 v47, v46;
	v4 =	vadd.f32 v49, v4  }
0x32b: {  	(v2sf) =	vpush v3, $0xD  }
0x32c: {  	(v2sf) =	vpush v3, $0xE;
	v4 =	vadd.f32 v50, v4  }
0x32d: {  	s0 =	spop (v2sf);
	(v2sf) =	vpush v3, $0xF  }
0x32e: {  	s1 =	spop (v2sf);
	(v2sf) =	vpush v4, $0x0  }
0x32f: {  	s2 =	spop (v2sf);
	(v2sf) =	vpush v4, $0x1  }
0x330: {  	s3 =	spop (v2sf)  }
0x331: {  	s4 =	spop (v2sf);
	(v2sf) =	vpush v4, $0x2  }
0x332: {  	s5 =	spop (v2sf)  }
0x333: {  	s6 =	spop (v2sf);
	(v2sf) =	vpush v4, $0x3  }
0x334: {  	s7 =	spop (v2sf)  }
0x335: {  	s8 =	spop (v2sf);
	(v2sf) =	vpush v4, $0x4  }
0x336: {  	s9 =	spop (v2sf)  }
0x337: {  	s10 =	spop (v2sf);
	(v2sf) =	vpush v4, $0x5  }
0x338: {  	s11 =	spop (v2sf)  }
0x339: {  	s12 =	spop (v2sf);
	(v2sf) =	vpush v4, $0x6  }
0x33a: {  	s13 =	spop (v2sf)  }
0x33b: {  	s14 =	spop (v2sf);
	(v2sf) =	vpush v4, $0x7  }
0x33c: {  	s15 =	spop (v2sf)  }
0x33d: {  	(v2sf) =	vpush v4, $0x8;
	s16 =	spop (v2sf)  }
0x33e: {  	s0 =	sadd.f32 s1, s0;
	s23 =	spop (v2sf)  }
0x33f: {  	(v2sf) =	vpush v4, $0x9;
	s1 =	sadd.f32 s23, s16  }
0x340: {  	s0 =	sadd.f32 s0, s2;
	s24 =	spop (v2sf)  }
0x341: {  	(v2sf) =	vpush v4, $0xA;
	s1 =	sadd.f32 s1, s24  }
0x342: {  	s0 =	sadd.f32 s0, s3;
	s25 =	spop (v2sf)  }
0x343: {  	(v2sf) =	vpush v4, $0xB;
	s1 =	sadd.f32 s1, s25  }
0x344: {  	s0 =	sadd.f32 s0, s4;
	s28 =	spop (v2sf)  }
0x345: {  	(v2sf) =	vpush v4, $0xC;
	s1 =	sadd.f32 s1, s28  }
0x346: {  	s0 =	sadd.f32 s0, s5;
	s29 =	spop (v2sf)  }
0x347: {  	(v2sf) =	vpush v4, $0xD;
	s1 =	sadd.f32 s1, s29  }
0x348: {  	s0 =	sadd.f32 s0, s6;
	s31 =	spop (v2sf)  }
0x349: {  	(v2sf) =	vpush v4, $0xE;
	s1 =	sadd.f32 s1, s31  }
0x34a: {  	s0 =	sadd.f32 s0, s7;
	s3 =	spop (v2sf)  }
0x34b: {  	(v2sf) =	vpush v4, $0xF;
	s1 =	sadd.f32 s1, s3  }
0x34c: {  	s0 =	sadd.f32 s0, s8;
	s4 =	spop (v2sf)  }
0x34d: {  	s1 =	sadd.f32 s1, s4  }
0x34e: {  	s0 =	sadd.f32 s0, s9;
	s5 =	spop (v2sf)  }
0x34f: {  	s1 =	sadd.f32 s1, s5  }
0x350: {  	s0 =	sadd.f32 s0, s10;
	s6 =	spop (v2sf)  }
0x351: {  	s1 =	sadd.f32 s1, s6  }
0x352: {  	s0 =	sadd.f32 s0, s11;
	s7 =	spop (v2sf)  }
0x353: {  	s1 =	sadd.f32 s1, s7  }
0x354: {  	s0 =	sadd.f32 s0, s12;
	s8 =	spop (v2sf)  }
0x355: {  	s1 =	sadd.f32 s1, s8  }
0x356: {  	s0 =	sadd.f32 s0, s13;
	s9 =	spop (v2sf)  }
0x357: {  	s1 =	sadd.f32 s1, s9  }
0x358: {  	s0 =	sadd.f32 s0, s14;
	s10 =	spop (v2sf)  }
0x359: {  	s1 =	sadd.f32 s1, s10  }
0x35a: {  	s0 =	sadd.f32 s0, s15;
	s11 =	spop (v2sf)  }
0x35b: {  	s12 =	sadd.s32 $0x1, s26;
	s1 =	sadd.f32 s1, s11  }
0x35c: {  	s13 =	sadd.s32 $0x1, s12;
	[smem:s12] =	sst s0  }
0x35d: {  	[smem:s13] =	sst s1  }
0x35e: {  	s13 =	sld [smem:$0x0]  }
0x35f: {  	s18 =	sld [smem:$0x1]  }
0x360: {  	s21 =	sld [smem:$0x2]  }
0x361: {  	s24 =	sld [smem:$0x3]  }
0x362: {  	s29 =	sld [smem:$0x4]  }
0x363: {  	s0 =	sld [smem:$0x5]  }
0x364: {  	s14 =	sld [smem:$0x6]  }
0x365: {  	s15 =	sld [smem:$0x7]  }
0x366: {  	s16 =	sld [smem:$0x8]  }
0x367: {  	s17 =	sld [smem:$0x9]  }
0x368: {  	s19 =	sld [smem:$0xA]  }
0x369: {  	s20 =	sld [smem:$0xB]  }
0x36a: {  	s22 =	sld [smem:$0xC]  }
0x36b: {  	s23 =	sld [smem:$0xD]  }
0x36c: {  	s25 =	sld [smem:$0xE]  }
0x36d: {  	s2 =	sld [smem:$0xF]  }
0x36e: {  	s4 =	sld [smem:$0x10]  }
0x36f: {  	s5 =	sld [smem:$0x11]  }
0x370: {  	s6 =	sld [smem:$0x12]  }
0x371: {  	s8 =	sld [smem:$0x13]  }
0x372: {  	s9 =	sld [smem:$0x14]  }
0x373: {  	s12 =	sld [smem:$0x15]  }
0x374: {  	s28 =	sld [smem:$0x1A]  }
0x375: {  	s26 =	sld [smem:$0x1B]  }
0x376: {  	s31 =	sld [smem:$0x1C]  }
0x377: {  	s1 =	sld [smem:$0x1D]  }
0x378: {  	s3 =	sld [smem:$0x1E]  }
0x379: {  	s7 =	sld [smem:$0x21]  }
0x37a: {  	s10 =	sld [smem:$0x22]  }
0x37b: {  	s11 =	sld [smem:$0x23]  }
0x37c: {  	s30 =	sld [smem:$0x32]  }
0x37d: {  	[smem:$0x7D8] =	sst s0  }
0x37e: {  	[smem:$0x7D9] =	sst s14  }
0x37f: {  	[smem:$0x7DA] =	sst s15  }
0x380: {  	[smem:$0x7DB] =	sst s16  }
0x381: {  	[smem:$0x7DC] =	sst s17  }
0x382: {  	[smem:$0x7DD] =	sst s19  }
0x383: {  	[smem:$0x7DE] =	sst s20  }
0x384: {  	[smem:$0x7DF] =	sst s22  }
0x385: {  	[smem:$0x7E1] =	sst s23  }
0x386: {  	[smem:$0x7E3] =	sst s25  }
0x387: {  	s15 =	sld [smem:$0x16]  }
0x388: {  	s16 =	sld [smem:$0x17]  }
0x389: {  	s20 =	sld [smem:$0x18]  }
0x38a: {  	s25 =	sld [smem:$0x19]  }
0x38b: {  	[smem:$0x7E0] =	sst s26  }
0x38c: {  	[smem:$0x7E2] =	sst s31  }
0x38d: {  	[smem:$0x7E4] =	sst s1  }
0x38e: {  	[smem:$0x7E5] =	sst s3  }
0x38f: {  	s0 =	sld [smem:$0x1F]  }
0x390: {  	s1 =	sld [smem:$0x20]  }
0x391: {  	[smem:$0x7E7] =	sst s7  }
0x392: {  	[smem:$0x7E8] =	sst s10  }
0x393: {  	[smem:$0x7E9] =	sst s11  }
0x394: {  	s14 =	sld [smem:$0x24]  }
0x395: {  	s17 =	sld [smem:$0x25]  }
0x396: {  	s19 =	sld [smem:$0x26]  }
0x397: {  	s22 =	sld [smem:$0x27]  }
0x398: {  	s23 =	sld [smem:$0x28]  }
0x399: {  	s26 =	sld [smem:$0x29]  }
0x39a: {  	s31 =	sld [smem:$0x2A]  }
0x39b: {  	s3 =	sld [smem:$0x2B]  }
0x39c: {  	s7 =	sld [smem:$0x2C]  }
0x39d: {  	s10 =	sld [smem:$0x2D]  }
0x39e: {  	s11 =	sld [smem:$0x2E]  }
0x39f: {  	v3 =	vmov s2;
	s2 =	sld [smem:$0x53]  }
0x3a0: {  	v3 =	vsel vm1, s13, v3;
	s13 =	sld [smem:$0x57]  }
0x3a1: {  	v3 =	vsel vm2, s18, v3;
	s18 =	sld [smem:$0x7D8]  }
0x3a2: {  	[smem:$0x7E6] =	sst s1  }
0x3a3: {  	[smem:$0x7EA] =	sst s14  }
0x3a4: {  	[smem:$0x7EC] =	sst s17  }
0x3a5: {  	[smem:$0x7EE] =	sst s19  }
0x3a6: {  	[dreg:$0x1c] =	wrdreg s22  }
0x3a7: {  	[dreg:$0x17] =	wrdreg s23  }
0x3a8: {  	[dreg:$0x12] =	wrdreg s26  }
0x3a9: {  	[dreg:$0xf] =	wrdreg s31  }
0x3aa: {  	[dreg:$0xe] =	wrdreg s3  }
0x3ab: {  	[dreg:$0xd] =	wrdreg s7  }
0x3ac: {  	[dreg:$0xc] =	wrdreg s10  }
0x3ad: {  	[dreg:$0xb] =	wrdreg s11  }
0x3ae: {  	s10 =	sld [smem:$0x2F]  }
0x3af: {  	s19 =	sld [smem:$0x30]  }
0x3b0: {  	s23 =	sld [smem:$0x31]  }
0x3b1: {  	s14 =	sld [smem:$0x33]  }
0x3b2: {  	s17 =	sld [smem:$0x34]  }
0x3b3: {  	s22 =	sld [smem:$0x35]  }
0x3b4: {  	s26 =	sld [smem:$0x36]  }
0x3b5: {  	s31 =	sld [smem:$0x37]  }
0x3b6: {  	s3 =	sld [smem:$0x38]  }
0x3b7: {  	s7 =	sld [smem:$0x39]  }
0x3b8: {  	s11 =	sld [smem:$0x3A]  }
0x3b9: {  	s1 =	sld [smem:$0x4F]  }
0x3ba: {  	[dreg:$0x1b] =	wrdreg s2  }
0x3bb: {  	v3 =	vsel vm3, s21, v3;
	s21 =	sld [smem:$0x58]  }
0x3bc: {  	s2 =	sld [smem:$0x7DB]  }
0x3bd: {  	v51 =	vmov s0;
	s0 =	sld [smem:$0x6D]  }
0x3be: {  	v4 =	vsel vm1, s4, v51;
	s4 =	sld [smem:$0x54]  }
0x3bf: {  	[dreg:$0x14] =	wrdreg s13  }
0x3c0: {  	v3 =	vsel vm4, s24, v3;
	s24 =	sld [smem:$0x7D9]  }
0x3c1: {  	s13 =	sld [smem:$0x7E2]  }
0x3c2: {  	v4 =	vsel vm2, s5, v4;
	s5 =	sld [smem:$0x55]  }
0x3c3: {  	v3 =	vsel vm5, s29, v3;
	s29 =	sld [smem:$0x7DA]  }
0x3c4: {  	[smem:$0x7EB] =	sst s14  }
0x3c5: {  	[smem:$0x7ED] =	sst s17  }
0x3c6: {  	[smem:$0x7EF] =	sst s22  }
0x3c7: {  	[smem:$0x7F0] =	sst s26  }
0x3c8: {  	[smem:$0x7F1] =	sst s31  }
0x3c9: {  	[smem:$0x7F3] =	sst s3  }
0x3ca: {  	[smem:$0x7F5] =	sst s7  }
0x3cb: {  	[dreg:$0x1e] =	wrdreg s11  }
0x3cc: {  	s14 =	sld [smem:$0x3B]  }
0x3cd: {  	s17 =	sld [smem:$0x3C]  }
0x3ce: {  	s22 =	sld [smem:$0x3D]  }
0x3cf: {  	s26 =	sld [smem:$0x3E]  }
0x3d0: {  	s3 =	sld [smem:$0x3F]  }
0x3d1: {  	s7 =	sld [smem:$0x40]  }
0x3d2: {  	s11 =	sld [smem:$0x41]  }
0x3d3: {  	s31 =	sld [smem:$0x46]  }
0x3d4: {  	v4 =	vsel vm3, s6, v4;
	s6 =	sld [smem:$0x56]  }
0x3d5: {  	[dreg:$0x13] =	wrdreg s21  }
0x3d6: {  	s21 =	sld [smem:$0x5C]  }
0x3d7: {  	v3 =	vsel vm6, s18, v3;
	s18 =	sld [smem:$0x5E]  }
0x3d8: {  	v52 =	vmov s10;
	s10 =	sld [smem:$0x63]  }
0x3d9: {  	v54 =	vmov s1;
	s1 =	rddreg [dreg:$0x1c]  }
0x3da: {  	[dreg:$0x19] =	wrdreg s4  }
0x3db: {  	v3 =	vsel vm7, s24, v3;
	s24 =	sld [smem:$0x5B]  }
0x3dc: {  	s4 =	sld [smem:$0x7DC]  }
0x3dd: {  	v4 =	vsel vm4, s8, v4;
	s8 =	sld [smem:$0x7DF]  }
0x3de: {  	[dreg:$0x18] =	wrdreg s5  }
0x3df: {  	v3 =	vsel vm8, s29, v3;
	s29 =	sld [smem:$0x5A]  }
0x3e0: {  	s5 =	sld [smem:$0x7DD]  }
0x3e1: {  	v4 =	vsel vm5, s9, v4;
	s9 =	sld [smem:$0x7E0]  }
0x3e2: {  	[dreg:$0x1a] =	wrdreg s14  }
0x3e3: {  	[dreg:$0x15] =	wrdreg s17  }
0x3e4: {  	[dreg:$0x11] =	wrdreg s22  }
0x3e5: {  	[dreg:$0x10] =	wrdreg s26  }
0x3e6: {  	s14 =	sld [smem:$0x42]  }
0x3e7: {  	s17 =	sld [smem:$0x43]  }
0x3e8: {  	s22 =	sld [smem:$0x44]  }
0x3e9: {  	s26 =	sld [smem:$0x45]  }
0x3ea: {  	[smem:$0x7F2] =	sst s31  }
0x3eb: {  	s31 =	sld [smem:$0x47]  }
0x3ec: {  	[dreg:$0x16] =	wrdreg s6  }
0x3ed: {  	s6 =	sld [smem:$0x7DE]  }
0x3ee: {  	v4 =	vsel vm6, s12, v4;
	s12 =	sld [smem:$0x7E1]  }
0x3ef: {  	v3 =	vsel vm9, s2, v3;
	s2 =	sld [smem:$0x7E6]  }
0x3f0: {  	v7 =	vsel vm1, s7, v54;
	s7 =	sld [smem:$0x7E9]  }
0x3f1: {  	v53 =	vmov s3;
	s3 =	rddreg [dreg:$0x17]  }
0x3f2: {  	v4 =	vsel vm7, s15, v4;
	s15 =	sld [smem:$0x7E3]  }
0x3f3: {  	v3 =	vsel vm10, s4, v3;
	s4 =	sld [smem:$0x7E7]  }
0x3f4: {  	v7 =	vsel vm2, s11, v7;
	s11 =	sld [smem:$0x7EA]  }
0x3f5: {  	v6 =	vsel vm1, s19, v53;
	s19 =	sld [smem:$0x7EC]  }
0x3f6: {  	v4 =	vsel vm8, s16, v4;
	s16 =	sld [smem:$0x5F]  }
0x3f7: {  	v3 =	vsel vm11, s5, v3;
	s5 =	sld [smem:$0x7E8]  }
0x3f8: {  	v6 =	vsel vm2, s23, v6;
	s23 =	sld [smem:$0x7ED]  }
0x3f9: {  	[smem:$0x7F4] =	sst s31  }
0x3fa: {  	s31 =	sld [smem:$0x48]  }
0x3fb: {  	v4 =	vsel vm9, s20, v4;
	s20 =	sld [smem:$0x5D]  }
0x3fc: {  	v3 =	vsel vm12, s6, v3;
	s6 =	sld [smem:$0x61]  }
0x3fd: {  	v7 =	vsel vm3, s14, v7;
	s14 =	sld [smem:$0x68]  }
0x3fe: {  	v5 =	vsel vm1, s2, v52;
	s2 =	sld [smem:$0x7F0]  }
0x3ff: {  	v3 =	vsel vm13, s8, v3;
	s8 =	sld [smem:$0x60]  }
0x400: {  	v4 =	vsel vm10, s25, v4;
	s25 =	sld [smem:$0x7E4]  }
0x401: {  	v5 =	vsel vm2, s4, v5;
	s4 =	sld [smem:$0x7F1]  }
0x402: {  	v7 =	vsel vm4, s17, v7;
	s17 =	rddreg [dreg:$0x12]  }
0x403: {  	v4 =	vsel vm11, s28, v4;
	s28 =	sld [smem:$0x7E5]  }
0x404: {  	v3 =	vsel vm14, s12, v3;
	s12 =	sld [smem:$0x64]  }
0x405: {  	v5 =	vsel vm3, s5, v5;
	s5 =	sld [smem:$0x69]  }
0x406: {  	v7 =	vsel vm5, s22, v7;
	s22 =	sld [smem:$0x7F4]  }
0x407: {  	v55 =	vmov s16;
	s16 =	sld [smem:$0x70]  }
0x408: {  	[smem:$0x7F6] =	sst s31  }
0x409: {  	s31 =	sld [smem:$0x49]  }
0x40a: {  	v4 =	vsel vm12, s9, v4;
	s9 =	sld [smem:$0x62]  }
0x40b: {  	v3 =	vsel vm15, s15, v3;
	s15 =	sld [smem:$0x7EB]  }
0x40c: {  	v5 =	vsel vm4, s7, v5;
	s7 =	sld [smem:$0x66]  }
0x40d: {  	v4 =	vsel vm13, s13, v4;
	s13 =	sld [smem:$0x65]  }
0x40e: {  	v5 =	vsel vm5, s11, v5;
	s11 =	sld [smem:$0x67]  }
0x40f: {  	v7 =	vsel vm6, s26, v7;
	s26 =	sld [smem:$0x7F6]  }
0x410: {  	v4 =	vsel vm14, s25, v4;
	s25 =	sld [smem:$0x7EE]  }
0x411: {  	v5 =	vsel vm6, s19, v5;
	s19 =	sld [smem:$0x7F3]  }
0x412: {  	[smem:$0x7F7] =	sst s31  }
0x413: {  	s31 =	sld [smem:$0x4A]  }
0x414: {  	v6 =	vsel vm3, s30, v6;
	v4 =	vsel vm15, s28, v4;
	s28 =	sld [smem:$0x7EF]  }
0x415: {  	v6 =	vsel vm4, s15, v6;
	s15 =	sld [smem:$0x7F2]  }
0x416: {  	v6 =	vsel vm5, s23, v6;
	s23 =	rddreg [dreg:$0xf]  }
0x417: {  	v5 =	vsel vm7, s25, v5;
	s25 =	sld [smem:$0x7F5]  }
0x418: {  	[smem:$0x7F8] =	sst s31  }
0x419: {  	s31 =	sld [smem:$0x4B]  }
0x41a: {  	v5 =	vsel vm8, s1, v5;
	s1 =	sld [smem:$0x6C]  }
0x41b: {  	v6 =	vsel vm6, s28, v6;
	s28 =	rddreg [dreg:$0xe]  }
0x41c: {  	v7 =	vsel vm7, s15, v7;
	s15 =	sld [smem:$0x7F7]  }
0x41d: {  	v5 =	vsel vm9, s3, v5;
	s3 =	sld [smem:$0x6B]  }
0x41e: {  	v6 =	vsel vm7, s2, v6;
	s2 =	rddreg [dreg:$0x1e]  }
0x41f: {  	v7 =	vsel vm8, s22, v7;
	s22 =	sld [smem:$0x7F8]  }
0x420: {  	v6 =	vsel vm8, s4, v6;
	s4 =	sld [smem:$0x6A]  }
0x421: {  	v5 =	vsel vm10, s17, v5;
	s17 =	rddreg [dreg:$0xd]  }
0x422: {  	[smem:$0x7F9] =	sst s31  }
0x423: {  	s31 =	sld [smem:$0x4C]  }
0x424: {  	v6 =	vsel vm9, s19, v6;
	s19 =	rddreg [dreg:$0x1a]  }
0x425: {  	v7 =	vsel vm9, s26, v7;
	v5 =	vsel vm11, s23, v5;
	s23 =	rddreg [dreg:$0xc]  }
0x426: {  	v7 =	vsel vm10, s15, v7;
	s15 =	sld [smem:$0x6F]  }
0x427: {  	v6 =	vsel vm10, s25, v6;
	s25 =	rddreg [dreg:$0x15]  }
0x428: {  	s26 =	sld [smem:$0x7F9]  }
0x429: {  	v5 =	vsel vm12, s28, v5;
	s28 =	rddreg [dreg:$0xb]  }
0x42a: {  	v6 =	vsel vm11, s2, v6;
	s2 =	sld [smem:$0x6E]  }
0x42b: {  	v5 =	vsel vm13, s17, v5;
	s17 =	sld [smem:$0x7F]  }
0x42c: {  	[smem:$0x7FA] =	sst s31  }
0x42d: {  	s31 =	sld [smem:$0x4D]  }
0x42e: {  	v6 =	vsel vm12, s19, v6;
	s19 =	rddreg [dreg:$0x11]  }
0x42f: {  	v5 =	vsel vm14, s23, v5;
	s23 =	rddreg [dreg:$0x10]  }
0x430: {  	v56 =	vmov s15;
	s15 =	sld [smem:$0x78]  }
0x431: {  	v7 =	vsel vm11, s22, v7;
	s22 =	sld [smem:$0x7FA]  }
0x432: {  	v6 =	vsel vm13, s25, v6;
	v57 =	vmov s17;
	s17 =	rddreg [dreg:$0x1b]  }
0x433: {  	v6 =	vsel vm14, s19, v6;
	s19 =	sld [smem:$0x74]  }
0x434: {  	v9 =	vsel vm1, s8, v56;
	[smem:$0x7FB] =	sst s31  }
0x435: {  	v9 =	vsel vm2, s6, v9;
	s31 =	sld [smem:$0x4E]  }
0x436: {  	v7 =	vsel vm12, s26, v7;
	v9 =	vsel vm3, s9, v9;
	s25 =	sld [smem:$0x7FB]  }
0x437: {  	v7 =	vsel vm13, s22, v7;
	s22 =	sld [smem:$0x71];
	v9 =	vsel vm4, s10, v9  }
0x438: {  	v9 =	vsel vm5, s12, v9;
	s12 =	sld [smem:$0x77]  }
0x439: {  	[smem:$0x7FC] =	sst s31  }
0x43a: {  	s31 =	sld [smem:$0x50]  }
0x43b: {  	v9 =	vsel vm6, s13, v9;
	s13 =	rddreg [dreg:$0x14]  }
0x43c: {  	s26 =	sld [smem:$0x7FC]  }
0x43d: {  	v7 =	vsel vm14, s25, v7;
	s25 =	sld [smem:$0x72]  }
0x43e: {  	[smem:$0x7FD] =	sst s31  }
0x43f: {  	v10 =	vsel vm1, s16, v57;
	s31 =	sld [smem:$0x51]  }
0x440: {  	v10 =	vsel vm2, s22, v10;
	s22 =	rddreg [dreg:$0x19]  }
0x441: {  	v5 =	vsel vm15, s28, v5;
	s28 =	sld [smem:$0x7FD]  }
0x442: {  	[dreg:$0x1f] =	wrdreg s31  }
0x443: {  	s31 =	sld [smem:$0x52]  }
0x444: {  	v6 =	vsel vm15, s23, v6;
	s23 =	rddreg [dreg:$0x1f]  }
0x445: {  	v8 =	vsel vm1, s28, v55;
	s28 =	sld [smem:$0x73]  }
0x446: {  	[dreg:$0x1d] =	wrdreg s31  }
0x447: {  	v7 =	vsel vm15, s26, v7;
	v8 =	vsel vm2, s23, v8;
	s26 =	rddreg [dreg:$0x1d]  }
0x448: {  	v10 =	vsel vm3, s25, v10;
	s25 =	rddreg [dreg:$0x18];
	v8 =	vsel vm3, s26, v8  }
0x449: {  	s23 =	sld [smem:$0x75];
	v8 =	vsel vm4, s17, v8  }
0x44a: {  	v10 =	vsel vm4, s28, v10;
	s28 =	rddreg [dreg:$0x16];
	v8 =	vsel vm5, s22, v8  }
0x44b: {  	s26 =	sld [smem:$0x76];
	v8 =	vsel vm6, s25, v8  }
0x44c: {  	s31 =	sld [smem:$0x59];
	v10 =	vsel vm5, s19, v10;
	v8 =	vsel vm7, s28, v8  }
0x44d: {  	s16 =	rddreg [dreg:$0x13];
	v9 =	vsel vm7, s7, v9;
	v10 =	vsel vm6, s23, v10;
	v8 =	vsel vm8, s13, v8  }
0x44e: {  	v9 =	vsel vm8, s11, v9;
	s17 =	sld [smem:$0x79];
	v10 =	vsel vm7, s26, v10;
	v8 =	vsel vm9, s16, v8  }
0x44f: {  	v9 =	vsel vm9, s14, v9;
	s19 =	sld [smem:$0x7A];
	v10 =	vsel vm8, s12, v10;
	v8 =	vsel vm10, s31, v8  }
0x450: {  	[tilespmem:$0x10100] =	vst v3;
	v58 =	vsel vm10, s5, v9;
	s22 =	sld [smem:$0x7B];
	v59 =	vsel vm9, s15, v10;
	v3 =	vsel vm11, s29, v8  }
0x451: {  	[tilespmem:$0x10110] =	vst v4;
	v60 =	vsel vm11, s4, v58;
	s23 =	sld [smem:$0x7C];
	v61 =	vsel vm10, s17, v59;
	v3 =	vsel vm12, s24, v3  }
0x452: {  	[tilespmem:$0x10120] =	vst v5;
	v4 =	vsel vm12, s3, v60;
	v62 =	vsel vm11, s19, v61;
	s24 =	sld [smem:$0x7D];
	v3 =	vsel vm13, s21, v3  }
0x453: {  	[tilespmem:$0x10130] =	vst v6;
	v4 =	vsel vm13, s1, v4;
	s25 =	sld [smem:$0x7E];
	v5 =	vsel vm12, s22, v62;
	v3 =	vsel vm14, s20, v3  }
0x454: {  	[tilespmem:$0x10140] =	vst v7;
	v4 =	vsel vm14, s0, v4;
	v5 =	vsel vm13, s23, v5;
	v3 =	vsel vm15, s18, v3  }
0x455: {  	s30 =	simm.s32 $0x8900;
	s8 =	simm.s32 $0x2100;
	v63 =	vsel vm14, s24, v5;
	[tilespmem:$0x10150] =	vst v3;
	v3 =	vsel vm15, s2, v4  }
0x456: {  	s6 =	simm.s32 $0x1100;
	s9 =	simm.s32 $0x2900;
	s4 =	simm.s32 $0x0;
	[tilespmem:$0x10160] =	vst v3;
	v3 =	vsel vm15, s25, v63  }
0x457: {  	s1 =	simm.s32 $0x2;
	s26 =	rddreg [dreg:$0x8];
	s28 =	simm.s32 $0x10100;
	[tilespmem:$0x10170] =	vst v3  }
0x458: {  	[hbm4b:s26+s4] =	stream.linear.scatter [tilespmem:s28], [sflag:$0x2], $0x80, $0x38;
	[tilespmem:$0x10180] =	vst v63  }
0x459: {  	s7 =	simm.s32 $0x1900;
	s14 =	simm.s32 $0x3100;
	_ =	swait.ge [sflag:s1], $0x80  }
0x45a: {  	s5 =	simm.s32 $0x900;
	s3 =	simm.s32 $0x100;
	s29 =	rddreg [dreg:$0xa]  }
0x45b: {  	s15 =	simm.s32 $0x3900;
	s31 =	rddreg [dreg:$0x9];
	s2 =	sadd.s32 $0x1, s29  }
0x45c: {  	s16 =	simm.s32 $0x4100;
	s17 =	simm.s32 $0x4900;
	p0 =	sne.s32 s2, s31  }
.Ltmp2:
0x45d: {  	s19 =	simm.s32 $0x5900;
	s22 =	simm.s32 $0x7100;
	(pc) =	sbr.rel @p0 .LBB2_1-.Ltmp2, $4  }
0x45e: {  	s23 =	simm.s32 $0x7900;
	[sflag:s1] =	ssyncset.done $0x0;
	s12 =	rddreg [dreg:$0x6]  }
0x45f: {  	s21 =	simm.s32 $0x6900;
	s13 =	rddreg [dreg:$0x7];
	[sflag:s1] =	ssyncadd.s32 $0xFFFFFF80  }
0x460: {  	s20 =	simm.s32 $0x6100;
	s18 =	simm.s32 $0x5100;
	s10 =	rddreg [dreg:$0x0]  }
0x461: {  	s24 =	simm.s32 $0x1;
	s25 =	simm.s32 $0x8100;
	s11 =	rddreg [dreg:$0x1]  }
0x462: {  	_ =	sfence.sel $0x180000  }
0x463: {  	[bflag:$0x0] =	sbarrier.arrive $0xFFFF  }
0x464: {  	_ =	strace $0x90000047  }
0x465: {  	s0 =	stileid.u32;
	[bflag:$0x2] =	sbarrier.arrive $0xFFFF  }
0x466: {  	p0 =	sne.s32 s0, $0x0;
	s0 =	rddreg [dreg:$0x3]  }
0x467: {  	s0 =	sadd.s32 @!p0 $0x100000, s0  }
0x468: {  	[sflag:s0] =	ssyncadd.tile.s32 @!p0 $0x1;
	_ =	shalt  }
.Lfunc_end2:
_tile_overlayer_lowered:
.L_overlay_start_2:
0x469: {  	(tag) =	ssettag $0x2  }
0x46a: {  	s0 =	rddreg [dreg:$0x0];
	s2 =	stileid.u32  }
0x46b: {  	s1 =	rddreg [dreg:$0x1];
	p0 =	sne.s32 s2, $0x0  }
0x46c: {  	s3 =	rddreg [dreg:$0x2];
	[bflag:$0x3] =	sbarrier.arrive $0xFFFF;
	s2 =	simm.s32 @!p0 $0x1C02  }
0x46d: {  	[timem:s3], [sflag:s2] =	dma.local @!p0 [hbm:s0], s1  }
0x46e: {  	s0 =	simm.s32 @!p0 $0x2  }
0x46f: {  	_ =	swait.ge @!p0 [sflag:s0], s1  }
0x470: {  	s1 =	ssub.s32 @!p0 $0x0, s1;
	[sflag:s0] =	ssyncset.done @!p0 $0x0  }
0x471: {  	[sflag:s0] =	ssyncadd.s32 @!p0 s1  }
0x472: {  	[bflag:$0x3] =	sbarrier.arrive $0xFFFF  }
0x473: {  	_ =	shalt  }

</sc_bundles>
